<compile_context>
chip_gen: v7x
topology: tpu7x:2x2x1
jax: 0.10.2.dev20260603
libtpu: 0.0.44.dev20260713+nightly
codegen_flags: <defaults>
</compile_context>

<pallas_src>
import functools

import jax
import jax.numpy as jnp
from jax import lax
from jax.experimental import pallas as pl
from jax.experimental.pallas import tpu as pltpu
from jax.experimental.pallas import tpu_sc as plsc

N_NODES = 10000
D_FEAT = 128
N_EDGES = 320000

NC = 2
NS = 16
L = 16

CHUNK = 128
C0 = 120
C1 = 40
TOTAL_CHUNKS = NS * (C0 + C1)
E_PAD = CHUNK * TOTAL_CHUNKS
ROWS_PER_TILE = 624
TAIL_ROWS = N_NODES - NS * ROWS_PER_TILE

_mesh = plsc.VectorSubcoreMesh(core_axis_name="c", subcore_axis_name="s")


@functools.partial(
    pl.kernel,
    out_type=jax.ShapeDtypeStruct((NC, N_NODES, D_FEAT), jnp.float32),
    mesh=_mesh,
    scratch_types=[
        pltpu.VMEM((2, 2, CHUNK), jnp.int32),
        pltpu.VMEM((2, CHUNK), jnp.float32),
        pltpu.VMEM((2, CHUNK, D_FEAT), jnp.float32),
        pltpu.VMEM_SHARED((N_NODES, D_FEAT), jnp.float32),
        pltpu.SemaphoreType.DMA,
        pltpu.SemaphoreType.DMA,
        pltpu.SemaphoreType.DMA,
        pltpu.SemaphoreType.DMA,
    ],
)
def _sc_spmm(x_hbm, edges_hbm, w_hbm, out_hbm,
             idx_b, w_b, rows_b, acc, semg0, semg1, semi0, semi1):
    cid = lax.axis_index("c")
    sid = lax.axis_index("s")
    nch = jnp.where(cid == 0, C0, C1)
    chunk0 = jnp.where(cid == 0, sid * C0, NS * C0 + sid * C1)
    semg = (semg0, semg1)
    semi = (semi0, semi1)

    zero = jnp.zeros((L,), jnp.float32)

    def zero_row(e, carry):
        for d in range(D_FEAT // L):
            rows_b[0, e, pl.ds(L * d, L)] = zero
        return carry

    lax.fori_loop(0, CHUNK, zero_row, 0, unroll=2)
    row0 = sid * ROWS_PER_TILE
    for k in range(4):
        pltpu.sync_copy(rows_b.at[0], acc.at[pl.ds(row0 + k * CHUNK, CHUNK)])
    pltpu.sync_copy(rows_b.at[0, pl.ds(0, ROWS_PER_TILE - 4 * CHUNK)],
                    acc.at[pl.ds(row0 + 4 * CHUNK, ROWS_PER_TILE - 4 * CHUNK)])

    @pl.when(sid == NS - 1)
    def _zero_tail():
        pltpu.sync_copy(rows_b.at[0, pl.ds(0, TAIL_ROWS)],
                        acc.at[pl.ds(NS * ROWS_PER_TILE, TAIL_ROWS)])

    pltpu.sync_copy(edges_hbm.at[chunk0], idx_b.at[0])
    pltpu.sync_copy(w_hbm.at[chunk0], w_b.at[0])
    pltpu.async_copy(x_hbm.at[idx_b.at[0, 0]], rows_b.at[0], semg[0])
    pltpu.async_copy(edges_hbm.at[chunk0 + 1], idx_b.at[1], semi[1])
    pltpu.async_copy(w_hbm.at[chunk0 + 1], w_b.at[1], semi[1])

    plsc.subcore_barrier()

    def chunk_pair(i, carry):
        for k in range(2):
            g = 2 * i + k
            kn = 1 - k

            @pl.when(g + 1 < nch)
            def _launch_next():
                pltpu.make_async_copy(edges_hbm.at[chunk0 + g + 1],
                                      idx_b.at[kn], semi[kn]).wait()
                pltpu.make_async_copy(w_hbm.at[chunk0 + g + 1],
                                      w_b.at[kn], semi[kn]).wait()
                pltpu.async_copy(x_hbm.at[idx_b.at[kn, 0]],
                                 rows_b.at[kn], semg[kn])

            @pl.when(g < nch)
            def _wait_gather():
                pltpu.make_async_copy(x_hbm.at[idx_b.at[k, 0]],
                                      rows_b.at[k], semg[k]).wait()

            def q_body(q, carry2, k=k):
                w16 = w_b[k, pl.ds(L * q, L)]
                for j in range(L):
                    e = L * q + j
                    ws = jnp.full((L,), w16[j], jnp.float32)
                    for d in range(D_FEAT // L):
                        sl = pl.ds(L * d, L)
                        rows_b[k, e, sl] = rows_b[k, e, sl] * ws
                return carry2

            @pl.when(g < nch)
            def _compute_scatter():
                lax.fori_loop(0, CHUNK // L, q_body, 0)
                pltpu.sync_copy(rows_b.at[k], acc.at[idx_b.at[k, 1]],
                                add=True)

            @pl.when(g + 2 < nch)
            def _prefetch_idx():
                pltpu.async_copy(edges_hbm.at[chunk0 + g + 2],
                                 idx_b.at[k], semi[k])
                pltpu.async_copy(w_hbm.at[chunk0 + g + 2],
                                 w_b.at[k], semi[k])
        return carry

    lax.fori_loop(0, C0 // 2, chunk_pair, 0)

    plsc.subcore_barrier()
    pltpu.sync_copy(acc.at[pl.ds(row0, ROWS_PER_TILE)],
                    out_hbm.at[cid, pl.ds(row0, ROWS_PER_TILE)])

    @pl.when(sid == NS - 1)
    def _write_tail():
        pltpu.sync_copy(acc.at[pl.ds(NS * ROWS_PER_TILE, TAIL_ROWS)],
                        out_hbm.at[cid, pl.ds(NS * ROWS_PER_TILE, TAIL_ROWS)])


def _add_body(a_ref, b_ref, o_ref):
    o_ref[...] = a_ref[...] + b_ref[...]


def _combine(parts):
    blk = 1000
    return pl.pallas_call(
        _add_body,
        grid=(N_NODES // blk,),
        in_specs=[
            pl.BlockSpec((blk, D_FEAT), lambda i: (i, 0)),
            pl.BlockSpec((blk, D_FEAT), lambda i: (i, 0)),
        ],
        out_specs=pl.BlockSpec((blk, D_FEAT), lambda i: (i, 0)),
        out_shape=jax.ShapeDtypeStruct((N_NODES, D_FEAT), jnp.float32),
    )(parts[0], parts[1])


@jax.jit
def kernel(x, edge_index, edge_weight):
    src = edge_index[1].astype(jnp.int32)
    dst = edge_index[0].astype(jnp.int32)
    pad = E_PAD - N_EDGES
    src = jnp.pad(src, (0, pad)).reshape(-1, CHUNK)
    dst = jnp.concatenate(
        [dst, jnp.arange(pad, dtype=jnp.int32) % N_NODES]).reshape(-1, CHUNK)
    w = jnp.pad(edge_weight, (0, pad)).reshape(-1, CHUNK)
    edges = jnp.stack([src, dst], axis=1)
    parts = _sc_spmm(x, edges, w)
    return _combine(parts)

# --- scband reference (transcript-rebuilt; emitter-appended) ---
"""Pipeline reference for scband-aimsr-26096221290900 (READ-ONLY COPY).

The authoritative reference and input builder live on the scoring server;
editing this copy changes nothing except your own understanding.
"""

import jax, jax.numpy as jnp
import numpy as np

N_NODES = 10000
N_EDGES = 320000
D_FEAT = 128
LAYERS = 1


def setup_inputs(seed: int = 0) -> dict:
    key = jax.random.key(seed)
    k1, k2, k3 = jax.random.split(key, 3)
    x = jax.random.normal(k1, (N_NODES, D_FEAT), dtype=jnp.float32)
    edge_index = jax.random.randint(k2, (2, N_EDGES), 0, N_NODES, dtype=jnp.int64)
    edge_weight = jax.random.uniform(k3, (N_EDGES,), dtype=jnp.float32)
    return {"x": x, "edge_index": edge_index, "edge_weight": edge_weight}


def reference(x, edge_index, edge_weight):
    # GlobalItemConv.forward: h = th.sparse.mm(adj, h) repeated `layers` times,
    # feat_drop is identity (p=0.0). With layers=1, returns h directly
    # (the stacked-mean branch only triggers when layers > 1).
    # adj is represented in COO form: adj[dst, src] = edge_weight.
    src = edge_index[1]
    dst = edge_index[0]
    h = x
    final = [x]
    for _ in range(LAYERS):
        msgs = jnp.take(h, src, axis=0) * edge_weight[:, None]
        h = jax.ops.segment_sum(msgs, dst, num_segments=N_NODES)
        final.append(h)
    if LAYERS > 1:
        h = jnp.sum(jnp.stack(final), axis=0) / (LAYERS + 1)
    return h

if __name__ == "__main__":
    import jax
    _d = setup_inputs()
    print(jax.jit(kernel)(*tuple(_d.values())))

</pallas_src>

<mosaic_0001>
#map = affine_map<(d0, d1) -> (0, 0)>
#map1 = affine_map<(d0, d1) -> (0, 0, 0)>
module attributes {stable_mosaic.version = 14 : i64} {
  func.func @_sc_spmm(%arg0: i32, %arg1: i32, %arg2: memref<10000x128xf32, #tpu.memory_space<hbm>>, %arg3: memref<2560x2x128xi32, #tpu.memory_space<hbm>>, %arg4: memref<2560x128xf32, #tpu.memory_space<hbm>>, %arg5: memref<2x10000x128xf32, #tpu.memory_space<hbm>>, %arg6: memref<2x2x128xi32, #tpu.memory_space<vmem>>, %arg7: memref<2x128xf32, #tpu.memory_space<vmem>>, %arg8: memref<2x128x128xf32, #tpu.memory_space<vmem>>, %arg9: memref<10000x128xf32, #tpu.memory_space<vmem_shared>>, %arg10: memref<!tpu.dma_semaphore, #tpu.memory_space<semaphore_mem>>, %arg11: memref<!tpu.dma_semaphore, #tpu.memory_space<semaphore_mem>>, %arg12: memref<!tpu.dma_semaphore, #tpu.memory_space<semaphore_mem>>, %arg13: memref<!tpu.dma_semaphore, #tpu.memory_space<semaphore_mem>>) attributes {dimension_semantics = [#tpu.dimension_semantics<core_parallel>, #tpu.dimension_semantics<subcore_parallel>], iteration_bounds = array<i64: 2, 16>, scalar_prefetch = 0 : i64, scratch_operands = 8 : i64, tpu.core_type = #tpu.core_type<sc_vector_subcore>, window_params = [{transform_indices = #map}, {transform_indices = #map1}, {transform_indices = #map}, {transform_indices = #map1}]} {
    %eq3A = arith.constant 0 : i32
    %eq3A_0 = arith.cmpi eq, %arg0, %eq3A : i32
    %jit3A = arith.constant 120 : i32
    %jit3A_1 = arith.constant 40 : i32
    %select_n3A = arith.select %eq3A_0, %jit3A, %jit3A_1 : i32
    %eq3A_2 = arith.constant 0 : i32
    %eq3A_3 = arith.cmpi eq, %arg0, %eq3A_2 : i32
    %mul3A = arith.constant 120 : i32
    %mul3A_4 = arith.muli %arg1, %mul3A : i32
    %mul3A_5 = arith.constant 40 : i32
    %mul3A_6 = arith.muli %arg1, %mul3A_5 : i32
    %add3A = arith.constant 1920 : i32
    %add3A_7 = arith.addi %add3A, %mul3A_6 : i32
    %select_n3A_8 = arith.select %eq3A_3, %mul3A_4, %add3A_7 : i32
    %broadcast_in_dim3A = arith.constant 0.000000e+00 : f32
    %broadcast_in_dim3A_9 = vector.broadcast %broadcast_in_dim3A : f32 to vector<16xf32>
    %scan3A = arith.constant 0 : i32
    %scan3A_10 = arith.constant 0 : i32
    %scan3A_11 = arith.constant 128 : i32
    %scan3A_12 = arith.addi %scan3A_10, %scan3A_11 : i32
    %scan3A_13 = arith.constant 2 : i32
    scf.for %scan3A_94 = %scan3A_10 to %scan3A_12 step %scan3A_13  : i32 {
      %swap3A = arith.constant 0 : i32
      %swap3A_95 = arith.index_cast %swap3A : i32 to index
      %swap3A_96 = arith.index_cast %scan3A_94 : i32 to index
      %swap3A_97 = arith.constant 0 : index
      %swap3A_98 = tpu.vector_load %arg8[%swap3A_95, %swap3A_96, %swap3A_97] {strides = array<i32>} : memref<2x128x128xf32, #tpu.memory_space<vmem>>, vector<1x1x16xf32>,
      %swap3A_99 = vector.shape_cast %swap3A_98 : vector<1x1x16xf32> to vector<16xf32>
      %swap3A_100 = vector.shape_cast %broadcast_in_dim3A_9 : vector<16xf32> to vector<1x1x16xf32>
      tpu.vector_store %arg8[%swap3A_95, %swap3A_96, %swap3A_97], %swap3A_100 {strides = array<i32>} : memref<2x128x128xf32, #tpu.memory_space<vmem>>, vector<1x1x16xf32>,
      %swap3A_101 = arith.constant 0 : i32
      %swap3A_102 = arith.index_cast %swap3A_101 : i32 to index
      %swap3A_103 = arith.index_cast %scan3A_94 : i32 to index
      %swap3A_104 = arith.constant 16 : index
      %swap3A_105 = tpu.vector_load %arg8[%swap3A_102, %swap3A_103, %swap3A_104] {strides = array<i32>} : memref<2x128x128xf32, #tpu.memory_space<vmem>>, vector<1x1x16xf32>,
      %swap3A_106 = vector.shape_cast %swap3A_105 : vector<1x1x16xf32> to vector<16xf32>
      %swap3A_107 = vector.shape_cast %broadcast_in_dim3A_9 : vector<16xf32> to vector<1x1x16xf32>
      tpu.vector_store %arg8[%swap3A_102, %swap3A_103, %swap3A_104], %swap3A_107 {strides = array<i32>} : memref<2x128x128xf32, #tpu.memory_space<vmem>>, vector<1x1x16xf32>,
      %swap3A_108 = arith.constant 0 : i32
      %swap3A_109 = arith.index_cast %swap3A_108 : i32 to index
      %swap3A_110 = arith.index_cast %scan3A_94 : i32 to index
      %swap3A_111 = arith.constant 32 : index
      %swap3A_112 = tpu.vector_load %arg8[%swap3A_109, %swap3A_110, %swap3A_111] {strides = array<i32>} : memref<2x128x128xf32, #tpu.memory_space<vmem>>, vector<1x1x16xf32>,
      %swap3A_113 = vector.shape_cast %swap3A_112 : vector<1x1x16xf32> to vector<16xf32>
      %swap3A_114 = vector.shape_cast %broadcast_in_dim3A_9 : vector<16xf32> to vector<1x1x16xf32>
      tpu.vector_store %arg8[%swap3A_109, %swap3A_110, %swap3A_111], %swap3A_114 {strides = array<i32>} : memref<2x128x128xf32, #tpu.memory_space<vmem>>, vector<1x1x16xf32>,
      %swap3A_115 = arith.constant 0 : i32
      %swap3A_116 = arith.index_cast %swap3A_115 : i32 to index
      %swap3A_117 = arith.index_cast %scan3A_94 : i32 to index
      %swap3A_118 = arith.constant 48 : index
      %swap3A_119 = tpu.vector_load %arg8[%swap3A_116, %swap3A_117, %swap3A_118] {strides = array<i32>} : memref<2x128x128xf32, #tpu.memory_space<vmem>>, vector<1x1x16xf32>,
      %swap3A_120 = vector.shape_cast %swap3A_119 : vector<1x1x16xf32> to vector<16xf32>
      %swap3A_121 = vector.shape_cast %broadcast_in_dim3A_9 : vector<16xf32> to vector<1x1x16xf32>
      tpu.vector_store %arg8[%swap3A_116, %swap3A_117, %swap3A_118], %swap3A_121 {strides = array<i32>} : memref<2x128x128xf32, #tpu.memory_space<vmem>>, vector<1x1x16xf32>,
      %swap3A_122 = arith.constant 0 : i32
      %swap3A_123 = arith.index_cast %swap3A_122 : i32 to index
      %swap3A_124 = arith.index_cast %scan3A_94 : i32 to index
      %swap3A_125 = arith.constant 64 : index
      %swap3A_126 = tpu.vector_load %arg8[%swap3A_123, %swap3A_124, %swap3A_125] {strides = array<i32>} : memref<2x128x128xf32, #tpu.memory_space<vmem>>, vector<1x1x16xf32>,
      %swap3A_127 = vector.shape_cast %swap3A_126 : vector<1x1x16xf32> to vector<16xf32>
      %swap3A_128 = vector.shape_cast %broadcast_in_dim3A_9 : vector<16xf32> to vector<1x1x16xf32>
      tpu.vector_store %arg8[%swap3A_123, %swap3A_124, %swap3A_125], %swap3A_128 {strides = array<i32>} : memref<2x128x128xf32, #tpu.memory_space<vmem>>, vector<1x1x16xf32>,
      %swap3A_129 = arith.constant 0 : i32
      %swap3A_130 = arith.index_cast %swap3A_129 : i32 to index
      %swap3A_131 = arith.index_cast %scan3A_94 : i32 to index
      %swap3A_132 = arith.constant 80 : index
      %swap3A_133 = tpu.vector_load %arg8[%swap3A_130, %swap3A_131, %swap3A_132] {strides = array<i32>} : memref<2x128x128xf32, #tpu.memory_space<vmem>>, vector<1x1x16xf32>,
      %swap3A_134 = vector.shape_cast %swap3A_133 : vector<1x1x16xf32> to vector<16xf32>
      %swap3A_135 = vector.shape_cast %broadcast_in_dim3A_9 : vector<16xf32> to vector<1x1x16xf32>
      tpu.vector_store %arg8[%swap3A_130, %swap3A_131, %swap3A_132], %swap3A_135 {strides = array<i32>} : memref<2x128x128xf32, #tpu.memory_space<vmem>>, vector<1x1x16xf32>,
      %swap3A_136 = arith.constant 0 : i32
      %swap3A_137 = arith.index_cast %swap3A_136 : i32 to index
      %swap3A_138 = arith.index_cast %scan3A_94 : i32 to index
      %swap3A_139 = arith.constant 96 : index
      %swap3A_140 = tpu.vector_load %arg8[%swap3A_137, %swap3A_138, %swap3A_139] {strides = array<i32>} : memref<2x128x128xf32, #tpu.memory_space<vmem>>, vector<1x1x16xf32>,
      %swap3A_141 = vector.shape_cast %swap3A_140 : vector<1x1x16xf32> to vector<16xf32>
      %swap3A_142 = vector.shape_cast %broadcast_in_dim3A_9 : vector<16xf32> to vector<1x1x16xf32>
      tpu.vector_store %arg8[%swap3A_137, %swap3A_138, %swap3A_139], %swap3A_142 {strides = array<i32>} : memref<2x128x128xf32, #tpu.memory_space<vmem>>, vector<1x1x16xf32>,
      %swap3A_143 = arith.constant 0 : i32
      %swap3A_144 = arith.index_cast %swap3A_143 : i32 to index
      %swap3A_145 = arith.index_cast %scan3A_94 : i32 to index
      %swap3A_146 = arith.constant 112 : index
      %swap3A_147 = tpu.vector_load %arg8[%swap3A_144, %swap3A_145, %swap3A_146] {strides = array<i32>} : memref<2x128x128xf32, #tpu.memory_space<vmem>>, vector<1x1x16xf32>,
      %swap3A_148 = vector.shape_cast %swap3A_147 : vector<1x1x16xf32> to vector<16xf32>
      %swap3A_149 = vector.shape_cast %broadcast_in_dim3A_9 : vector<16xf32> to vector<1x1x16xf32>
      tpu.vector_store %arg8[%swap3A_144, %swap3A_145, %swap3A_146], %swap3A_149 {strides = array<i32>} : memref<2x128x128xf32, #tpu.memory_space<vmem>>, vector<1x1x16xf32>,
      %scan3A_150 = arith.constant 1 : i32
      %scan3A_151 = arith.addi %scan3A_94, %scan3A_150 : i32
      %swap3A_152 = arith.constant 0 : i32
      %swap3A_153 = arith.index_cast %swap3A_152 : i32 to index
      %swap3A_154 = arith.index_cast %scan3A_151 : i32 to index
      %swap3A_155 = arith.constant 0 : index
      %swap3A_156 = tpu.vector_load %arg8[%swap3A_153, %swap3A_154, %swap3A_155] {strides = array<i32>} : memref<2x128x128xf32, #tpu.memory_space<vmem>>, vector<1x1x16xf32>,
      %swap3A_157 = vector.shape_cast %swap3A_156 : vector<1x1x16xf32> to vector<16xf32>
      %swap3A_158 = vector.shape_cast %broadcast_in_dim3A_9 : vector<16xf32> to vector<1x1x16xf32>
      tpu.vector_store %arg8[%swap3A_153, %swap3A_154, %swap3A_155], %swap3A_158 {strides = array<i32>} : memref<2x128x128xf32, #tpu.memory_space<vmem>>, vector<1x1x16xf32>,
      %swap3A_159 = arith.constant 0 : i32
      %swap3A_160 = arith.index_cast %swap3A_159 : i32 to index
      %swap3A_161 = arith.index_cast %scan3A_151 : i32 to index
      %swap3A_162 = arith.constant 16 : index
      %swap3A_163 = tpu.vector_load %arg8[%swap3A_160, %swap3A_161, %swap3A_162] {strides = array<i32>} : memref<2x128x128xf32, #tpu.memory_space<vmem>>, vector<1x1x16xf32>,
      %swap3A_164 = vector.shape_cast %swap3A_163 : vector<1x1x16xf32> to vector<16xf32>
      %swap3A_165 = vector.shape_cast %broadcast_in_dim3A_9 : vector<16xf32> to vector<1x1x16xf32>
      tpu.vector_store %arg8[%swap3A_160, %swap3A_161, %swap3A_162], %swap3A_165 {strides = array<i32>} : memref<2x128x128xf32, #tpu.memory_space<vmem>>, vector<1x1x16xf32>,
      %swap3A_166 = arith.constant 0 : i32
      %swap3A_167 = arith.index_cast %swap3A_166 : i32 to index
      %swap3A_168 = arith.index_cast %scan3A_151 : i32 to index
      %swap3A_169 = arith.constant 32 : index
      %swap3A_170 = tpu.vector_load %arg8[%swap3A_167, %swap3A_168, %swap3A_169] {strides = array<i32>} : memref<2x128x128xf32, #tpu.memory_space<vmem>>, vector<1x1x16xf32>,
      %swap3A_171 = vector.shape_cast %swap3A_170 : vector<1x1x16xf32> to vector<16xf32>
      %swap3A_172 = vector.shape_cast %broadcast_in_dim3A_9 : vector<16xf32> to vector<1x1x16xf32>
      tpu.vector_store %arg8[%swap3A_167, %swap3A_168, %swap3A_169], %swap3A_172 {strides = array<i32>} : memref<2x128x128xf32, #tpu.memory_space<vmem>>, vector<1x1x16xf32>,
      %swap3A_173 = arith.constant 0 : i32
      %swap3A_174 = arith.index_cast %swap3A_173 : i32 to index
      %swap3A_175 = arith.index_cast %scan3A_151 : i32 to index
      %swap3A_176 = arith.constant 48 : index
      %swap3A_177 = tpu.vector_load %arg8[%swap3A_174, %swap3A_175, %swap3A_176] {strides = array<i32>} : memref<2x128x128xf32, #tpu.memory_space<vmem>>, vector<1x1x16xf32>,
      %swap3A_178 = vector.shape_cast %swap3A_177 : vector<1x1x16xf32> to vector<16xf32>
      %swap3A_179 = vector.shape_cast %broadcast_in_dim3A_9 : vector<16xf32> to vector<1x1x16xf32>
      tpu.vector_store %arg8[%swap3A_174, %swap3A_175, %swap3A_176], %swap3A_179 {strides = array<i32>} : memref<2x128x128xf32, #tpu.memory_space<vmem>>, vector<1x1x16xf32>,
      %swap3A_180 = arith.constant 0 : i32
      %swap3A_181 = arith.index_cast %swap3A_180 : i32 to index
      %swap3A_182 = arith.index_cast %scan3A_151 : i32 to index
      %swap3A_183 = arith.constant 64 : index
      %swap3A_184 = tpu.vector_load %arg8[%swap3A_181, %swap3A_182, %swap3A_183] {strides = array<i32>} : memref<2x128x128xf32, #tpu.memory_space<vmem>>, vector<1x1x16xf32>,
      %swap3A_185 = vector.shape_cast %swap3A_184 : vector<1x1x16xf32> to vector<16xf32>
      %swap3A_186 = vector.shape_cast %broadcast_in_dim3A_9 : vector<16xf32> to vector<1x1x16xf32>
      tpu.vector_store %arg8[%swap3A_181, %swap3A_182, %swap3A_183], %swap3A_186 {strides = array<i32>} : memref<2x128x128xf32, #tpu.memory_space<vmem>>, vector<1x1x16xf32>,
      %swap3A_187 = arith.constant 0 : i32
      %swap3A_188 = arith.index_cast %swap3A_187 : i32 to index
      %swap3A_189 = arith.index_cast %scan3A_151 : i32 to index
      %swap3A_190 = arith.constant 80 : index
      %swap3A_191 = tpu.vector_load %arg8[%swap3A_188, %swap3A_189, %swap3A_190] {strides = array<i32>} : memref<2x128x128xf32, #tpu.memory_space<vmem>>, vector<1x1x16xf32>,
      %swap3A_192 = vector.shape_cast %swap3A_191 : vector<1x1x16xf32> to vector<16xf32>
      %swap3A_193 = vector.shape_cast %broadcast_in_dim3A_9 : vector<16xf32> to vector<1x1x16xf32>
      tpu.vector_store %arg8[%swap3A_188, %swap3A_189, %swap3A_190], %swap3A_193 {strides = array<i32>} : memref<2x128x128xf32, #tpu.memory_space<vmem>>, vector<1x1x16xf32>,
      %swap3A_194 = arith.constant 0 : i32
      %swap3A_195 = arith.index_cast %swap3A_194 : i32 to index
      %swap3A_196 = arith.index_cast %scan3A_151 : i32 to index
      %swap3A_197 = arith.constant 96 : index
      %swap3A_198 = tpu.vector_load %arg8[%swap3A_195, %swap3A_196, %swap3A_197] {strides = array<i32>} : memref<2x128x128xf32, #tpu.memory_space<vmem>>, vector<1x1x16xf32>,
      %swap3A_199 = vector.shape_cast %swap3A_198 : vector<1x1x16xf32> to vector<16xf32>
      %swap3A_200 = vector.shape_cast %broadcast_in_dim3A_9 : vector<16xf32> to vector<1x1x16xf32>
      tpu.vector_store %arg8[%swap3A_195, %swap3A_196, %swap3A_197], %swap3A_200 {strides = array<i32>} : memref<2x128x128xf32, #tpu.memory_space<vmem>>, vector<1x1x16xf32>,
      %swap3A_201 = arith.constant 0 : i32
      %swap3A_202 = arith.index_cast %swap3A_201 : i32 to index
      %swap3A_203 = arith.index_cast %scan3A_151 : i32 to index
      %swap3A_204 = arith.constant 112 : index
      %swap3A_205 = tpu.vector_load %arg8[%swap3A_202, %swap3A_203, %swap3A_204] {strides = array<i32>} : memref<2x128x128xf32, #tpu.memory_space<vmem>>, vector<1x1x16xf32>,
      %swap3A_206 = vector.shape_cast %swap3A_205 : vector<1x1x16xf32> to vector<16xf32>
      %swap3A_207 = vector.shape_cast %broadcast_in_dim3A_9 : vector<16xf32> to vector<1x1x16xf32>
      tpu.vector_store %arg8[%swap3A_202, %swap3A_203, %swap3A_204], %swap3A_207 {strides = array<i32>} : memref<2x128x128xf32, #tpu.memory_space<vmem>>, vector<1x1x16xf32>,
    }
    %scan3A_14 = arith.constant 128 : i32
    %mul3A_15 = arith.constant 624 : i32
    %mul3A_16 = arith.muli %arg1, %mul3A_15 : i32
    %add3A_17 = arith.constant 0 : i32
    %add3A_18 = arith.addi %mul3A_16, %add3A_17 : i32
    %run_scoped3A = arith.constant 0 : i32
    "tpu.region"() ({
      %run_scoped3A_94 = tpu.sem_alloc : memref<!tpu.dma_semaphore, #tpu.memory_space<semaphore_mem>>
      %dma_start3A_95 = arith.constant 0 : i32
      %dma_start3A_96 = arith.constant 0 : i32
      %dma_start3A_97 = tpu.memref_slice %arg8[%run_scoped3A, %dma_start3A_95, %dma_start3A_96] : memref<2x128x128xf32, #tpu.memory_space<vmem>> -> memref<1x128x128xf32, #tpu.memory_space<vmem>>
      %dma_start3A_98 = tpu.memref_squeeze %dma_start3A_97 : memref<1x128x128xf32, #tpu.memory_space<vmem>> -> memref<128x128xf32, #tpu.memory_space<vmem>>
      %dma_start3A_99 = arith.constant 0 : i32
      %dma_start3A_100 = tpu.memref_slice %arg9[%add3A_18, %dma_start3A_99] : memref<10000x128xf32, #tpu.memory_space<vmem_shared>> -> memref<128x128xf32, #tpu.memory_space<vmem_shared>>
      %dma_start3A_101 = arith.constant 0 : i32
      %dma_start3A_102 = tpu.memref_slice %arg9[%add3A_18, %dma_start3A_101] : memref<10000x128xf32, #tpu.memory_space<vmem_shared>> -> memref<128x128xf32, #tpu.memory_space<vmem_shared>>
      %dma_start3A_103 = arith.constant 0 : i32
      %dma_start3A_104 = arith.constant 0 : i32
      %dma_start3A_105 = tpu.memref_slice %arg8[%run_scoped3A, %dma_start3A_103, %dma_start3A_104] : memref<2x128x128xf32, #tpu.memory_space<vmem>> -> memref<1x128x128xf32, #tpu.memory_space<vmem>>
      %dma_start3A_106 = tpu.memref_squeeze %dma_start3A_105 : memref<1x128x128xf32, #tpu.memory_space<vmem>> -> memref<128x128xf32, #tpu.memory_space<vmem>>
      tpu.enqueue_dma source(%dma_start3A_106 : memref<128x128xf32, #tpu.memory_space<vmem>>) target(%dma_start3A_102 : memref<128x128xf32, #tpu.memory_space<vmem_shared>>) target_semaphore(%run_scoped3A_94 : memref<!tpu.dma_semaphore, #tpu.memory_space<semaphore_mem>>)
      %dma_wait3A = arith.constant 0 : i32
      %dma_wait3A_107 = arith.constant 0 : i32
      %dma_wait3A_108 = tpu.memref_slice %arg8[%run_scoped3A, %dma_wait3A, %dma_wait3A_107] : memref<2x128x128xf32, #tpu.memory_space<vmem>> -> memref<1x128x128xf32, #tpu.memory_space<vmem>>
      %dma_wait3A_109 = tpu.memref_squeeze %dma_wait3A_108 : memref<1x128x128xf32, #tpu.memory_space<vmem>> -> memref<128x128xf32, #tpu.memory_space<vmem>>
      %dma_wait3A_110 = arith.constant 0 : i32
      %dma_wait3A_111 = tpu.memref_slice %arg9[%add3A_18, %dma_wait3A_110] : memref<10000x128xf32, #tpu.memory_space<vmem_shared>> -> memref<128x128xf32, #tpu.memory_space<vmem_shared>>
      %dma_wait3A_112 = arith.constant 0 : i32
      %dma_wait3A_113 = tpu.memref_slice %arg9[%add3A_18, %dma_wait3A_112] : memref<10000x128xf32, #tpu.memory_space<vmem_shared>> -> memref<128x128xf32, #tpu.memory_space<vmem_shared>>
      %dma_wait3A_114 = arith.constant 0 : i32
      %dma_wait3A_115 = arith.constant 0 : i32
      %dma_wait3A_116 = tpu.memref_slice %arg8[%run_scoped3A, %dma_wait3A_114, %dma_wait3A_115] : memref<2x128x128xf32, #tpu.memory_space<vmem>> -> memref<1x128x128xf32, #tpu.memory_space<vmem>>
      %dma_wait3A_117 = tpu.memref_squeeze %dma_wait3A_116 : memref<1x128x128xf32, #tpu.memory_space<vmem>> -> memref<128x128xf32, #tpu.memory_space<vmem>>
      tpu.wait_dma2 semaphore(%run_scoped3A_94 : memref<!tpu.dma_semaphore, #tpu.memory_space<semaphore_mem>>) src(%dma_wait3A_117 : memref<128x128xf32, #tpu.memory_space<vmem>>) dst(%dma_wait3A_113 : memref<128x128xf32, #tpu.memory_space<vmem_shared>>)
      tpu.yield
    }) : () -> ()
    %add3A_19 = arith.constant 128 : i32
    %add3A_20 = arith.addi %mul3A_16, %add3A_19 : i32
    %run_scoped3A_21 = arith.constant 0 : i32
    "tpu.region"() ({
      %run_scoped3A_94 = tpu.sem_alloc : memref<!tpu.dma_semaphore, #tpu.memory_space<semaphore_mem>>
      %dma_start3A_95 = arith.constant 0 : i32
      %dma_start3A_96 = arith.constant 0 : i32
      %dma_start3A_97 = tpu.memref_slice %arg8[%run_scoped3A_21, %dma_start3A_95, %dma_start3A_96] : memref<2x128x128xf32, #tpu.memory_space<vmem>> -> memref<1x128x128xf32, #tpu.memory_space<vmem>>
      %dma_start3A_98 = tpu.memref_squeeze %dma_start3A_97 : memref<1x128x128xf32, #tpu.memory_space<vmem>> -> memref<128x128xf32, #tpu.memory_space<vmem>>
      %dma_start3A_99 = arith.constant 0 : i32
      %dma_start3A_100 = tpu.memref_slice %arg9[%add3A_20, %dma_start3A_99] : memref<10000x128xf32, #tpu.memory_space<vmem_shared>> -> memref<128x128xf32, #tpu.memory_space<vmem_shared>>
      %dma_start3A_101 = arith.constant 0 : i32
      %dma_start3A_102 = tpu.memref_slice %arg9[%add3A_20, %dma_start3A_101] : memref<10000x128xf32, #tpu.memory_space<vmem_shared>> -> memref<128x128xf32, #tpu.memory_space<vmem_shared>>
      %dma_start3A_103 = arith.constant 0 : i32
      %dma_start3A_104 = arith.constant 0 : i32
      %dma_start3A_105 = tpu.memref_slice %arg8[%run_scoped3A_21, %dma_start3A_103, %dma_start3A_104] : memref<2x128x128xf32, #tpu.memory_space<vmem>> -> memref<1x128x128xf32, #tpu.memory_space<vmem>>
      %dma_start3A_106 = tpu.memref_squeeze %dma_start3A_105 : memref<1x128x128xf32, #tpu.memory_space<vmem>> -> memref<128x128xf32, #tpu.memory_space<vmem>>
      tpu.enqueue_dma source(%dma_start3A_106 : memref<128x128xf32, #tpu.memory_space<vmem>>) target(%dma_start3A_102 : memref<128x128xf32, #tpu.memory_space<vmem_shared>>) target_semaphore(%run_scoped3A_94 : memref<!tpu.dma_semaphore, #tpu.memory_space<semaphore_mem>>)
      %dma_wait3A = arith.constant 0 : i32
      %dma_wait3A_107 = arith.constant 0 : i32
      %dma_wait3A_108 = tpu.memref_slice %arg8[%run_scoped3A_21, %dma_wait3A, %dma_wait3A_107] : memref<2x128x128xf32, #tpu.memory_space<vmem>> -> memref<1x128x128xf32, #tpu.memory_space<vmem>>
      %dma_wait3A_109 = tpu.memref_squeeze %dma_wait3A_108 : memref<1x128x128xf32, #tpu.memory_space<vmem>> -> memref<128x128xf32, #tpu.memory_space<vmem>>
      %dma_wait3A_110 = arith.constant 0 : i32
      %dma_wait3A_111 = tpu.memref_slice %arg9[%add3A_20, %dma_wait3A_110] : memref<10000x128xf32, #tpu.memory_space<vmem_shared>> -> memref<128x128xf32, #tpu.memory_space<vmem_shared>>
      %dma_wait3A_112 = arith.constant 0 : i32
      %dma_wait3A_113 = tpu.memref_slice %arg9[%add3A_20, %dma_wait3A_112] : memref<10000x128xf32, #tpu.memory_space<vmem_shared>> -> memref<128x128xf32, #tpu.memory_space<vmem_shared>>
      %dma_wait3A_114 = arith.constant 0 : i32
      %dma_wait3A_115 = arith.constant 0 : i32
      %dma_wait3A_116 = tpu.memref_slice %arg8[%run_scoped3A_21, %dma_wait3A_114, %dma_wait3A_115] : memref<2x128x128xf32, #tpu.memory_space<vmem>> -> memref<1x128x128xf32, #tpu.memory_space<vmem>>
      %dma_wait3A_117 = tpu.memref_squeeze %dma_wait3A_116 : memref<1x128x128xf32, #tpu.memory_space<vmem>> -> memref<128x128xf32, #tpu.memory_space<vmem>>
      tpu.wait_dma2 semaphore(%run_scoped3A_94 : memref<!tpu.dma_semaphore, #tpu.memory_space<semaphore_mem>>) src(%dma_wait3A_117 : memref<128x128xf32, #tpu.memory_space<vmem>>) dst(%dma_wait3A_113 : memref<128x128xf32, #tpu.memory_space<vmem_shared>>)
      tpu.yield
    }) : () -> ()
    %add3A_22 = arith.constant 256 : i32
    %add3A_23 = arith.addi %mul3A_16, %add3A_22 : i32
    %run_scoped3A_24 = arith.constant 0 : i32
    "tpu.region"() ({
      %run_scoped3A_94 = tpu.sem_alloc : memref<!tpu.dma_semaphore, #tpu.memory_space<semaphore_mem>>
      %dma_start3A_95 = arith.constant 0 : i32
      %dma_start3A_96 = arith.constant 0 : i32
      %dma_start3A_97 = tpu.memref_slice %arg8[%run_scoped3A_24, %dma_start3A_95, %dma_start3A_96] : memref<2x128x128xf32, #tpu.memory_space<vmem>> -> memref<1x128x128xf32, #tpu.memory_space<vmem>>
      %dma_start3A_98 = tpu.memref_squeeze %dma_start3A_97 : memref<1x128x128xf32, #tpu.memory_space<vmem>> -> memref<128x128xf32, #tpu.memory_space<vmem>>
      %dma_start3A_99 = arith.constant 0 : i32
      %dma_start3A_100 = tpu.memref_slice %arg9[%add3A_23, %dma_start3A_99] : memref<10000x128xf32, #tpu.memory_space<vmem_shared>> -> memref<128x128xf32, #tpu.memory_space<vmem_shared>>
      %dma_start3A_101 = arith.constant 0 : i32
      %dma_start3A_102 = tpu.memref_slice %arg9[%add3A_23, %dma_start3A_101] : memref<10000x128xf32, #tpu.memory_space<vmem_shared>> -> memref<128x128xf32, #tpu.memory_space<vmem_shared>>
      %dma_start3A_103 = arith.constant 0 : i32
      %dma_start3A_104 = arith.constant 0 : i32
      %dma_start3A_105 = tpu.memref_slice %arg8[%run_scoped3A_24, %dma_start3A_103, %dma_start3A_104] : memref<2x128x128xf32, #tpu.memory_space<vmem>> -> memref<1x128x128xf32, #tpu.memory_space<vmem>>
      %dma_start3A_106 = tpu.memref_squeeze %dma_start3A_105 : memref<1x128x128xf32, #tpu.memory_space<vmem>> -> memref<128x128xf32, #tpu.memory_space<vmem>>
      tpu.enqueue_dma source(%dma_start3A_106 : memref<128x128xf32, #tpu.memory_space<vmem>>) target(%dma_start3A_102 : memref<128x128xf32, #tpu.memory_space<vmem_shared>>) target_semaphore(%run_scoped3A_94 : memref<!tpu.dma_semaphore, #tpu.memory_space<semaphore_mem>>)
      %dma_wait3A = arith.constant 0 : i32
      %dma_wait3A_107 = arith.constant 0 : i32
      %dma_wait3A_108 = tpu.memref_slice %arg8[%run_scoped3A_24, %dma_wait3A, %dma_wait3A_107] : memref<2x128x128xf32, #tpu.memory_space<vmem>> -> memref<1x128x128xf32, #tpu.memory_space<vmem>>
      %dma_wait3A_109 = tpu.memref_squeeze %dma_wait3A_108 : memref<1x128x128xf32, #tpu.memory_space<vmem>> -> memref<128x128xf32, #tpu.memory_space<vmem>>
      %dma_wait3A_110 = arith.constant 0 : i32
      %dma_wait3A_111 = tpu.memref_slice %arg9[%add3A_23, %dma_wait3A_110] : memref<10000x128xf32, #tpu.memory_space<vmem_shared>> -> memref<128x128xf32, #tpu.memory_space<vmem_shared>>
      %dma_wait3A_112 = arith.constant 0 : i32
      %dma_wait3A_113 = tpu.memref_slice %arg9[%add3A_23, %dma_wait3A_112] : memref<10000x128xf32, #tpu.memory_space<vmem_shared>> -> memref<128x128xf32, #tpu.memory_space<vmem_shared>>
      %dma_wait3A_114 = arith.constant 0 : i32
      %dma_wait3A_115 = arith.constant 0 : i32
      %dma_wait3A_116 = tpu.memref_slice %arg8[%run_scoped3A_24, %dma_wait3A_114, %dma_wait3A_115] : memref<2x128x128xf32, #tpu.memory_space<vmem>> -> memref<1x128x128xf32, #tpu.memory_space<vmem>>
      %dma_wait3A_117 = tpu.memref_squeeze %dma_wait3A_116 : memref<1x128x128xf32, #tpu.memory_space<vmem>> -> memref<128x128xf32, #tpu.memory_space<vmem>>
      tpu.wait_dma2 semaphore(%run_scoped3A_94 : memref<!tpu.dma_semaphore, #tpu.memory_space<semaphore_mem>>) src(%dma_wait3A_117 : memref<128x128xf32, #tpu.memory_space<vmem>>) dst(%dma_wait3A_113 : memref<128x128xf32, #tpu.memory_space<vmem_shared>>)
      tpu.yield
    }) : () -> ()
    %add3A_25 = arith.constant 384 : i32
    %add3A_26 = arith.addi %mul3A_16, %add3A_25 : i32
    %run_scoped3A_27 = arith.constant 0 : i32
    "tpu.region"() ({
      %run_scoped3A_94 = tpu.sem_alloc : memref<!tpu.dma_semaphore, #tpu.memory_space<semaphore_mem>>
      %dma_start3A_95 = arith.constant 0 : i32
      %dma_start3A_96 = arith.constant 0 : i32
      %dma_start3A_97 = tpu.memref_slice %arg8[%run_scoped3A_27, %dma_start3A_95, %dma_start3A_96] : memref<2x128x128xf32, #tpu.memory_space<vmem>> -> memref<1x128x128xf32, #tpu.memory_space<vmem>>
      %dma_start3A_98 = tpu.memref_squeeze %dma_start3A_97 : memref<1x128x128xf32, #tpu.memory_space<vmem>> -> memref<128x128xf32, #tpu.memory_space<vmem>>
      %dma_start3A_99 = arith.constant 0 : i32
      %dma_start3A_100 = tpu.memref_slice %arg9[%add3A_26, %dma_start3A_99] : memref<10000x128xf32, #tpu.memory_space<vmem_shared>> -> memref<128x128xf32, #tpu.memory_space<vmem_shared>>
      %dma_start3A_101 = arith.constant 0 : i32
      %dma_start3A_102 = tpu.memref_slice %arg9[%add3A_26, %dma_start3A_101] : memref<10000x128xf32, #tpu.memory_space<vmem_shared>> -> memref<128x128xf32, #tpu.memory_space<vmem_shared>>
      %dma_start3A_103 = arith.constant 0 : i32
      %dma_start3A_104 = arith.constant 0 : i32
      %dma_start3A_105 = tpu.memref_slice %arg8[%run_scoped3A_27, %dma_start3A_103, %dma_start3A_104] : memref<2x128x128xf32, #tpu.memory_space<vmem>> -> memref<1x128x128xf32, #tpu.memory_space<vmem>>
      %dma_start3A_106 = tpu.memref_squeeze %dma_start3A_105 : memref<1x128x128xf32, #tpu.memory_space<vmem>> -> memref<128x128xf32, #tpu.memory_space<vmem>>
      tpu.enqueue_dma source(%dma_start3A_106 : memref<128x128xf32, #tpu.memory_space<vmem>>) target(%dma_start3A_102 : memref<128x128xf32, #tpu.memory_space<vmem_shared>>) target_semaphore(%run_scoped3A_94 : memref<!tpu.dma_semaphore, #tpu.memory_space<semaphore_mem>>)
      %dma_wait3A = arith.constant 0 : i32
      %dma_wait3A_107 = arith.constant 0 : i32
      %dma_wait3A_108 = tpu.memref_slice %arg8[%run_scoped3A_27, %dma_wait3A, %dma_wait3A_107] : memref<2x128x128xf32, #tpu.memory_space<vmem>> -> memref<1x128x128xf32, #tpu.memory_space<vmem>>
      %dma_wait3A_109 = tpu.memref_squeeze %dma_wait3A_108 : memref<1x128x128xf32, #tpu.memory_space<vmem>> -> memref<128x128xf32, #tpu.memory_space<vmem>>
      %dma_wait3A_110 = arith.constant 0 : i32
      %dma_wait3A_111 = tpu.memref_slice %arg9[%add3A_26, %dma_wait3A_110] : memref<10000x128xf32, #tpu.memory_space<vmem_shared>> -> memref<128x128xf32, #tpu.memory_space<vmem_shared>>
      %dma_wait3A_112 = arith.constant 0 : i32
      %dma_wait3A_113 = tpu.memref_slice %arg9[%add3A_26, %dma_wait3A_112] : memref<10000x128xf32, #tpu.memory_space<vmem_shared>> -> memref<128x128xf32, #tpu.memory_space<vmem_shared>>
      %dma_wait3A_114 = arith.constant 0 : i32
      %dma_wait3A_115 = arith.constant 0 : i32
      %dma_wait3A_116 = tpu.memref_slice %arg8[%run_scoped3A_27, %dma_wait3A_114, %dma_wait3A_115] : memref<2x128x128xf32, #tpu.memory_space<vmem>> -> memref<1x128x128xf32, #tpu.memory_space<vmem>>
      %dma_wait3A_117 = tpu.memref_squeeze %dma_wait3A_116 : memref<1x128x128xf32, #tpu.memory_space<vmem>> -> memref<128x128xf32, #tpu.memory_space<vmem>>
      tpu.wait_dma2 semaphore(%run_scoped3A_94 : memref<!tpu.dma_semaphore, #tpu.memory_space<semaphore_mem>>) src(%dma_wait3A_117 : memref<128x128xf32, #tpu.memory_space<vmem>>) dst(%dma_wait3A_113 : memref<128x128xf32, #tpu.memory_space<vmem_shared>>)
      tpu.yield
    }) : () -> ()
    %add3A_28 = arith.constant 512 : i32
    %add3A_29 = arith.addi %mul3A_16, %add3A_28 : i32
    %run_scoped3A_30 = arith.constant 0 : i32
    "tpu.region"() ({
      %run_scoped3A_94 = tpu.sem_alloc : memref<!tpu.dma_semaphore, #tpu.memory_space<semaphore_mem>>
      %dma_start3A_95 = arith.constant 0 : i32
      %dma_start3A_96 = arith.constant 0 : i32
      %dma_start3A_97 = tpu.memref_slice %arg8[%run_scoped3A_30, %dma_start3A_95, %dma_start3A_96] : memref<2x128x128xf32, #tpu.memory_space<vmem>> -> memref<1x112x128xf32, #tpu.memory_space<vmem>>
      %dma_start3A_98 = tpu.memref_squeeze %dma_start3A_97 : memref<1x112x128xf32, #tpu.memory_space<vmem>> -> memref<112x128xf32, #tpu.memory_space<vmem>>
      %dma_start3A_99 = arith.constant 0 : i32
      %dma_start3A_100 = tpu.memref_slice %arg9[%add3A_29, %dma_start3A_99] : memref<10000x128xf32, #tpu.memory_space<vmem_shared>> -> memref<112x128xf32, #tpu.memory_space<vmem_shared>>
      %dma_start3A_101 = arith.constant 0 : i32
      %dma_start3A_102 = tpu.memref_slice %arg9[%add3A_29, %dma_start3A_101] : memref<10000x128xf32, #tpu.memory_space<vmem_shared>> -> memref<112x128xf32, #tpu.memory_space<vmem_shared>>
      %dma_start3A_103 = arith.constant 0 : i32
      %dma_start3A_104 = arith.constant 0 : i32
      %dma_start3A_105 = tpu.memref_slice %arg8[%run_scoped3A_30, %dma_start3A_103, %dma_start3A_104] : memref<2x128x128xf32, #tpu.memory_space<vmem>> -> memref<1x112x128xf32, #tpu.memory_space<vmem>>
      %dma_start3A_106 = tpu.memref_squeeze %dma_start3A_105 : memref<1x112x128xf32, #tpu.memory_space<vmem>> -> memref<112x128xf32, #tpu.memory_space<vmem>>
      tpu.enqueue_dma source(%dma_start3A_106 : memref<112x128xf32, #tpu.memory_space<vmem>>) target(%dma_start3A_102 : memref<112x128xf32, #tpu.memory_space<vmem_shared>>) target_semaphore(%run_scoped3A_94 : memref<!tpu.dma_semaphore, #tpu.memory_space<semaphore_mem>>)
      %dma_wait3A = arith.constant 0 : i32
      %dma_wait3A_107 = arith.constant 0 : i32
      %dma_wait3A_108 = tpu.memref_slice %arg8[%run_scoped3A_30, %dma_wait3A, %dma_wait3A_107] : memref<2x128x128xf32, #tpu.memory_space<vmem>> -> memref<1x112x128xf32, #tpu.memory_space<vmem>>
      %dma_wait3A_109 = tpu.memref_squeeze %dma_wait3A_108 : memref<1x112x128xf32, #tpu.memory_space<vmem>> -> memref<112x128xf32, #tpu.memory_space<vmem>>
      %dma_wait3A_110 = arith.constant 0 : i32
      %dma_wait3A_111 = tpu.memref_slice %arg9[%add3A_29, %dma_wait3A_110] : memref<10000x128xf32, #tpu.memory_space<vmem_shared>> -> memref<112x128xf32, #tpu.memory_space<vmem_shared>>
      %dma_wait3A_112 = arith.constant 0 : i32
      %dma_wait3A_113 = tpu.memref_slice %arg9[%add3A_29, %dma_wait3A_112] : memref<10000x128xf32, #tpu.memory_space<vmem_shared>> -> memref<112x128xf32, #tpu.memory_space<vmem_shared>>
      %dma_wait3A_114 = arith.constant 0 : i32
      %dma_wait3A_115 = arith.constant 0 : i32
      %dma_wait3A_116 = tpu.memref_slice %arg8[%run_scoped3A_30, %dma_wait3A_114, %dma_wait3A_115] : memref<2x128x128xf32, #tpu.memory_space<vmem>> -> memref<1x112x128xf32, #tpu.memory_space<vmem>>
      %dma_wait3A_117 = tpu.memref_squeeze %dma_wait3A_116 : memref<1x112x128xf32, #tpu.memory_space<vmem>> -> memref<112x128xf32, #tpu.memory_space<vmem>>
      tpu.wait_dma2 semaphore(%run_scoped3A_94 : memref<!tpu.dma_semaphore, #tpu.memory_space<semaphore_mem>>) src(%dma_wait3A_117 : memref<112x128xf32, #tpu.memory_space<vmem>>) dst(%dma_wait3A_113 : memref<112x128xf32, #tpu.memory_space<vmem_shared>>)
      tpu.yield
    }) : () -> ()
    %eq3A_31 = arith.constant 15 : i32
    %eq3A_32 = arith.cmpi eq, %arg1, %eq3A_31 : i32
    %convert_element_type3A = arith.extui %eq3A_32 : i1 to i32
    %cond3A = arith.constant 0 : i32
    %cond3A_33 = arith.cmpi ne, %convert_element_type3A, %cond3A : i32
    scf.if %cond3A_33 {
      %run_scoped3A_94 = arith.constant 0 : i32
      "tpu.region"() ({
        %run_scoped3A_95 = tpu.sem_alloc : memref<!tpu.dma_semaphore, #tpu.memory_space<semaphore_mem>>
        %dma_start3A_96 = arith.constant 0 : i32
        %dma_start3A_97 = arith.constant 0 : i32
        %dma_start3A_98 = tpu.memref_slice %arg8[%run_scoped3A_94, %dma_start3A_96, %dma_start3A_97] : memref<2x128x128xf32, #tpu.memory_space<vmem>> -> memref<1x16x128xf32, #tpu.memory_space<vmem>>
        %dma_start3A_99 = tpu.memref_squeeze %dma_start3A_98 : memref<1x16x128xf32, #tpu.memory_space<vmem>> -> memref<16x128xf32, #tpu.memory_space<vmem>>
        %dma_start3A_100 = arith.constant 9984 : i32
        %dma_start3A_101 = arith.constant 0 : i32
        %dma_start3A_102 = tpu.memref_slice %arg9[%dma_start3A_100, %dma_start3A_101] : memref<10000x128xf32, #tpu.memory_space<vmem_shared>> -> memref<16x128xf32, #tpu.memory_space<vmem_shared>>
        %dma_start3A_103 = arith.constant 9984 : i32
        %dma_start3A_104 = arith.constant 0 : i32
        %dma_start3A_105 = tpu.memref_slice %arg9[%dma_start3A_103, %dma_start3A_104] : memref<10000x128xf32, #tpu.memory_space<vmem_shared>> -> memref<16x128xf32, #tpu.memory_space<vmem_shared>>
        %dma_start3A_106 = arith.constant 0 : i32
        %dma_start3A_107 = arith.constant 0 : i32
        %dma_start3A_108 = tpu.memref_slice %arg8[%run_scoped3A_94, %dma_start3A_106, %dma_start3A_107] : memref<2x128x128xf32, #tpu.memory_space<vmem>> -> memref<1x16x128xf32, #tpu.memory_space<vmem>>
        %dma_start3A_109 = tpu.memref_squeeze %dma_start3A_108 : memref<1x16x128xf32, #tpu.memory_space<vmem>> -> memref<16x128xf32, #tpu.memory_space<vmem>>
        tpu.enqueue_dma source(%dma_start3A_109 : memref<16x128xf32, #tpu.memory_space<vmem>>) target(%dma_start3A_105 : memref<16x128xf32, #tpu.memory_space<vmem_shared>>) target_semaphore(%run_scoped3A_95 : memref<!tpu.dma_semaphore, #tpu.memory_space<semaphore_mem>>)
        %dma_wait3A = arith.constant 0 : i32
        %dma_wait3A_110 = arith.constant 0 : i32
        %dma_wait3A_111 = tpu.memref_slice %arg8[%run_scoped3A_94, %dma_wait3A, %dma_wait3A_110] : memref<2x128x128xf32, #tpu.memory_space<vmem>> -> memref<1x16x128xf32, #tpu.memory_space<vmem>>
        %dma_wait3A_112 = tpu.memref_squeeze %dma_wait3A_111 : memref<1x16x128xf32, #tpu.memory_space<vmem>> -> memref<16x128xf32, #tpu.memory_space<vmem>>
        %dma_wait3A_113 = arith.constant 9984 : i32
        %dma_wait3A_114 = arith.constant 0 : i32
        %dma_wait3A_115 = tpu.memref_slice %arg9[%dma_wait3A_113, %dma_wait3A_114] : memref<10000x128xf32, #tpu.memory_space<vmem_shared>> -> memref<16x128xf32, #tpu.memory_space<vmem_shared>>
        %dma_wait3A_116 = arith.constant 9984 : i32
        %dma_wait3A_117 = arith.constant 0 : i32
        %dma_wait3A_118 = tpu.memref_slice %arg9[%dma_wait3A_116, %dma_wait3A_117] : memref<10000x128xf32, #tpu.memory_space<vmem_shared>> -> memref<16x128xf32, #tpu.memory_space<vmem_shared>>
        %dma_wait3A_119 = arith.constant 0 : i32
        %dma_wait3A_120 = arith.constant 0 : i32
        %dma_wait3A_121 = tpu.memref_slice %arg8[%run_scoped3A_94, %dma_wait3A_119, %dma_wait3A_120] : memref<2x128x128xf32, #tpu.memory_space<vmem>> -> memref<1x16x128xf32, #tpu.memory_space<vmem>>
        %dma_wait3A_122 = tpu.memref_squeeze %dma_wait3A_121 : memref<1x16x128xf32, #tpu.memory_space<vmem>> -> memref<16x128xf32, #tpu.memory_space<vmem>>
        tpu.wait_dma2 semaphore(%run_scoped3A_95 : memref<!tpu.dma_semaphore, #tpu.memory_space<semaphore_mem>>) src(%dma_wait3A_122 : memref<16x128xf32, #tpu.memory_space<vmem>>) dst(%dma_wait3A_118 : memref<16x128xf32, #tpu.memory_space<vmem_shared>>)
        tpu.yield
      }) : () -> ()
    } else {
    }
    %run_scoped3A_34 = arith.constant 0 : i32
    "tpu.region"() ({
      %run_scoped3A_94 = tpu.sem_alloc : memref<!tpu.dma_semaphore, #tpu.memory_space<semaphore_mem>>
      %dma_start3A_95 = arith.constant 0 : i32
      %dma_start3A_96 = arith.constant 0 : i32
      %dma_start3A_97 = tpu.memref_slice %arg6[%run_scoped3A_34, %dma_start3A_95, %dma_start3A_96] : memref<2x2x128xi32, #tpu.memory_space<vmem>> -> memref<1x2x128xi32, #tpu.memory_space<vmem>>
      %dma_start3A_98 = tpu.memref_squeeze %dma_start3A_97 : memref<1x2x128xi32, #tpu.memory_space<vmem>> -> memref<2x128xi32, #tpu.memory_space<vmem>>
      %dma_start3A_99 = arith.constant 0 : i32
      %dma_start3A_100 = arith.constant 0 : i32
      %dma_start3A_101 = tpu.memref_slice %arg3[%select_n3A_8, %dma_start3A_99, %dma_start3A_100] : memref<2560x2x128xi32, #tpu.memory_space<hbm>> -> memref<1x2x128xi32, #tpu.memory_space<hbm>>
      %dma_start3A_102 = tpu.memref_squeeze %dma_start3A_101 : memref<1x2x128xi32, #tpu.memory_space<hbm>> -> memref<2x128xi32, #tpu.memory_space<hbm>>
      %dma_start3A_103 = arith.constant 0 : i32
      %dma_start3A_104 = arith.constant 0 : i32
      %dma_start3A_105 = tpu.memref_slice %arg6[%run_scoped3A_34, %dma_start3A_103, %dma_start3A_104] : memref<2x2x128xi32, #tpu.memory_space<vmem>> -> memref<1x2x128xi32, #tpu.memory_space<vmem>>
      %dma_start3A_106 = tpu.memref_squeeze %dma_start3A_105 : memref<1x2x128xi32, #tpu.memory_space<vmem>> -> memref<2x128xi32, #tpu.memory_space<vmem>>
      %dma_start3A_107 = arith.constant 0 : i32
      %dma_start3A_108 = arith.constant 0 : i32
      %dma_start3A_109 = tpu.memref_slice %arg3[%select_n3A_8, %dma_start3A_107, %dma_start3A_108] : memref<2560x2x128xi32, #tpu.memory_space<hbm>> -> memref<1x2x128xi32, #tpu.memory_space<hbm>>
      %dma_start3A_110 = tpu.memref_squeeze %dma_start3A_109 : memref<1x2x128xi32, #tpu.memory_space<hbm>> -> memref<2x128xi32, #tpu.memory_space<hbm>>
      tpu.enqueue_dma source(%dma_start3A_110 : memref<2x128xi32, #tpu.memory_space<hbm>>) target(%dma_start3A_106 : memref<2x128xi32, #tpu.memory_space<vmem>>) target_semaphore(%run_scoped3A_94 : memref<!tpu.dma_semaphore, #tpu.memory_space<semaphore_mem>>)
      %dma_wait3A = arith.constant 0 : i32
      %dma_wait3A_111 = arith.constant 0 : i32
      %dma_wait3A_112 = tpu.memref_slice %arg6[%run_scoped3A_34, %dma_wait3A, %dma_wait3A_111] : memref<2x2x128xi32, #tpu.memory_space<vmem>> -> memref<1x2x128xi32, #tpu.memory_space<vmem>>
      %dma_wait3A_113 = tpu.memref_squeeze %dma_wait3A_112 : memref<1x2x128xi32, #tpu.memory_space<vmem>> -> memref<2x128xi32, #tpu.memory_space<vmem>>
      %dma_wait3A_114 = arith.constant 0 : i32
      %dma_wait3A_115 = arith.constant 0 : i32
      %dma_wait3A_116 = tpu.memref_slice %arg3[%select_n3A_8, %dma_wait3A_114, %dma_wait3A_115] : memref<2560x2x128xi32, #tpu.memory_space<hbm>> -> memref<1x2x128xi32, #tpu.memory_space<hbm>>
      %dma_wait3A_117 = tpu.memref_squeeze %dma_wait3A_116 : memref<1x2x128xi32, #tpu.memory_space<hbm>> -> memref<2x128xi32, #tpu.memory_space<hbm>>
      %dma_wait3A_118 = arith.constant 0 : i32
      %dma_wait3A_119 = arith.constant 0 : i32
      %dma_wait3A_120 = tpu.memref_slice %arg6[%run_scoped3A_34, %dma_wait3A_118, %dma_wait3A_119] : memref<2x2x128xi32, #tpu.memory_space<vmem>> -> memref<1x2x128xi32, #tpu.memory_space<vmem>>
      %dma_wait3A_121 = tpu.memref_squeeze %dma_wait3A_120 : memref<1x2x128xi32, #tpu.memory_space<vmem>> -> memref<2x128xi32, #tpu.memory_space<vmem>>
      %dma_wait3A_122 = arith.constant 0 : i32
      %dma_wait3A_123 = arith.constant 0 : i32
      %dma_wait3A_124 = tpu.memref_slice %arg3[%select_n3A_8, %dma_wait3A_122, %dma_wait3A_123] : memref<2560x2x128xi32, #tpu.memory_space<hbm>> -> memref<1x2x128xi32, #tpu.memory_space<hbm>>
      %dma_wait3A_125 = tpu.memref_squeeze %dma_wait3A_124 : memref<1x2x128xi32, #tpu.memory_space<hbm>> -> memref<2x128xi32, #tpu.memory_space<hbm>>
      tpu.wait_dma2 semaphore(%run_scoped3A_94 : memref<!tpu.dma_semaphore, #tpu.memory_space<semaphore_mem>>) src(%dma_wait3A_125 : memref<2x128xi32, #tpu.memory_space<hbm>>) dst(%dma_wait3A_121 : memref<2x128xi32, #tpu.memory_space<vmem>>)
      tpu.yield
    }) : () -> ()
    %run_scoped3A_35 = arith.constant 0 : i32
    "tpu.region"() ({
      %run_scoped3A_94 = tpu.sem_alloc : memref<!tpu.dma_semaphore, #tpu.memory_space<semaphore_mem>>
      %dma_start3A_95 = arith.constant 0 : i32
      %dma_start3A_96 = tpu.memref_slice %arg7[%run_scoped3A_35, %dma_start3A_95] : memref<2x128xf32, #tpu.memory_space<vmem>> -> memref<1x128xf32, #tpu.memory_space<vmem>>
      %dma_start3A_97 = tpu.memref_squeeze %dma_start3A_96 : memref<1x128xf32, #tpu.memory_space<vmem>> -> memref<128xf32, #tpu.memory_space<vmem>>
      %dma_start3A_98 = arith.constant 0 : i32
      %dma_start3A_99 = tpu.memref_slice %arg4[%select_n3A_8, %dma_start3A_98] : memref<2560x128xf32, #tpu.memory_space<hbm>> -> memref<1x128xf32, #tpu.memory_space<hbm>>
      %dma_start3A_100 = tpu.memref_squeeze %dma_start3A_99 : memref<1x128xf32, #tpu.memory_space<hbm>> -> memref<128xf32, #tpu.memory_space<hbm>>
      %dma_start3A_101 = arith.constant 0 : i32
      %dma_start3A_102 = tpu.memref_slice %arg7[%run_scoped3A_35, %dma_start3A_101] : memref<2x128xf32, #tpu.memory_space<vmem>> -> memref<1x128xf32, #tpu.memory_space<vmem>>
      %dma_start3A_103 = tpu.memref_squeeze %dma_start3A_102 : memref<1x128xf32, #tpu.memory_space<vmem>> -> memref<128xf32, #tpu.memory_space<vmem>>
      %dma_start3A_104 = arith.constant 0 : i32
      %dma_start3A_105 = tpu.memref_slice %arg4[%select_n3A_8, %dma_start3A_104] : memref<2560x128xf32, #tpu.memory_space<hbm>> -> memref<1x128xf32, #tpu.memory_space<hbm>>
      %dma_start3A_106 = tpu.memref_squeeze %dma_start3A_105 : memref<1x128xf32, #tpu.memory_space<hbm>> -> memref<128xf32, #tpu.memory_space<hbm>>
      tpu.enqueue_dma source(%dma_start3A_106 : memref<128xf32, #tpu.memory_space<hbm>>) target(%dma_start3A_103 : memref<128xf32, #tpu.memory_space<vmem>>) target_semaphore(%run_scoped3A_94 : memref<!tpu.dma_semaphore, #tpu.memory_space<semaphore_mem>>)
      %dma_wait3A = arith.constant 0 : i32
      %dma_wait3A_107 = tpu.memref_slice %arg7[%run_scoped3A_35, %dma_wait3A] : memref<2x128xf32, #tpu.memory_space<vmem>> -> memref<1x128xf32, #tpu.memory_space<vmem>>
      %dma_wait3A_108 = tpu.memref_squeeze %dma_wait3A_107 : memref<1x128xf32, #tpu.memory_space<vmem>> -> memref<128xf32, #tpu.memory_space<vmem>>
      %dma_wait3A_109 = arith.constant 0 : i32
      %dma_wait3A_110 = tpu.memref_slice %arg4[%select_n3A_8, %dma_wait3A_109] : memref<2560x128xf32, #tpu.memory_space<hbm>> -> memref<1x128xf32, #tpu.memory_space<hbm>>
      %dma_wait3A_111 = tpu.memref_squeeze %dma_wait3A_110 : memref<1x128xf32, #tpu.memory_space<hbm>> -> memref<128xf32, #tpu.memory_space<hbm>>
      %dma_wait3A_112 = arith.constant 0 : i32
      %dma_wait3A_113 = tpu.memref_slice %arg7[%run_scoped3A_35, %dma_wait3A_112] : memref<2x128xf32, #tpu.memory_space<vmem>> -> memref<1x128xf32, #tpu.memory_space<vmem>>
      %dma_wait3A_114 = tpu.memref_squeeze %dma_wait3A_113 : memref<1x128xf32, #tpu.memory_space<vmem>> -> memref<128xf32, #tpu.memory_space<vmem>>
      %dma_wait3A_115 = arith.constant 0 : i32
      %dma_wait3A_116 = tpu.memref_slice %arg4[%select_n3A_8, %dma_wait3A_115] : memref<2560x128xf32, #tpu.memory_space<hbm>> -> memref<1x128xf32, #tpu.memory_space<hbm>>
      %dma_wait3A_117 = tpu.memref_squeeze %dma_wait3A_116 : memref<1x128xf32, #tpu.memory_space<hbm>> -> memref<128xf32, #tpu.memory_space<hbm>>
      tpu.wait_dma2 semaphore(%run_scoped3A_94 : memref<!tpu.dma_semaphore, #tpu.memory_space<semaphore_mem>>) src(%dma_wait3A_117 : memref<128xf32, #tpu.memory_space<hbm>>) dst(%dma_wait3A_114 : memref<128xf32, #tpu.memory_space<vmem>>)
      tpu.yield
    }) : () -> ()
    %dma_start3A = arith.constant 0 : i32
    %dma_start3A_36 = arith.constant 0 : i32
    %dma_start3A_37 = arith.constant 0 : i32
    %dma_start3A_38 = arith.constant 0 : i32
    %dma_start3A_39 = arith.constant 0 : i32
    %dma_start3A_40 = tpu.memref_slice %arg8[%dma_start3A_37, %dma_start3A_38, %dma_start3A_39] : memref<2x128x128xf32, #tpu.memory_space<vmem>> -> memref<1x128x128xf32, #tpu.memory_space<vmem>>
    %dma_start3A_41 = tpu.memref_squeeze %dma_start3A_40 : memref<1x128x128xf32, #tpu.memory_space<vmem>> -> memref<128x128xf32, #tpu.memory_space<vmem>>
    %dma_start3A_42 = arith.constant 0 : i32
    %dma_start3A_43 = tpu.memref_slice %arg6[%dma_start3A, %dma_start3A_36, %dma_start3A_42] : memref<2x2x128xi32, #tpu.memory_space<vmem>> -> memref<1x1x128xi32, #tpu.memory_space<vmem>>
    %dma_start3A_44 = tpu.memref_squeeze %dma_start3A_43 : memref<1x1x128xi32, #tpu.memory_space<vmem>> -> memref<128xi32, #tpu.memory_space<vmem>>
    %dma_start3A_45 = arith.constant 0 : i32
    %dma_start3A_46 = arith.constant 0 : i32
    %dma_start3A_47 = tpu.memref_slice %arg2[%dma_start3A_45, %dma_start3A_46] : memref<10000x128xf32, #tpu.memory_space<hbm>> -> memref<10000x128xf32, #tpu.memory_space<hbm>>
    tpu.enqueue_indirect_dma source(%dma_start3A_47 : memref<10000x128xf32, #tpu.memory_space<hbm>>) target(%dma_start3A_41 : memref<128x128xf32, #tpu.memory_space<vmem>>) offsets(%dma_start3A_44 : memref<128xi32, #tpu.memory_space<vmem>>) semaphore(%arg10 : memref<!tpu.dma_semaphore, #tpu.memory_space<semaphore_mem>>)
    %add3A_48 = arith.constant 1 : i32
    %add3A_49 = arith.addi %select_n3A_8, %add3A_48 : i32
    %dma_start3A_50 = arith.constant 1 : i32
    %dma_start3A_51 = arith.constant 0 : i32
    %dma_start3A_52 = arith.constant 0 : i32
    %dma_start3A_53 = tpu.memref_slice %arg6[%dma_start3A_50, %dma_start3A_51, %dma_start3A_52] : memref<2x2x128xi32, #tpu.memory_space<vmem>> -> memref<1x2x128xi32, #tpu.memory_space<vmem>>
    %dma_start3A_54 = tpu.memref_squeeze %dma_start3A_53 : memref<1x2x128xi32, #tpu.memory_space<vmem>> -> memref<2x128xi32, #tpu.memory_space<vmem>>
    %dma_start3A_55 = arith.constant 0 : i32
    %dma_start3A_56 = arith.constant 0 : i32
    %dma_start3A_57 = tpu.memref_slice %arg3[%add3A_49, %dma_start3A_55, %dma_start3A_56] : memref<2560x2x128xi32, #tpu.memory_space<hbm>> -> memref<1x2x128xi32, #tpu.memory_space<hbm>>
    %dma_start3A_58 = tpu.memref_squeeze %dma_start3A_57 : memref<1x2x128xi32, #tpu.memory_space<hbm>> -> memref<2x128xi32, #tpu.memory_space<hbm>>
    %dma_start3A_59 = arith.constant 0 : i32
    %dma_start3A_60 = arith.constant 0 : i32
    %dma_start3A_61 = tpu.memref_slice %arg6[%dma_start3A_50, %dma_start3A_59, %dma_start3A_60] : memref<2x2x128xi32, #tpu.memory_space<vmem>> -> memref<1x2x128xi32, #tpu.memory_space<vmem>>
    %dma_start3A_62 = tpu.memref_squeeze %dma_start3A_61 : memref<1x2x128xi32, #tpu.memory_space<vmem>> -> memref<2x128xi32, #tpu.memory_space<vmem>>
    %dma_start3A_63 = arith.constant 0 : i32
    %dma_start3A_64 = arith.constant 0 : i32
    %dma_start3A_65 = tpu.memref_slice %arg3[%add3A_49, %dma_start3A_63, %dma_start3A_64] : memref<2560x2x128xi32, #tpu.memory_space<hbm>> -> memref<1x2x128xi32, #tpu.memory_space<hbm>>
    %dma_start3A_66 = tpu.memref_squeeze %dma_start3A_65 : memref<1x2x128xi32, #tpu.memory_space<hbm>> -> memref<2x128xi32, #tpu.memory_space<hbm>>
    tpu.enqueue_dma source(%dma_start3A_66 : memref<2x128xi32, #tpu.memory_space<hbm>>) target(%dma_start3A_62 : memref<2x128xi32, #tpu.memory_space<vmem>>) target_semaphore(%arg13 : memref<!tpu.dma_semaphore, #tpu.memory_space<semaphore_mem>>)
    %add3A_67 = arith.constant 1 : i32
    %add3A_68 = arith.addi %select_n3A_8, %add3A_67 : i32
    %dma_start3A_69 = arith.constant 1 : i32
    %dma_start3A_70 = arith.constant 0 : i32
    %dma_start3A_71 = tpu.memref_slice %arg7[%dma_start3A_69, %dma_start3A_70] : memref<2x128xf32, #tpu.memory_space<vmem>> -> memref<1x128xf32, #tpu.memory_space<vmem>>
    %dma_start3A_72 = tpu.memref_squeeze %dma_start3A_71 : memref<1x128xf32, #tpu.memory_space<vmem>> -> memref<128xf32, #tpu.memory_space<vmem>>
    %dma_start3A_73 = arith.constant 0 : i32
    %dma_start3A_74 = tpu.memref_slice %arg4[%add3A_68, %dma_start3A_73] : memref<2560x128xf32, #tpu.memory_space<hbm>> -> memref<1x128xf32, #tpu.memory_space<hbm>>
    %dma_start3A_75 = tpu.memref_squeeze %dma_start3A_74 : memref<1x128xf32, #tpu.memory_space<hbm>> -> memref<128xf32, #tpu.memory_space<hbm>>
    %dma_start3A_76 = arith.constant 0 : i32
    %dma_start3A_77 = tpu.memref_slice %arg7[%dma_start3A_69, %dma_start3A_76] : memref<2x128xf32, #tpu.memory_space<vmem>> -> memref<1x128xf32, #tpu.memory_space<vmem>>
    %dma_start3A_78 = tpu.memref_squeeze %dma_start3A_77 : memref<1x128xf32, #tpu.memory_space<vmem>> -> memref<128xf32, #tpu.memory_space<vmem>>
    %dma_start3A_79 = arith.constant 0 : i32
    %dma_start3A_80 = tpu.memref_slice %arg4[%add3A_68, %dma_start3A_79] : memref<2560x128xf32, #tpu.memory_space<hbm>> -> memref<1x128xf32, #tpu.memory_space<hbm>>
    %dma_start3A_81 = tpu.memref_squeeze %dma_start3A_80 : memref<1x128xf32, #tpu.memory_space<hbm>> -> memref<128xf32, #tpu.memory_space<hbm>>
    tpu.enqueue_dma source(%dma_start3A_81 : memref<128xf32, #tpu.memory_space<hbm>>) target(%dma_start3A_78 : memref<128xf32, #tpu.memory_space<vmem>>) target_semaphore(%arg13 : memref<!tpu.dma_semaphore, #tpu.memory_space<semaphore_mem>>)
    %barrier3A = arith.constant 0 : index
    tpu.barrier barrier_id(%barrier3A)
    %scan3A_82 = arith.constant 0 : i32
    %scan3A_83 = arith.constant 0 : i32
    %scan3A_84 = arith.constant 60 : i32
    %scan3A_85 = arith.addi %scan3A_83, %scan3A_84 : i32
    %scan3A_86 = arith.constant 1 : i32
    scf.for %scan3A_94 = %scan3A_83 to %scan3A_85 step %scan3A_86  : i32 {
      %mul3A_95 = arith.constant 2 : i32
      %mul3A_96 = arith.muli %mul3A_95, %scan3A_94 : i32
      %add3A_97 = arith.constant 0 : i32
      %add3A_98 = arith.addi %mul3A_96, %add3A_97 : i32
      %add3A_99 = arith.constant 1 : i32
      %add3A_100 = arith.addi %add3A_98, %add3A_99 : i32
      %lt3A = arith.cmpi slt, %add3A_100, %select_n3A : i32
      %convert_element_type3A_101 = arith.extui %lt3A : i1 to i32
      %cond3A_102 = arith.constant 0 : i32
      %cond3A_103 = arith.cmpi ne, %convert_element_type3A_101, %cond3A_102 : i32
      scf.if %cond3A_103 {
        %add3A_142 = arith.addi %select_n3A_8, %add3A_98 : i32
        %add3A_143 = arith.constant 1 : i32
        %add3A_144 = arith.addi %add3A_142, %add3A_143 : i32
        %dma_wait3A = arith.constant 1 : i32
        %dma_wait3A_145 = arith.constant 0 : i32
        %dma_wait3A_146 = arith.constant 0 : i32
        %dma_wait3A_147 = tpu.memref_slice %arg6[%dma_wait3A, %dma_wait3A_145, %dma_wait3A_146] : memref<2x2x128xi32, #tpu.memory_space<vmem>> -> memref<1x2x128xi32, #tpu.memory_space<vmem>>
        %dma_wait3A_148 = tpu.memref_squeeze %dma_wait3A_147 : memref<1x2x128xi32, #tpu.memory_space<vmem>> -> memref<2x128xi32, #tpu.memory_space<vmem>>
        %dma_wait3A_149 = arith.constant 0 : i32
        %dma_wait3A_150 = arith.constant 0 : i32
        %dma_wait3A_151 = tpu.memref_slice %arg3[%add3A_144, %dma_wait3A_149, %dma_wait3A_150] : memref<2560x2x128xi32, #tpu.memory_space<hbm>> -> memref<1x2x128xi32, #tpu.memory_space<hbm>>
        %dma_wait3A_152 = tpu.memref_squeeze %dma_wait3A_151 : memref<1x2x128xi32, #tpu.memory_space<hbm>> -> memref<2x128xi32, #tpu.memory_space<hbm>>
        %dma_wait3A_153 = arith.constant 0 : i32
        %dma_wait3A_154 = arith.constant 0 : i32
        %dma_wait3A_155 = tpu.memref_slice %arg6[%dma_wait3A, %dma_wait3A_153, %dma_wait3A_154] : memref<2x2x128xi32, #tpu.memory_space<vmem>> -> memref<1x2x128xi32, #tpu.memory_space<vmem>>
        %dma_wait3A_156 = tpu.memref_squeeze %dma_wait3A_155 : memref<1x2x128xi32, #tpu.memory_space<vmem>> -> memref<2x128xi32, #tpu.memory_space<vmem>>
        %dma_wait3A_157 = arith.constant 0 : i32
        %dma_wait3A_158 = arith.constant 0 : i32
        %dma_wait3A_159 = tpu.memref_slice %arg3[%add3A_144, %dma_wait3A_157, %dma_wait3A_158] : memref<2560x2x128xi32, #tpu.memory_space<hbm>> -> memref<1x2x128xi32, #tpu.memory_space<hbm>>
        %dma_wait3A_160 = tpu.memref_squeeze %dma_wait3A_159 : memref<1x2x128xi32, #tpu.memory_space<hbm>> -> memref<2x128xi32, #tpu.memory_space<hbm>>
        tpu.wait_dma2 semaphore(%arg13 : memref<!tpu.dma_semaphore, #tpu.memory_space<semaphore_mem>>) src(%dma_wait3A_160 : memref<2x128xi32, #tpu.memory_space<hbm>>) dst(%dma_wait3A_156 : memref<2x128xi32, #tpu.memory_space<vmem>>)
        %add3A_161 = arith.addi %select_n3A_8, %add3A_98 : i32
        %add3A_162 = arith.constant 1 : i32
        %add3A_163 = arith.addi %add3A_161, %add3A_162 : i32
        %dma_wait3A_164 = arith.constant 1 : i32
        %dma_wait3A_165 = arith.constant 0 : i32
        %dma_wait3A_166 = tpu.memref_slice %arg7[%dma_wait3A_164, %dma_wait3A_165] : memref<2x128xf32, #tpu.memory_space<vmem>> -> memref<1x128xf32, #tpu.memory_space<vmem>>
        %dma_wait3A_167 = tpu.memref_squeeze %dma_wait3A_166 : memref<1x128xf32, #tpu.memory_space<vmem>> -> memref<128xf32, #tpu.memory_space<vmem>>
        %dma_wait3A_168 = arith.constant 0 : i32
        %dma_wait3A_169 = tpu.memref_slice %arg4[%add3A_163, %dma_wait3A_168] : memref<2560x128xf32, #tpu.memory_space<hbm>> -> memref<1x128xf32, #tpu.memory_space<hbm>>
        %dma_wait3A_170 = tpu.memref_squeeze %dma_wait3A_169 : memref<1x128xf32, #tpu.memory_space<hbm>> -> memref<128xf32, #tpu.memory_space<hbm>>
        %dma_wait3A_171 = arith.constant 0 : i32
        %dma_wait3A_172 = tpu.memref_slice %arg7[%dma_wait3A_164, %dma_wait3A_171] : memref<2x128xf32, #tpu.memory_space<vmem>> -> memref<1x128xf32, #tpu.memory_space<vmem>>
        %dma_wait3A_173 = tpu.memref_squeeze %dma_wait3A_172 : memref<1x128xf32, #tpu.memory_space<vmem>> -> memref<128xf32, #tpu.memory_space<vmem>>
        %dma_wait3A_174 = arith.constant 0 : i32
        %dma_wait3A_175 = tpu.memref_slice %arg4[%add3A_163, %dma_wait3A_174] : memref<2560x128xf32, #tpu.memory_space<hbm>> -> memref<1x128xf32, #tpu.memory_space<hbm>>
        %dma_wait3A_176 = tpu.memref_squeeze %dma_wait3A_175 : memref<1x128xf32, #tpu.memory_space<hbm>> -> memref<128xf32, #tpu.memory_space<hbm>>
        tpu.wait_dma2 semaphore(%arg13 : memref<!tpu.dma_semaphore, #tpu.memory_space<semaphore_mem>>) src(%dma_wait3A_176 : memref<128xf32, #tpu.memory_space<hbm>>) dst(%dma_wait3A_173 : memref<128xf32, #tpu.memory_space<vmem>>)
        %dma_start3A_177 = arith.constant 1 : i32
        %dma_start3A_178 = arith.constant 0 : i32
        %dma_start3A_179 = arith.constant 1 : i32
        %dma_start3A_180 = arith.constant 0 : i32
        %dma_start3A_181 = arith.constant 0 : i32
        %dma_start3A_182 = tpu.memref_slice %arg8[%dma_start3A_179, %dma_start3A_180, %dma_start3A_181] : memref<2x128x128xf32, #tpu.memory_space<vmem>> -> memref<1x128x128xf32, #tpu.memory_space<vmem>>
        %dma_start3A_183 = tpu.memref_squeeze %dma_start3A_182 : memref<1x128x128xf32, #tpu.memory_space<vmem>> -> memref<128x128xf32, #tpu.memory_space<vmem>>
        %dma_start3A_184 = arith.constant 0 : i32
        %dma_start3A_185 = tpu.memref_slice %arg6[%dma_start3A_177, %dma_start3A_178, %dma_start3A_184] : memref<2x2x128xi32, #tpu.memory_space<vmem>> -> memref<1x1x128xi32, #tpu.memory_space<vmem>>
        %dma_start3A_186 = tpu.memref_squeeze %dma_start3A_185 : memref<1x1x128xi32, #tpu.memory_space<vmem>> -> memref<128xi32, #tpu.memory_space<vmem>>
        %dma_start3A_187 = arith.constant 0 : i32
        %dma_start3A_188 = arith.constant 0 : i32
        %dma_start3A_189 = tpu.memref_slice %arg2[%dma_start3A_187, %dma_start3A_188] : memref<10000x128xf32, #tpu.memory_space<hbm>> -> memref<10000x128xf32, #tpu.memory_space<hbm>>
        tpu.enqueue_indirect_dma source(%dma_start3A_189 : memref<10000x128xf32, #tpu.memory_space<hbm>>) target(%dma_start3A_183 : memref<128x128xf32, #tpu.memory_space<vmem>>) offsets(%dma_start3A_186 : memref<128xi32, #tpu.memory_space<vmem>>) semaphore(%arg11 : memref<!tpu.dma_semaphore, #tpu.memory_space<semaphore_mem>>)
      } else {
      }
      %lt3A_104 = arith.cmpi slt, %add3A_98, %select_n3A : i32
      %convert_element_type3A_105 = arith.extui %lt3A_104 : i1 to i32
      %cond3A_106 = arith.constant 0 : i32
      %cond3A_107 = arith.cmpi ne, %convert_element_type3A_105, %cond3A_106 : i32
      scf.if %cond3A_107 {
        %dma_wait3A = arith.constant 0 : i32
        %dma_wait3A_142 = arith.constant 0 : i32
        %dma_wait3A_143 = arith.constant 0 : i32
        %dma_wait3A_144 = arith.constant 0 : i32
        %dma_wait3A_145 = arith.constant 0 : i32
        %dma_wait3A_146 = tpu.memref_slice %arg8[%dma_wait3A_143, %dma_wait3A_144, %dma_wait3A_145] : memref<2x128x128xf32, #tpu.memory_space<vmem>> -> memref<1x128x128xf32, #tpu.memory_space<vmem>>
        %dma_wait3A_147 = tpu.memref_squeeze %dma_wait3A_146 : memref<1x128x128xf32, #tpu.memory_space<vmem>> -> memref<128x128xf32, #tpu.memory_space<vmem>>
        %dma_wait3A_148 = arith.constant 0 : i32
        %dma_wait3A_149 = tpu.memref_slice %arg6[%dma_wait3A, %dma_wait3A_142, %dma_wait3A_148] : memref<2x2x128xi32, #tpu.memory_space<vmem>> -> memref<1x1x128xi32, #tpu.memory_space<vmem>>
        %dma_wait3A_150 = tpu.memref_squeeze %dma_wait3A_149 : memref<1x1x128xi32, #tpu.memory_space<vmem>> -> memref<128xi32, #tpu.memory_space<vmem>>
        %dma_wait3A_151 = arith.constant 0 : i32
        %dma_wait3A_152 = arith.constant 0 : i32
        %dma_wait3A_153 = tpu.memref_slice %arg2[%dma_wait3A_151, %dma_wait3A_152] : memref<10000x128xf32, #tpu.memory_space<hbm>> -> memref<10000x128xf32, #tpu.memory_space<hbm>>
        tpu.wait_indirect_dma semaphore(%arg10 : memref<!tpu.dma_semaphore, #tpu.memory_space<semaphore_mem>>) src(%dma_wait3A_153 : memref<10000x128xf32, #tpu.memory_space<hbm>>) dst(%dma_wait3A_147 : memref<128x128xf32, #tpu.memory_space<vmem>>)
      } else {
      }
      %lt3A_108 = arith.cmpi slt, %add3A_98, %select_n3A : i32
      %convert_element_type3A_109 = arith.extui %lt3A_108 : i1 to i32
      %cond3A_110 = arith.constant 0 : i32
      %cond3A_111 = arith.cmpi ne, %convert_element_type3A_109, %cond3A_110 : i32
      scf.if %cond3A_111 {
        %scan3A_142 = arith.constant 0 : i32
        %scan3A_143 = arith.constant 0 : i32
        %scan3A_144 = arith.constant 8 : i32
        %scan3A_145 = arith.addi %scan3A_143, %scan3A_144 : i32
        %scan3A_146 = arith.constant 1 : i32
        scf.for %scan3A_151 = %scan3A_143 to %scan3A_145 step %scan3A_146  : i32 {
          %mul3A_152 = arith.constant 16 : i32
          %mul3A_153 = arith.muli %mul3A_152, %scan3A_151 : i32
          %get3A = arith.constant 0 : i32
          %get3A_154 = arith.index_cast %get3A : i32 to index
          %get3A_155 = arith.index_cast %mul3A_153 : i32 to index
          %get3A_156 = tpu.vector_load %arg7[%get3A_154, %get3A_155] {strides = array<i32>} : memref<2x128xf32, #tpu.memory_space<vmem>>, vector<1x16xf32>,
          %get3A_157 = vector.shape_cast %get3A_156 : vector<1x16xf32> to vector<16xf32>
          %mul3A_158 = arith.constant 16 : i32
          %mul3A_159 = arith.muli %mul3A_158, %scan3A_151 : i32
          %add3A_160 = arith.constant 0 : i32
          %add3A_161 = arith.addi %mul3A_159, %add3A_160 : i32
          %slice3A = vector.extract_strided_slice %get3A_157 {offsets = [0], sizes = [1], strides = [1]} : vector<16xf32> to vector<1xf32>
          %squeeze3A = vector.extract %slice3A[0] : f32 from vector<1xf32>
          %broadcast_in_dim3A_162 = vector.broadcast %squeeze3A : f32 to vector<16xf32>
          %get3A_163 = arith.constant 0 : i32
          %get3A_164 = arith.index_cast %get3A_163 : i32 to index
          %get3A_165 = arith.index_cast %add3A_161 : i32 to index
          %get3A_166 = arith.constant 0 : index
          %get3A_167 = tpu.vector_load %arg8[%get3A_164, %get3A_165, %get3A_166] {strides = array<i32>} : memref<2x128x128xf32, #tpu.memory_space<vmem>>, vector<1x1x16xf32>,
          %get3A_168 = vector.shape_cast %get3A_167 : vector<1x1x16xf32> to vector<16xf32>
          %mul3A_169 = arith.mulf %get3A_168, %broadcast_in_dim3A_162 : vector<16xf32>
          %swap3A = arith.constant 0 : i32
          %swap3A_170 = arith.index_cast %swap3A : i32 to index
          %swap3A_171 = arith.index_cast %add3A_161 : i32 to index
          %swap3A_172 = arith.constant 0 : index
          %swap3A_173 = tpu.vector_load %arg8[%swap3A_170, %swap3A_171, %swap3A_172] {strides = array<i32>} : memref<2x128x128xf32, #tpu.memory_space<vmem>>, vector<1x1x16xf32>,
          %swap3A_174 = vector.shape_cast %swap3A_173 : vector<1x1x16xf32> to vector<16xf32>
          %swap3A_175 = vector.shape_cast %mul3A_169 : vector<16xf32> to vector<1x1x16xf32>
          tpu.vector_store %arg8[%swap3A_170, %swap3A_171, %swap3A_172], %swap3A_175 {strides = array<i32>} : memref<2x128x128xf32, #tpu.memory_space<vmem>>, vector<1x1x16xf32>,
          %get3A_176 = arith.constant 0 : i32
          %get3A_177 = arith.index_cast %get3A_176 : i32 to index
          %get3A_178 = arith.index_cast %add3A_161 : i32 to index
          %get3A_179 = arith.constant 16 : index
          %get3A_180 = tpu.vector_load %arg8[%get3A_177, %get3A_178, %get3A_179] {strides = array<i32>} : memref<2x128x128xf32, #tpu.memory_space<vmem>>, vector<1x1x16xf32>,
          %get3A_181 = vector.shape_cast %get3A_180 : vector<1x1x16xf32> to vector<16xf32>
          %mul3A_182 = arith.mulf %get3A_181, %broadcast_in_dim3A_162 : vector<16xf32>
          %swap3A_183 = arith.constant 0 : i32
          %swap3A_184 = arith.index_cast %swap3A_183 : i32 to index
          %swap3A_185 = arith.index_cast %add3A_161 : i32 to index
          %swap3A_186 = arith.constant 16 : index
          %swap3A_187 = tpu.vector_load %arg8[%swap3A_184, %swap3A_185, %swap3A_186] {strides = array<i32>} : memref<2x128x128xf32, #tpu.memory_space<vmem>>, vector<1x1x16xf32>,
          %swap3A_188 = vector.shape_cast %swap3A_187 : vector<1x1x16xf32> to vector<16xf32>
          %swap3A_189 = vector.shape_cast %mul3A_182 : vector<16xf32> to vector<1x1x16xf32>
          tpu.vector_store %arg8[%swap3A_184, %swap3A_185, %swap3A_186], %swap3A_189 {strides = array<i32>} : memref<2x128x128xf32, #tpu.memory_space<vmem>>, vector<1x1x16xf32>,
          %get3A_190 = arith.constant 0 : i32
          %get3A_191 = arith.index_cast %get3A_190 : i32 to index
          %get3A_192 = arith.index_cast %add3A_161 : i32 to index
          %get3A_193 = arith.constant 32 : index
          %get3A_194 = tpu.vector_load %arg8[%get3A_191, %get3A_192, %get3A_193] {strides = array<i32>} : memref<2x128x128xf32, #tpu.memory_space<vmem>>, vector<1x1x16xf32>,
          %get3A_195 = vector.shape_cast %get3A_194 : vector<1x1x16xf32> to vector<16xf32>
          %mul3A_196 = arith.mulf %get3A_195, %broadcast_in_dim3A_162 : vector<16xf32>
          %swap3A_197 = arith.constant 0 : i32
          %swap3A_198 = arith.index_cast %swap3A_197 : i32 to index
          %swap3A_199 = arith.index_cast %add3A_161 : i32 to index
          %swap3A_200 = arith.constant 32 : index
          %swap3A_201 = tpu.vector_load %arg8[%swap3A_198, %swap3A_199, %swap3A_200] {strides = array<i32>} : memref<2x128x128xf32, #tpu.memory_space<vmem>>, vector<1x1x16xf32>,
          %swap3A_202 = vector.shape_cast %swap3A_201 : vector<1x1x16xf32> to vector<16xf32>
          %swap3A_203 = vector.shape_cast %mul3A_196 : vector<16xf32> to vector<1x1x16xf32>
          tpu.vector_store %arg8[%swap3A_198, %swap3A_199, %swap3A_200], %swap3A_203 {strides = array<i32>} : memref<2x128x128xf32, #tpu.memory_space<vmem>>, vector<1x1x16xf32>,
          %get3A_204 = arith.constant 0 : i32
          %get3A_205 = arith.index_cast %get3A_204 : i32 to index
          %get3A_206 = arith.index_cast %add3A_161 : i32 to index
          %get3A_207 = arith.constant 48 : index
          %get3A_208 = tpu.vector_load %arg8[%get3A_205, %get3A_206, %get3A_207] {strides = array<i32>} : memref<2x128x128xf32, #tpu.memory_space<vmem>>, vector<1x1x16xf32>,
          %get3A_209 = vector.shape_cast %get3A_208 : vector<1x1x16xf32> to vector<16xf32>
          %mul3A_210 = arith.mulf %get3A_209, %broadcast_in_dim3A_162 : vector<16xf32>
          %swap3A_211 = arith.constant 0 : i32
          %swap3A_212 = arith.index_cast %swap3A_211 : i32 to index
          %swap3A_213 = arith.index_cast %add3A_161 : i32 to index
          %swap3A_214 = arith.constant 48 : index
          %swap3A_215 = tpu.vector_load %arg8[%swap3A_212, %swap3A_213, %swap3A_214] {strides = array<i32>} : memref<2x128x128xf32, #tpu.memory_space<vmem>>, vector<1x1x16xf32>,
          %swap3A_216 = vector.shape_cast %swap3A_215 : vector<1x1x16xf32> to vector<16xf32>
          %swap3A_217 = vector.shape_cast %mul3A_210 : vector<16xf32> to vector<1x1x16xf32>
          tpu.vector_store %arg8[%swap3A_212, %swap3A_213, %swap3A_214], %swap3A_217 {strides = array<i32>} : memref<2x128x128xf32, #tpu.memory_space<vmem>>, vector<1x1x16xf32>,
          %get3A_218 = arith.constant 0 : i32
          %get3A_219 = arith.index_cast %get3A_218 : i32 to index
          %get3A_220 = arith.index_cast %add3A_161 : i32 to index
          %get3A_221 = arith.constant 64 : index
          %get3A_222 = tpu.vector_load %arg8[%get3A_219, %get3A_220, %get3A_221] {strides = array<i32>} : memref<2x128x128xf32, #tpu.memory_space<vmem>>, vector<1x1x16xf32>,
          %get3A_223 = vector.shape_cast %get3A_222 : vector<1x1x16xf32> to vector<16xf32>
          %mul3A_224 = arith.mulf %get3A_223, %broadcast_in_dim3A_162 : vector<16xf32>
          %swap3A_225 = arith.constant 0 : i32
          %swap3A_226 = arith.index_cast %swap3A_225 : i32 to index
          %swap3A_227 = arith.index_cast %add3A_161 : i32 to index
          %swap3A_228 = arith.constant 64 : index
          %swap3A_229 = tpu.vector_load %arg8[%swap3A_226, %swap3A_227, %swap3A_228] {strides = array<i32>} : memref<2x128x128xf32, #tpu.memory_space<vmem>>, vector<1x1x16xf32>,
          %swap3A_230 = vector.shape_cast %swap3A_229 : vector<1x1x16xf32> to vector<16xf32>
          %swap3A_231 = vector.shape_cast %mul3A_224 : vector<16xf32> to vector<1x1x16xf32>
          tpu.vector_store %arg8[%swap3A_226, %swap3A_227, %swap3A_228], %swap3A_231 {strides = array<i32>} : memref<2x128x128xf32, #tpu.memory_space<vmem>>, vector<1x1x16xf32>,
          %get3A_232 = arith.constant 0 : i32
          %get3A_233 = arith.index_cast %get3A_232 : i32 to index
          %get3A_234 = arith.index_cast %add3A_161 : i32 to index
          %get3A_235 = arith.constant 80 : index
          %get3A_236 = tpu.vector_load %arg8[%get3A_233, %get3A_234, %get3A_235] {strides = array<i32>} : memref<2x128x128xf32, #tpu.memory_space<vmem>>, vector<1x1x16xf32>,
          %get3A_237 = vector.shape_cast %get3A_236 : vector<1x1x16xf32> to vector<16xf32>
          %mul3A_238 = arith.mulf %get3A_237, %broadcast_in_dim3A_162 : vector<16xf32>
          %swap3A_239 = arith.constant 0 : i32
          %swap3A_240 = arith.index_cast %swap3A_239 : i32 to index
          %swap3A_241 = arith.index_cast %add3A_161 : i32 to index
          %swap3A_242 = arith.constant 80 : index
          %swap3A_243 = tpu.vector_load %arg8[%swap3A_240, %swap3A_241, %swap3A_242] {strides = array<i32>} : memref<2x128x128xf32, #tpu.memory_space<vmem>>, vector<1x1x16xf32>,
          %swap3A_244 = vector.shape_cast %swap3A_243 : vector<1x1x16xf32> to vector<16xf32>
          %swap3A_245 = vector.shape_cast %mul3A_238 : vector<16xf32> to vector<1x1x16xf32>
          tpu.vector_store %arg8[%swap3A_240, %swap3A_241, %swap3A_242], %swap3A_245 {strides = array<i32>} : memref<2x128x128xf32, #tpu.memory_space<vmem>>, vector<1x1x16xf32>,
          %get3A_246 = arith.constant 0 : i32
          %get3A_247 = arith.index_cast %get3A_246 : i32 to index
          %get3A_248 = arith.index_cast %add3A_161 : i32 to index
          %get3A_249 = arith.constant 96 : index
          %get3A_250 = tpu.vector_load %arg8[%get3A_247, %get3A_248, %get3A_249] {strides = array<i32>} : memref<2x128x128xf32, #tpu.memory_space<vmem>>, vector<1x1x16xf32>,
          %get3A_251 = vector.shape_cast %get3A_250 : vector<1x1x16xf32> to vector<16xf32>
          %mul3A_252 = arith.mulf %get3A_251, %broadcast_in_dim3A_162 : vector<16xf32>
          %swap3A_253 = arith.constant 0 : i32
          %swap3A_254 = arith.index_cast %swap3A_253 : i32 to index
          %swap3A_255 = arith.index_cast %add3A_161 : i32 to index
          %swap3A_256 = arith.constant 96 : index
          %swap3A_257 = tpu.vector_load %arg8[%swap3A_254, %swap3A_255, %swap3A_256] {strides = array<i32>} : memref<2x128x128xf32, #tpu.memory_space<vmem>>, vector<1x1x16xf32>,
          %swap3A_258 = vector.shape_cast %swap3A_257 : vector<1x1x16xf32> to vector<16xf32>
          %swap3A_259 = vector.shape_cast %mul3A_252 : vector<16xf32> to vector<1x1x16xf32>
          tpu.vector_store %arg8[%swap3A_254, %swap3A_255, %swap3A_256], %swap3A_259 {strides = array<i32>} : memref<2x128x128xf32, #tpu.memory_space<vmem>>, vector<1x1x16xf32>,
          %get3A_260 = arith.constant 0 : i32
          %get3A_261 = arith.index_cast %get3A_260 : i32 to index
          %get3A_262 = arith.index_cast %add3A_161 : i32 to index
          %get3A_263 = arith.constant 112 : index
          %get3A_264 = tpu.vector_load %arg8[%get3A_261, %get3A_262, %get3A_263] {strides = array<i32>} : memref<2x128x128xf32, #tpu.memory_space<vmem>>, vector<1x1x16xf32>,
          %get3A_265 = vector.shape_cast %get3A_264 : vector<1x1x16xf32> to vector<16xf32>
          %mul3A_266 = arith.mulf %get3A_265, %broadcast_in_dim3A_162 : vector<16xf32>
          %swap3A_267 = arith.constant 0 : i32
          %swap3A_268 = arith.index_cast %swap3A_267 : i32 to index
          %swap3A_269 = arith.index_cast %add3A_161 : i32 to index
          %swap3A_270 = arith.constant 112 : index
          %swap3A_271 = tpu.vector_load %arg8[%swap3A_268, %swap3A_269, %swap3A_270] {strides = array<i32>} : memref<2x128x128xf32, #tpu.memory_space<vmem>>, vector<1x1x16xf32>,
          %swap3A_272 = vector.shape_cast %swap3A_271 : vector<1x1x16xf32> to vector<16xf32>
          %swap3A_273 = vector.shape_cast %mul3A_266 : vector<16xf32> to vector<1x1x16xf32>
          tpu.vector_store %arg8[%swap3A_268, %swap3A_269, %swap3A_270], %swap3A_273 {strides = array<i32>} : memref<2x128x128xf32, #tpu.memory_space<vmem>>, vector<1x1x16xf32>,
          %mul3A_274 = arith.constant 16 : i32
          %mul3A_275 = arith.muli %mul3A_274, %scan3A_151 : i32
          %add3A_276 = arith.constant 1 : i32
          %add3A_277 = arith.addi %mul3A_275, %add3A_276 : i32
          %slice3A_278 = vector.extract_strided_slice %get3A_157 {offsets = [1], sizes = [1], strides = [1]} : vector<16xf32> to vector<1xf32>
          %squeeze3A_279 = vector.extract %slice3A_278[0] : f32 from vector<1xf32>
          %broadcast_in_dim3A_280 = vector.broadcast %squeeze3A_279 : f32 to vector<16xf32>
          %get3A_281 = arith.constant 0 : i32
          %get3A_282 = arith.index_cast %get3A_281 : i32 to index
          %get3A_283 = arith.index_cast %add3A_277 : i32 to index
          %get3A_284 = arith.constant 0 : index
          %get3A_285 = tpu.vector_load %arg8[%get3A_282, %get3A_283, %get3A_284] {strides = array<i32>} : memref<2x128x128xf32, #tpu.memory_space<vmem>>, vector<1x1x16xf32>,
          %get3A_286 = vector.shape_cast %get3A_285 : vector<1x1x16xf32> to vector<16xf32>
          %mul3A_287 = arith.mulf %get3A_286, %broadcast_in_dim3A_280 : vector<16xf32>
          %swap3A_288 = arith.constant 0 : i32
          %swap3A_289 = arith.index_cast %swap3A_288 : i32 to index
          %swap3A_290 = arith.index_cast %add3A_277 : i32 to index
          %swap3A_291 = arith.constant 0 : index
          %swap3A_292 = tpu.vector_load %arg8[%swap3A_289, %swap3A_290, %swap3A_291] {strides = array<i32>} : memref<2x128x128xf32, #tpu.memory_space<vmem>>, vector<1x1x16xf32>,
          %swap3A_293 = vector.shape_cast %swap3A_292 : vector<1x1x16xf32> to vector<16xf32>
          %swap3A_294 = vector.shape_cast %mul3A_287 : vector<16xf32> to vector<1x1x16xf32>
          tpu.vector_store %arg8[%swap3A_289, %swap3A_290, %swap3A_291], %swap3A_294 {strides = array<i32>} : memref<2x128x128xf32, #tpu.memory_space<vmem>>, vector<1x1x16xf32>,
          %get3A_295 = arith.constant 0 : i32
          %get3A_296 = arith.index_cast %get3A_295 : i32 to index
          %get3A_297 = arith.index_cast %add3A_277 : i32 to index
          %get3A_298 = arith.constant 16 : index
          %get3A_299 = tpu.vector_load %arg8[%get3A_296, %get3A_297, %get3A_298] {strides = array<i32>} : memref<2x128x128xf32, #tpu.memory_space<vmem>>, vector<1x1x16xf32>,
          %get3A_300 = vector.shape_cast %get3A_299 : vector<1x1x16xf32> to vector<16xf32>
          %mul3A_301 = arith.mulf %get3A_300, %broadcast_in_dim3A_280 : vector<16xf32>
          %swap3A_302 = arith.constant 0 : i32
          %swap3A_303 = arith.index_cast %swap3A_302 : i32 to index
          %swap3A_304 = arith.index_cast %add3A_277 : i32 to index
          %swap3A_305 = arith.constant 16 : index
          %swap3A_306 = tpu.vector_load %arg8[%swap3A_303, %swap3A_304, %swap3A_305] {strides = array<i32>} : memref<2x128x128xf32, #tpu.memory_space<vmem>>, vector<1x1x16xf32>,
          %swap3A_307 = vector.shape_cast %swap3A_306 : vector<1x1x16xf32> to vector<16xf32>
          %swap3A_308 = vector.shape_cast %mul3A_301 : vector<16xf32> to vector<1x1x16xf32>
          tpu.vector_store %arg8[%swap3A_303, %swap3A_304, %swap3A_305], %swap3A_308 {strides = array<i32>} : memref<2x128x128xf32, #tpu.memory_space<vmem>>, vector<1x1x16xf32>,
          %get3A_309 = arith.constant 0 : i32
          %get3A_310 = arith.index_cast %get3A_309 : i32 to index
          %get3A_311 = arith.index_cast %add3A_277 : i32 to index
          %get3A_312 = arith.constant 32 : index
          %get3A_313 = tpu.vector_load %arg8[%get3A_310, %get3A_311, %get3A_312] {strides = array<i32>} : memref<2x128x128xf32, #tpu.memory_space<vmem>>, vector<1x1x16xf32>,
          %get3A_314 = vector.shape_cast %get3A_313 : vector<1x1x16xf32> to vector<16xf32>
          %mul3A_315 = arith.mulf %get3A_314, %broadcast_in_dim3A_280 : vector<16xf32>
          %swap3A_316 = arith.constant 0 : i32
          %swap3A_317 = arith.index_cast %swap3A_316 : i32 to index
          %swap3A_318 = arith.index_cast %add3A_277 : i32 to index
          %swap3A_319 = arith.constant 32 : index
          %swap3A_320 = tpu.vector_load %arg8[%swap3A_317, %swap3A_318, %swap3A_319] {strides = array<i32>} : memref<2x128x128xf32, #tpu.memory_space<vmem>>, vector<1x1x16xf32>,
          %swap3A_321 = vector.shape_cast %swap3A_320 : vector<1x1x16xf32> to vector<16xf32>
          %swap3A_322 = vector.shape_cast %mul3A_315 : vector<16xf32> to vector<1x1x16xf32>
          tpu.vector_store %arg8[%swap3A_317, %swap3A_318, %swap3A_319], %swap3A_322 {strides = array<i32>} : memref<2x128x128xf32, #tpu.memory_space<vmem>>, vector<1x1x16xf32>,
          %get3A_323 = arith.constant 0 : i32
          %get3A_324 = arith.index_cast %get3A_323 : i32 to index
          %get3A_325 = arith.index_cast %add3A_277 : i32 to index
          %get3A_326 = arith.constant 48 : index
          %get3A_327 = tpu.vector_load %arg8[%get3A_324, %get3A_325, %get3A_326] {strides = array<i32>} : memref<2x128x128xf32, #tpu.memory_space<vmem>>, vector<1x1x16xf32>,
          %get3A_328 = vector.shape_cast %get3A_327 : vector<1x1x16xf32> to vector<16xf32>
          %mul3A_329 = arith.mulf %get3A_328, %broadcast_in_dim3A_280 : vector<16xf32>
          %swap3A_330 = arith.constant 0 : i32
          %swap3A_331 = arith.index_cast %swap3A_330 : i32 to index
          %swap3A_332 = arith.index_cast %add3A_277 : i32 to index
          %swap3A_333 = arith.constant 48 : index
          %swap3A_334 = tpu.vector_load %arg8[%swap3A_331, %swap3A_332, %swap3A_333] {strides = array<i32>} : memref<2x128x128xf32, #tpu.memory_space<vmem>>, vector<1x1x16xf32>,
          %swap3A_335 = vector.shape_cast %swap3A_334 : vector<1x1x16xf32> to vector<16xf32>
          %swap3A_336 = vector.shape_cast %mul3A_329 : vector<16xf32> to vector<1x1x16xf32>
          tpu.vector_store %arg8[%swap3A_331, %swap3A_332, %swap3A_333], %swap3A_336 {strides = array<i32>} : memref<2x128x128xf32, #tpu.memory_space<vmem>>, vector<1x1x16xf32>,
          %get3A_337 = arith.constant 0 : i32
          %get3A_338 = arith.index_cast %get3A_337 : i32 to index
          %get3A_339 = arith.index_cast %add3A_277 : i32 to index
          %get3A_340 = arith.constant 64 : index
          %get3A_341 = tpu.vector_load %arg8[%get3A_338, %get3A_339, %get3A_340] {strides = array<i32>} : memref<2x128x128xf32, #tpu.memory_space<vmem>>, vector<1x1x16xf32>,
          %get3A_342 = vector.shape_cast %get3A_341 : vector<1x1x16xf32> to vector<16xf32>
          %mul3A_343 = arith.mulf %get3A_342, %broadcast_in_dim3A_280 : vector<16xf32>
          %swap3A_344 = arith.constant 0 : i32
          %swap3A_345 = arith.index_cast %swap3A_344 : i32 to index
          %swap3A_346 = arith.index_cast %add3A_277 : i32 to index
          %swap3A_347 = arith.constant 64 : index
          %swap3A_348 = tpu.vector_load %arg8[%swap3A_345, %swap3A_346, %swap3A_347] {strides = array<i32>} : memref<2x128x128xf32, #tpu.memory_space<vmem>>, vector<1x1x16xf32>,
          %swap3A_349 = vector.shape_cast %swap3A_348 : vector<1x1x16xf32> to vector<16xf32>
          %swap3A_350 = vector.shape_cast %mul3A_343 : vector<16xf32> to vector<1x1x16xf32>
          tpu.vector_store %arg8[%swap3A_345, %swap3A_346, %swap3A_347], %swap3A_350 {strides = array<i32>} : memref<2x128x128xf32, #tpu.memory_space<vmem>>, vector<1x1x16xf32>,
          %get3A_351 = arith.constant 0 : i32
          %get3A_352 = arith.index_cast %get3A_351 : i32 to index
          %get3A_353 = arith.index_cast %add3A_277 : i32 to index
          %get3A_354 = arith.constant 80 : index
          %get3A_355 = tpu.vector_load %arg8[%get3A_352, %get3A_353, %get3A_354] {strides = array<i32>} : memref<2x128x128xf32, #tpu.memory_space<vmem>>, vector<1x1x16xf32>,
          %get3A_356 = vector.shape_cast %get3A_355 : vector<1x1x16xf32> to vector<16xf32>
          %mul3A_357 = arith.mulf %get3A_356, %broadcast_in_dim3A_280 : vector<16xf32>
          %swap3A_358 = arith.constant 0 : i32
          %swap3A_359 = arith.index_cast %swap3A_358 : i32 to index
          %swap3A_360 = arith.index_cast %add3A_277 : i32 to index
          %swap3A_361 = arith.constant 80 : index
          %swap3A_362 = tpu.vector_load %arg8[%swap3A_359, %swap3A_360, %swap3A_361] {strides = array<i32>} : memref<2x128x128xf32, #tpu.memory_space<vmem>>, vector<1x1x16xf32>,
          %swap3A_363 = vector.shape_cast %swap3A_362 : vector<1x1x16xf32> to vector<16xf32>
          %swap3A_364 = vector.shape_cast %mul3A_357 : vector<16xf32> to vector<1x1x16xf32>
          tpu.vector_store %arg8[%swap3A_359, %swap3A_360, %swap3A_361], %swap3A_364 {strides = array<i32>} : memref<2x128x128xf32, #tpu.memory_space<vmem>>, vector<1x1x16xf32>,
          %get3A_365 = arith.constant 0 : i32
          %get3A_366 = arith.index_cast %get3A_365 : i32 to index
          %get3A_367 = arith.index_cast %add3A_277 : i32 to index
          %get3A_368 = arith.constant 96 : index
          %get3A_369 = tpu.vector_load %arg8[%get3A_366, %get3A_367, %get3A_368] {strides = array<i32>} : memref<2x128x128xf32, #tpu.memory_space<vmem>>, vector<1x1x16xf32>,
          %get3A_370 = vector.shape_cast %get3A_369 : vector<1x1x16xf32> to vector<16xf32>
          %mul3A_371 = arith.mulf %get3A_370, %broadcast_in_dim3A_280 : vector<16xf32>
          %swap3A_372 = arith.constant 0 : i32
          %swap3A_373 = arith.index_cast %swap3A_372 : i32 to index
          %swap3A_374 = arith.index_cast %add3A_277 : i32 to index
          %swap3A_375 = arith.constant 96 : index
          %swap3A_376 = tpu.vector_load %arg8[%swap3A_373, %swap3A_374, %swap3A_375] {strides = array<i32>} : memref<2x128x128xf32, #tpu.memory_space<vmem>>, vector<1x1x16xf32>,
          %swap3A_377 = vector.shape_cast %swap3A_376 : vector<1x1x16xf32> to vector<16xf32>
          %swap3A_378 = vector.shape_cast %mul3A_371 : vector<16xf32> to vector<1x1x16xf32>
          tpu.vector_store %arg8[%swap3A_373, %swap3A_374, %swap3A_375], %swap3A_378 {strides = array<i32>} : memref<2x128x128xf32, #tpu.memory_space<vmem>>, vector<1x1x16xf32>,
          %get3A_379 = arith.constant 0 : i32
          %get3A_380 = arith.index_cast %get3A_379 : i32 to index
          %get3A_381 = arith.index_cast %add3A_277 : i32 to index
          %get3A_382 = arith.constant 112 : index
          %get3A_383 = tpu.vector_load %arg8[%get3A_380, %get3A_381, %get3A_382] {strides = array<i32>} : memref<2x128x128xf32, #tpu.memory_space<vmem>>, vector<1x1x16xf32>,
          %get3A_384 = vector.shape_cast %get3A_383 : vector<1x1x16xf32> to vector<16xf32>
          %mul3A_385 = arith.mulf %get3A_384, %broadcast_in_dim3A_280 : vector<16xf32>
          %swap3A_386 = arith.constant 0 : i32
          %swap3A_387 = arith.index_cast %swap3A_386 : i32 to index
          %swap3A_388 = arith.index_cast %add3A_277 : i32 to index
          %swap3A_389 = arith.constant 112 : index
          %swap3A_390 = tpu.vector_load %arg8[%swap3A_387, %swap3A_388, %swap3A_389] {strides = array<i32>} : memref<2x128x128xf32, #tpu.memory_space<vmem>>, vector<1x1x16xf32>,
          %swap3A_391 = vector.shape_cast %swap3A_390 : vector<1x1x16xf32> to vector<16xf32>
          %swap3A_392 = vector.shape_cast %mul3A_385 : vector<16xf32> to vector<1x1x16xf32>
          tpu.vector_store %arg8[%swap3A_387, %swap3A_388, %swap3A_389], %swap3A_392 {strides = array<i32>} : memref<2x128x128xf32, #tpu.memory_space<vmem>>, vector<1x1x16xf32>,
          %mul3A_393 = arith.constant 16 : i32
          %mul3A_394 = arith.muli %mul3A_393, %scan3A_151 : i32
          %add3A_395 = arith.constant 2 : i32
          %add3A_396 = arith.addi %mul3A_394, %add3A_395 : i32
          %slice3A_397 = vector.extract_strided_slice %get3A_157 {offsets = [2], sizes = [1], strides = [1]} : vector<16xf32> to vector<1xf32>
          %squeeze3A_398 = vector.extract %slice3A_397[0] : f32 from vector<1xf32>
          %broadcast_in_dim3A_399 = vector.broadcast %squeeze3A_398 : f32 to vector<16xf32>
          %get3A_400 = arith.constant 0 : i32
          %get3A_401 = arith.index_cast %get3A_400 : i32 to index
          %get3A_402 = arith.index_cast %add3A_396 : i32 to index
          %get3A_403 = arith.constant 0 : index
          %get3A_404 = tpu.vector_load %arg8[%get3A_401, %get3A_402, %get3A_403] {strides = array<i32>} : memref<2x128x128xf32, #tpu.memory_space<vmem>>, vector<1x1x16xf32>,
          %get3A_405 = vector.shape_cast %get3A_404 : vector<1x1x16xf32> to vector<16xf32>
          %mul3A_406 = arith.mulf %get3A_405, %broadcast_in_dim3A_399 : vector<16xf32>
          %swap3A_407 = arith.constant 0 : i32
          %swap3A_408 = arith.index_cast %swap3A_407 : i32 to index
          %swap3A_409 = arith.index_cast %add3A_396 : i32 to index
          %swap3A_410 = arith.constant 0 : index
          %swap3A_411 = tpu.vector_load %arg8[%swap3A_408, %swap3A_409, %swap3A_410] {strides = array<i32>} : memref<2x128x128xf32, #tpu.memory_space<vmem>>, vector<1x1x16xf32>,
          %swap3A_412 = vector.shape_cast %swap3A_411 : vector<1x1x16xf32> to vector<16xf32>
          %swap3A_413 = vector.shape_cast %mul3A_406 : vector<16xf32> to vector<1x1x16xf32>
          tpu.vector_store %arg8[%swap3A_408, %swap3A_409, %swap3A_410], %swap3A_413 {strides = array<i32>} : memref<2x128x128xf32, #tpu.memory_space<vmem>>, vector<1x1x16xf32>,
          %get3A_414 = arith.constant 0 : i32
          %get3A_415 = arith.index_cast %get3A_414 : i32 to index
          %get3A_416 = arith.index_cast %add3A_396 : i32 to index
          %get3A_417 = arith.constant 16 : index
          %get3A_418 = tpu.vector_load %arg8[%get3A_415, %get3A_416, %get3A_417] {strides = array<i32>} : memref<2x128x128xf32, #tpu.memory_space<vmem>>, vector<1x1x16xf32>,
          %get3A_419 = vector.shape_cast %get3A_418 : vector<1x1x16xf32> to vector<16xf32>
          %mul3A_420 = arith.mulf %get3A_419, %broadcast_in_dim3A_399 : vector<16xf32>
          %swap3A_421 = arith.constant 0 : i32
          %swap3A_422 = arith.index_cast %swap3A_421 : i32 to index
          %swap3A_423 = arith.index_cast %add3A_396 : i32 to index
          %swap3A_424 = arith.constant 16 : index
          %swap3A_425 = tpu.vector_load %arg8[%swap3A_422, %swap3A_423, %swap3A_424] {strides = array<i32>} : memref<2x128x128xf32, #tpu.memory_space<vmem>>, vector<1x1x16xf32>,
          %swap3A_426 = vector.shape_cast %swap3A_425 : vector<1x1x16xf32> to vector<16xf32>
          %swap3A_427 = vector.shape_cast %mul3A_420 : vector<16xf32> to vector<1x1x16xf32>
          tpu.vector_store %arg8[%swap3A_422, %swap3A_423, %swap3A_424], %swap3A_427 {strides = array<i32>} : memref<2x128x128xf32, #tpu.memory_space<vmem>>, vector<1x1x16xf32>,
          %get3A_428 = arith.constant 0 : i32
          %get3A_429 = arith.index_cast %get3A_428 : i32 to index
          %get3A_430 = arith.index_cast %add3A_396 : i32 to index
          %get3A_431 = arith.constant 32 : index
          %get3A_432 = tpu.vector_load %arg8[%get3A_429, %get3A_430, %get3A_431] {strides = array<i32>} : memref<2x128x128xf32, #tpu.memory_space<vmem>>, vector<1x1x16xf32>,
          %get3A_433 = vector.shape_cast %get3A_432 : vector<1x1x16xf32> to vector<16xf32>
          %mul3A_434 = arith.mulf %get3A_433, %broadcast_in_dim3A_399 : vector<16xf32>
          %swap3A_435 = arith.constant 0 : i32
          %swap3A_436 = arith.index_cast %swap3A_435 : i32 to index
          %swap3A_437 = arith.index_cast %add3A_396 : i32 to index
          %swap3A_438 = arith.constant 32 : index
          %swap3A_439 = tpu.vector_load %arg8[%swap3A_436, %swap3A_437, %swap3A_438] {strides = array<i32>} : memref<2x128x128xf32, #tpu.memory_space<vmem>>, vector<1x1x16xf32>,
          %swap3A_440 = vector.shape_cast %swap3A_439 : vector<1x1x16xf32> to vector<16xf32>
          %swap3A_441 = vector.shape_cast %mul3A_434 : vector<16xf32> to vector<1x1x16xf32>
          tpu.vector_store %arg8[%swap3A_436, %swap3A_437, %swap3A_438], %swap3A_441 {strides = array<i32>} : memref<2x128x128xf32, #tpu.memory_space<vmem>>, vector<1x1x16xf32>,
          %get3A_442 = arith.constant 0 : i32
          %get3A_443 = arith.index_cast %get3A_442 : i32 to index
          %get3A_444 = arith.index_cast %add3A_396 : i32 to index
          %get3A_445 = arith.constant 48 : index
          %get3A_446 = tpu.vector_load %arg8[%get3A_443, %get3A_444, %get3A_445] {strides = array<i32>} : memref<2x128x128xf32, #tpu.memory_space<vmem>>, vector<1x1x16xf32>,
          %get3A_447 = vector.shape_cast %get3A_446 : vector<1x1x16xf32> to vector<16xf32>
          %mul3A_448 = arith.mulf %get3A_447, %broadcast_in_dim3A_399 : vector<16xf32>
          %swap3A_449 = arith.constant 0 : i32
          %swap3A_450 = arith.index_cast %swap3A_449 : i32 to index
          %swap3A_451 = arith.index_cast %add3A_396 : i32 to index
          %swap3A_452 = arith.constant 48 : index
          %swap3A_453 = tpu.vector_load %arg8[%swap3A_450, %swap3A_451, %swap3A_452] {strides = array<i32>} : memref<2x128x128xf32, #tpu.memory_space<vmem>>, vector<1x1x16xf32>,
          %swap3A_454 = vector.shape_cast %swap3A_453 : vector<1x1x16xf32> to vector<16xf32>
          %swap3A_455 = vector.shape_cast %mul3A_448 : vector<16xf32> to vector<1x1x16xf32>
          tpu.vector_store %arg8[%swap3A_450, %swap3A_451, %swap3A_452], %swap3A_455 {strides = array<i32>} : memref<2x128x128xf32, #tpu.memory_space<vmem>>, vector<1x1x16xf32>,
          %get3A_456 = arith.constant 0 : i32
          %get3A_457 = arith.index_cast %get3A_456 : i32 to index
          %get3A_458 = arith.index_cast %add3A_396 : i32 to index
          %get3A_459 = arith.constant 64 : index
          %get3A_460 = tpu.vector_load %arg8[%get3A_457, %get3A_458, %get3A_459] {strides = array<i32>} : memref<2x128x128xf32, #tpu.memory_space<vmem>>, vector<1x1x16xf32>,
          %get3A_461 = vector.shape_cast %get3A_460 : vector<1x1x16xf32> to vector<16xf32>
          %mul3A_462 = arith.mulf %get3A_461, %broadcast_in_dim3A_399 : vector<16xf32>
          %swap3A_463 = arith.constant 0 : i32
          %swap3A_464 = arith.index_cast %swap3A_463 : i32 to index
          %swap3A_465 = arith.index_cast %add3A_396 : i32 to index
          %swap3A_466 = arith.constant 64 : index
          %swap3A_467 = tpu.vector_load %arg8[%swap3A_464, %swap3A_465, %swap3A_466] {strides = array<i32>} : memref<2x128x128xf32, #tpu.memory_space<vmem>>, vector<1x1x16xf32>,
          %swap3A_468 = vector.shape_cast %swap3A_467 : vector<1x1x16xf32> to vector<16xf32>
          %swap3A_469 = vector.shape_cast %mul3A_462 : vector<16xf32> to vector<1x1x16xf32>
          tpu.vector_store %arg8[%swap3A_464, %swap3A_465, %swap3A_466], %swap3A_469 {strides = array<i32>} : memref<2x128x128xf32, #tpu.memory_space<vmem>>, vector<1x1x16xf32>,
          %get3A_470 = arith.constant 0 : i32
          %get3A_471 = arith.index_cast %get3A_470 : i32 to index
          %get3A_472 = arith.index_cast %add3A_396 : i32 to index
          %get3A_473 = arith.constant 80 : index
          %get3A_474 = tpu.vector_load %arg8[%get3A_471, %get3A_472, %get3A_473] {strides = array<i32>} : memref<2x128x128xf32, #tpu.memory_space<vmem>>, vector<1x1x16xf32>,
          %get3A_475 = vector.shape_cast %get3A_474 : vector<1x1x16xf32> to vector<16xf32>
          %mul3A_476 = arith.mulf %get3A_475, %broadcast_in_dim3A_399 : vector<16xf32>
          %swap3A_477 = arith.constant 0 : i32
          %swap3A_478 = arith.index_cast %swap3A_477 : i32 to index
          %swap3A_479 = arith.index_cast %add3A_396 : i32 to index
          %swap3A_480 = arith.constant 80 : index
          %swap3A_481 = tpu.vector_load %arg8[%swap3A_478, %swap3A_479, %swap3A_480] {strides = array<i32>} : memref<2x128x128xf32, #tpu.memory_space<vmem>>, vector<1x1x16xf32>,
          %swap3A_482 = vector.shape_cast %swap3A_481 : vector<1x1x16xf32> to vector<16xf32>
          %swap3A_483 = vector.shape_cast %mul3A_476 : vector<16xf32> to vector<1x1x16xf32>
          tpu.vector_store %arg8[%swap3A_478, %swap3A_479, %swap3A_480], %swap3A_483 {strides = array<i32>} : memref<2x128x128xf32, #tpu.memory_space<vmem>>, vector<1x1x16xf32>,
          %get3A_484 = arith.constant 0 : i32
          %get3A_485 = arith.index_cast %get3A_484 : i32 to index
          %get3A_486 = arith.index_cast %add3A_396 : i32 to index
          %get3A_487 = arith.constant 96 : index
          %get3A_488 = tpu.vector_load %arg8[%get3A_485, %get3A_486, %get3A_487] {strides = array<i32>} : memref<2x128x128xf32, #tpu.memory_space<vmem>>, vector<1x1x16xf32>,
          %get3A_489 = vector.shape_cast %get3A_488 : vector<1x1x16xf32> to vector<16xf32>
          %mul3A_490 = arith.mulf %get3A_489, %broadcast_in_dim3A_399 : vector<16xf32>
          %swap3A_491 = arith.constant 0 : i32
          %swap3A_492 = arith.index_cast %swap3A_491 : i32 to index
          %swap3A_493 = arith.index_cast %add3A_396 : i32 to index
          %swap3A_494 = arith.constant 96 : index
          %swap3A_495 = tpu.vector_load %arg8[%swap3A_492, %swap3A_493, %swap3A_494] {strides = array<i32>} : memref<2x128x128xf32, #tpu.memory_space<vmem>>, vector<1x1x16xf32>,
          %swap3A_496 = vector.shape_cast %swap3A_495 : vector<1x1x16xf32> to vector<16xf32>
          %swap3A_497 = vector.shape_cast %mul3A_490 : vector<16xf32> to vector<1x1x16xf32>
          tpu.vector_store %arg8[%swap3A_492, %swap3A_493, %swap3A_494], %swap3A_497 {strides = array<i32>} : memref<2x128x128xf32, #tpu.memory_space<vmem>>, vector<1x1x16xf32>,
          %get3A_498 = arith.constant 0 : i32
          %get3A_499 = arith.index_cast %get3A_498 : i32 to index
          %get3A_500 = arith.index_cast %add3A_396 : i32 to index
          %get3A_501 = arith.constant 112 : index
          %get3A_502 = tpu.vector_load %arg8[%get3A_499, %get3A_500, %get3A_501] {strides = array<i32>} : memref<2x128x128xf32, #tpu.memory_space<vmem>>, vector<1x1x16xf32>,
          %get3A_503 = vector.shape_cast %get3A_502 : vector<1x1x16xf32> to vector<16xf32>
          %mul3A_504 = arith.mulf %get3A_503, %broadcast_in_dim3A_399 : vector<16xf32>
          %swap3A_505 = arith.constant 0 : i32
          %swap3A_506 = arith.index_cast %swap3A_505 : i32 to index
          %swap3A_507 = arith.index_cast %add3A_396 : i32 to index
          %swap3A_508 = arith.constant 112 : index
          %swap3A_509 = tpu.vector_load %arg8[%swap3A_506, %swap3A_507, %swap3A_508] {strides = array<i32>} : memref<2x128x128xf32, #tpu.memory_space<vmem>>, vector<1x1x16xf32>,
          %swap3A_510 = vector.shape_cast %swap3A_509 : vector<1x1x16xf32> to vector<16xf32>
          %swap3A_511 = vector.shape_cast %mul3A_504 : vector<16xf32> to vector<1x1x16xf32>
          tpu.vector_store %arg8[%swap3A_506, %swap3A_507, %swap3A_508], %swap3A_511 {strides = array<i32>} : memref<2x128x128xf32, #tpu.memory_space<vmem>>, vector<1x1x16xf32>,
          %mul3A_512 = arith.constant 16 : i32
          %mul3A_513 = arith.muli %mul3A_512, %scan3A_151 : i32
          %add3A_514 = arith.constant 3 : i32
          %add3A_515 = arith.addi %mul3A_513, %add3A_514 : i32
          %slice3A_516 = vector.extract_strided_slice %get3A_157 {offsets = [3], sizes = [1], strides = [1]} : vector<16xf32> to vector<1xf32>
          %squeeze3A_517 = vector.extract %slice3A_516[0] : f32 from vector<1xf32>
          %broadcast_in_dim3A_518 = vector.broadcast %squeeze3A_517 : f32 to vector<16xf32>
          %get3A_519 = arith.constant 0 : i32
          %get3A_520 = arith.index_cast %get3A_519 : i32 to index
          %get3A_521 = arith.index_cast %add3A_515 : i32 to index
          %get3A_522 = arith.constant 0 : index
          %get3A_523 = tpu.vector_load %arg8[%get3A_520, %get3A_521, %get3A_522] {strides = array<i32>} : memref<2x128x128xf32, #tpu.memory_space<vmem>>, vector<1x1x16xf32>,
          %get3A_524 = vector.shape_cast %get3A_523 : vector<1x1x16xf32> to vector<16xf32>
          %mul3A_525 = arith.mulf %get3A_524, %broadcast_in_dim3A_518 : vector<16xf32>
          %swap3A_526 = arith.constant 0 : i32
          %swap3A_527 = arith.index_cast %swap3A_526 : i32 to index
          %swap3A_528 = arith.index_cast %add3A_515 : i32 to index
          %swap3A_529 = arith.constant 0 : index
          %swap3A_530 = tpu.vector_load %arg8[%swap3A_527, %swap3A_528, %swap3A_529] {strides = array<i32>} : memref<2x128x128xf32, #tpu.memory_space<vmem>>, vector<1x1x16xf32>,
          %swap3A_531 = vector.shape_cast %swap3A_530 : vector<1x1x16xf32> to vector<16xf32>
          %swap3A_532 = vector.shape_cast %mul3A_525 : vector<16xf32> to vector<1x1x16xf32>
          tpu.vector_store %arg8[%swap3A_527, %swap3A_528, %swap3A_529], %swap3A_532 {strides = array<i32>} : memref<2x128x128xf32, #tpu.memory_space<vmem>>, vector<1x1x16xf32>,
          %get3A_533 = arith.constant 0 : i32
          %get3A_534 = arith.index_cast %get3A_533 : i32 to index
          %get3A_535 = arith.index_cast %add3A_515 : i32 to index
          %get3A_536 = arith.constant 16 : index
          %get3A_537 = tpu.vector_load %arg8[%get3A_534, %get3A_535, %get3A_536] {strides = array<i32>} : memref<2x128x128xf32, #tpu.memory_space<vmem>>, vector<1x1x16xf32>,
          %get3A_538 = vector.shape_cast %get3A_537 : vector<1x1x16xf32> to vector<16xf32>
          %mul3A_539 = arith.mulf %get3A_538, %broadcast_in_dim3A_518 : vector<16xf32>
          %swap3A_540 = arith.constant 0 : i32
          %swap3A_541 = arith.index_cast %swap3A_540 : i32 to index
          %swap3A_542 = arith.index_cast %add3A_515 : i32 to index
          %swap3A_543 = arith.constant 16 : index
          %swap3A_544 = tpu.vector_load %arg8[%swap3A_541, %swap3A_542, %swap3A_543] {strides = array<i32>} : memref<2x128x128xf32, #tpu.memory_space<vmem>>, vector<1x1x16xf32>,
          %swap3A_545 = vector.shape_cast %swap3A_544 : vector<1x1x16xf32> to vector<16xf32>
          %swap3A_546 = vector.shape_cast %mul3A_539 : vector<16xf32> to vector<1x1x16xf32>
          tpu.vector_store %arg8[%swap3A_541, %swap3A_542, %swap3A_543], %swap3A_546 {strides = array<i32>} : memref<2x128x128xf32, #tpu.memory_space<vmem>>, vector<1x1x16xf32>,
          %get3A_547 = arith.constant 0 : i32
          %get3A_548 = arith.index_cast %get3A_547 : i32 to index
          %get3A_549 = arith.index_cast %add3A_515 : i32 to index
          %get3A_550 = arith.constant 32 : index
          %get3A_551 = tpu.vector_load %arg8[%get3A_548, %get3A_549, %get3A_550] {strides = array<i32>} : memref<2x128x128xf32, #tpu.memory_space<vmem>>, vector<1x1x16xf32>,
          %get3A_552 = vector.shape_cast %get3A_551 : vector<1x1x16xf32> to vector<16xf32>
          %mul3A_553 = arith.mulf %get3A_552, %broadcast_in_dim3A_518 : vector<16xf32>
          %swap3A_554 = arith.constant 0 : i32
          %swap3A_555 = arith.index_cast %swap3A_554 : i32 to index
          %swap3A_556 = arith.index_cast %add3A_515 : i32 to index
          %swap3A_557 = arith.constant 32 : index
          %swap3A_558 = tpu.vector_load %arg8[%swap3A_555, %swap3A_556, %swap3A_557] {strides = array<i32>} : memref<2x128x128xf32, #tpu.memory_space<vmem>>, vector<1x1x16xf32>,
          %swap3A_559 = vector.shape_cast %swap3A_558 : vector<1x1x16xf32> to vector<16xf32>
          %swap3A_560 = vector.shape_cast %mul3A_553 : vector<16xf32> to vector<1x1x16xf32>
          tpu.vector_store %arg8[%swap3A_555, %swap3A_556, %swap3A_557], %swap3A_560 {strides = array<i32>} : memref<2x128x128xf32, #tpu.memory_space<vmem>>, vector<1x1x16xf32>,
          %get3A_561 = arith.constant 0 : i32
          %get3A_562 = arith.index_cast %get3A_561 : i32 to index
          %get3A_563 = arith.index_cast %add3A_515 : i32 to index
          %get3A_564 = arith.constant 48 : index
          %get3A_565 = tpu.vector_load %arg8[%get3A_562, %get3A_563, %get3A_564] {strides = array<i32>} : memref<2x128x128xf32, #tpu.memory_space<vmem>>, vector<1x1x16xf32>,
          %get3A_566 = vector.shape_cast %get3A_565 : vector<1x1x16xf32> to vector<16xf32>
          %mul3A_567 = arith.mulf %get3A_566, %broadcast_in_dim3A_518 : vector<16xf32>
          %swap3A_568 = arith.constant 0 : i32
          %swap3A_569 = arith.index_cast %swap3A_568 : i32 to index
          %swap3A_570 = arith.index_cast %add3A_515 : i32 to index
          %swap3A_571 = arith.constant 48 : index
          %swap3A_572 = tpu.vector_load %arg8[%swap3A_569, %swap3A_570, %swap3A_571] {strides = array<i32>} : memref<2x128x128xf32, #tpu.memory_space<vmem>>, vector<1x1x16xf32>,
          %swap3A_573 = vector.shape_cast %swap3A_572 : vector<1x1x16xf32> to vector<16xf32>
          %swap3A_574 = vector.shape_cast %mul3A_567 : vector<16xf32> to vector<1x1x16xf32>
          tpu.vector_store %arg8[%swap3A_569, %swap3A_570, %swap3A_571], %swap3A_574 {strides = array<i32>} : memref<2x128x128xf32, #tpu.memory_space<vmem>>, vector<1x1x16xf32>,
          %get3A_575 = arith.constant 0 : i32
          %get3A_576 = arith.index_cast %get3A_575 : i32 to index
          %get3A_577 = arith.index_cast %add3A_515 : i32 to index
          %get3A_578 = arith.constant 64 : index
          %get3A_579 = tpu.vector_load %arg8[%get3A_576, %get3A_577, %get3A_578] {strides = array<i32>} : memref<2x128x128xf32, #tpu.memory_space<vmem>>, vector<1x1x16xf32>,
          %get3A_580 = vector.shape_cast %get3A_579 : vector<1x1x16xf32> to vector<16xf32>
          %mul3A_581 = arith.mulf %get3A_580, %broadcast_in_dim3A_518 : vector<16xf32>
          %swap3A_582 = arith.constant 0 : i32
          %swap3A_583 = arith.index_cast %swap3A_582 : i32 to index
          %swap3A_584 = arith.index_cast %add3A_515 : i32 to index
          %swap3A_585 = arith.constant 64 : index
          %swap3A_586 = tpu.vector_load %arg8[%swap3A_583, %swap3A_584, %swap3A_585] {strides = array<i32>} : memref<2x128x128xf32, #tpu.memory_space<vmem>>, vector<1x1x16xf32>,
          %swap3A_587 = vector.shape_cast %swap3A_586 : vector<1x1x16xf32> to vector<16xf32>
          %swap3A_588 = vector.shape_cast %mul3A_581 : vector<16xf32> to vector<1x1x16xf32>
          tpu.vector_store %arg8[%swap3A_583, %swap3A_584, %swap3A_585], %swap3A_588 {strides = array<i32>} : memref<2x128x128xf32, #tpu.memory_space<vmem>>, vector<1x1x16xf32>,
          %get3A_589 = arith.constant 0 : i32
          %get3A_590 = arith.index_cast %get3A_589 : i32 to index
          %get3A_591 = arith.index_cast %add3A_515 : i32 to index
          %get3A_592 = arith.constant 80 : index
          %get3A_593 = tpu.vector_load %arg8[%get3A_590, %get3A_591, %get3A_592] {strides = array<i32>} : memref<2x128x128xf32, #tpu.memory_space<vmem>>, vector<1x1x16xf32>,
          %get3A_594 = vector.shape_cast %get3A_593 : vector<1x1x16xf32> to vector<16xf32>
          %mul3A_595 = arith.mulf %get3A_594, %broadcast_in_dim3A_518 : vector<16xf32>
          %swap3A_596 = arith.constant 0 : i32
          %swap3A_597 = arith.index_cast %swap3A_596 : i32 to index
          %swap3A_598 = arith.index_cast %add3A_515 : i32 to index
          %swap3A_599 = arith.constant 80 : index
          %swap3A_600 = tpu.vector_load %arg8[%swap3A_597, %swap3A_598, %swap3A_599] {strides = array<i32>} : memref<2x128x128xf32, #tpu.memory_space<vmem>>, vector<1x1x16xf32>,
          %swap3A_601 = vector.shape_cast %swap3A_600 : vector<1x1x16xf32> to vector<16xf32>
          %swap3A_602 = vector.shape_cast %mul3A_595 : vector<16xf32> to vector<1x1x16xf32>
          tpu.vector_store %arg8[%swap3A_597, %swap3A_598, %swap3A_599], %swap3A_602 {strides = array<i32>} : memref<2x128x128xf32, #tpu.memory_space<vmem>>, vector<1x1x16xf32>,
          %get3A_603 = arith.constant 0 : i32
          %get3A_604 = arith.index_cast %get3A_603 : i32 to index
          %get3A_605 = arith.index_cast %add3A_515 : i32 to index
          %get3A_606 = arith.constant 96 : index
          %get3A_607 = tpu.vector_load %arg8[%get3A_604, %get3A_605, %get3A_606] {strides = array<i32>} : memref<2x128x128xf32, #tpu.memory_space<vmem>>, vector<1x1x16xf32>,
          %get3A_608 = vector.shape_cast %get3A_607 : vector<1x1x16xf32> to vector<16xf32>
          %mul3A_609 = arith.mulf %get3A_608, %broadcast_in_dim3A_518 : vector<16xf32>
          %swap3A_610 = arith.constant 0 : i32
          %swap3A_611 = arith.index_cast %swap3A_610 : i32 to index
          %swap3A_612 = arith.index_cast %add3A_515 : i32 to index
          %swap3A_613 = arith.constant 96 : index
          %swap3A_614 = tpu.vector_load %arg8[%swap3A_611, %swap3A_612, %swap3A_613] {strides = array<i32>} : memref<2x128x128xf32, #tpu.memory_space<vmem>>, vector<1x1x16xf32>,
          %swap3A_615 = vector.shape_cast %swap3A_614 : vector<1x1x16xf32> to vector<16xf32>
          %swap3A_616 = vector.shape_cast %mul3A_609 : vector<16xf32> to vector<1x1x16xf32>
          tpu.vector_store %arg8[%swap3A_611, %swap3A_612, %swap3A_613], %swap3A_616 {strides = array<i32>} : memref<2x128x128xf32, #tpu.memory_space<vmem>>, vector<1x1x16xf32>,
          %get3A_617 = arith.constant 0 : i32
          %get3A_618 = arith.index_cast %get3A_617 : i32 to index
          %get3A_619 = arith.index_cast %add3A_515 : i32 to index
          %get3A_620 = arith.constant 112 : index
          %get3A_621 = tpu.vector_load %arg8[%get3A_618, %get3A_619, %get3A_620] {strides = array<i32>} : memref<2x128x128xf32, #tpu.memory_space<vmem>>, vector<1x1x16xf32>,
          %get3A_622 = vector.shape_cast %get3A_621 : vector<1x1x16xf32> to vector<16xf32>
          %mul3A_623 = arith.mulf %get3A_622, %broadcast_in_dim3A_518 : vector<16xf32>
          %swap3A_624 = arith.constant 0 : i32
          %swap3A_625 = arith.index_cast %swap3A_624 : i32 to index
          %swap3A_626 = arith.index_cast %add3A_515 : i32 to index
          %swap3A_627 = arith.constant 112 : index
          %swap3A_628 = tpu.vector_load %arg8[%swap3A_625, %swap3A_626, %swap3A_627] {strides = array<i32>} : memref<2x128x128xf32, #tpu.memory_space<vmem>>, vector<1x1x16xf32>,
          %swap3A_629 = vector.shape_cast %swap3A_628 : vector<1x1x16xf32> to vector<16xf32>
          %swap3A_630 = vector.shape_cast %mul3A_623 : vector<16xf32> to vector<1x1x16xf32>
          tpu.vector_store %arg8[%swap3A_625, %swap3A_626, %swap3A_627], %swap3A_630 {strides = array<i32>} : memref<2x128x128xf32, #tpu.memory_space<vmem>>, vector<1x1x16xf32>,
          %mul3A_631 = arith.constant 16 : i32
          %mul3A_632 = arith.muli %mul3A_631, %scan3A_151 : i32
          %add3A_633 = arith.constant 4 : i32
          %add3A_634 = arith.addi %mul3A_632, %add3A_633 : i32
          %slice3A_635 = vector.extract_strided_slice %get3A_157 {offsets = [4], sizes = [1], strides = [1]} : vector<16xf32> to vector<1xf32>
          %squeeze3A_636 = vector.extract %slice3A_635[0] : f32 from vector<1xf32>
          %broadcast_in_dim3A_637 = vector.broadcast %squeeze3A_636 : f32 to vector<16xf32>
          %get3A_638 = arith.constant 0 : i32
          %get3A_639 = arith.index_cast %get3A_638 : i32 to index
          %get3A_640 = arith.index_cast %add3A_634 : i32 to index
          %get3A_641 = arith.constant 0 : index
          %get3A_642 = tpu.vector_load %arg8[%get3A_639, %get3A_640, %get3A_641] {strides = array<i32>} : memref<2x128x128xf32, #tpu.memory_space<vmem>>, vector<1x1x16xf32>,
          %get3A_643 = vector.shape_cast %get3A_642 : vector<1x1x16xf32> to vector<16xf32>
          %mul3A_644 = arith.mulf %get3A_643, %broadcast_in_dim3A_637 : vector<16xf32>
          %swap3A_645 = arith.constant 0 : i32
          %swap3A_646 = arith.index_cast %swap3A_645 : i32 to index
          %swap3A_647 = arith.index_cast %add3A_634 : i32 to index
          %swap3A_648 = arith.constant 0 : index
          %swap3A_649 = tpu.vector_load %arg8[%swap3A_646, %swap3A_647, %swap3A_648] {strides = array<i32>} : memref<2x128x128xf32, #tpu.memory_space<vmem>>, vector<1x1x16xf32>,
          %swap3A_650 = vector.shape_cast %swap3A_649 : vector<1x1x16xf32> to vector<16xf32>
          %swap3A_651 = vector.shape_cast %mul3A_644 : vector<16xf32> to vector<1x1x16xf32>
          tpu.vector_store %arg8[%swap3A_646, %swap3A_647, %swap3A_648], %swap3A_651 {strides = array<i32>} : memref<2x128x128xf32, #tpu.memory_space<vmem>>, vector<1x1x16xf32>,
          %get3A_652 = arith.constant 0 : i32
          %get3A_653 = arith.index_cast %get3A_652 : i32 to index
          %get3A_654 = arith.index_cast %add3A_634 : i32 to index
          %get3A_655 = arith.constant 16 : index
          %get3A_656 = tpu.vector_load %arg8[%get3A_653, %get3A_654, %get3A_655] {strides = array<i32>} : memref<2x128x128xf32, #tpu.memory_space<vmem>>, vector<1x1x16xf32>,
          %get3A_657 = vector.shape_cast %get3A_656 : vector<1x1x16xf32> to vector<16xf32>
          %mul3A_658 = arith.mulf %get3A_657, %broadcast_in_dim3A_637 : vector<16xf32>
          %swap3A_659 = arith.constant 0 : i32
          %swap3A_660 = arith.index_cast %swap3A_659 : i32 to index
          %swap3A_661 = arith.index_cast %add3A_634 : i32 to index
          %swap3A_662 = arith.constant 16 : index
          %swap3A_663 = tpu.vector_load %arg8[%swap3A_660, %swap3A_661, %swap3A_662] {strides = array<i32>} : memref<2x128x128xf32, #tpu.memory_space<vmem>>, vector<1x1x16xf32>,
          %swap3A_664 = vector.shape_cast %swap3A_663 : vector<1x1x16xf32> to vector<16xf32>
          %swap3A_665 = vector.shape_cast %mul3A_658 : vector<16xf32> to vector<1x1x16xf32>
          tpu.vector_store %arg8[%swap3A_660, %swap3A_661, %swap3A_662], %swap3A_665 {strides = array<i32>} : memref<2x128x128xf32, #tpu.memory_space<vmem>>, vector<1x1x16xf32>,
          %get3A_666 = arith.constant 0 : i32
          %get3A_667 = arith.index_cast %get3A_666 : i32 to index
          %get3A_668 = arith.index_cast %add3A_634 : i32 to index
          %get3A_669 = arith.constant 32 : index
          %get3A_670 = tpu.vector_load %arg8[%get3A_667, %get3A_668, %get3A_669] {strides = array<i32>} : memref<2x128x128xf32, #tpu.memory_space<vmem>>, vector<1x1x16xf32>,
          %get3A_671 = vector.shape_cast %get3A_670 : vector<1x1x16xf32> to vector<16xf32>
          %mul3A_672 = arith.mulf %get3A_671, %broadcast_in_dim3A_637 : vector<16xf32>
          %swap3A_673 = arith.constant 0 : i32
          %swap3A_674 = arith.index_cast %swap3A_673 : i32 to index
          %swap3A_675 = arith.index_cast %add3A_634 : i32 to index
          %swap3A_676 = arith.constant 32 : index
          %swap3A_677 = tpu.vector_load %arg8[%swap3A_674, %swap3A_675, %swap3A_676] {strides = array<i32>} : memref<2x128x128xf32, #tpu.memory_space<vmem>>, vector<1x1x16xf32>,
          %swap3A_678 = vector.shape_cast %swap3A_677 : vector<1x1x16xf32> to vector<16xf32>
          %swap3A_679 = vector.shape_cast %mul3A_672 : vector<16xf32> to vector<1x1x16xf32>
          tpu.vector_store %arg8[%swap3A_674, %swap3A_675, %swap3A_676], %swap3A_679 {strides = array<i32>} : memref<2x128x128xf32, #tpu.memory_space<vmem>>, vector<1x1x16xf32>,
          %get3A_680 = arith.constant 0 : i32
          %get3A_681 = arith.index_cast %get3A_680 : i32 to index
          %get3A_682 = arith.index_cast %add3A_634 : i32 to index
          %get3A_683 = arith.constant 48 : index
          %get3A_684 = tpu.vector_load %arg8[%get3A_681, %get3A_682, %get3A_683] {strides = array<i32>} : memref<2x128x128xf32, #tpu.memory_space<vmem>>, vector<1x1x16xf32>,
          %get3A_685 = vector.shape_cast %get3A_684 : vector<1x1x16xf32> to vector<16xf32>
          %mul3A_686 = arith.mulf %get3A_685, %broadcast_in_dim3A_637 : vector<16xf32>
          %swap3A_687 = arith.constant 0 : i32
          %swap3A_688 = arith.index_cast %swap3A_687 : i32 to index
          %swap3A_689 = arith.index_cast %add3A_634 : i32 to index
          %swap3A_690 = arith.constant 48 : index
          %swap3A_691 = tpu.vector_load %arg8[%swap3A_688, %swap3A_689, %swap3A_690] {strides = array<i32>} : memref<2x128x128xf32, #tpu.memory_space<vmem>>, vector<1x1x16xf32>,
          %swap3A_692 = vector.shape_cast %swap3A_691 : vector<1x1x16xf32> to vector<16xf32>
          %swap3A_693 = vector.shape_cast %mul3A_686 : vector<16xf32> to vector<1x1x16xf32>
          tpu.vector_store %arg8[%swap3A_688, %swap3A_689, %swap3A_690], %swap3A_693 {strides = array<i32>} : memref<2x128x128xf32, #tpu.memory_space<vmem>>, vector<1x1x16xf32>,
          %get3A_694 = arith.constant 0 : i32
          %get3A_695 = arith.index_cast %get3A_694 : i32 to index
          %get3A_696 = arith.index_cast %add3A_634 : i32 to index
          %get3A_697 = arith.constant 64 : index
          %get3A_698 = tpu.vector_load %arg8[%get3A_695, %get3A_696, %get3A_697] {strides = array<i32>} : memref<2x128x128xf32, #tpu.memory_space<vmem>>, vector<1x1x16xf32>,
          %get3A_699 = vector.shape_cast %get3A_698 : vector<1x1x16xf32> to vector<16xf32>
          %mul3A_700 = arith.mulf %get3A_699, %broadcast_in_dim3A_637 : vector<16xf32>
          %swap3A_701 = arith.constant 0 : i32
          %swap3A_702 = arith.index_cast %swap3A_701 : i32 to index
          %swap3A_703 = arith.index_cast %add3A_634 : i32 to index
          %swap3A_704 = arith.constant 64 : index
          %swap3A_705 = tpu.vector_load %arg8[%swap3A_702, %swap3A_703, %swap3A_704] {strides = array<i32>} : memref<2x128x128xf32, #tpu.memory_space<vmem>>, vector<1x1x16xf32>,
          %swap3A_706 = vector.shape_cast %swap3A_705 : vector<1x1x16xf32> to vector<16xf32>
          %swap3A_707 = vector.shape_cast %mul3A_700 : vector<16xf32> to vector<1x1x16xf32>
          tpu.vector_store %arg8[%swap3A_702, %swap3A_703, %swap3A_704], %swap3A_707 {strides = array<i32>} : memref<2x128x128xf32, #tpu.memory_space<vmem>>, vector<1x1x16xf32>,
          %get3A_708 = arith.constant 0 : i32
          %get3A_709 = arith.index_cast %get3A_708 : i32 to index
          %get3A_710 = arith.index_cast %add3A_634 : i32 to index
          %get3A_711 = arith.constant 80 : index
          %get3A_712 = tpu.vector_load %arg8[%get3A_709, %get3A_710, %get3A_711] {strides = array<i32>} : memref<2x128x128xf32, #tpu.memory_space<vmem>>, vector<1x1x16xf32>,
          %get3A_713 = vector.shape_cast %get3A_712 : vector<1x1x16xf32> to vector<16xf32>
          %mul3A_714 = arith.mulf %get3A_713, %broadcast_in_dim3A_637 : vector<16xf32>
          %swap3A_715 = arith.constant 0 : i32
          %swap3A_716 = arith.index_cast %swap3A_715 : i32 to index
          %swap3A_717 = arith.index_cast %add3A_634 : i32 to index
          %swap3A_718 = arith.constant 80 : index
          %swap3A_719 = tpu.vector_load %arg8[%swap3A_716, %swap3A_717, %swap3A_718] {strides = array<i32>} : memref<2x128x128xf32, #tpu.memory_space<vmem>>, vector<1x1x16xf32>,
          %swap3A_720 = vector.shape_cast %swap3A_719 : vector<1x1x16xf32> to vector<16xf32>
          %swap3A_721 = vector.shape_cast %mul3A_714 : vector<16xf32> to vector<1x1x16xf32>
          tpu.vector_store %arg8[%swap3A_716, %swap3A_717, %swap3A_718], %swap3A_721 {strides = array<i32>} : memref<2x128x128xf32, #tpu.memory_space<vmem>>, vector<1x1x16xf32>,
          %get3A_722 = arith.constant 0 : i32
          %get3A_723 = arith.index_cast %get3A_722 : i32 to index
          %get3A_724 = arith.index_cast %add3A_634 : i32 to index
          %get3A_725 = arith.constant 96 : index
          %get3A_726 = tpu.vector_load %arg8[%get3A_723, %get3A_724, %get3A_725] {strides = array<i32>} : memref<2x128x128xf32, #tpu.memory_space<vmem>>, vector<1x1x16xf32>,
          %get3A_727 = vector.shape_cast %get3A_726 : vector<1x1x16xf32> to vector<16xf32>
          %mul3A_728 = arith.mulf %get3A_727, %broadcast_in_dim3A_637 : vector<16xf32>
          %swap3A_729 = arith.constant 0 : i32
          %swap3A_730 = arith.index_cast %swap3A_729 : i32 to index
          %swap3A_731 = arith.index_cast %add3A_634 : i32 to index
          %swap3A_732 = arith.constant 96 : index
          %swap3A_733 = tpu.vector_load %arg8[%swap3A_730, %swap3A_731, %swap3A_732] {strides = array<i32>} : memref<2x128x128xf32, #tpu.memory_space<vmem>>, vector<1x1x16xf32>,
          %swap3A_734 = vector.shape_cast %swap3A_733 : vector<1x1x16xf32> to vector<16xf32>
          %swap3A_735 = vector.shape_cast %mul3A_728 : vector<16xf32> to vector<1x1x16xf32>
          tpu.vector_store %arg8[%swap3A_730, %swap3A_731, %swap3A_732], %swap3A_735 {strides = array<i32>} : memref<2x128x128xf32, #tpu.memory_space<vmem>>, vector<1x1x16xf32>,
          %get3A_736 = arith.constant 0 : i32
          %get3A_737 = arith.index_cast %get3A_736 : i32 to index
          %get3A_738 = arith.index_cast %add3A_634 : i32 to index
          %get3A_739 = arith.constant 112 : index
          %get3A_740 = tpu.vector_load %arg8[%get3A_737, %get3A_738, %get3A_739] {strides = array<i32>} : memref<2x128x128xf32, #tpu.memory_space<vmem>>, vector<1x1x16xf32>,
          %get3A_741 = vector.shape_cast %get3A_740 : vector<1x1x16xf32> to vector<16xf32>
          %mul3A_742 = arith.mulf %get3A_741, %broadcast_in_dim3A_637 : vector<16xf32>
          %swap3A_743 = arith.constant 0 : i32
          %swap3A_744 = arith.index_cast %swap3A_743 : i32 to index
          %swap3A_745 = arith.index_cast %add3A_634 : i32 to index
          %swap3A_746 = arith.constant 112 : index
          %swap3A_747 = tpu.vector_load %arg8[%swap3A_744, %swap3A_745, %swap3A_746] {strides = array<i32>} : memref<2x128x128xf32, #tpu.memory_space<vmem>>, vector<1x1x16xf32>,
          %swap3A_748 = vector.shape_cast %swap3A_747 : vector<1x1x16xf32> to vector<16xf32>
          %swap3A_749 = vector.shape_cast %mul3A_742 : vector<16xf32> to vector<1x1x16xf32>
          tpu.vector_store %arg8[%swap3A_744, %swap3A_745, %swap3A_746], %swap3A_749 {strides = array<i32>} : memref<2x128x128xf32, #tpu.memory_space<vmem>>, vector<1x1x16xf32>,
          %mul3A_750 = arith.constant 16 : i32
          %mul3A_751 = arith.muli %mul3A_750, %scan3A_151 : i32
          %add3A_752 = arith.constant 5 : i32
          %add3A_753 = arith.addi %mul3A_751, %add3A_752 : i32
          %slice3A_754 = vector.extract_strided_slice %get3A_157 {offsets = [5], sizes = [1], strides = [1]} : vector<16xf32> to vector<1xf32>
          %squeeze3A_755 = vector.extract %slice3A_754[0] : f32 from vector<1xf32>
          %broadcast_in_dim3A_756 = vector.broadcast %squeeze3A_755 : f32 to vector<16xf32>
          %get3A_757 = arith.constant 0 : i32
          %get3A_758 = arith.index_cast %get3A_757 : i32 to index
          %get3A_759 = arith.index_cast %add3A_753 : i32 to index
          %get3A_760 = arith.constant 0 : index
          %get3A_761 = tpu.vector_load %arg8[%get3A_758, %get3A_759, %get3A_760] {strides = array<i32>} : memref<2x128x128xf32, #tpu.memory_space<vmem>>, vector<1x1x16xf32>,
          %get3A_762 = vector.shape_cast %get3A_761 : vector<1x1x16xf32> to vector<16xf32>
          %mul3A_763 = arith.mulf %get3A_762, %broadcast_in_dim3A_756 : vector<16xf32>
          %swap3A_764 = arith.constant 0 : i32
          %swap3A_765 = arith.index_cast %swap3A_764 : i32 to index
          %swap3A_766 = arith.index_cast %add3A_753 : i32 to index
          %swap3A_767 = arith.constant 0 : index
          %swap3A_768 = tpu.vector_load %arg8[%swap3A_765, %swap3A_766, %swap3A_767] {strides = array<i32>} : memref<2x128x128xf32, #tpu.memory_space<vmem>>, vector<1x1x16xf32>,
          %swap3A_769 = vector.shape_cast %swap3A_768 : vector<1x1x16xf32> to vector<16xf32>
          %swap3A_770 = vector.shape_cast %mul3A_763 : vector<16xf32> to vector<1x1x16xf32>
          tpu.vector_store %arg8[%swap3A_765, %swap3A_766, %swap3A_767], %swap3A_770 {strides = array<i32>} : memref<2x128x128xf32, #tpu.memory_space<vmem>>, vector<1x1x16xf32>,
          %get3A_771 = arith.constant 0 : i32
          %get3A_772 = arith.index_cast %get3A_771 : i32 to index
          %get3A_773 = arith.index_cast %add3A_753 : i32 to index
          %get3A_774 = arith.constant 16 : index
          %get3A_775 = tpu.vector_load %arg8[%get3A_772, %get3A_773, %get3A_774] {strides = array<i32>} : memref<2x128x128xf32, #tpu.memory_space<vmem>>, vector<1x1x16xf32>,
          %get3A_776 = vector.shape_cast %get3A_775 : vector<1x1x16xf32> to vector<16xf32>
          %mul3A_777 = arith.mulf %get3A_776, %broadcast_in_dim3A_756 : vector<16xf32>
          %swap3A_778 = arith.constant 0 : i32
          %swap3A_779 = arith.index_cast %swap3A_778 : i32 to index
          %swap3A_780 = arith.index_cast %add3A_753 : i32 to index
          %swap3A_781 = arith.constant 16 : index
          %swap3A_782 = tpu.vector_load %arg8[%swap3A_779, %swap3A_780, %swap3A_781] {strides = array<i32>} : memref<2x128x128xf32, #tpu.memory_space<vmem>>, vector<1x1x16xf32>,
          %swap3A_783 = vector.shape_cast %swap3A_782 : vector<1x1x16xf32> to vector<16xf32>
          %swap3A_784 = vector.shape_cast %mul3A_777 : vector<16xf32> to vector<1x1x16xf32>
          tpu.vector_store %arg8[%swap3A_779, %swap3A_780, %swap3A_781], %swap3A_784 {strides = array<i32>} : memref<2x128x128xf32, #tpu.memory_space<vmem>>, vector<1x1x16xf32>,
          %get3A_785 = arith.constant 0 : i32
          %get3A_786 = arith.index_cast %get3A_785 : i32 to index
          %get3A_787 = arith.index_cast %add3A_753 : i32 to index
          %get3A_788 = arith.constant 32 : index
          %get3A_789 = tpu.vector_load %arg8[%get3A_786, %get3A_787, %get3A_788] {strides = array<i32>} : memref<2x128x128xf32, #tpu.memory_space<vmem>>, vector<1x1x16xf32>,
          %get3A_790 = vector.shape_cast %get3A_789 : vector<1x1x16xf32> to vector<16xf32>
          %mul3A_791 = arith.mulf %get3A_790, %broadcast_in_dim3A_756 : vector<16xf32>
          %swap3A_792 = arith.constant 0 : i32
          %swap3A_793 = arith.index_cast %swap3A_792 : i32 to index
          %swap3A_794 = arith.index_cast %add3A_753 : i32 to index
          %swap3A_795 = arith.constant 32 : index
          %swap3A_796 = tpu.vector_load %arg8[%swap3A_793, %swap3A_794, %swap3A_795] {strides = array<i32>} : memref<2x128x128xf32, #tpu.memory_space<vmem>>, vector<1x1x16xf32>,
          %swap3A_797 = vector.shape_cast %swap3A_796 : vector<1x1x16xf32> to vector<16xf32>
          %swap3A_798 = vector.shape_cast %mul3A_791 : vector<16xf32> to vector<1x1x16xf32>
          tpu.vector_store %arg8[%swap3A_793, %swap3A_794, %swap3A_795], %swap3A_798 {strides = array<i32>} : memref<2x128x128xf32, #tpu.memory_space<vmem>>, vector<1x1x16xf32>,
          %get3A_799 = arith.constant 0 : i32
          %get3A_800 = arith.index_cast %get3A_799 : i32 to index
          %get3A_801 = arith.index_cast %add3A_753 : i32 to index
          %get3A_802 = arith.constant 48 : index
          %get3A_803 = tpu.vector_load %arg8[%get3A_800, %get3A_801, %get3A_802] {strides = array<i32>} : memref<2x128x128xf32, #tpu.memory_space<vmem>>, vector<1x1x16xf32>,
          %get3A_804 = vector.shape_cast %get3A_803 : vector<1x1x16xf32> to vector<16xf32>
          %mul3A_805 = arith.mulf %get3A_804, %broadcast_in_dim3A_756 : vector<16xf32>
          %swap3A_806 = arith.constant 0 : i32
          %swap3A_807 = arith.index_cast %swap3A_806 : i32 to index
          %swap3A_808 = arith.index_cast %add3A_753 : i32 to index
          %swap3A_809 = arith.constant 48 : index
          %swap3A_810 = tpu.vector_load %arg8[%swap3A_807, %swap3A_808, %swap3A_809] {strides = array<i32>} : memref<2x128x128xf32, #tpu.memory_space<vmem>>, vector<1x1x16xf32>,
          %swap3A_811 = vector.shape_cast %swap3A_810 : vector<1x1x16xf32> to vector<16xf32>
          %swap3A_812 = vector.shape_cast %mul3A_805 : vector<16xf32> to vector<1x1x16xf32>
          tpu.vector_store %arg8[%swap3A_807, %swap3A_808, %swap3A_809], %swap3A_812 {strides = array<i32>} : memref<2x128x128xf32, #tpu.memory_space<vmem>>, vector<1x1x16xf32>,
          %get3A_813 = arith.constant 0 : i32
          %get3A_814 = arith.index_cast %get3A_813 : i32 to index
          %get3A_815 = arith.index_cast %add3A_753 : i32 to index
          %get3A_816 = arith.constant 64 : index
          %get3A_817 = tpu.vector_load %arg8[%get3A_814, %get3A_815, %get3A_816] {strides = array<i32>} : memref<2x128x128xf32, #tpu.memory_space<vmem>>, vector<1x1x16xf32>,
          %get3A_818 = vector.shape_cast %get3A_817 : vector<1x1x16xf32> to vector<16xf32>
          %mul3A_819 = arith.mulf %get3A_818, %broadcast_in_dim3A_756 : vector<16xf32>
          %swap3A_820 = arith.constant 0 : i32
          %swap3A_821 = arith.index_cast %swap3A_820 : i32 to index
          %swap3A_822 = arith.index_cast %add3A_753 : i32 to index
          %swap3A_823 = arith.constant 64 : index
          %swap3A_824 = tpu.vector_load %arg8[%swap3A_821, %swap3A_822, %swap3A_823] {strides = array<i32>} : memref<2x128x128xf32, #tpu.memory_space<vmem>>, vector<1x1x16xf32>,
          %swap3A_825 = vector.shape_cast %swap3A_824 : vector<1x1x16xf32> to vector<16xf32>
          %swap3A_826 = vector.shape_cast %mul3A_819 : vector<16xf32> to vector<1x1x16xf32>
          tpu.vector_store %arg8[%swap3A_821, %swap3A_822, %swap3A_823], %swap3A_826 {strides = array<i32>} : memref<2x128x128xf32, #tpu.memory_space<vmem>>, vector<1x1x16xf32>,
          %get3A_827 = arith.constant 0 : i32
          %get3A_828 = arith.index_cast %get3A_827 : i32 to index
          %get3A_829 = arith.index_cast %add3A_753 : i32 to index
          %get3A_830 = arith.constant 80 : index
          %get3A_831 = tpu.vector_load %arg8[%get3A_828, %get3A_829, %get3A_830] {strides = array<i32>} : memref<2x128x128xf32, #tpu.memory_space<vmem>>, vector<1x1x16xf32>,
          %get3A_832 = vector.shape_cast %get3A_831 : vector<1x1x16xf32> to vector<16xf32>
          %mul3A_833 = arith.mulf %get3A_832, %broadcast_in_dim3A_756 : vector<16xf32>
          %swap3A_834 = arith.constant 0 : i32
          %swap3A_835 = arith.index_cast %swap3A_834 : i32 to index
          %swap3A_836 = arith.index_cast %add3A_753 : i32 to index
          %swap3A_837 = arith.constant 80 : index
          %swap3A_838 = tpu.vector_load %arg8[%swap3A_835, %swap3A_836, %swap3A_837] {strides = array<i32>} : memref<2x128x128xf32, #tpu.memory_space<vmem>>, vector<1x1x16xf32>,
          %swap3A_839 = vector.shape_cast %swap3A_838 : vector<1x1x16xf32> to vector<16xf32>
          %swap3A_840 = vector.shape_cast %mul3A_833 : vector<16xf32> to vector<1x1x16xf32>
          tpu.vector_store %arg8[%swap3A_835, %swap3A_836, %swap3A_837], %swap3A_840 {strides = array<i32>} : memref<2x128x128xf32, #tpu.memory_space<vmem>>, vector<1x1x16xf32>,
          %get3A_841 = arith.constant 0 : i32
          %get3A_842 = arith.index_cast %get3A_841 : i32 to index
          %get3A_843 = arith.index_cast %add3A_753 : i32 to index
          %get3A_844 = arith.constant 96 : index
          %get3A_845 = tpu.vector_load %arg8[%get3A_842, %get3A_843, %get3A_844] {strides = array<i32>} : memref<2x128x128xf32, #tpu.memory_space<vmem>>, vector<1x1x16xf32>,
          %get3A_846 = vector.shape_cast %get3A_845 : vector<1x1x16xf32> to vector<16xf32>
          %mul3A_847 = arith.mulf %get3A_846, %broadcast_in_dim3A_756 : vector<16xf32>
          %swap3A_848 = arith.constant 0 : i32
          %swap3A_849 = arith.index_cast %swap3A_848 : i32 to index
          %swap3A_850 = arith.index_cast %add3A_753 : i32 to index
          %swap3A_851 = arith.constant 96 : index
          %swap3A_852 = tpu.vector_load %arg8[%swap3A_849, %swap3A_850, %swap3A_851] {strides = array<i32>} : memref<2x128x128xf32, #tpu.memory_space<vmem>>, vector<1x1x16xf32>,
          %swap3A_853 = vector.shape_cast %swap3A_852 : vector<1x1x16xf32> to vector<16xf32>
          %swap3A_854 = vector.shape_cast %mul3A_847 : vector<16xf32> to vector<1x1x16xf32>
          tpu.vector_store %arg8[%swap3A_849, %swap3A_850, %swap3A_851], %swap3A_854 {strides = array<i32>} : memref<2x128x128xf32, #tpu.memory_space<vmem>>, vector<1x1x16xf32>,
          %get3A_855 = arith.constant 0 : i32
          %get3A_856 = arith.index_cast %get3A_855 : i32 to index
          %get3A_857 = arith.index_cast %add3A_753 : i32 to index
          %get3A_858 = arith.constant 112 : index
          %get3A_859 = tpu.vector_load %arg8[%get3A_856, %get3A_857, %get3A_858] {strides = array<i32>} : memref<2x128x128xf32, #tpu.memory_space<vmem>>, vector<1x1x16xf32>,
          %get3A_860 = vector.shape_cast %get3A_859 : vector<1x1x16xf32> to vector<16xf32>
          %mul3A_861 = arith.mulf %get3A_860, %broadcast_in_dim3A_756 : vector<16xf32>
          %swap3A_862 = arith.constant 0 : i32
          %swap3A_863 = arith.index_cast %swap3A_862 : i32 to index
          %swap3A_864 = arith.index_cast %add3A_753 : i32 to index
          %swap3A_865 = arith.constant 112 : index
          %swap3A_866 = tpu.vector_load %arg8[%swap3A_863, %swap3A_864, %swap3A_865] {strides = array<i32>} : memref<2x128x128xf32, #tpu.memory_space<vmem>>, vector<1x1x16xf32>,
          %swap3A_867 = vector.shape_cast %swap3A_866 : vector<1x1x16xf32> to vector<16xf32>
          %swap3A_868 = vector.shape_cast %mul3A_861 : vector<16xf32> to vector<1x1x16xf32>
          tpu.vector_store %arg8[%swap3A_863, %swap3A_864, %swap3A_865], %swap3A_868 {strides = array<i32>} : memref<2x128x128xf32, #tpu.memory_space<vmem>>, vector<1x1x16xf32>,
          %mul3A_869 = arith.constant 16 : i32
          %mul3A_870 = arith.muli %mul3A_869, %scan3A_151 : i32
          %add3A_871 = arith.constant 6 : i32
          %add3A_872 = arith.addi %mul3A_870, %add3A_871 : i32
          %slice3A_873 = vector.extract_strided_slice %get3A_157 {offsets = [6], sizes = [1], strides = [1]} : vector<16xf32> to vector<1xf32>
          %squeeze3A_874 = vector.extract %slice3A_873[0] : f32 from vector<1xf32>
          %broadcast_in_dim3A_875 = vector.broadcast %squeeze3A_874 : f32 to vector<16xf32>
          %get3A_876 = arith.constant 0 : i32
          %get3A_877 = arith.index_cast %get3A_876 : i32 to index
          %get3A_878 = arith.index_cast %add3A_872 : i32 to index
          %get3A_879 = arith.constant 0 : index
          %get3A_880 = tpu.vector_load %arg8[%get3A_877, %get3A_878, %get3A_879] {strides = array<i32>} : memref<2x128x128xf32, #tpu.memory_space<vmem>>, vector<1x1x16xf32>,
          %get3A_881 = vector.shape_cast %get3A_880 : vector<1x1x16xf32> to vector<16xf32>
          %mul3A_882 = arith.mulf %get3A_881, %broadcast_in_dim3A_875 : vector<16xf32>
          %swap3A_883 = arith.constant 0 : i32
          %swap3A_884 = arith.index_cast %swap3A_883 : i32 to index
          %swap3A_885 = arith.index_cast %add3A_872 : i32 to index
          %swap3A_886 = arith.constant 0 : index
          %swap3A_887 = tpu.vector_load %arg8[%swap3A_884, %swap3A_885, %swap3A_886] {strides = array<i32>} : memref<2x128x128xf32, #tpu.memory_space<vmem>>, vector<1x1x16xf32>,
          %swap3A_888 = vector.shape_cast %swap3A_887 : vector<1x1x16xf32> to vector<16xf32>
          %swap3A_889 = vector.shape_cast %mul3A_882 : vector<16xf32> to vector<1x1x16xf32>
          tpu.vector_store %arg8[%swap3A_884, %swap3A_885, %swap3A_886], %swap3A_889 {strides = array<i32>} : memref<2x128x128xf32, #tpu.memory_space<vmem>>, vector<1x1x16xf32>,
          %get3A_890 = arith.constant 0 : i32
          %get3A_891 = arith.index_cast %get3A_890 : i32 to index
          %get3A_892 = arith.index_cast %add3A_872 : i32 to index
          %get3A_893 = arith.constant 16 : index
          %get3A_894 = tpu.vector_load %arg8[%get3A_891, %get3A_892, %get3A_893] {strides = array<i32>} : memref<2x128x128xf32, #tpu.memory_space<vmem>>, vector<1x1x16xf32>,
          %get3A_895 = vector.shape_cast %get3A_894 : vector<1x1x16xf32> to vector<16xf32>
          %mul3A_896 = arith.mulf %get3A_895, %broadcast_in_dim3A_875 : vector<16xf32>
          %swap3A_897 = arith.constant 0 : i32
          %swap3A_898 = arith.index_cast %swap3A_897 : i32 to index
          %swap3A_899 = arith.index_cast %add3A_872 : i32 to index
          %swap3A_900 = arith.constant 16 : index
          %swap3A_901 = tpu.vector_load %arg8[%swap3A_898, %swap3A_899, %swap3A_900] {strides = array<i32>} : memref<2x128x128xf32, #tpu.memory_space<vmem>>, vector<1x1x16xf32>,
          %swap3A_902 = vector.shape_cast %swap3A_901 : vector<1x1x16xf32> to vector<16xf32>
          %swap3A_903 = vector.shape_cast %mul3A_896 : vector<16xf32> to vector<1x1x16xf32>
          tpu.vector_store %arg8[%swap3A_898, %swap3A_899, %swap3A_900], %swap3A_903 {strides = array<i32>} : memref<2x128x128xf32, #tpu.memory_space<vmem>>, vector<1x1x16xf32>,
          %get3A_904 = arith.constant 0 : i32
          %get3A_905 = arith.index_cast %get3A_904 : i32 to index
          %get3A_906 = arith.index_cast %add3A_872 : i32 to index
          %get3A_907 = arith.constant 32 : index
          %get3A_908 = tpu.vector_load %arg8[%get3A_905, %get3A_906, %get3A_907] {strides = array<i32>} : memref<2x128x128xf32, #tpu.memory_space<vmem>>, vector<1x1x16xf32>,
          %get3A_909 = vector.shape_cast %get3A_908 : vector<1x1x16xf32> to vector<16xf32>
          %mul3A_910 = arith.mulf %get3A_909, %broadcast_in_dim3A_875 : vector<16xf32>
          %swap3A_911 = arith.constant 0 : i32
          %swap3A_912 = arith.index_cast %swap3A_911 : i32 to index
          %swap3A_913 = arith.index_cast %add3A_872 : i32 to index
          %swap3A_914 = arith.constant 32 : index
          %swap3A_915 = tpu.vector_load %arg8[%swap3A_912, %swap3A_913, %swap3A_914] {strides = array<i32>} : memref<2x128x128xf32, #tpu.memory_space<vmem>>, vector<1x1x16xf32>,
          %swap3A_916 = vector.shape_cast %swap3A_915 : vector<1x1x16xf32> to vector<16xf32>
          %swap3A_917 = vector.shape_cast %mul3A_910 : vector<16xf32> to vector<1x1x16xf32>
          tpu.vector_store %arg8[%swap3A_912, %swap3A_913, %swap3A_914], %swap3A_917 {strides = array<i32>} : memref<2x128x128xf32, #tpu.memory_space<vmem>>, vector<1x1x16xf32>,
          %get3A_918 = arith.constant 0 : i32
          %get3A_919 = arith.index_cast %get3A_918 : i32 to index
          %get3A_920 = arith.index_cast %add3A_872 : i32 to index
          %get3A_921 = arith.constant 48 : index
          %get3A_922 = tpu.vector_load %arg8[%get3A_919, %get3A_920, %get3A_921] {strides = array<i32>} : memref<2x128x128xf32, #tpu.memory_space<vmem>>, vector<1x1x16xf32>,
          %get3A_923 = vector.shape_cast %get3A_922 : vector<1x1x16xf32> to vector<16xf32>
          %mul3A_924 = arith.mulf %get3A_923, %broadcast_in_dim3A_875 : vector<16xf32>
          %swap3A_925 = arith.constant 0 : i32
          %swap3A_926 = arith.index_cast %swap3A_925 : i32 to index
          %swap3A_927 = arith.index_cast %add3A_872 : i32 to index
          %swap3A_928 = arith.constant 48 : index
          %swap3A_929 = tpu.vector_load %arg8[%swap3A_926, %swap3A_927, %swap3A_928] {strides = array<i32>} : memref<2x128x128xf32, #tpu.memory_space<vmem>>, vector<1x1x16xf32>,
          %swap3A_930 = vector.shape_cast %swap3A_929 : vector<1x1x16xf32> to vector<16xf32>
          %swap3A_931 = vector.shape_cast %mul3A_924 : vector<16xf32> to vector<1x1x16xf32>
          tpu.vector_store %arg8[%swap3A_926, %swap3A_927, %swap3A_928], %swap3A_931 {strides = array<i32>} : memref<2x128x128xf32, #tpu.memory_space<vmem>>, vector<1x1x16xf32>,
          %get3A_932 = arith.constant 0 : i32
          %get3A_933 = arith.index_cast %get3A_932 : i32 to index
          %get3A_934 = arith.index_cast %add3A_872 : i32 to index
          %get3A_935 = arith.constant 64 : index
          %get3A_936 = tpu.vector_load %arg8[%get3A_933, %get3A_934, %get3A_935] {strides = array<i32>} : memref<2x128x128xf32, #tpu.memory_space<vmem>>, vector<1x1x16xf32>,
          %get3A_937 = vector.shape_cast %get3A_936 : vector<1x1x16xf32> to vector<16xf32>
          %mul3A_938 = arith.mulf %get3A_937, %broadcast_in_dim3A_875 : vector<16xf32>
          %swap3A_939 = arith.constant 0 : i32
          %swap3A_940 = arith.index_cast %swap3A_939 : i32 to index
          %swap3A_941 = arith.index_cast %add3A_872 : i32 to index
          %swap3A_942 = arith.constant 64 : index
          %swap3A_943 = tpu.vector_load %arg8[%swap3A_940, %swap3A_941, %swap3A_942] {strides = array<i32>} : memref<2x128x128xf32, #tpu.memory_space<vmem>>, vector<1x1x16xf32>,
          %swap3A_944 = vector.shape_cast %swap3A_943 : vector<1x1x16xf32> to vector<16xf32>
          %swap3A_945 = vector.shape_cast %mul3A_938 : vector<16xf32> to vector<1x1x16xf32>
          tpu.vector_store %arg8[%swap3A_940, %swap3A_941, %swap3A_942], %swap3A_945 {strides = array<i32>} : memref<2x128x128xf32, #tpu.memory_space<vmem>>, vector<1x1x16xf32>,
          %get3A_946 = arith.constant 0 : i32
          %get3A_947 = arith.index_cast %get3A_946 : i32 to index
          %get3A_948 = arith.index_cast %add3A_872 : i32 to index
          %get3A_949 = arith.constant 80 : index
          %get3A_950 = tpu.vector_load %arg8[%get3A_947, %get3A_948, %get3A_949] {strides = array<i32>} : memref<2x128x128xf32, #tpu.memory_space<vmem>>, vector<1x1x16xf32>,
          %get3A_951 = vector.shape_cast %get3A_950 : vector<1x1x16xf32> to vector<16xf32>
          %mul3A_952 = arith.mulf %get3A_951, %broadcast_in_dim3A_875 : vector<16xf32>
          %swap3A_953 = arith.constant 0 : i32
          %swap3A_954 = arith.index_cast %swap3A_953 : i32 to index
          %swap3A_955 = arith.index_cast %add3A_872 : i32 to index
          %swap3A_956 = arith.constant 80 : index
          %swap3A_957 = tpu.vector_load %arg8[%swap3A_954, %swap3A_955, %swap3A_956] {strides = array<i32>} : memref<2x128x128xf32, #tpu.memory_space<vmem>>, vector<1x1x16xf32>,
          %swap3A_958 = vector.shape_cast %swap3A_957 : vector<1x1x16xf32> to vector<16xf32>
          %swap3A_959 = vector.shape_cast %mul3A_952 : vector<16xf32> to vector<1x1x16xf32>
          tpu.vector_store %arg8[%swap3A_954, %swap3A_955, %swap3A_956], %swap3A_959 {strides = array<i32>} : memref<2x128x128xf32, #tpu.memory_space<vmem>>, vector<1x1x16xf32>,
          %get3A_960 = arith.constant 0 : i32
          %get3A_961 = arith.index_cast %get3A_960 : i32 to index
          %get3A_962 = arith.index_cast %add3A_872 : i32 to index
          %get3A_963 = arith.constant 96 : index
          %get3A_964 = tpu.vector_load %arg8[%get3A_961, %get3A_962, %get3A_963] {strides = array<i32>} : memref<2x128x128xf32, #tpu.memory_space<vmem>>, vector<1x1x16xf32>,
          %get3A_965 = vector.shape_cast %get3A_964 : vector<1x1x16xf32> to vector<16xf32>
          %mul3A_966 = arith.mulf %get3A_965, %broadcast_in_dim3A_875 : vector<16xf32>
          %swap3A_967 = arith.constant 0 : i32
          %swap3A_968 = arith.index_cast %swap3A_967 : i32 to index
          %swap3A_969 = arith.index_cast %add3A_872 : i32 to index
          %swap3A_970 = arith.constant 96 : index
          %swap3A_971 = tpu.vector_load %arg8[%swap3A_968, %swap3A_969, %swap3A_970] {strides = array<i32>} : memref<2x128x128xf32, #tpu.memory_space<vmem>>, vector<1x1x16xf32>,
          %swap3A_972 = vector.shape_cast %swap3A_971 : vector<1x1x16xf32> to vector<16xf32>
          %swap3A_973 = vector.shape_cast %mul3A_966 : vector<16xf32> to vector<1x1x16xf32>
          tpu.vector_store %arg8[%swap3A_968, %swap3A_969, %swap3A_970], %swap3A_973 {strides = array<i32>} : memref<2x128x128xf32, #tpu.memory_space<vmem>>, vector<1x1x16xf32>,
          %get3A_974 = arith.constant 0 : i32
          %get3A_975 = arith.index_cast %get3A_974 : i32 to index
          %get3A_976 = arith.index_cast %add3A_872 : i32 to index
          %get3A_977 = arith.constant 112 : index
          %get3A_978 = tpu.vector_load %arg8[%get3A_975, %get3A_976, %get3A_977] {strides = array<i32>} : memref<2x128x128xf32, #tpu.memory_space<vmem>>, vector<1x1x16xf32>,
          %get3A_979 = vector.shape_cast %get3A_978 : vector<1x1x16xf32> to vector<16xf32>
          %mul3A_980 = arith.mulf %get3A_979, %broadcast_in_dim3A_875 : vector<16xf32>
          %swap3A_981 = arith.constant 0 : i32
          %swap3A_982 = arith.index_cast %swap3A_981 : i32 to index
          %swap3A_983 = arith.index_cast %add3A_872 : i32 to index
          %swap3A_984 = arith.constant 112 : index
          %swap3A_985 = tpu.vector_load %arg8[%swap3A_982, %swap3A_983, %swap3A_984] {strides = array<i32>} : memref<2x128x128xf32, #tpu.memory_space<vmem>>, vector<1x1x16xf32>,
          %swap3A_986 = vector.shape_cast %swap3A_985 : vector<1x1x16xf32> to vector<16xf32>
          %swap3A_987 = vector.shape_cast %mul3A_980 : vector<16xf32> to vector<1x1x16xf32>
          tpu.vector_store %arg8[%swap3A_982, %swap3A_983, %swap3A_984], %swap3A_987 {strides = array<i32>} : memref<2x128x128xf32, #tpu.memory_space<vmem>>, vector<1x1x16xf32>,
          %mul3A_988 = arith.constant 16 : i32
          %mul3A_989 = arith.muli %mul3A_988, %scan3A_151 : i32
          %add3A_990 = arith.constant 7 : i32
          %add3A_991 = arith.addi %mul3A_989, %add3A_990 : i32
          %slice3A_992 = vector.extract_strided_slice %get3A_157 {offsets = [7], sizes = [1], strides = [1]} : vector<16xf32> to vector<1xf32>
          %squeeze3A_993 = vector.extract %slice3A_992[0] : f32 from vector<1xf32>
          %broadcast_in_dim3A_994 = vector.broadcast %squeeze3A_993 : f32 to vector<16xf32>
          %get3A_995 = arith.constant 0 : i32
          %get3A_996 = arith.index_cast %get3A_995 : i32 to index
          %get3A_997 = arith.index_cast %add3A_991 : i32 to index
          %get3A_998 = arith.constant 0 : index
          %get3A_999 = tpu.vector_load %arg8[%get3A_996, %get3A_997, %get3A_998] {strides = array<i32>} : memref<2x128x128xf32, #tpu.memory_space<vmem>>, vector<1x1x16xf32>,
          %get3A_1000 = vector.shape_cast %get3A_999 : vector<1x1x16xf32> to vector<16xf32>
          %mul3A_1001 = arith.mulf %get3A_1000, %broadcast_in_dim3A_994 : vector<16xf32>
          %swap3A_1002 = arith.constant 0 : i32
          %swap3A_1003 = arith.index_cast %swap3A_1002 : i32 to index
          %swap3A_1004 = arith.index_cast %add3A_991 : i32 to index
          %swap3A_1005 = arith.constant 0 : index
          %swap3A_1006 = tpu.vector_load %arg8[%swap3A_1003, %swap3A_1004, %swap3A_1005] {strides = array<i32>} : memref<2x128x128xf32, #tpu.memory_space<vmem>>, vector<1x1x16xf32>,
          %swap3A_1007 = vector.shape_cast %swap3A_1006 : vector<1x1x16xf32> to vector<16xf32>
          %swap3A_1008 = vector.shape_cast %mul3A_1001 : vector<16xf32> to vector<1x1x16xf32>
          tpu.vector_store %arg8[%swap3A_1003, %swap3A_1004, %swap3A_1005], %swap3A_1008 {strides = array<i32>} : memref<2x128x128xf32, #tpu.memory_space<vmem>>, vector<1x1x16xf32>,
          %get3A_1009 = arith.constant 0 : i32
          %get3A_1010 = arith.index_cast %get3A_1009 : i32 to index
          %get3A_1011 = arith.index_cast %add3A_991 : i32 to index
          %get3A_1012 = arith.constant 16 : index
          %get3A_1013 = tpu.vector_load %arg8[%get3A_1010, %get3A_1011, %get3A_1012] {strides = array<i32>} : memref<2x128x128xf32, #tpu.memory_space<vmem>>, vector<1x1x16xf32>,
          %get3A_1014 = vector.shape_cast %get3A_1013 : vector<1x1x16xf32> to vector<16xf32>
          %mul3A_1015 = arith.mulf %get3A_1014, %broadcast_in_dim3A_994 : vector<16xf32>
          %swap3A_1016 = arith.constant 0 : i32
          %swap3A_1017 = arith.index_cast %swap3A_1016 : i32 to index
          %swap3A_1018 = arith.index_cast %add3A_991 : i32 to index
          %swap3A_1019 = arith.constant 16 : index
          %swap3A_1020 = tpu.vector_load %arg8[%swap3A_1017, %swap3A_1018, %swap3A_1019] {strides = array<i32>} : memref<2x128x128xf32, #tpu.memory_space<vmem>>, vector<1x1x16xf32>,
          %swap3A_1021 = vector.shape_cast %swap3A_1020 : vector<1x1x16xf32> to vector<16xf32>
          %swap3A_1022 = vector.shape_cast %mul3A_1015 : vector<16xf32> to vector<1x1x16xf32>
          tpu.vector_store %arg8[%swap3A_1017, %swap3A_1018, %swap3A_1019], %swap3A_1022 {strides = array<i32>} : memref<2x128x128xf32, #tpu.memory_space<vmem>>, vector<1x1x16xf32>,
          %get3A_1023 = arith.constant 0 : i32
          %get3A_1024 = arith.index_cast %get3A_1023 : i32 to index
          %get3A_1025 = arith.index_cast %add3A_991 : i32 to index
          %get3A_1026 = arith.constant 32 : index
          %get3A_1027 = tpu.vector_load %arg8[%get3A_1024, %get3A_1025, %get3A_1026] {strides = array<i32>} : memref<2x128x128xf32, #tpu.memory_space<vmem>>, vector<1x1x16xf32>,
          %get3A_1028 = vector.shape_cast %get3A_1027 : vector<1x1x16xf32> to vector<16xf32>
          %mul3A_1029 = arith.mulf %get3A_1028, %broadcast_in_dim3A_994 : vector<16xf32>
          %swap3A_1030 = arith.constant 0 : i32
          %swap3A_1031 = arith.index_cast %swap3A_1030 : i32 to index
          %swap3A_1032 = arith.index_cast %add3A_991 : i32 to index
          %swap3A_1033 = arith.constant 32 : index
          %swap3A_1034 = tpu.vector_load %arg8[%swap3A_1031, %swap3A_1032, %swap3A_1033] {strides = array<i32>} : memref<2x128x128xf32, #tpu.memory_space<vmem>>, vector<1x1x16xf32>,
          %swap3A_1035 = vector.shape_cast %swap3A_1034 : vector<1x1x16xf32> to vector<16xf32>
          %swap3A_1036 = vector.shape_cast %mul3A_1029 : vector<16xf32> to vector<1x1x16xf32>
          tpu.vector_store %arg8[%swap3A_1031, %swap3A_1032, %swap3A_1033], %swap3A_1036 {strides = array<i32>} : memref<2x128x128xf32, #tpu.memory_space<vmem>>, vector<1x1x16xf32>,
          %get3A_1037 = arith.constant 0 : i32
          %get3A_1038 = arith.index_cast %get3A_1037 : i32 to index
          %get3A_1039 = arith.index_cast %add3A_991 : i32 to index
          %get3A_1040 = arith.constant 48 : index
          %get3A_1041 = tpu.vector_load %arg8[%get3A_1038, %get3A_1039, %get3A_1040] {strides = array<i32>} : memref<2x128x128xf32, #tpu.memory_space<vmem>>, vector<1x1x16xf32>,
          %get3A_1042 = vector.shape_cast %get3A_1041 : vector<1x1x16xf32> to vector<16xf32>
          %mul3A_1043 = arith.mulf %get3A_1042, %broadcast_in_dim3A_994 : vector<16xf32>
          %swap3A_1044 = arith.constant 0 : i32
          %swap3A_1045 = arith.index_cast %swap3A_1044 : i32 to index
          %swap3A_1046 = arith.index_cast %add3A_991 : i32 to index
          %swap3A_1047 = arith.constant 48 : index
          %swap3A_1048 = tpu.vector_load %arg8[%swap3A_1045, %swap3A_1046, %swap3A_1047] {strides = array<i32>} : memref<2x128x128xf32, #tpu.memory_space<vmem>>, vector<1x1x16xf32>,
          %swap3A_1049 = vector.shape_cast %swap3A_1048 : vector<1x1x16xf32> to vector<16xf32>
          %swap3A_1050 = vector.shape_cast %mul3A_1043 : vector<16xf32> to vector<1x1x16xf32>
          tpu.vector_store %arg8[%swap3A_1045, %swap3A_1046, %swap3A_1047], %swap3A_1050 {strides = array<i32>} : memref<2x128x128xf32, #tpu.memory_space<vmem>>, vector<1x1x16xf32>,
          %get3A_1051 = arith.constant 0 : i32
          %get3A_1052 = arith.index_cast %get3A_1051 : i32 to index
          %get3A_1053 = arith.index_cast %add3A_991 : i32 to index
          %get3A_1054 = arith.constant 64 : index
          %get3A_1055 = tpu.vector_load %arg8[%get3A_1052, %get3A_1053, %get3A_1054] {strides = array<i32>} : memref<2x128x128xf32, #tpu.memory_space<vmem>>, vector<1x1x16xf32>,
          %get3A_1056 = vector.shape_cast %get3A_1055 : vector<1x1x16xf32> to vector<16xf32>
          %mul3A_1057 = arith.mulf %get3A_1056, %broadcast_in_dim3A_994 : vector<16xf32>
          %swap3A_1058 = arith.constant 0 : i32
          %swap3A_1059 = arith.index_cast %swap3A_1058 : i32 to index
          %swap3A_1060 = arith.index_cast %add3A_991 : i32 to index
          %swap3A_1061 = arith.constant 64 : index
          %swap3A_1062 = tpu.vector_load %arg8[%swap3A_1059, %swap3A_1060, %swap3A_1061] {strides = array<i32>} : memref<2x128x128xf32, #tpu.memory_space<vmem>>, vector<1x1x16xf32>,
          %swap3A_1063 = vector.shape_cast %swap3A_1062 : vector<1x1x16xf32> to vector<16xf32>
          %swap3A_1064 = vector.shape_cast %mul3A_1057 : vector<16xf32> to vector<1x1x16xf32>
          tpu.vector_store %arg8[%swap3A_1059, %swap3A_1060, %swap3A_1061], %swap3A_1064 {strides = array<i32>} : memref<2x128x128xf32, #tpu.memory_space<vmem>>, vector<1x1x16xf32>,
          %get3A_1065 = arith.constant 0 : i32
          %get3A_1066 = arith.index_cast %get3A_1065 : i32 to index
          %get3A_1067 = arith.index_cast %add3A_991 : i32 to index
          %get3A_1068 = arith.constant 80 : index
          %get3A_1069 = tpu.vector_load %arg8[%get3A_1066, %get3A_1067, %get3A_1068] {strides = array<i32>} : memref<2x128x128xf32, #tpu.memory_space<vmem>>, vector<1x1x16xf32>,
          %get3A_1070 = vector.shape_cast %get3A_1069 : vector<1x1x16xf32> to vector<16xf32>
          %mul3A_1071 = arith.mulf %get3A_1070, %broadcast_in_dim3A_994 : vector<16xf32>
          %swap3A_1072 = arith.constant 0 : i32
          %swap3A_1073 = arith.index_cast %swap3A_1072 : i32 to index
          %swap3A_1074 = arith.index_cast %add3A_991 : i32 to index
          %swap3A_1075 = arith.constant 80 : index
          %swap3A_1076 = tpu.vector_load %arg8[%swap3A_1073, %swap3A_1074, %swap3A_1075] {strides = array<i32>} : memref<2x128x128xf32, #tpu.memory_space<vmem>>, vector<1x1x16xf32>,
          %swap3A_1077 = vector.shape_cast %swap3A_1076 : vector<1x1x16xf32> to vector<16xf32>
          %swap3A_1078 = vector.shape_cast %mul3A_1071 : vector<16xf32> to vector<1x1x16xf32>
          tpu.vector_store %arg8[%swap3A_1073, %swap3A_1074, %swap3A_1075], %swap3A_1078 {strides = array<i32>} : memref<2x128x128xf32, #tpu.memory_space<vmem>>, vector<1x1x16xf32>,
          %get3A_1079 = arith.constant 0 : i32
          %get3A_1080 = arith.index_cast %get3A_1079 : i32 to index
          %get3A_1081 = arith.index_cast %add3A_991 : i32 to index
          %get3A_1082 = arith.constant 96 : index
          %get3A_1083 = tpu.vector_load %arg8[%get3A_1080, %get3A_1081, %get3A_1082] {strides = array<i32>} : memref<2x128x128xf32, #tpu.memory_space<vmem>>, vector<1x1x16xf32>,
          %get3A_1084 = vector.shape_cast %get3A_1083 : vector<1x1x16xf32> to vector<16xf32>
          %mul3A_1085 = arith.mulf %get3A_1084, %broadcast_in_dim3A_994 : vector<16xf32>
          %swap3A_1086 = arith.constant 0 : i32
          %swap3A_1087 = arith.index_cast %swap3A_1086 : i32 to index
          %swap3A_1088 = arith.index_cast %add3A_991 : i32 to index
          %swap3A_1089 = arith.constant 96 : index
          %swap3A_1090 = tpu.vector_load %arg8[%swap3A_1087, %swap3A_1088, %swap3A_1089] {strides = array<i32>} : memref<2x128x128xf32, #tpu.memory_space<vmem>>, vector<1x1x16xf32>,
          %swap3A_1091 = vector.shape_cast %swap3A_1090 : vector<1x1x16xf32> to vector<16xf32>
          %swap3A_1092 = vector.shape_cast %mul3A_1085 : vector<16xf32> to vector<1x1x16xf32>
          tpu.vector_store %arg8[%swap3A_1087, %swap3A_1088, %swap3A_1089], %swap3A_1092 {strides = array<i32>} : memref<2x128x128xf32, #tpu.memory_space<vmem>>, vector<1x1x16xf32>,
          %get3A_1093 = arith.constant 0 : i32
          %get3A_1094 = arith.index_cast %get3A_1093 : i32 to index
          %get3A_1095 = arith.index_cast %add3A_991 : i32 to index
          %get3A_1096 = arith.constant 112 : index
          %get3A_1097 = tpu.vector_load %arg8[%get3A_1094, %get3A_1095, %get3A_1096] {strides = array<i32>} : memref<2x128x128xf32, #tpu.memory_space<vmem>>, vector<1x1x16xf32>,
          %get3A_1098 = vector.shape_cast %get3A_1097 : vector<1x1x16xf32> to vector<16xf32>
          %mul3A_1099 = arith.mulf %get3A_1098, %broadcast_in_dim3A_994 : vector<16xf32>
          %swap3A_1100 = arith.constant 0 : i32
          %swap3A_1101 = arith.index_cast %swap3A_1100 : i32 to index
          %swap3A_1102 = arith.index_cast %add3A_991 : i32 to index
          %swap3A_1103 = arith.constant 112 : index
          %swap3A_1104 = tpu.vector_load %arg8[%swap3A_1101, %swap3A_1102, %swap3A_1103] {strides = array<i32>} : memref<2x128x128xf32, #tpu.memory_space<vmem>>, vector<1x1x16xf32>,
          %swap3A_1105 = vector.shape_cast %swap3A_1104 : vector<1x1x16xf32> to vector<16xf32>
          %swap3A_1106 = vector.shape_cast %mul3A_1099 : vector<16xf32> to vector<1x1x16xf32>
          tpu.vector_store %arg8[%swap3A_1101, %swap3A_1102, %swap3A_1103], %swap3A_1106 {strides = array<i32>} : memref<2x128x128xf32, #tpu.memory_space<vmem>>, vector<1x1x16xf32>,
          %mul3A_1107 = arith.constant 16 : i32
          %mul3A_1108 = arith.muli %mul3A_1107, %scan3A_151 : i32
          %add3A_1109 = arith.constant 8 : i32
          %add3A_1110 = arith.addi %mul3A_1108, %add3A_1109 : i32
          %slice3A_1111 = vector.extract_strided_slice %get3A_157 {offsets = [8], sizes = [1], strides = [1]} : vector<16xf32> to vector<1xf32>
          %squeeze3A_1112 = vector.extract %slice3A_1111[0] : f32 from vector<1xf32>
          %broadcast_in_dim3A_1113 = vector.broadcast %squeeze3A_1112 : f32 to vector<16xf32>
          %get3A_1114 = arith.constant 0 : i32
          %get3A_1115 = arith.index_cast %get3A_1114 : i32 to index
          %get3A_1116 = arith.index_cast %add3A_1110 : i32 to index
          %get3A_1117 = arith.constant 0 : index
          %get3A_1118 = tpu.vector_load %arg8[%get3A_1115, %get3A_1116, %get3A_1117] {strides = array<i32>} : memref<2x128x128xf32, #tpu.memory_space<vmem>>, vector<1x1x16xf32>,
          %get3A_1119 = vector.shape_cast %get3A_1118 : vector<1x1x16xf32> to vector<16xf32>
          %mul3A_1120 = arith.mulf %get3A_1119, %broadcast_in_dim3A_1113 : vector<16xf32>
          %swap3A_1121 = arith.constant 0 : i32
          %swap3A_1122 = arith.index_cast %swap3A_1121 : i32 to index
          %swap3A_1123 = arith.index_cast %add3A_1110 : i32 to index
          %swap3A_1124 = arith.constant 0 : index
          %swap3A_1125 = tpu.vector_load %arg8[%swap3A_1122, %swap3A_1123, %swap3A_1124] {strides = array<i32>} : memref<2x128x128xf32, #tpu.memory_space<vmem>>, vector<1x1x16xf32>,
          %swap3A_1126 = vector.shape_cast %swap3A_1125 : vector<1x1x16xf32> to vector<16xf32>
          %swap3A_1127 = vector.shape_cast %mul3A_1120 : vector<16xf32> to vector<1x1x16xf32>
          tpu.vector_store %arg8[%swap3A_1122, %swap3A_1123, %swap3A_1124], %swap3A_1127 {strides = array<i32>} : memref<2x128x128xf32, #tpu.memory_space<vmem>>, vector<1x1x16xf32>,
          %get3A_1128 = arith.constant 0 : i32
          %get3A_1129 = arith.index_cast %get3A_1128 : i32 to index
          %get3A_1130 = arith.index_cast %add3A_1110 : i32 to index
          %get3A_1131 = arith.constant 16 : index
          %get3A_1132 = tpu.vector_load %arg8[%get3A_1129, %get3A_1130, %get3A_1131] {strides = array<i32>} : memref<2x128x128xf32, #tpu.memory_space<vmem>>, vector<1x1x16xf32>,
          %get3A_1133 = vector.shape_cast %get3A_1132 : vector<1x1x16xf32> to vector<16xf32>
          %mul3A_1134 = arith.mulf %get3A_1133, %broadcast_in_dim3A_1113 : vector<16xf32>
          %swap3A_1135 = arith.constant 0 : i32
          %swap3A_1136 = arith.index_cast %swap3A_1135 : i32 to index
          %swap3A_1137 = arith.index_cast %add3A_1110 : i32 to index
          %swap3A_1138 = arith.constant 16 : index
          %swap3A_1139 = tpu.vector_load %arg8[%swap3A_1136, %swap3A_1137, %swap3A_1138] {strides = array<i32>} : memref<2x128x128xf32, #tpu.memory_space<vmem>>, vector<1x1x16xf32>,
          %swap3A_1140 = vector.shape_cast %swap3A_1139 : vector<1x1x16xf32> to vector<16xf32>
          %swap3A_1141 = vector.shape_cast %mul3A_1134 : vector<16xf32> to vector<1x1x16xf32>
          tpu.vector_store %arg8[%swap3A_1136, %swap3A_1137, %swap3A_1138], %swap3A_1141 {strides = array<i32>} : memref<2x128x128xf32, #tpu.memory_space<vmem>>, vector<1x1x16xf32>,
          %get3A_1142 = arith.constant 0 : i32
          %get3A_1143 = arith.index_cast %get3A_1142 : i32 to index
          %get3A_1144 = arith.index_cast %add3A_1110 : i32 to index
          %get3A_1145 = arith.constant 32 : index
          %get3A_1146 = tpu.vector_load %arg8[%get3A_1143, %get3A_1144, %get3A_1145] {strides = array<i32>} : memref<2x128x128xf32, #tpu.memory_space<vmem>>, vector<1x1x16xf32>,
          %get3A_1147 = vector.shape_cast %get3A_1146 : vector<1x1x16xf32> to vector<16xf32>
          %mul3A_1148 = arith.mulf %get3A_1147, %broadcast_in_dim3A_1113 : vector<16xf32>
          %swap3A_1149 = arith.constant 0 : i32
          %swap3A_1150 = arith.index_cast %swap3A_1149 : i32 to index
          %swap3A_1151 = arith.index_cast %add3A_1110 : i32 to index
          %swap3A_1152 = arith.constant 32 : index
          %swap3A_1153 = tpu.vector_load %arg8[%swap3A_1150, %swap3A_1151, %swap3A_1152] {strides = array<i32>} : memref<2x128x128xf32, #tpu.memory_space<vmem>>, vector<1x1x16xf32>,
          %swap3A_1154 = vector.shape_cast %swap3A_1153 : vector<1x1x16xf32> to vector<16xf32>
          %swap3A_1155 = vector.shape_cast %mul3A_1148 : vector<16xf32> to vector<1x1x16xf32>
          tpu.vector_store %arg8[%swap3A_1150, %swap3A_1151, %swap3A_1152], %swap3A_1155 {strides = array<i32>} : memref<2x128x128xf32, #tpu.memory_space<vmem>>, vector<1x1x16xf32>,
          %get3A_1156 = arith.constant 0 : i32
          %get3A_1157 = arith.index_cast %get3A_1156 : i32 to index
          %get3A_1158 = arith.index_cast %add3A_1110 : i32 to index
          %get3A_1159 = arith.constant 48 : index
          %get3A_1160 = tpu.vector_load %arg8[%get3A_1157, %get3A_1158, %get3A_1159] {strides = array<i32>} : memref<2x128x128xf32, #tpu.memory_space<vmem>>, vector<1x1x16xf32>,
          %get3A_1161 = vector.shape_cast %get3A_1160 : vector<1x1x16xf32> to vector<16xf32>
          %mul3A_1162 = arith.mulf %get3A_1161, %broadcast_in_dim3A_1113 : vector<16xf32>
          %swap3A_1163 = arith.constant 0 : i32
          %swap3A_1164 = arith.index_cast %swap3A_1163 : i32 to index
          %swap3A_1165 = arith.index_cast %add3A_1110 : i32 to index
          %swap3A_1166 = arith.constant 48 : index
          %swap3A_1167 = tpu.vector_load %arg8[%swap3A_1164, %swap3A_1165, %swap3A_1166] {strides = array<i32>} : memref<2x128x128xf32, #tpu.memory_space<vmem>>, vector<1x1x16xf32>,
          %swap3A_1168 = vector.shape_cast %swap3A_1167 : vector<1x1x16xf32> to vector<16xf32>
          %swap3A_1169 = vector.shape_cast %mul3A_1162 : vector<16xf32> to vector<1x1x16xf32>
          tpu.vector_store %arg8[%swap3A_1164, %swap3A_1165, %swap3A_1166], %swap3A_1169 {strides = array<i32>} : memref<2x128x128xf32, #tpu.memory_space<vmem>>, vector<1x1x16xf32>,
          %get3A_1170 = arith.constant 0 : i32
          %get3A_1171 = arith.index_cast %get3A_1170 : i32 to index
          %get3A_1172 = arith.index_cast %add3A_1110 : i32 to index
          %get3A_1173 = arith.constant 64 : index
          %get3A_1174 = tpu.vector_load %arg8[%get3A_1171, %get3A_1172, %get3A_1173] {strides = array<i32>} : memref<2x128x128xf32, #tpu.memory_space<vmem>>, vector<1x1x16xf32>,
          %get3A_1175 = vector.shape_cast %get3A_1174 : vector<1x1x16xf32> to vector<16xf32>
          %mul3A_1176 = arith.mulf %get3A_1175, %broadcast_in_dim3A_1113 : vector<16xf32>
          %swap3A_1177 = arith.constant 0 : i32
          %swap3A_1178 = arith.index_cast %swap3A_1177 : i32 to index
          %swap3A_1179 = arith.index_cast %add3A_1110 : i32 to index
          %swap3A_1180 = arith.constant 64 : index
          %swap3A_1181 = tpu.vector_load %arg8[%swap3A_1178, %swap3A_1179, %swap3A_1180] {strides = array<i32>} : memref<2x128x128xf32, #tpu.memory_space<vmem>>, vector<1x1x16xf32>,
          %swap3A_1182 = vector.shape_cast %swap3A_1181 : vector<1x1x16xf32> to vector<16xf32>
          %swap3A_1183 = vector.shape_cast %mul3A_1176 : vector<16xf32> to vector<1x1x16xf32>
          tpu.vector_store %arg8[%swap3A_1178, %swap3A_1179, %swap3A_1180], %swap3A_1183 {strides = array<i32>} : memref<2x128x128xf32, #tpu.memory_space<vmem>>, vector<1x1x16xf32>,
          %get3A_1184 = arith.constant 0 : i32
          %get3A_1185 = arith.index_cast %get3A_1184 : i32 to index
          %get3A_1186 = arith.index_cast %add3A_1110 : i32 to index
          %get3A_1187 = arith.constant 80 : index
          %get3A_1188 = tpu.vector_load %arg8[%get3A_1185, %get3A_1186, %get3A_1187] {strides = array<i32>} : memref<2x128x128xf32, #tpu.memory_space<vmem>>, vector<1x1x16xf32>,
          %get3A_1189 = vector.shape_cast %get3A_1188 : vector<1x1x16xf32> to vector<16xf32>
          %mul3A_1190 = arith.mulf %get3A_1189, %broadcast_in_dim3A_1113 : vector<16xf32>
          %swap3A_1191 = arith.constant 0 : i32
          %swap3A_1192 = arith.index_cast %swap3A_1191 : i32 to index
          %swap3A_1193 = arith.index_cast %add3A_1110 : i32 to index
          %swap3A_1194 = arith.constant 80 : index
          %swap3A_1195 = tpu.vector_load %arg8[%swap3A_1192, %swap3A_1193, %swap3A_1194] {strides = array<i32>} : memref<2x128x128xf32, #tpu.memory_space<vmem>>, vector<1x1x16xf32>,
          %swap3A_1196 = vector.shape_cast %swap3A_1195 : vector<1x1x16xf32> to vector<16xf32>
          %swap3A_1197 = vector.shape_cast %mul3A_1190 : vector<16xf32> to vector<1x1x16xf32>
          tpu.vector_store %arg8[%swap3A_1192, %swap3A_1193, %swap3A_1194], %swap3A_1197 {strides = array<i32>} : memref<2x128x128xf32, #tpu.memory_space<vmem>>, vector<1x1x16xf32>,
          %get3A_1198 = arith.constant 0 : i32
          %get3A_1199 = arith.index_cast %get3A_1198 : i32 to index
          %get3A_1200 = arith.index_cast %add3A_1110 : i32 to index
          %get3A_1201 = arith.constant 96 : index
          %get3A_1202 = tpu.vector_load %arg8[%get3A_1199, %get3A_1200, %get3A_1201] {strides = array<i32>} : memref<2x128x128xf32, #tpu.memory_space<vmem>>, vector<1x1x16xf32>,
          %get3A_1203 = vector.shape_cast %get3A_1202 : vector<1x1x16xf32> to vector<16xf32>
          %mul3A_1204 = arith.mulf %get3A_1203, %broadcast_in_dim3A_1113 : vector<16xf32>
          %swap3A_1205 = arith.constant 0 : i32
          %swap3A_1206 = arith.index_cast %swap3A_1205 : i32 to index
          %swap3A_1207 = arith.index_cast %add3A_1110 : i32 to index
          %swap3A_1208 = arith.constant 96 : index
          %swap3A_1209 = tpu.vector_load %arg8[%swap3A_1206, %swap3A_1207, %swap3A_1208] {strides = array<i32>} : memref<2x128x128xf32, #tpu.memory_space<vmem>>, vector<1x1x16xf32>,
          %swap3A_1210 = vector.shape_cast %swap3A_1209 : vector<1x1x16xf32> to vector<16xf32>
          %swap3A_1211 = vector.shape_cast %mul3A_1204 : vector<16xf32> to vector<1x1x16xf32>
          tpu.vector_store %arg8[%swap3A_1206, %swap3A_1207, %swap3A_1208], %swap3A_1211 {strides = array<i32>} : memref<2x128x128xf32, #tpu.memory_space<vmem>>, vector<1x1x16xf32>,
          %get3A_1212 = arith.constant 0 : i32
          %get3A_1213 = arith.index_cast %get3A_1212 : i32 to index
          %get3A_1214 = arith.index_cast %add3A_1110 : i32 to index
          %get3A_1215 = arith.constant 112 : index
          %get3A_1216 = tpu.vector_load %arg8[%get3A_1213, %get3A_1214, %get3A_1215] {strides = array<i32>} : memref<2x128x128xf32, #tpu.memory_space<vmem>>, vector<1x1x16xf32>,
          %get3A_1217 = vector.shape_cast %get3A_1216 : vector<1x1x16xf32> to vector<16xf32>
          %mul3A_1218 = arith.mulf %get3A_1217, %broadcast_in_dim3A_1113 : vector<16xf32>
          %swap3A_1219 = arith.constant 0 : i32
          %swap3A_1220 = arith.index_cast %swap3A_1219 : i32 to index
          %swap3A_1221 = arith.index_cast %add3A_1110 : i32 to index
          %swap3A_1222 = arith.constant 112 : index
          %swap3A_1223 = tpu.vector_load %arg8[%swap3A_1220, %swap3A_1221, %swap3A_1222] {strides = array<i32>} : memref<2x128x128xf32, #tpu.memory_space<vmem>>, vector<1x1x16xf32>,
          %swap3A_1224 = vector.shape_cast %swap3A_1223 : vector<1x1x16xf32> to vector<16xf32>
          %swap3A_1225 = vector.shape_cast %mul3A_1218 : vector<16xf32> to vector<1x1x16xf32>
          tpu.vector_store %arg8[%swap3A_1220, %swap3A_1221, %swap3A_1222], %swap3A_1225 {strides = array<i32>} : memref<2x128x128xf32, #tpu.memory_space<vmem>>, vector<1x1x16xf32>,
          %mul3A_1226 = arith.constant 16 : i32
          %mul3A_1227 = arith.muli %mul3A_1226, %scan3A_151 : i32
          %add3A_1228 = arith.constant 9 : i32
          %add3A_1229 = arith.addi %mul3A_1227, %add3A_1228 : i32
          %slice3A_1230 = vector.extract_strided_slice %get3A_157 {offsets = [9], sizes = [1], strides = [1]} : vector<16xf32> to vector<1xf32>
          %squeeze3A_1231 = vector.extract %slice3A_1230[0] : f32 from vector<1xf32>
          %broadcast_in_dim3A_1232 = vector.broadcast %squeeze3A_1231 : f32 to vector<16xf32>
          %get3A_1233 = arith.constant 0 : i32
          %get3A_1234 = arith.index_cast %get3A_1233 : i32 to index
          %get3A_1235 = arith.index_cast %add3A_1229 : i32 to index
          %get3A_1236 = arith.constant 0 : index
          %get3A_1237 = tpu.vector_load %arg8[%get3A_1234, %get3A_1235, %get3A_1236] {strides = array<i32>} : memref<2x128x128xf32, #tpu.memory_space<vmem>>, vector<1x1x16xf32>,
          %get3A_1238 = vector.shape_cast %get3A_1237 : vector<1x1x16xf32> to vector<16xf32>
          %mul3A_1239 = arith.mulf %get3A_1238, %broadcast_in_dim3A_1232 : vector<16xf32>
          %swap3A_1240 = arith.constant 0 : i32
          %swap3A_1241 = arith.index_cast %swap3A_1240 : i32 to index
          %swap3A_1242 = arith.index_cast %add3A_1229 : i32 to index
          %swap3A_1243 = arith.constant 0 : index
          %swap3A_1244 = tpu.vector_load %arg8[%swap3A_1241, %swap3A_1242, %swap3A_1243] {strides = array<i32>} : memref<2x128x128xf32, #tpu.memory_space<vmem>>, vector<1x1x16xf32>,
          %swap3A_1245 = vector.shape_cast %swap3A_1244 : vector<1x1x16xf32> to vector<16xf32>
          %swap3A_1246 = vector.shape_cast %mul3A_1239 : vector<16xf32> to vector<1x1x16xf32>
          tpu.vector_store %arg8[%swap3A_1241, %swap3A_1242, %swap3A_1243], %swap3A_1246 {strides = array<i32>} : memref<2x128x128xf32, #tpu.memory_space<vmem>>, vector<1x1x16xf32>,
          %get3A_1247 = arith.constant 0 : i32
          %get3A_1248 = arith.index_cast %get3A_1247 : i32 to index
          %get3A_1249 = arith.index_cast %add3A_1229 : i32 to index
          %get3A_1250 = arith.constant 16 : index
          %get3A_1251 = tpu.vector_load %arg8[%get3A_1248, %get3A_1249, %get3A_1250] {strides = array<i32>} : memref<2x128x128xf32, #tpu.memory_space<vmem>>, vector<1x1x16xf32>,
          %get3A_1252 = vector.shape_cast %get3A_1251 : vector<1x1x16xf32> to vector<16xf32>
          %mul3A_1253 = arith.mulf %get3A_1252, %broadcast_in_dim3A_1232 : vector<16xf32>
          %swap3A_1254 = arith.constant 0 : i32
          %swap3A_1255 = arith.index_cast %swap3A_1254 : i32 to index
          %swap3A_1256 = arith.index_cast %add3A_1229 : i32 to index
          %swap3A_1257 = arith.constant 16 : index
          %swap3A_1258 = tpu.vector_load %arg8[%swap3A_1255, %swap3A_1256, %swap3A_1257] {strides = array<i32>} : memref<2x128x128xf32, #tpu.memory_space<vmem>>, vector<1x1x16xf32>,
          %swap3A_1259 = vector.shape_cast %swap3A_1258 : vector<1x1x16xf32> to vector<16xf32>
          %swap3A_1260 = vector.shape_cast %mul3A_1253 : vector<16xf32> to vector<1x1x16xf32>
          tpu.vector_store %arg8[%swap3A_1255, %swap3A_1256, %swap3A_1257], %swap3A_1260 {strides = array<i32>} : memref<2x128x128xf32, #tpu.memory_space<vmem>>, vector<1x1x16xf32>,
          %get3A_1261 = arith.constant 0 : i32
          %get3A_1262 = arith.index_cast %get3A_1261 : i32 to index
          %get3A_1263 = arith.index_cast %add3A_1229 : i32 to index
          %get3A_1264 = arith.constant 32 : index
          %get3A_1265 = tpu.vector_load %arg8[%get3A_1262, %get3A_1263, %get3A_1264] {strides = array<i32>} : memref<2x128x128xf32, #tpu.memory_space<vmem>>, vector<1x1x16xf32>,
          %get3A_1266 = vector.shape_cast %get3A_1265 : vector<1x1x16xf32> to vector<16xf32>
          %mul3A_1267 = arith.mulf %get3A_1266, %broadcast_in_dim3A_1232 : vector<16xf32>
          %swap3A_1268 = arith.constant 0 : i32
          %swap3A_1269 = arith.index_cast %swap3A_1268 : i32 to index
          %swap3A_1270 = arith.index_cast %add3A_1229 : i32 to index
          %swap3A_1271 = arith.constant 32 : index
          %swap3A_1272 = tpu.vector_load %arg8[%swap3A_1269, %swap3A_1270, %swap3A_1271] {strides = array<i32>} : memref<2x128x128xf32, #tpu.memory_space<vmem>>, vector<1x1x16xf32>,
          %swap3A_1273 = vector.shape_cast %swap3A_1272 : vector<1x1x16xf32> to vector<16xf32>
          %swap3A_1274 = vector.shape_cast %mul3A_1267 : vector<16xf32> to vector<1x1x16xf32>
          tpu.vector_store %arg8[%swap3A_1269, %swap3A_1270, %swap3A_1271], %swap3A_1274 {strides = array<i32>} : memref<2x128x128xf32, #tpu.memory_space<vmem>>, vector<1x1x16xf32>,
          %get3A_1275 = arith.constant 0 : i32
          %get3A_1276 = arith.index_cast %get3A_1275 : i32 to index
          %get3A_1277 = arith.index_cast %add3A_1229 : i32 to index
          %get3A_1278 = arith.constant 48 : index
          %get3A_1279 = tpu.vector_load %arg8[%get3A_1276, %get3A_1277, %get3A_1278] {strides = array<i32>} : memref<2x128x128xf32, #tpu.memory_space<vmem>>, vector<1x1x16xf32>,
          %get3A_1280 = vector.shape_cast %get3A_1279 : vector<1x1x16xf32> to vector<16xf32>
          %mul3A_1281 = arith.mulf %get3A_1280, %broadcast_in_dim3A_1232 : vector<16xf32>
          %swap3A_1282 = arith.constant 0 : i32
          %swap3A_1283 = arith.index_cast %swap3A_1282 : i32 to index
          %swap3A_1284 = arith.index_cast %add3A_1229 : i32 to index
          %swap3A_1285 = arith.constant 48 : index
          %swap3A_1286 = tpu.vector_load %arg8[%swap3A_1283, %swap3A_1284, %swap3A_1285] {strides = array<i32>} : memref<2x128x128xf32, #tpu.memory_space<vmem>>, vector<1x1x16xf32>,
          %swap3A_1287 = vector.shape_cast %swap3A_1286 : vector<1x1x16xf32> to vector<16xf32>
          %swap3A_1288 = vector.shape_cast %mul3A_1281 : vector<16xf32> to vector<1x1x16xf32>
          tpu.vector_store %arg8[%swap3A_1283, %swap3A_1284, %swap3A_1285], %swap3A_1288 {strides = array<i32>} : memref<2x128x128xf32, #tpu.memory_space<vmem>>, vector<1x1x16xf32>,
          %get3A_1289 = arith.constant 0 : i32
          %get3A_1290 = arith.index_cast %get3A_1289 : i32 to index
          %get3A_1291 = arith.index_cast %add3A_1229 : i32 to index
          %get3A_1292 = arith.constant 64 : index
          %get3A_1293 = tpu.vector_load %arg8[%get3A_1290, %get3A_1291, %get3A_1292] {strides = array<i32>} : memref<2x128x128xf32, #tpu.memory_space<vmem>>, vector<1x1x16xf32>,
          %get3A_1294 = vector.shape_cast %get3A_1293 : vector<1x1x16xf32> to vector<16xf32>
          %mul3A_1295 = arith.mulf %get3A_1294, %broadcast_in_dim3A_1232 : vector<16xf32>
          %swap3A_1296 = arith.constant 0 : i32
          %swap3A_1297 = arith.index_cast %swap3A_1296 : i32 to index
          %swap3A_1298 = arith.index_cast %add3A_1229 : i32 to index
          %swap3A_1299 = arith.constant 64 : index
          %swap3A_1300 = tpu.vector_load %arg8[%swap3A_1297, %swap3A_1298, %swap3A_1299] {strides = array<i32>} : memref<2x128x128xf32, #tpu.memory_space<vmem>>, vector<1x1x16xf32>,
          %swap3A_1301 = vector.shape_cast %swap3A_1300 : vector<1x1x16xf32> to vector<16xf32>
          %swap3A_1302 = vector.shape_cast %mul3A_1295 : vector<16xf32> to vector<1x1x16xf32>
          tpu.vector_store %arg8[%swap3A_1297, %swap3A_1298, %swap3A_1299], %swap3A_1302 {strides = array<i32>} : memref<2x128x128xf32, #tpu.memory_space<vmem>>, vector<1x1x16xf32>,
          %get3A_1303 = arith.constant 0 : i32
          %get3A_1304 = arith.index_cast %get3A_1303 : i32 to index
          %get3A_1305 = arith.index_cast %add3A_1229 : i32 to index
          %get3A_1306 = arith.constant 80 : index
          %get3A_1307 = tpu.vector_load %arg8[%get3A_1304, %get3A_1305, %get3A_1306] {strides = array<i32>} : memref<2x128x128xf32, #tpu.memory_space<vmem>>, vector<1x1x16xf32>,
          %get3A_1308 = vector.shape_cast %get3A_1307 : vector<1x1x16xf32> to vector<16xf32>
          %mul3A_1309 = arith.mulf %get3A_1308, %broadcast_in_dim3A_1232 : vector<16xf32>
          %swap3A_1310 = arith.constant 0 : i32
          %swap3A_1311 = arith.index_cast %swap3A_1310 : i32 to index
          %swap3A_1312 = arith.index_cast %add3A_1229 : i32 to index
          %swap3A_1313 = arith.constant 80 : index
          %swap3A_1314 = tpu.vector_load %arg8[%swap3A_1311, %swap3A_1312, %swap3A_1313] {strides = array<i32>} : memref<2x128x128xf32, #tpu.memory_space<vmem>>, vector<1x1x16xf32>,
          %swap3A_1315 = vector.shape_cast %swap3A_1314 : vector<1x1x16xf32> to vector<16xf32>
          %swap3A_1316 = vector.shape_cast %mul3A_1309 : vector<16xf32> to vector<1x1x16xf32>
          tpu.vector_store %arg8[%swap3A_1311, %swap3A_1312, %swap3A_1313], %swap3A_1316 {strides = array<i32>} : memref<2x128x128xf32, #tpu.memory_space<vmem>>, vector<1x1x16xf32>,
          %get3A_1317 = arith.constant 0 : i32
          %get3A_1318 = arith.index_cast %get3A_1317 : i32 to index
          %get3A_1319 = arith.index_cast %add3A_1229 : i32 to index
          %get3A_1320 = arith.constant 96 : index
          %get3A_1321 = tpu.vector_load %arg8[%get3A_1318, %get3A_1319, %get3A_1320] {strides = array<i32>} : memref<2x128x128xf32, #tpu.memory_space<vmem>>, vector<1x1x16xf32>,
          %get3A_1322 = vector.shape_cast %get3A_1321 : vector<1x1x16xf32> to vector<16xf32>
          %mul3A_1323 = arith.mulf %get3A_1322, %broadcast_in_dim3A_1232 : vector<16xf32>
          %swap3A_1324 = arith.constant 0 : i32
          %swap3A_1325 = arith.index_cast %swap3A_1324 : i32 to index
          %swap3A_1326 = arith.index_cast %add3A_1229 : i32 to index
          %swap3A_1327 = arith.constant 96 : index
          %swap3A_1328 = tpu.vector_load %arg8[%swap3A_1325, %swap3A_1326, %swap3A_1327] {strides = array<i32>} : memref<2x128x128xf32, #tpu.memory_space<vmem>>, vector<1x1x16xf32>,
          %swap3A_1329 = vector.shape_cast %swap3A_1328 : vector<1x1x16xf32> to vector<16xf32>
          %swap3A_1330 = vector.shape_cast %mul3A_1323 : vector<16xf32> to vector<1x1x16xf32>
          tpu.vector_store %arg8[%swap3A_1325, %swap3A_1326, %swap3A_1327], %swap3A_1330 {strides = array<i32>} : memref<2x128x128xf32, #tpu.memory_space<vmem>>, vector<1x1x16xf32>,
          %get3A_1331 = arith.constant 0 : i32
          %get3A_1332 = arith.index_cast %get3A_1331 : i32 to index
          %get3A_1333 = arith.index_cast %add3A_1229 : i32 to index
          %get3A_1334 = arith.constant 112 : index
          %get3A_1335 = tpu.vector_load %arg8[%get3A_1332, %get3A_1333, %get3A_1334] {strides = array<i32>} : memref<2x128x128xf32, #tpu.memory_space<vmem>>, vector<1x1x16xf32>,
          %get3A_1336 = vector.shape_cast %get3A_1335 : vector<1x1x16xf32> to vector<16xf32>
          %mul3A_1337 = arith.mulf %get3A_1336, %broadcast_in_dim3A_1232 : vector<16xf32>
          %swap3A_1338 = arith.constant 0 : i32
          %swap3A_1339 = arith.index_cast %swap3A_1338 : i32 to index
          %swap3A_1340 = arith.index_cast %add3A_1229 : i32 to index
          %swap3A_1341 = arith.constant 112 : index
          %swap3A_1342 = tpu.vector_load %arg8[%swap3A_1339, %swap3A_1340, %swap3A_1341] {strides = array<i32>} : memref<2x128x128xf32, #tpu.memory_space<vmem>>, vector<1x1x16xf32>,
          %swap3A_1343 = vector.shape_cast %swap3A_1342 : vector<1x1x16xf32> to vector<16xf32>
          %swap3A_1344 = vector.shape_cast %mul3A_1337 : vector<16xf32> to vector<1x1x16xf32>
          tpu.vector_store %arg8[%swap3A_1339, %swap3A_1340, %swap3A_1341], %swap3A_1344 {strides = array<i32>} : memref<2x128x128xf32, #tpu.memory_space<vmem>>, vector<1x1x16xf32>,
          %mul3A_1345 = arith.constant 16 : i32
          %mul3A_1346 = arith.muli %mul3A_1345, %scan3A_151 : i32
          %add3A_1347 = arith.constant 10 : i32
          %add3A_1348 = arith.addi %mul3A_1346, %add3A_1347 : i32
          %slice3A_1349 = vector.extract_strided_slice %get3A_157 {offsets = [10], sizes = [1], strides = [1]} : vector<16xf32> to vector<1xf32>
          %squeeze3A_1350 = vector.extract %slice3A_1349[0] : f32 from vector<1xf32>
          %broadcast_in_dim3A_1351 = vector.broadcast %squeeze3A_1350 : f32 to vector<16xf32>
          %get3A_1352 = arith.constant 0 : i32
          %get3A_1353 = arith.index_cast %get3A_1352 : i32 to index
          %get3A_1354 = arith.index_cast %add3A_1348 : i32 to index
          %get3A_1355 = arith.constant 0 : index
          %get3A_1356 = tpu.vector_load %arg8[%get3A_1353, %get3A_1354, %get3A_1355] {strides = array<i32>} : memref<2x128x128xf32, #tpu.memory_space<vmem>>, vector<1x1x16xf32>,
          %get3A_1357 = vector.shape_cast %get3A_1356 : vector<1x1x16xf32> to vector<16xf32>
          %mul3A_1358 = arith.mulf %get3A_1357, %broadcast_in_dim3A_1351 : vector<16xf32>
          %swap3A_1359 = arith.constant 0 : i32
          %swap3A_1360 = arith.index_cast %swap3A_1359 : i32 to index
          %swap3A_1361 = arith.index_cast %add3A_1348 : i32 to index
          %swap3A_1362 = arith.constant 0 : index
          %swap3A_1363 = tpu.vector_load %arg8[%swap3A_1360, %swap3A_1361, %swap3A_1362] {strides = array<i32>} : memref<2x128x128xf32, #tpu.memory_space<vmem>>, vector<1x1x16xf32>,
          %swap3A_1364 = vector.shape_cast %swap3A_1363 : vector<1x1x16xf32> to vector<16xf32>
          %swap3A_1365 = vector.shape_cast %mul3A_1358 : vector<16xf32> to vector<1x1x16xf32>
          tpu.vector_store %arg8[%swap3A_1360, %swap3A_1361, %swap3A_1362], %swap3A_1365 {strides = array<i32>} : memref<2x128x128xf32, #tpu.memory_space<vmem>>, vector<1x1x16xf32>,
          %get3A_1366 = arith.constant 0 : i32
          %get3A_1367 = arith.index_cast %get3A_1366 : i32 to index
          %get3A_1368 = arith.index_cast %add3A_1348 : i32 to index
          %get3A_1369 = arith.constant 16 : index
          %get3A_1370 = tpu.vector_load %arg8[%get3A_1367, %get3A_1368, %get3A_1369] {strides = array<i32>} : memref<2x128x128xf32, #tpu.memory_space<vmem>>, vector<1x1x16xf32>,
          %get3A_1371 = vector.shape_cast %get3A_1370 : vector<1x1x16xf32> to vector<16xf32>
          %mul3A_1372 = arith.mulf %get3A_1371, %broadcast_in_dim3A_1351 : vector<16xf32>
          %swap3A_1373 = arith.constant 0 : i32
          %swap3A_1374 = arith.index_cast %swap3A_1373 : i32 to index
          %swap3A_1375 = arith.index_cast %add3A_1348 : i32 to index
          %swap3A_1376 = arith.constant 16 : index
          %swap3A_1377 = tpu.vector_load %arg8[%swap3A_1374, %swap3A_1375, %swap3A_1376] {strides = array<i32>} : memref<2x128x128xf32, #tpu.memory_space<vmem>>, vector<1x1x16xf32>,
          %swap3A_1378 = vector.shape_cast %swap3A_1377 : vector<1x1x16xf32> to vector<16xf32>
          %swap3A_1379 = vector.shape_cast %mul3A_1372 : vector<16xf32> to vector<1x1x16xf32>
          tpu.vector_store %arg8[%swap3A_1374, %swap3A_1375, %swap3A_1376], %swap3A_1379 {strides = array<i32>} : memref<2x128x128xf32, #tpu.memory_space<vmem>>, vector<1x1x16xf32>,
          %get3A_1380 = arith.constant 0 : i32
          %get3A_1381 = arith.index_cast %get3A_1380 : i32 to index
          %get3A_1382 = arith.index_cast %add3A_1348 : i32 to index
          %get3A_1383 = arith.constant 32 : index
          %get3A_1384 = tpu.vector_load %arg8[%get3A_1381, %get3A_1382, %get3A_1383] {strides = array<i32>} : memref<2x128x128xf32, #tpu.memory_space<vmem>>, vector<1x1x16xf32>,
          %get3A_1385 = vector.shape_cast %get3A_1384 : vector<1x1x16xf32> to vector<16xf32>
          %mul3A_1386 = arith.mulf %get3A_1385, %broadcast_in_dim3A_1351 : vector<16xf32>
          %swap3A_1387 = arith.constant 0 : i32
          %swap3A_1388 = arith.index_cast %swap3A_1387 : i32 to index
          %swap3A_1389 = arith.index_cast %add3A_1348 : i32 to index
          %swap3A_1390 = arith.constant 32 : index
          %swap3A_1391 = tpu.vector_load %arg8[%swap3A_1388, %swap3A_1389, %swap3A_1390] {strides = array<i32>} : memref<2x128x128xf32, #tpu.memory_space<vmem>>, vector<1x1x16xf32>,
          %swap3A_1392 = vector.shape_cast %swap3A_1391 : vector<1x1x16xf32> to vector<16xf32>
          %swap3A_1393 = vector.shape_cast %mul3A_1386 : vector<16xf32> to vector<1x1x16xf32>
          tpu.vector_store %arg8[%swap3A_1388, %swap3A_1389, %swap3A_1390], %swap3A_1393 {strides = array<i32>} : memref<2x128x128xf32, #tpu.memory_space<vmem>>, vector<1x1x16xf32>,
          %get3A_1394 = arith.constant 0 : i32
          %get3A_1395 = arith.index_cast %get3A_1394 : i32 to index
          %get3A_1396 = arith.index_cast %add3A_1348 : i32 to index
          %get3A_1397 = arith.constant 48 : index
          %get3A_1398 = tpu.vector_load %arg8[%get3A_1395, %get3A_1396, %get3A_1397] {strides = array<i32>} : memref<2x128x128xf32, #tpu.memory_space<vmem>>, vector<1x1x16xf32>,
          %get3A_1399 = vector.shape_cast %get3A_1398 : vector<1x1x16xf32> to vector<16xf32>
          %mul3A_1400 = arith.mulf %get3A_1399, %broadcast_in_dim3A_1351 : vector<16xf32>
          %swap3A_1401 = arith.constant 0 : i32
          %swap3A_1402 = arith.index_cast %swap3A_1401 : i32 to index
          %swap3A_1403 = arith.index_cast %add3A_1348 : i32 to index
          %swap3A_1404 = arith.constant 48 : index
          %swap3A_1405 = tpu.vector_load %arg8[%swap3A_1402, %swap3A_1403, %swap3A_1404] {strides = array<i32>} : memref<2x128x128xf32, #tpu.memory_space<vmem>>, vector<1x1x16xf32>,
          %swap3A_1406 = vector.shape_cast %swap3A_1405 : vector<1x1x16xf32> to vector<16xf32>
          %swap3A_1407 = vector.shape_cast %mul3A_1400 : vector<16xf32> to vector<1x1x16xf32>
          tpu.vector_store %arg8[%swap3A_1402, %swap3A_1403, %swap3A_1404], %swap3A_1407 {strides = array<i32>} : memref<2x128x128xf32, #tpu.memory_space<vmem>>, vector<1x1x16xf32>,
          %get3A_1408 = arith.constant 0 : i32
          %get3A_1409 = arith.index_cast %get3A_1408 : i32 to index
          %get3A_1410 = arith.index_cast %add3A_1348 : i32 to index
          %get3A_1411 = arith.constant 64 : index
          %get3A_1412 = tpu.vector_load %arg8[%get3A_1409, %get3A_1410, %get3A_1411] {strides = array<i32>} : memref<2x128x128xf32, #tpu.memory_space<vmem>>, vector<1x1x16xf32>,
          %get3A_1413 = vector.shape_cast %get3A_1412 : vector<1x1x16xf32> to vector<16xf32>
          %mul3A_1414 = arith.mulf %get3A_1413, %broadcast_in_dim3A_1351 : vector<16xf32>
          %swap3A_1415 = arith.constant 0 : i32
          %swap3A_1416 = arith.index_cast %swap3A_1415 : i32 to index
          %swap3A_1417 = arith.index_cast %add3A_1348 : i32 to index
          %swap3A_1418 = arith.constant 64 : index
          %swap3A_1419 = tpu.vector_load %arg8[%swap3A_1416, %swap3A_1417, %swap3A_1418] {strides = array<i32>} : memref<2x128x128xf32, #tpu.memory_space<vmem>>, vector<1x1x16xf32>,
          %swap3A_1420 = vector.shape_cast %swap3A_1419 : vector<1x1x16xf32> to vector<16xf32>
          %swap3A_1421 = vector.shape_cast %mul3A_1414 : vector<16xf32> to vector<1x1x16xf32>
          tpu.vector_store %arg8[%swap3A_1416, %swap3A_1417, %swap3A_1418], %swap3A_1421 {strides = array<i32>} : memref<2x128x128xf32, #tpu.memory_space<vmem>>, vector<1x1x16xf32>,
          %get3A_1422 = arith.constant 0 : i32
          %get3A_1423 = arith.index_cast %get3A_1422 : i32 to index
          %get3A_1424 = arith.index_cast %add3A_1348 : i32 to index
          %get3A_1425 = arith.constant 80 : index
          %get3A_1426 = tpu.vector_load %arg8[%get3A_1423, %get3A_1424, %get3A_1425] {strides = array<i32>} : memref<2x128x128xf32, #tpu.memory_space<vmem>>, vector<1x1x16xf32>,
          %get3A_1427 = vector.shape_cast %get3A_1426 : vector<1x1x16xf32> to vector<16xf32>
          %mul3A_1428 = arith.mulf %get3A_1427, %broadcast_in_dim3A_1351 : vector<16xf32>
          %swap3A_1429 = arith.constant 0 : i32
          %swap3A_1430 = arith.index_cast %swap3A_1429 : i32 to index
          %swap3A_1431 = arith.index_cast %add3A_1348 : i32 to index
          %swap3A_1432 = arith.constant 80 : index
          %swap3A_1433 = tpu.vector_load %arg8[%swap3A_1430, %swap3A_1431, %swap3A_1432] {strides = array<i32>} : memref<2x128x128xf32, #tpu.memory_space<vmem>>, vector<1x1x16xf32>,
          %swap3A_1434 = vector.shape_cast %swap3A_1433 : vector<1x1x16xf32> to vector<16xf32>
          %swap3A_1435 = vector.shape_cast %mul3A_1428 : vector<16xf32> to vector<1x1x16xf32>
          tpu.vector_store %arg8[%swap3A_1430, %swap3A_1431, %swap3A_1432], %swap3A_1435 {strides = array<i32>} : memref<2x128x128xf32, #tpu.memory_space<vmem>>, vector<1x1x16xf32>,
          %get3A_1436 = arith.constant 0 : i32
          %get3A_1437 = arith.index_cast %get3A_1436 : i32 to index
          %get3A_1438 = arith.index_cast %add3A_1348 : i32 to index
          %get3A_1439 = arith.constant 96 : index
          %get3A_1440 = tpu.vector_load %arg8[%get3A_1437, %get3A_1438, %get3A_1439] {strides = array<i32>} : memref<2x128x128xf32, #tpu.memory_space<vmem>>, vector<1x1x16xf32>,
          %get3A_1441 = vector.shape_cast %get3A_1440 : vector<1x1x16xf32> to vector<16xf32>
          %mul3A_1442 = arith.mulf %get3A_1441, %broadcast_in_dim3A_1351 : vector<16xf32>
          %swap3A_1443 = arith.constant 0 : i32
          %swap3A_1444 = arith.index_cast %swap3A_1443 : i32 to index
          %swap3A_1445 = arith.index_cast %add3A_1348 : i32 to index
          %swap3A_1446 = arith.constant 96 : index
          %swap3A_1447 = tpu.vector_load %arg8[%swap3A_1444, %swap3A_1445, %swap3A_1446] {strides = array<i32>} : memref<2x128x128xf32, #tpu.memory_space<vmem>>, vector<1x1x16xf32>,
          %swap3A_1448 = vector.shape_cast %swap3A_1447 : vector<1x1x16xf32> to vector<16xf32>
          %swap3A_1449 = vector.shape_cast %mul3A_1442 : vector<16xf32> to vector<1x1x16xf32>
          tpu.vector_store %arg8[%swap3A_1444, %swap3A_1445, %swap3A_1446], %swap3A_1449 {strides = array<i32>} : memref<2x128x128xf32, #tpu.memory_space<vmem>>, vector<1x1x16xf32>,
          %get3A_1450 = arith.constant 0 : i32
          %get3A_1451 = arith.index_cast %get3A_1450 : i32 to index
          %get3A_1452 = arith.index_cast %add3A_1348 : i32 to index
          %get3A_1453 = arith.constant 112 : index
          %get3A_1454 = tpu.vector_load %arg8[%get3A_1451, %get3A_1452, %get3A_1453] {strides = array<i32>} : memref<2x128x128xf32, #tpu.memory_space<vmem>>, vector<1x1x16xf32>,
          %get3A_1455 = vector.shape_cast %get3A_1454 : vector<1x1x16xf32> to vector<16xf32>
          %mul3A_1456 = arith.mulf %get3A_1455, %broadcast_in_dim3A_1351 : vector<16xf32>
          %swap3A_1457 = arith.constant 0 : i32
          %swap3A_1458 = arith.index_cast %swap3A_1457 : i32 to index
          %swap3A_1459 = arith.index_cast %add3A_1348 : i32 to index
          %swap3A_1460 = arith.constant 112 : index
          %swap3A_1461 = tpu.vector_load %arg8[%swap3A_1458, %swap3A_1459, %swap3A_1460] {strides = array<i32>} : memref<2x128x128xf32, #tpu.memory_space<vmem>>, vector<1x1x16xf32>,
          %swap3A_1462 = vector.shape_cast %swap3A_1461 : vector<1x1x16xf32> to vector<16xf32>
          %swap3A_1463 = vector.shape_cast %mul3A_1456 : vector<16xf32> to vector<1x1x16xf32>
          tpu.vector_store %arg8[%swap3A_1458, %swap3A_1459, %swap3A_1460], %swap3A_1463 {strides = array<i32>} : memref<2x128x128xf32, #tpu.memory_space<vmem>>, vector<1x1x16xf32>,
          %mul3A_1464 = arith.constant 16 : i32
          %mul3A_1465 = arith.muli %mul3A_1464, %scan3A_151 : i32
          %add3A_1466 = arith.constant 11 : i32
          %add3A_1467 = arith.addi %mul3A_1465, %add3A_1466 : i32
          %slice3A_1468 = vector.extract_strided_slice %get3A_157 {offsets = [11], sizes = [1], strides = [1]} : vector<16xf32> to vector<1xf32>
          %squeeze3A_1469 = vector.extract %slice3A_1468[0] : f32 from vector<1xf32>
          %broadcast_in_dim3A_1470 = vector.broadcast %squeeze3A_1469 : f32 to vector<16xf32>
          %get3A_1471 = arith.constant 0 : i32
          %get3A_1472 = arith.index_cast %get3A_1471 : i32 to index
          %get3A_1473 = arith.index_cast %add3A_1467 : i32 to index
          %get3A_1474 = arith.constant 0 : index
          %get3A_1475 = tpu.vector_load %arg8[%get3A_1472, %get3A_1473, %get3A_1474] {strides = array<i32>} : memref<2x128x128xf32, #tpu.memory_space<vmem>>, vector<1x1x16xf32>,
          %get3A_1476 = vector.shape_cast %get3A_1475 : vector<1x1x16xf32> to vector<16xf32>
          %mul3A_1477 = arith.mulf %get3A_1476, %broadcast_in_dim3A_1470 : vector<16xf32>
          %swap3A_1478 = arith.constant 0 : i32
          %swap3A_1479 = arith.index_cast %swap3A_1478 : i32 to index
          %swap3A_1480 = arith.index_cast %add3A_1467 : i32 to index
          %swap3A_1481 = arith.constant 0 : index
          %swap3A_1482 = tpu.vector_load %arg8[%swap3A_1479, %swap3A_1480, %swap3A_1481] {strides = array<i32>} : memref<2x128x128xf32, #tpu.memory_space<vmem>>, vector<1x1x16xf32>,
          %swap3A_1483 = vector.shape_cast %swap3A_1482 : vector<1x1x16xf32> to vector<16xf32>
          %swap3A_1484 = vector.shape_cast %mul3A_1477 : vector<16xf32> to vector<1x1x16xf32>
          tpu.vector_store %arg8[%swap3A_1479, %swap3A_1480, %swap3A_1481], %swap3A_1484 {strides = array<i32>} : memref<2x128x128xf32, #tpu.memory_space<vmem>>, vector<1x1x16xf32>,
          %get3A_1485 = arith.constant 0 : i32
          %get3A_1486 = arith.index_cast %get3A_1485 : i32 to index
          %get3A_1487 = arith.index_cast %add3A_1467 : i32 to index
          %get3A_1488 = arith.constant 16 : index
          %get3A_1489 = tpu.vector_load %arg8[%get3A_1486, %get3A_1487, %get3A_1488] {strides = array<i32>} : memref<2x128x128xf32, #tpu.memory_space<vmem>>, vector<1x1x16xf32>,
          %get3A_1490 = vector.shape_cast %get3A_1489 : vector<1x1x16xf32> to vector<16xf32>
          %mul3A_1491 = arith.mulf %get3A_1490, %broadcast_in_dim3A_1470 : vector<16xf32>
          %swap3A_1492 = arith.constant 0 : i32
          %swap3A_1493 = arith.index_cast %swap3A_1492 : i32 to index
          %swap3A_1494 = arith.index_cast %add3A_1467 : i32 to index
          %swap3A_1495 = arith.constant 16 : index
          %swap3A_1496 = tpu.vector_load %arg8[%swap3A_1493, %swap3A_1494, %swap3A_1495] {strides = array<i32>} : memref<2x128x128xf32, #tpu.memory_space<vmem>>, vector<1x1x16xf32>,
          %swap3A_1497 = vector.shape_cast %swap3A_1496 : vector<1x1x16xf32> to vector<16xf32>
          %swap3A_1498 = vector.shape_cast %mul3A_1491 : vector<16xf32> to vector<1x1x16xf32>
          tpu.vector_store %arg8[%swap3A_1493, %swap3A_1494, %swap3A_1495], %swap3A_1498 {strides = array<i32>} : memref<2x128x128xf32, #tpu.memory_space<vmem>>, vector<1x1x16xf32>,
          %get3A_1499 = arith.constant 0 : i32
          %get3A_1500 = arith.index_cast %get3A_1499 : i32 to index
          %get3A_1501 = arith.index_cast %add3A_1467 : i32 to index
          %get3A_1502 = arith.constant 32 : index
          %get3A_1503 = tpu.vector_load %arg8[%get3A_1500, %get3A_1501, %get3A_1502] {strides = array<i32>} : memref<2x128x128xf32, #tpu.memory_space<vmem>>, vector<1x1x16xf32>,
          %get3A_1504 = vector.shape_cast %get3A_1503 : vector<1x1x16xf32> to vector<16xf32>
          %mul3A_1505 = arith.mulf %get3A_1504, %broadcast_in_dim3A_1470 : vector<16xf32>
          %swap3A_1506 = arith.constant 0 : i32
          %swap3A_1507 = arith.index_cast %swap3A_1506 : i32 to index
          %swap3A_1508 = arith.index_cast %add3A_1467 : i32 to index
          %swap3A_1509 = arith.constant 32 : index
          %swap3A_1510 = tpu.vector_load %arg8[%swap3A_1507, %swap3A_1508, %swap3A_1509] {strides = array<i32>} : memref<2x128x128xf32, #tpu.memory_space<vmem>>, vector<1x1x16xf32>,
          %swap3A_1511 = vector.shape_cast %swap3A_1510 : vector<1x1x16xf32> to vector<16xf32>
          %swap3A_1512 = vector.shape_cast %mul3A_1505 : vector<16xf32> to vector<1x1x16xf32>
          tpu.vector_store %arg8[%swap3A_1507, %swap3A_1508, %swap3A_1509], %swap3A_1512 {strides = array<i32>} : memref<2x128x128xf32, #tpu.memory_space<vmem>>, vector<1x1x16xf32>,
          %get3A_1513 = arith.constant 0 : i32
          %get3A_1514 = arith.index_cast %get3A_1513 : i32 to index
          %get3A_1515 = arith.index_cast %add3A_1467 : i32 to index
          %get3A_1516 = arith.constant 48 : index
          %get3A_1517 = tpu.vector_load %arg8[%get3A_1514, %get3A_1515, %get3A_1516] {strides = array<i32>} : memref<2x128x128xf32, #tpu.memory_space<vmem>>, vector<1x1x16xf32>,
          %get3A_1518 = vector.shape_cast %get3A_1517 : vector<1x1x16xf32> to vector<16xf32>
          %mul3A_1519 = arith.mulf %get3A_1518, %broadcast_in_dim3A_1470 : vector<16xf32>
          %swap3A_1520 = arith.constant 0 : i32
          %swap3A_1521 = arith.index_cast %swap3A_1520 : i32 to index
          %swap3A_1522 = arith.index_cast %add3A_1467 : i32 to index
          %swap3A_1523 = arith.constant 48 : index
          %swap3A_1524 = tpu.vector_load %arg8[%swap3A_1521, %swap3A_1522, %swap3A_1523] {strides = array<i32>} : memref<2x128x128xf32, #tpu.memory_space<vmem>>, vector<1x1x16xf32>,
          %swap3A_1525 = vector.shape_cast %swap3A_1524 : vector<1x1x16xf32> to vector<16xf32>
          %swap3A_1526 = vector.shape_cast %mul3A_1519 : vector<16xf32> to vector<1x1x16xf32>
          tpu.vector_store %arg8[%swap3A_1521, %swap3A_1522, %swap3A_1523], %swap3A_1526 {strides = array<i32>} : memref<2x128x128xf32, #tpu.memory_space<vmem>>, vector<1x1x16xf32>,
          %get3A_1527 = arith.constant 0 : i32
          %get3A_1528 = arith.index_cast %get3A_1527 : i32 to index
          %get3A_1529 = arith.index_cast %add3A_1467 : i32 to index
          %get3A_1530 = arith.constant 64 : index
          %get3A_1531 = tpu.vector_load %arg8[%get3A_1528, %get3A_1529, %get3A_1530] {strides = array<i32>} : memref<2x128x128xf32, #tpu.memory_space<vmem>>, vector<1x1x16xf32>,
          %get3A_1532 = vector.shape_cast %get3A_1531 : vector<1x1x16xf32> to vector<16xf32>
          %mul3A_1533 = arith.mulf %get3A_1532, %broadcast_in_dim3A_1470 : vector<16xf32>
          %swap3A_1534 = arith.constant 0 : i32
          %swap3A_1535 = arith.index_cast %swap3A_1534 : i32 to index
          %swap3A_1536 = arith.index_cast %add3A_1467 : i32 to index
          %swap3A_1537 = arith.constant 64 : index
          %swap3A_1538 = tpu.vector_load %arg8[%swap3A_1535, %swap3A_1536, %swap3A_1537] {strides = array<i32>} : memref<2x128x128xf32, #tpu.memory_space<vmem>>, vector<1x1x16xf32>,
          %swap3A_1539 = vector.shape_cast %swap3A_1538 : vector<1x1x16xf32> to vector<16xf32>
          %swap3A_1540 = vector.shape_cast %mul3A_1533 : vector<16xf32> to vector<1x1x16xf32>
          tpu.vector_store %arg8[%swap3A_1535, %swap3A_1536, %swap3A_1537], %swap3A_1540 {strides = array<i32>} : memref<2x128x128xf32, #tpu.memory_space<vmem>>, vector<1x1x16xf32>,
          %get3A_1541 = arith.constant 0 : i32
          %get3A_1542 = arith.index_cast %get3A_1541 : i32 to index
          %get3A_1543 = arith.index_cast %add3A_1467 : i32 to index
          %get3A_1544 = arith.constant 80 : index
          %get3A_1545 = tpu.vector_load %arg8[%get3A_1542, %get3A_1543, %get3A_1544] {strides = array<i32>} : memref<2x128x128xf32, #tpu.memory_space<vmem>>, vector<1x1x16xf32>,
          %get3A_1546 = vector.shape_cast %get3A_1545 : vector<1x1x16xf32> to vector<16xf32>
          %mul3A_1547 = arith.mulf %get3A_1546, %broadcast_in_dim3A_1470 : vector<16xf32>
          %swap3A_1548 = arith.constant 0 : i32
          %swap3A_1549 = arith.index_cast %swap3A_1548 : i32 to index
          %swap3A_1550 = arith.index_cast %add3A_1467 : i32 to index
          %swap3A_1551 = arith.constant 80 : index
          %swap3A_1552 = tpu.vector_load %arg8[%swap3A_1549, %swap3A_1550, %swap3A_1551] {strides = array<i32>} : memref<2x128x128xf32, #tpu.memory_space<vmem>>, vector<1x1x16xf32>,
          %swap3A_1553 = vector.shape_cast %swap3A_1552 : vector<1x1x16xf32> to vector<16xf32>
          %swap3A_1554 = vector.shape_cast %mul3A_1547 : vector<16xf32> to vector<1x1x16xf32>
          tpu.vector_store %arg8[%swap3A_1549, %swap3A_1550, %swap3A_1551], %swap3A_1554 {strides = array<i32>} : memref<2x128x128xf32, #tpu.memory_space<vmem>>, vector<1x1x16xf32>,
          %get3A_1555 = arith.constant 0 : i32
          %get3A_1556 = arith.index_cast %get3A_1555 : i32 to index
          %get3A_1557 = arith.index_cast %add3A_1467 : i32 to index
          %get3A_1558 = arith.constant 96 : index
          %get3A_1559 = tpu.vector_load %arg8[%get3A_1556, %get3A_1557, %get3A_1558] {strides = array<i32>} : memref<2x128x128xf32, #tpu.memory_space<vmem>>, vector<1x1x16xf32>,
          %get3A_1560 = vector.shape_cast %get3A_1559 : vector<1x1x16xf32> to vector<16xf32>
          %mul3A_1561 = arith.mulf %get3A_1560, %broadcast_in_dim3A_1470 : vector<16xf32>
          %swap3A_1562 = arith.constant 0 : i32
          %swap3A_1563 = arith.index_cast %swap3A_1562 : i32 to index
          %swap3A_1564 = arith.index_cast %add3A_1467 : i32 to index
          %swap3A_1565 = arith.constant 96 : index
          %swap3A_1566 = tpu.vector_load %arg8[%swap3A_1563, %swap3A_1564, %swap3A_1565] {strides = array<i32>} : memref<2x128x128xf32, #tpu.memory_space<vmem>>, vector<1x1x16xf32>,
          %swap3A_1567 = vector.shape_cast %swap3A_1566 : vector<1x1x16xf32> to vector<16xf32>
          %swap3A_1568 = vector.shape_cast %mul3A_1561 : vector<16xf32> to vector<1x1x16xf32>
          tpu.vector_store %arg8[%swap3A_1563, %swap3A_1564, %swap3A_1565], %swap3A_1568 {strides = array<i32>} : memref<2x128x128xf32, #tpu.memory_space<vmem>>, vector<1x1x16xf32>,
          %get3A_1569 = arith.constant 0 : i32
          %get3A_1570 = arith.index_cast %get3A_1569 : i32 to index
          %get3A_1571 = arith.index_cast %add3A_1467 : i32 to index
          %get3A_1572 = arith.constant 112 : index
          %get3A_1573 = tpu.vector_load %arg8[%get3A_1570, %get3A_1571, %get3A_1572] {strides = array<i32>} : memref<2x128x128xf32, #tpu.memory_space<vmem>>, vector<1x1x16xf32>,
          %get3A_1574 = vector.shape_cast %get3A_1573 : vector<1x1x16xf32> to vector<16xf32>
          %mul3A_1575 = arith.mulf %get3A_1574, %broadcast_in_dim3A_1470 : vector<16xf32>
          %swap3A_1576 = arith.constant 0 : i32
          %swap3A_1577 = arith.index_cast %swap3A_1576 : i32 to index
          %swap3A_1578 = arith.index_cast %add3A_1467 : i32 to index
          %swap3A_1579 = arith.constant 112 : index
          %swap3A_1580 = tpu.vector_load %arg8[%swap3A_1577, %swap3A_1578, %swap3A_1579] {strides = array<i32>} : memref<2x128x128xf32, #tpu.memory_space<vmem>>, vector<1x1x16xf32>,
          %swap3A_1581 = vector.shape_cast %swap3A_1580 : vector<1x1x16xf32> to vector<16xf32>
          %swap3A_1582 = vector.shape_cast %mul3A_1575 : vector<16xf32> to vector<1x1x16xf32>
          tpu.vector_store %arg8[%swap3A_1577, %swap3A_1578, %swap3A_1579], %swap3A_1582 {strides = array<i32>} : memref<2x128x128xf32, #tpu.memory_space<vmem>>, vector<1x1x16xf32>,
          %mul3A_1583 = arith.constant 16 : i32
          %mul3A_1584 = arith.muli %mul3A_1583, %scan3A_151 : i32
          %add3A_1585 = arith.constant 12 : i32
          %add3A_1586 = arith.addi %mul3A_1584, %add3A_1585 : i32
          %slice3A_1587 = vector.extract_strided_slice %get3A_157 {offsets = [12], sizes = [1], strides = [1]} : vector<16xf32> to vector<1xf32>
          %squeeze3A_1588 = vector.extract %slice3A_1587[0] : f32 from vector<1xf32>
          %broadcast_in_dim3A_1589 = vector.broadcast %squeeze3A_1588 : f32 to vector<16xf32>
          %get3A_1590 = arith.constant 0 : i32
          %get3A_1591 = arith.index_cast %get3A_1590 : i32 to index
          %get3A_1592 = arith.index_cast %add3A_1586 : i32 to index
          %get3A_1593 = arith.constant 0 : index
          %get3A_1594 = tpu.vector_load %arg8[%get3A_1591, %get3A_1592, %get3A_1593] {strides = array<i32>} : memref<2x128x128xf32, #tpu.memory_space<vmem>>, vector<1x1x16xf32>,
          %get3A_1595 = vector.shape_cast %get3A_1594 : vector<1x1x16xf32> to vector<16xf32>
          %mul3A_1596 = arith.mulf %get3A_1595, %broadcast_in_dim3A_1589 : vector<16xf32>
          %swap3A_1597 = arith.constant 0 : i32
          %swap3A_1598 = arith.index_cast %swap3A_1597 : i32 to index
          %swap3A_1599 = arith.index_cast %add3A_1586 : i32 to index
          %swap3A_1600 = arith.constant 0 : index
          %swap3A_1601 = tpu.vector_load %arg8[%swap3A_1598, %swap3A_1599, %swap3A_1600] {strides = array<i32>} : memref<2x128x128xf32, #tpu.memory_space<vmem>>, vector<1x1x16xf32>,
          %swap3A_1602 = vector.shape_cast %swap3A_1601 : vector<1x1x16xf32> to vector<16xf32>
          %swap3A_1603 = vector.shape_cast %mul3A_1596 : vector<16xf32> to vector<1x1x16xf32>
          tpu.vector_store %arg8[%swap3A_1598, %swap3A_1599, %swap3A_1600], %swap3A_1603 {strides = array<i32>} : memref<2x128x128xf32, #tpu.memory_space<vmem>>, vector<1x1x16xf32>,
          %get3A_1604 = arith.constant 0 : i32
          %get3A_1605 = arith.index_cast %get3A_1604 : i32 to index
          %get3A_1606 = arith.index_cast %add3A_1586 : i32 to index
          %get3A_1607 = arith.constant 16 : index
          %get3A_1608 = tpu.vector_load %arg8[%get3A_1605, %get3A_1606, %get3A_1607] {strides = array<i32>} : memref<2x128x128xf32, #tpu.memory_space<vmem>>, vector<1x1x16xf32>,
          %get3A_1609 = vector.shape_cast %get3A_1608 : vector<1x1x16xf32> to vector<16xf32>
          %mul3A_1610 = arith.mulf %get3A_1609, %broadcast_in_dim3A_1589 : vector<16xf32>
          %swap3A_1611 = arith.constant 0 : i32
          %swap3A_1612 = arith.index_cast %swap3A_1611 : i32 to index
          %swap3A_1613 = arith.index_cast %add3A_1586 : i32 to index
          %swap3A_1614 = arith.constant 16 : index
          %swap3A_1615 = tpu.vector_load %arg8[%swap3A_1612, %swap3A_1613, %swap3A_1614] {strides = array<i32>} : memref<2x128x128xf32, #tpu.memory_space<vmem>>, vector<1x1x16xf32>,
          %swap3A_1616 = vector.shape_cast %swap3A_1615 : vector<1x1x16xf32> to vector<16xf32>
          %swap3A_1617 = vector.shape_cast %mul3A_1610 : vector<16xf32> to vector<1x1x16xf32>
          tpu.vector_store %arg8[%swap3A_1612, %swap3A_1613, %swap3A_1614], %swap3A_1617 {strides = array<i32>} : memref<2x128x128xf32, #tpu.memory_space<vmem>>, vector<1x1x16xf32>,
          %get3A_1618 = arith.constant 0 : i32
          %get3A_1619 = arith.index_cast %get3A_1618 : i32 to index
          %get3A_1620 = arith.index_cast %add3A_1586 : i32 to index
          %get3A_1621 = arith.constant 32 : index
          %get3A_1622 = tpu.vector_load %arg8[%get3A_1619, %get3A_1620, %get3A_1621] {strides = array<i32>} : memref<2x128x128xf32, #tpu.memory_space<vmem>>, vector<1x1x16xf32>,
          %get3A_1623 = vector.shape_cast %get3A_1622 : vector<1x1x16xf32> to vector<16xf32>
          %mul3A_1624 = arith.mulf %get3A_1623, %broadcast_in_dim3A_1589 : vector<16xf32>
          %swap3A_1625 = arith.constant 0 : i32
          %swap3A_1626 = arith.index_cast %swap3A_1625 : i32 to index
          %swap3A_1627 = arith.index_cast %add3A_1586 : i32 to index
          %swap3A_1628 = arith.constant 32 : index
          %swap3A_1629 = tpu.vector_load %arg8[%swap3A_1626, %swap3A_1627, %swap3A_1628] {strides = array<i32>} : memref<2x128x128xf32, #tpu.memory_space<vmem>>, vector<1x1x16xf32>,
          %swap3A_1630 = vector.shape_cast %swap3A_1629 : vector<1x1x16xf32> to vector<16xf32>
          %swap3A_1631 = vector.shape_cast %mul3A_1624 : vector<16xf32> to vector<1x1x16xf32>
          tpu.vector_store %arg8[%swap3A_1626, %swap3A_1627, %swap3A_1628], %swap3A_1631 {strides = array<i32>} : memref<2x128x128xf32, #tpu.memory_space<vmem>>, vector<1x1x16xf32>,
          %get3A_1632 = arith.constant 0 : i32
          %get3A_1633 = arith.index_cast %get3A_1632 : i32 to index
          %get3A_1634 = arith.index_cast %add3A_1586 : i32 to index
          %get3A_1635 = arith.constant 48 : index
          %get3A_1636 = tpu.vector_load %arg8[%get3A_1633, %get3A_1634, %get3A_1635] {strides = array<i32>} : memref<2x128x128xf32, #tpu.memory_space<vmem>>, vector<1x1x16xf32>,
          %get3A_1637 = vector.shape_cast %get3A_1636 : vector<1x1x16xf32> to vector<16xf32>
          %mul3A_1638 = arith.mulf %get3A_1637, %broadcast_in_dim3A_1589 : vector<16xf32>
          %swap3A_1639 = arith.constant 0 : i32
          %swap3A_1640 = arith.index_cast %swap3A_1639 : i32 to index
          %swap3A_1641 = arith.index_cast %add3A_1586 : i32 to index
          %swap3A_1642 = arith.constant 48 : index
          %swap3A_1643 = tpu.vector_load %arg8[%swap3A_1640, %swap3A_1641, %swap3A_1642] {strides = array<i32>} : memref<2x128x128xf32, #tpu.memory_space<vmem>>, vector<1x1x16xf32>,
          %swap3A_1644 = vector.shape_cast %swap3A_1643 : vector<1x1x16xf32> to vector<16xf32>
          %swap3A_1645 = vector.shape_cast %mul3A_1638 : vector<16xf32> to vector<1x1x16xf32>
          tpu.vector_store %arg8[%swap3A_1640, %swap3A_1641, %swap3A_1642], %swap3A_1645 {strides = array<i32>} : memref<2x128x128xf32, #tpu.memory_space<vmem>>, vector<1x1x16xf32>,
          %get3A_1646 = arith.constant 0 : i32
          %get3A_1647 = arith.index_cast %get3A_1646 : i32 to index
          %get3A_1648 = arith.index_cast %add3A_1586 : i32 to index
          %get3A_1649 = arith.constant 64 : index
          %get3A_1650 = tpu.vector_load %arg8[%get3A_1647, %get3A_1648, %get3A_1649] {strides = array<i32>} : memref<2x128x128xf32, #tpu.memory_space<vmem>>, vector<1x1x16xf32>,
          %get3A_1651 = vector.shape_cast %get3A_1650 : vector<1x1x16xf32> to vector<16xf32>
          %mul3A_1652 = arith.mulf %get3A_1651, %broadcast_in_dim3A_1589 : vector<16xf32>
          %swap3A_1653 = arith.constant 0 : i32
          %swap3A_1654 = arith.index_cast %swap3A_1653 : i32 to index
          %swap3A_1655 = arith.index_cast %add3A_1586 : i32 to index
          %swap3A_1656 = arith.constant 64 : index
          %swap3A_1657 = tpu.vector_load %arg8[%swap3A_1654, %swap3A_1655, %swap3A_1656] {strides = array<i32>} : memref<2x128x128xf32, #tpu.memory_space<vmem>>, vector<1x1x16xf32>,
          %swap3A_1658 = vector.shape_cast %swap3A_1657 : vector<1x1x16xf32> to vector<16xf32>
          %swap3A_1659 = vector.shape_cast %mul3A_1652 : vector<16xf32> to vector<1x1x16xf32>
          tpu.vector_store %arg8[%swap3A_1654, %swap3A_1655, %swap3A_1656], %swap3A_1659 {strides = array<i32>} : memref<2x128x128xf32, #tpu.memory_space<vmem>>, vector<1x1x16xf32>,
          %get3A_1660 = arith.constant 0 : i32
          %get3A_1661 = arith.index_cast %get3A_1660 : i32 to index
          %get3A_1662 = arith.index_cast %add3A_1586 : i32 to index
          %get3A_1663 = arith.constant 80 : index
          %get3A_1664 = tpu.vector_load %arg8[%get3A_1661, %get3A_1662, %get3A_1663] {strides = array<i32>} : memref<2x128x128xf32, #tpu.memory_space<vmem>>, vector<1x1x16xf32>,
          %get3A_1665 = vector.shape_cast %get3A_1664 : vector<1x1x16xf32> to vector<16xf32>
          %mul3A_1666 = arith.mulf %get3A_1665, %broadcast_in_dim3A_1589 : vector<16xf32>
          %swap3A_1667 = arith.constant 0 : i32
          %swap3A_1668 = arith.index_cast %swap3A_1667 : i32 to index
          %swap3A_1669 = arith.index_cast %add3A_1586 : i32 to index
          %swap3A_1670 = arith.constant 80 : index
          %swap3A_1671 = tpu.vector_load %arg8[%swap3A_1668, %swap3A_1669, %swap3A_1670] {strides = array<i32>} : memref<2x128x128xf32, #tpu.memory_space<vmem>>, vector<1x1x16xf32>,
          %swap3A_1672 = vector.shape_cast %swap3A_1671 : vector<1x1x16xf32> to vector<16xf32>
          %swap3A_1673 = vector.shape_cast %mul3A_1666 : vector<16xf32> to vector<1x1x16xf32>
          tpu.vector_store %arg8[%swap3A_1668, %swap3A_1669, %swap3A_1670], %swap3A_1673 {strides = array<i32>} : memref<2x128x128xf32, #tpu.memory_space<vmem>>, vector<1x1x16xf32>,
          %get3A_1674 = arith.constant 0 : i32
          %get3A_1675 = arith.index_cast %get3A_1674 : i32 to index
          %get3A_1676 = arith.index_cast %add3A_1586 : i32 to index
          %get3A_1677 = arith.constant 96 : index
          %get3A_1678 = tpu.vector_load %arg8[%get3A_1675, %get3A_1676, %get3A_1677] {strides = array<i32>} : memref<2x128x128xf32, #tpu.memory_space<vmem>>, vector<1x1x16xf32>,
          %get3A_1679 = vector.shape_cast %get3A_1678 : vector<1x1x16xf32> to vector<16xf32>
          %mul3A_1680 = arith.mulf %get3A_1679, %broadcast_in_dim3A_1589 : vector<16xf32>
          %swap3A_1681 = arith.constant 0 : i32
          %swap3A_1682 = arith.index_cast %swap3A_1681 : i32 to index
          %swap3A_1683 = arith.index_cast %add3A_1586 : i32 to index
          %swap3A_1684 = arith.constant 96 : index
          %swap3A_1685 = tpu.vector_load %arg8[%swap3A_1682, %swap3A_1683, %swap3A_1684] {strides = array<i32>} : memref<2x128x128xf32, #tpu.memory_space<vmem>>, vector<1x1x16xf32>,
          %swap3A_1686 = vector.shape_cast %swap3A_1685 : vector<1x1x16xf32> to vector<16xf32>
          %swap3A_1687 = vector.shape_cast %mul3A_1680 : vector<16xf32> to vector<1x1x16xf32>
          tpu.vector_store %arg8[%swap3A_1682, %swap3A_1683, %swap3A_1684], %swap3A_1687 {strides = array<i32>} : memref<2x128x128xf32, #tpu.memory_space<vmem>>, vector<1x1x16xf32>,
          %get3A_1688 = arith.constant 0 : i32
          %get3A_1689 = arith.index_cast %get3A_1688 : i32 to index
          %get3A_1690 = arith.index_cast %add3A_1586 : i32 to index
          %get3A_1691 = arith.constant 112 : index
          %get3A_1692 = tpu.vector_load %arg8[%get3A_1689, %get3A_1690, %get3A_1691] {strides = array<i32>} : memref<2x128x128xf32, #tpu.memory_space<vmem>>, vector<1x1x16xf32>,
          %get3A_1693 = vector.shape_cast %get3A_1692 : vector<1x1x16xf32> to vector<16xf32>
          %mul3A_1694 = arith.mulf %get3A_1693, %broadcast_in_dim3A_1589 : vector<16xf32>
          %swap3A_1695 = arith.constant 0 : i32
          %swap3A_1696 = arith.index_cast %swap3A_1695 : i32 to index
          %swap3A_1697 = arith.index_cast %add3A_1586 : i32 to index
          %swap3A_1698 = arith.constant 112 : index
          %swap3A_1699 = tpu.vector_load %arg8[%swap3A_1696, %swap3A_1697, %swap3A_1698] {strides = array<i32>} : memref<2x128x128xf32, #tpu.memory_space<vmem>>, vector<1x1x16xf32>,
          %swap3A_1700 = vector.shape_cast %swap3A_1699 : vector<1x1x16xf32> to vector<16xf32>
          %swap3A_1701 = vector.shape_cast %mul3A_1694 : vector<16xf32> to vector<1x1x16xf32>
          tpu.vector_store %arg8[%swap3A_1696, %swap3A_1697, %swap3A_1698], %swap3A_1701 {strides = array<i32>} : memref<2x128x128xf32, #tpu.memory_space<vmem>>, vector<1x1x16xf32>,
          %mul3A_1702 = arith.constant 16 : i32
          %mul3A_1703 = arith.muli %mul3A_1702, %scan3A_151 : i32
          %add3A_1704 = arith.constant 13 : i32
          %add3A_1705 = arith.addi %mul3A_1703, %add3A_1704 : i32
          %slice3A_1706 = vector.extract_strided_slice %get3A_157 {offsets = [13], sizes = [1], strides = [1]} : vector<16xf32> to vector<1xf32>
          %squeeze3A_1707 = vector.extract %slice3A_1706[0] : f32 from vector<1xf32>
          %broadcast_in_dim3A_1708 = vector.broadcast %squeeze3A_1707 : f32 to vector<16xf32>
          %get3A_1709 = arith.constant 0 : i32
          %get3A_1710 = arith.index_cast %get3A_1709 : i32 to index
          %get3A_1711 = arith.index_cast %add3A_1705 : i32 to index
          %get3A_1712 = arith.constant 0 : index
          %get3A_1713 = tpu.vector_load %arg8[%get3A_1710, %get3A_1711, %get3A_1712] {strides = array<i32>} : memref<2x128x128xf32, #tpu.memory_space<vmem>>, vector<1x1x16xf32>,
          %get3A_1714 = vector.shape_cast %get3A_1713 : vector<1x1x16xf32> to vector<16xf32>
          %mul3A_1715 = arith.mulf %get3A_1714, %broadcast_in_dim3A_1708 : vector<16xf32>
          %swap3A_1716 = arith.constant 0 : i32
          %swap3A_1717 = arith.index_cast %swap3A_1716 : i32 to index
          %swap3A_1718 = arith.index_cast %add3A_1705 : i32 to index
          %swap3A_1719 = arith.constant 0 : index
          %swap3A_1720 = tpu.vector_load %arg8[%swap3A_1717, %swap3A_1718, %swap3A_1719] {strides = array<i32>} : memref<2x128x128xf32, #tpu.memory_space<vmem>>, vector<1x1x16xf32>,
          %swap3A_1721 = vector.shape_cast %swap3A_1720 : vector<1x1x16xf32> to vector<16xf32>
          %swap3A_1722 = vector.shape_cast %mul3A_1715 : vector<16xf32> to vector<1x1x16xf32>
          tpu.vector_store %arg8[%swap3A_1717, %swap3A_1718, %swap3A_1719], %swap3A_1722 {strides = array<i32>} : memref<2x128x128xf32, #tpu.memory_space<vmem>>, vector<1x1x16xf32>,
          %get3A_1723 = arith.constant 0 : i32
          %get3A_1724 = arith.index_cast %get3A_1723 : i32 to index
          %get3A_1725 = arith.index_cast %add3A_1705 : i32 to index
          %get3A_1726 = arith.constant 16 : index
          %get3A_1727 = tpu.vector_load %arg8[%get3A_1724, %get3A_1725, %get3A_1726] {strides = array<i32>} : memref<2x128x128xf32, #tpu.memory_space<vmem>>, vector<1x1x16xf32>,
          %get3A_1728 = vector.shape_cast %get3A_1727 : vector<1x1x16xf32> to vector<16xf32>
          %mul3A_1729 = arith.mulf %get3A_1728, %broadcast_in_dim3A_1708 : vector<16xf32>
          %swap3A_1730 = arith.constant 0 : i32
          %swap3A_1731 = arith.index_cast %swap3A_1730 : i32 to index
          %swap3A_1732 = arith.index_cast %add3A_1705 : i32 to index
          %swap3A_1733 = arith.constant 16 : index
          %swap3A_1734 = tpu.vector_load %arg8[%swap3A_1731, %swap3A_1732, %swap3A_1733] {strides = array<i32>} : memref<2x128x128xf32, #tpu.memory_space<vmem>>, vector<1x1x16xf32>,
          %swap3A_1735 = vector.shape_cast %swap3A_1734 : vector<1x1x16xf32> to vector<16xf32>
          %swap3A_1736 = vector.shape_cast %mul3A_1729 : vector<16xf32> to vector<1x1x16xf32>
          tpu.vector_store %arg8[%swap3A_1731, %swap3A_1732, %swap3A_1733], %swap3A_1736 {strides = array<i32>} : memref<2x128x128xf32, #tpu.memory_space<vmem>>, vector<1x1x16xf32>,
          %get3A_1737 = arith.constant 0 : i32
          %get3A_1738 = arith.index_cast %get3A_1737 : i32 to index
          %get3A_1739 = arith.index_cast %add3A_1705 : i32 to index
          %get3A_1740 = arith.constant 32 : index
          %get3A_1741 = tpu.vector_load %arg8[%get3A_1738, %get3A_1739, %get3A_1740] {strides = array<i32>} : memref<2x128x128xf32, #tpu.memory_space<vmem>>, vector<1x1x16xf32>,
          %get3A_1742 = vector.shape_cast %get3A_1741 : vector<1x1x16xf32> to vector<16xf32>
          %mul3A_1743 = arith.mulf %get3A_1742, %broadcast_in_dim3A_1708 : vector<16xf32>
          %swap3A_1744 = arith.constant 0 : i32
          %swap3A_1745 = arith.index_cast %swap3A_1744 : i32 to index
          %swap3A_1746 = arith.index_cast %add3A_1705 : i32 to index
          %swap3A_1747 = arith.constant 32 : index
          %swap3A_1748 = tpu.vector_load %arg8[%swap3A_1745, %swap3A_1746, %swap3A_1747] {strides = array<i32>} : memref<2x128x128xf32, #tpu.memory_space<vmem>>, vector<1x1x16xf32>,
          %swap3A_1749 = vector.shape_cast %swap3A_1748 : vector<1x1x16xf32> to vector<16xf32>
          %swap3A_1750 = vector.shape_cast %mul3A_1743 : vector<16xf32> to vector<1x1x16xf32>
          tpu.vector_store %arg8[%swap3A_1745, %swap3A_1746, %swap3A_1747], %swap3A_1750 {strides = array<i32>} : memref<2x128x128xf32, #tpu.memory_space<vmem>>, vector<1x1x16xf32>,
          %get3A_1751 = arith.constant 0 : i32
          %get3A_1752 = arith.index_cast %get3A_1751 : i32 to index
          %get3A_1753 = arith.index_cast %add3A_1705 : i32 to index
          %get3A_1754 = arith.constant 48 : index
          %get3A_1755 = tpu.vector_load %arg8[%get3A_1752, %get3A_1753, %get3A_1754] {strides = array<i32>} : memref<2x128x128xf32, #tpu.memory_space<vmem>>, vector<1x1x16xf32>,
          %get3A_1756 = vector.shape_cast %get3A_1755 : vector<1x1x16xf32> to vector<16xf32>
          %mul3A_1757 = arith.mulf %get3A_1756, %broadcast_in_dim3A_1708 : vector<16xf32>
          %swap3A_1758 = arith.constant 0 : i32
          %swap3A_1759 = arith.index_cast %swap3A_1758 : i32 to index
          %swap3A_1760 = arith.index_cast %add3A_1705 : i32 to index
          %swap3A_1761 = arith.constant 48 : index
          %swap3A_1762 = tpu.vector_load %arg8[%swap3A_1759, %swap3A_1760, %swap3A_1761] {strides = array<i32>} : memref<2x128x128xf32, #tpu.memory_space<vmem>>, vector<1x1x16xf32>,
          %swap3A_1763 = vector.shape_cast %swap3A_1762 : vector<1x1x16xf32> to vector<16xf32>
          %swap3A_1764 = vector.shape_cast %mul3A_1757 : vector<16xf32> to vector<1x1x16xf32>
          tpu.vector_store %arg8[%swap3A_1759, %swap3A_1760, %swap3A_1761], %swap3A_1764 {strides = array<i32>} : memref<2x128x128xf32, #tpu.memory_space<vmem>>, vector<1x1x16xf32>,
          %get3A_1765 = arith.constant 0 : i32
          %get3A_1766 = arith.index_cast %get3A_1765 : i32 to index
          %get3A_1767 = arith.index_cast %add3A_1705 : i32 to index
          %get3A_1768 = arith.constant 64 : index
          %get3A_1769 = tpu.vector_load %arg8[%get3A_1766, %get3A_1767, %get3A_1768] {strides = array<i32>} : memref<2x128x128xf32, #tpu.memory_space<vmem>>, vector<1x1x16xf32>,
          %get3A_1770 = vector.shape_cast %get3A_1769 : vector<1x1x16xf32> to vector<16xf32>
          %mul3A_1771 = arith.mulf %get3A_1770, %broadcast_in_dim3A_1708 : vector<16xf32>
          %swap3A_1772 = arith.constant 0 : i32
          %swap3A_1773 = arith.index_cast %swap3A_1772 : i32 to index
          %swap3A_1774 = arith.index_cast %add3A_1705 : i32 to index
          %swap3A_1775 = arith.constant 64 : index
          %swap3A_1776 = tpu.vector_load %arg8[%swap3A_1773, %swap3A_1774, %swap3A_1775] {strides = array<i32>} : memref<2x128x128xf32, #tpu.memory_space<vmem>>, vector<1x1x16xf32>,
          %swap3A_1777 = vector.shape_cast %swap3A_1776 : vector<1x1x16xf32> to vector<16xf32>
          %swap3A_1778 = vector.shape_cast %mul3A_1771 : vector<16xf32> to vector<1x1x16xf32>
          tpu.vector_store %arg8[%swap3A_1773, %swap3A_1774, %swap3A_1775], %swap3A_1778 {strides = array<i32>} : memref<2x128x128xf32, #tpu.memory_space<vmem>>, vector<1x1x16xf32>,
          %get3A_1779 = arith.constant 0 : i32
          %get3A_1780 = arith.index_cast %get3A_1779 : i32 to index
          %get3A_1781 = arith.index_cast %add3A_1705 : i32 to index
          %get3A_1782 = arith.constant 80 : index
          %get3A_1783 = tpu.vector_load %arg8[%get3A_1780, %get3A_1781, %get3A_1782] {strides = array<i32>} : memref<2x128x128xf32, #tpu.memory_space<vmem>>, vector<1x1x16xf32>,
          %get3A_1784 = vector.shape_cast %get3A_1783 : vector<1x1x16xf32> to vector<16xf32>
          %mul3A_1785 = arith.mulf %get3A_1784, %broadcast_in_dim3A_1708 : vector<16xf32>
          %swap3A_1786 = arith.constant 0 : i32
          %swap3A_1787 = arith.index_cast %swap3A_1786 : i32 to index
          %swap3A_1788 = arith.index_cast %add3A_1705 : i32 to index
          %swap3A_1789 = arith.constant 80 : index
          %swap3A_1790 = tpu.vector_load %arg8[%swap3A_1787, %swap3A_1788, %swap3A_1789] {strides = array<i32>} : memref<2x128x128xf32, #tpu.memory_space<vmem>>, vector<1x1x16xf32>,
          %swap3A_1791 = vector.shape_cast %swap3A_1790 : vector<1x1x16xf32> to vector<16xf32>
          %swap3A_1792 = vector.shape_cast %mul3A_1785 : vector<16xf32> to vector<1x1x16xf32>
          tpu.vector_store %arg8[%swap3A_1787, %swap3A_1788, %swap3A_1789], %swap3A_1792 {strides = array<i32>} : memref<2x128x128xf32, #tpu.memory_space<vmem>>, vector<1x1x16xf32>,
          %get3A_1793 = arith.constant 0 : i32
          %get3A_1794 = arith.index_cast %get3A_1793 : i32 to index
          %get3A_1795 = arith.index_cast %add3A_1705 : i32 to index
          %get3A_1796 = arith.constant 96 : index
          %get3A_1797 = tpu.vector_load %arg8[%get3A_1794, %get3A_1795, %get3A_1796] {strides = array<i32>} : memref<2x128x128xf32, #tpu.memory_space<vmem>>, vector<1x1x16xf32>,
          %get3A_1798 = vector.shape_cast %get3A_1797 : vector<1x1x16xf32> to vector<16xf32>
          %mul3A_1799 = arith.mulf %get3A_1798, %broadcast_in_dim3A_1708 : vector<16xf32>
          %swap3A_1800 = arith.constant 0 : i32
          %swap3A_1801 = arith.index_cast %swap3A_1800 : i32 to index
          %swap3A_1802 = arith.index_cast %add3A_1705 : i32 to index
          %swap3A_1803 = arith.constant 96 : index
          %swap3A_1804 = tpu.vector_load %arg8[%swap3A_1801, %swap3A_1802, %swap3A_1803] {strides = array<i32>} : memref<2x128x128xf32, #tpu.memory_space<vmem>>, vector<1x1x16xf32>,
          %swap3A_1805 = vector.shape_cast %swap3A_1804 : vector<1x1x16xf32> to vector<16xf32>
          %swap3A_1806 = vector.shape_cast %mul3A_1799 : vector<16xf32> to vector<1x1x16xf32>
          tpu.vector_store %arg8[%swap3A_1801, %swap3A_1802, %swap3A_1803], %swap3A_1806 {strides = array<i32>} : memref<2x128x128xf32, #tpu.memory_space<vmem>>, vector<1x1x16xf32>,
          %get3A_1807 = arith.constant 0 : i32
          %get3A_1808 = arith.index_cast %get3A_1807 : i32 to index
          %get3A_1809 = arith.index_cast %add3A_1705 : i32 to index
          %get3A_1810 = arith.constant 112 : index
          %get3A_1811 = tpu.vector_load %arg8[%get3A_1808, %get3A_1809, %get3A_1810] {strides = array<i32>} : memref<2x128x128xf32, #tpu.memory_space<vmem>>, vector<1x1x16xf32>,
          %get3A_1812 = vector.shape_cast %get3A_1811 : vector<1x1x16xf32> to vector<16xf32>
          %mul3A_1813 = arith.mulf %get3A_1812, %broadcast_in_dim3A_1708 : vector<16xf32>
          %swap3A_1814 = arith.constant 0 : i32
          %swap3A_1815 = arith.index_cast %swap3A_1814 : i32 to index
          %swap3A_1816 = arith.index_cast %add3A_1705 : i32 to index
          %swap3A_1817 = arith.constant 112 : index
          %swap3A_1818 = tpu.vector_load %arg8[%swap3A_1815, %swap3A_1816, %swap3A_1817] {strides = array<i32>} : memref<2x128x128xf32, #tpu.memory_space<vmem>>, vector<1x1x16xf32>,
          %swap3A_1819 = vector.shape_cast %swap3A_1818 : vector<1x1x16xf32> to vector<16xf32>
          %swap3A_1820 = vector.shape_cast %mul3A_1813 : vector<16xf32> to vector<1x1x16xf32>
          tpu.vector_store %arg8[%swap3A_1815, %swap3A_1816, %swap3A_1817], %swap3A_1820 {strides = array<i32>} : memref<2x128x128xf32, #tpu.memory_space<vmem>>, vector<1x1x16xf32>,
          %mul3A_1821 = arith.constant 16 : i32
          %mul3A_1822 = arith.muli %mul3A_1821, %scan3A_151 : i32
          %add3A_1823 = arith.constant 14 : i32
          %add3A_1824 = arith.addi %mul3A_1822, %add3A_1823 : i32
          %slice3A_1825 = vector.extract_strided_slice %get3A_157 {offsets = [14], sizes = [1], strides = [1]} : vector<16xf32> to vector<1xf32>
          %squeeze3A_1826 = vector.extract %slice3A_1825[0] : f32 from vector<1xf32>
          %broadcast_in_dim3A_1827 = vector.broadcast %squeeze3A_1826 : f32 to vector<16xf32>
          %get3A_1828 = arith.constant 0 : i32
          %get3A_1829 = arith.index_cast %get3A_1828 : i32 to index
          %get3A_1830 = arith.index_cast %add3A_1824 : i32 to index
          %get3A_1831 = arith.constant 0 : index
          %get3A_1832 = tpu.vector_load %arg8[%get3A_1829, %get3A_1830, %get3A_1831] {strides = array<i32>} : memref<2x128x128xf32, #tpu.memory_space<vmem>>, vector<1x1x16xf32>,
          %get3A_1833 = vector.shape_cast %get3A_1832 : vector<1x1x16xf32> to vector<16xf32>
          %mul3A_1834 = arith.mulf %get3A_1833, %broadcast_in_dim3A_1827 : vector<16xf32>
          %swap3A_1835 = arith.constant 0 : i32
          %swap3A_1836 = arith.index_cast %swap3A_1835 : i32 to index
          %swap3A_1837 = arith.index_cast %add3A_1824 : i32 to index
          %swap3A_1838 = arith.constant 0 : index
          %swap3A_1839 = tpu.vector_load %arg8[%swap3A_1836, %swap3A_1837, %swap3A_1838] {strides = array<i32>} : memref<2x128x128xf32, #tpu.memory_space<vmem>>, vector<1x1x16xf32>,
          %swap3A_1840 = vector.shape_cast %swap3A_1839 : vector<1x1x16xf32> to vector<16xf32>
          %swap3A_1841 = vector.shape_cast %mul3A_1834 : vector<16xf32> to vector<1x1x16xf32>
          tpu.vector_store %arg8[%swap3A_1836, %swap3A_1837, %swap3A_1838], %swap3A_1841 {strides = array<i32>} : memref<2x128x128xf32, #tpu.memory_space<vmem>>, vector<1x1x16xf32>,
          %get3A_1842 = arith.constant 0 : i32
          %get3A_1843 = arith.index_cast %get3A_1842 : i32 to index
          %get3A_1844 = arith.index_cast %add3A_1824 : i32 to index
          %get3A_1845 = arith.constant 16 : index
          %get3A_1846 = tpu.vector_load %arg8[%get3A_1843, %get3A_1844, %get3A_1845] {strides = array<i32>} : memref<2x128x128xf32, #tpu.memory_space<vmem>>, vector<1x1x16xf32>,
          %get3A_1847 = vector.shape_cast %get3A_1846 : vector<1x1x16xf32> to vector<16xf32>
          %mul3A_1848 = arith.mulf %get3A_1847, %broadcast_in_dim3A_1827 : vector<16xf32>
          %swap3A_1849 = arith.constant 0 : i32
          %swap3A_1850 = arith.index_cast %swap3A_1849 : i32 to index
          %swap3A_1851 = arith.index_cast %add3A_1824 : i32 to index
          %swap3A_1852 = arith.constant 16 : index
          %swap3A_1853 = tpu.vector_load %arg8[%swap3A_1850, %swap3A_1851, %swap3A_1852] {strides = array<i32>} : memref<2x128x128xf32, #tpu.memory_space<vmem>>, vector<1x1x16xf32>,
          %swap3A_1854 = vector.shape_cast %swap3A_1853 : vector<1x1x16xf32> to vector<16xf32>
          %swap3A_1855 = vector.shape_cast %mul3A_1848 : vector<16xf32> to vector<1x1x16xf32>
          tpu.vector_store %arg8[%swap3A_1850, %swap3A_1851, %swap3A_1852], %swap3A_1855 {strides = array<i32>} : memref<2x128x128xf32, #tpu.memory_space<vmem>>, vector<1x1x16xf32>,
          %get3A_1856 = arith.constant 0 : i32
          %get3A_1857 = arith.index_cast %get3A_1856 : i32 to index
          %get3A_1858 = arith.index_cast %add3A_1824 : i32 to index
          %get3A_1859 = arith.constant 32 : index
          %get3A_1860 = tpu.vector_load %arg8[%get3A_1857, %get3A_1858, %get3A_1859] {strides = array<i32>} : memref<2x128x128xf32, #tpu.memory_space<vmem>>, vector<1x1x16xf32>,
          %get3A_1861 = vector.shape_cast %get3A_1860 : vector<1x1x16xf32> to vector<16xf32>
          %mul3A_1862 = arith.mulf %get3A_1861, %broadcast_in_dim3A_1827 : vector<16xf32>
          %swap3A_1863 = arith.constant 0 : i32
          %swap3A_1864 = arith.index_cast %swap3A_1863 : i32 to index
          %swap3A_1865 = arith.index_cast %add3A_1824 : i32 to index
          %swap3A_1866 = arith.constant 32 : index
          %swap3A_1867 = tpu.vector_load %arg8[%swap3A_1864, %swap3A_1865, %swap3A_1866] {strides = array<i32>} : memref<2x128x128xf32, #tpu.memory_space<vmem>>, vector<1x1x16xf32>,
          %swap3A_1868 = vector.shape_cast %swap3A_1867 : vector<1x1x16xf32> to vector<16xf32>
          %swap3A_1869 = vector.shape_cast %mul3A_1862 : vector<16xf32> to vector<1x1x16xf32>
          tpu.vector_store %arg8[%swap3A_1864, %swap3A_1865, %swap3A_1866], %swap3A_1869 {strides = array<i32>} : memref<2x128x128xf32, #tpu.memory_space<vmem>>, vector<1x1x16xf32>,
          %get3A_1870 = arith.constant 0 : i32
          %get3A_1871 = arith.index_cast %get3A_1870 : i32 to index
          %get3A_1872 = arith.index_cast %add3A_1824 : i32 to index
          %get3A_1873 = arith.constant 48 : index
          %get3A_1874 = tpu.vector_load %arg8[%get3A_1871, %get3A_1872, %get3A_1873] {strides = array<i32>} : memref<2x128x128xf32, #tpu.memory_space<vmem>>, vector<1x1x16xf32>,
          %get3A_1875 = vector.shape_cast %get3A_1874 : vector<1x1x16xf32> to vector<16xf32>
          %mul3A_1876 = arith.mulf %get3A_1875, %broadcast_in_dim3A_1827 : vector<16xf32>
          %swap3A_1877 = arith.constant 0 : i32
          %swap3A_1878 = arith.index_cast %swap3A_1877 : i32 to index
          %swap3A_1879 = arith.index_cast %add3A_1824 : i32 to index
          %swap3A_1880 = arith.constant 48 : index
          %swap3A_1881 = tpu.vector_load %arg8[%swap3A_1878, %swap3A_1879, %swap3A_1880] {strides = array<i32>} : memref<2x128x128xf32, #tpu.memory_space<vmem>>, vector<1x1x16xf32>,
          %swap3A_1882 = vector.shape_cast %swap3A_1881 : vector<1x1x16xf32> to vector<16xf32>
          %swap3A_1883 = vector.shape_cast %mul3A_1876 : vector<16xf32> to vector<1x1x16xf32>
          tpu.vector_store %arg8[%swap3A_1878, %swap3A_1879, %swap3A_1880], %swap3A_1883 {strides = array<i32>} : memref<2x128x128xf32, #tpu.memory_space<vmem>>, vector<1x1x16xf32>,
          %get3A_1884 = arith.constant 0 : i32
          %get3A_1885 = arith.index_cast %get3A_1884 : i32 to index
          %get3A_1886 = arith.index_cast %add3A_1824 : i32 to index
          %get3A_1887 = arith.constant 64 : index
          %get3A_1888 = tpu.vector_load %arg8[%get3A_1885, %get3A_1886, %get3A_1887] {strides = array<i32>} : memref<2x128x128xf32, #tpu.memory_space<vmem>>, vector<1x1x16xf32>,
          %get3A_1889 = vector.shape_cast %get3A_1888 : vector<1x1x16xf32> to vector<16xf32>
          %mul3A_1890 = arith.mulf %get3A_1889, %broadcast_in_dim3A_1827 : vector<16xf32>
          %swap3A_1891 = arith.constant 0 : i32
          %swap3A_1892 = arith.index_cast %swap3A_1891 : i32 to index
          %swap3A_1893 = arith.index_cast %add3A_1824 : i32 to index
          %swap3A_1894 = arith.constant 64 : index
          %swap3A_1895 = tpu.vector_load %arg8[%swap3A_1892, %swap3A_1893, %swap3A_1894] {strides = array<i32>} : memref<2x128x128xf32, #tpu.memory_space<vmem>>, vector<1x1x16xf32>,
          %swap3A_1896 = vector.shape_cast %swap3A_1895 : vector<1x1x16xf32> to vector<16xf32>
          %swap3A_1897 = vector.shape_cast %mul3A_1890 : vector<16xf32> to vector<1x1x16xf32>
          tpu.vector_store %arg8[%swap3A_1892, %swap3A_1893, %swap3A_1894], %swap3A_1897 {strides = array<i32>} : memref<2x128x128xf32, #tpu.memory_space<vmem>>, vector<1x1x16xf32>,
          %get3A_1898 = arith.constant 0 : i32
          %get3A_1899 = arith.index_cast %get3A_1898 : i32 to index
          %get3A_1900 = arith.index_cast %add3A_1824 : i32 to index
          %get3A_1901 = arith.constant 80 : index
          %get3A_1902 = tpu.vector_load %arg8[%get3A_1899, %get3A_1900, %get3A_1901] {strides = array<i32>} : memref<2x128x128xf32, #tpu.memory_space<vmem>>, vector<1x1x16xf32>,
          %get3A_1903 = vector.shape_cast %get3A_1902 : vector<1x1x16xf32> to vector<16xf32>
          %mul3A_1904 = arith.mulf %get3A_1903, %broadcast_in_dim3A_1827 : vector<16xf32>
          %swap3A_1905 = arith.constant 0 : i32
          %swap3A_1906 = arith.index_cast %swap3A_1905 : i32 to index
          %swap3A_1907 = arith.index_cast %add3A_1824 : i32 to index
          %swap3A_1908 = arith.constant 80 : index
          %swap3A_1909 = tpu.vector_load %arg8[%swap3A_1906, %swap3A_1907, %swap3A_1908] {strides = array<i32>} : memref<2x128x128xf32, #tpu.memory_space<vmem>>, vector<1x1x16xf32>,
          %swap3A_1910 = vector.shape_cast %swap3A_1909 : vector<1x1x16xf32> to vector<16xf32>
          %swap3A_1911 = vector.shape_cast %mul3A_1904 : vector<16xf32> to vector<1x1x16xf32>
          tpu.vector_store %arg8[%swap3A_1906, %swap3A_1907, %swap3A_1908], %swap3A_1911 {strides = array<i32>} : memref<2x128x128xf32, #tpu.memory_space<vmem>>, vector<1x1x16xf32>,
          %get3A_1912 = arith.constant 0 : i32
          %get3A_1913 = arith.index_cast %get3A_1912 : i32 to index
          %get3A_1914 = arith.index_cast %add3A_1824 : i32 to index
          %get3A_1915 = arith.constant 96 : index
          %get3A_1916 = tpu.vector_load %arg8[%get3A_1913, %get3A_1914, %get3A_1915] {strides = array<i32>} : memref<2x128x128xf32, #tpu.memory_space<vmem>>, vector<1x1x16xf32>,
          %get3A_1917 = vector.shape_cast %get3A_1916 : vector<1x1x16xf32> to vector<16xf32>
          %mul3A_1918 = arith.mulf %get3A_1917, %broadcast_in_dim3A_1827 : vector<16xf32>
          %swap3A_1919 = arith.constant 0 : i32
          %swap3A_1920 = arith.index_cast %swap3A_1919 : i32 to index
          %swap3A_1921 = arith.index_cast %add3A_1824 : i32 to index
          %swap3A_1922 = arith.constant 96 : index
          %swap3A_1923 = tpu.vector_load %arg8[%swap3A_1920, %swap3A_1921, %swap3A_1922] {strides = array<i32>} : memref<2x128x128xf32, #tpu.memory_space<vmem>>, vector<1x1x16xf32>,
          %swap3A_1924 = vector.shape_cast %swap3A_1923 : vector<1x1x16xf32> to vector<16xf32>
          %swap3A_1925 = vector.shape_cast %mul3A_1918 : vector<16xf32> to vector<1x1x16xf32>
          tpu.vector_store %arg8[%swap3A_1920, %swap3A_1921, %swap3A_1922], %swap3A_1925 {strides = array<i32>} : memref<2x128x128xf32, #tpu.memory_space<vmem>>, vector<1x1x16xf32>,
          %get3A_1926 = arith.constant 0 : i32
          %get3A_1927 = arith.index_cast %get3A_1926 : i32 to index
          %get3A_1928 = arith.index_cast %add3A_1824 : i32 to index
          %get3A_1929 = arith.constant 112 : index
          %get3A_1930 = tpu.vector_load %arg8[%get3A_1927, %get3A_1928, %get3A_1929] {strides = array<i32>} : memref<2x128x128xf32, #tpu.memory_space<vmem>>, vector<1x1x16xf32>,
          %get3A_1931 = vector.shape_cast %get3A_1930 : vector<1x1x16xf32> to vector<16xf32>
          %mul3A_1932 = arith.mulf %get3A_1931, %broadcast_in_dim3A_1827 : vector<16xf32>
          %swap3A_1933 = arith.constant 0 : i32
          %swap3A_1934 = arith.index_cast %swap3A_1933 : i32 to index
          %swap3A_1935 = arith.index_cast %add3A_1824 : i32 to index
          %swap3A_1936 = arith.constant 112 : index
          %swap3A_1937 = tpu.vector_load %arg8[%swap3A_1934, %swap3A_1935, %swap3A_1936] {strides = array<i32>} : memref<2x128x128xf32, #tpu.memory_space<vmem>>, vector<1x1x16xf32>,
          %swap3A_1938 = vector.shape_cast %swap3A_1937 : vector<1x1x16xf32> to vector<16xf32>
          %swap3A_1939 = vector.shape_cast %mul3A_1932 : vector<16xf32> to vector<1x1x16xf32>
          tpu.vector_store %arg8[%swap3A_1934, %swap3A_1935, %swap3A_1936], %swap3A_1939 {strides = array<i32>} : memref<2x128x128xf32, #tpu.memory_space<vmem>>, vector<1x1x16xf32>,
          %mul3A_1940 = arith.constant 16 : i32
          %mul3A_1941 = arith.muli %mul3A_1940, %scan3A_151 : i32
          %add3A_1942 = arith.constant 15 : i32
          %add3A_1943 = arith.addi %mul3A_1941, %add3A_1942 : i32
          %slice3A_1944 = vector.extract_strided_slice %get3A_157 {offsets = [15], sizes = [1], strides = [1]} : vector<16xf32> to vector<1xf32>
          %squeeze3A_1945 = vector.extract %slice3A_1944[0] : f32 from vector<1xf32>
          %broadcast_in_dim3A_1946 = vector.broadcast %squeeze3A_1945 : f32 to vector<16xf32>
          %get3A_1947 = arith.constant 0 : i32
          %get3A_1948 = arith.index_cast %get3A_1947 : i32 to index
          %get3A_1949 = arith.index_cast %add3A_1943 : i32 to index
          %get3A_1950 = arith.constant 0 : index
          %get3A_1951 = tpu.vector_load %arg8[%get3A_1948, %get3A_1949, %get3A_1950] {strides = array<i32>} : memref<2x128x128xf32, #tpu.memory_space<vmem>>, vector<1x1x16xf32>,
          %get3A_1952 = vector.shape_cast %get3A_1951 : vector<1x1x16xf32> to vector<16xf32>
          %mul3A_1953 = arith.mulf %get3A_1952, %broadcast_in_dim3A_1946 : vector<16xf32>
          %swap3A_1954 = arith.constant 0 : i32
          %swap3A_1955 = arith.index_cast %swap3A_1954 : i32 to index
          %swap3A_1956 = arith.index_cast %add3A_1943 : i32 to index
          %swap3A_1957 = arith.constant 0 : index
          %swap3A_1958 = tpu.vector_load %arg8[%swap3A_1955, %swap3A_1956, %swap3A_1957] {strides = array<i32>} : memref<2x128x128xf32, #tpu.memory_space<vmem>>, vector<1x1x16xf32>,
          %swap3A_1959 = vector.shape_cast %swap3A_1958 : vector<1x1x16xf32> to vector<16xf32>
          %swap3A_1960 = vector.shape_cast %mul3A_1953 : vector<16xf32> to vector<1x1x16xf32>
          tpu.vector_store %arg8[%swap3A_1955, %swap3A_1956, %swap3A_1957], %swap3A_1960 {strides = array<i32>} : memref<2x128x128xf32, #tpu.memory_space<vmem>>, vector<1x1x16xf32>,
          %get3A_1961 = arith.constant 0 : i32
          %get3A_1962 = arith.index_cast %get3A_1961 : i32 to index
          %get3A_1963 = arith.index_cast %add3A_1943 : i32 to index
          %get3A_1964 = arith.constant 16 : index
          %get3A_1965 = tpu.vector_load %arg8[%get3A_1962, %get3A_1963, %get3A_1964] {strides = array<i32>} : memref<2x128x128xf32, #tpu.memory_space<vmem>>, vector<1x1x16xf32>,
          %get3A_1966 = vector.shape_cast %get3A_1965 : vector<1x1x16xf32> to vector<16xf32>
          %mul3A_1967 = arith.mulf %get3A_1966, %broadcast_in_dim3A_1946 : vector<16xf32>
          %swap3A_1968 = arith.constant 0 : i32
          %swap3A_1969 = arith.index_cast %swap3A_1968 : i32 to index
          %swap3A_1970 = arith.index_cast %add3A_1943 : i32 to index
          %swap3A_1971 = arith.constant 16 : index
          %swap3A_1972 = tpu.vector_load %arg8[%swap3A_1969, %swap3A_1970, %swap3A_1971] {strides = array<i32>} : memref<2x128x128xf32, #tpu.memory_space<vmem>>, vector<1x1x16xf32>,
          %swap3A_1973 = vector.shape_cast %swap3A_1972 : vector<1x1x16xf32> to vector<16xf32>
          %swap3A_1974 = vector.shape_cast %mul3A_1967 : vector<16xf32> to vector<1x1x16xf32>
          tpu.vector_store %arg8[%swap3A_1969, %swap3A_1970, %swap3A_1971], %swap3A_1974 {strides = array<i32>} : memref<2x128x128xf32, #tpu.memory_space<vmem>>, vector<1x1x16xf32>,
          %get3A_1975 = arith.constant 0 : i32
          %get3A_1976 = arith.index_cast %get3A_1975 : i32 to index
          %get3A_1977 = arith.index_cast %add3A_1943 : i32 to index
          %get3A_1978 = arith.constant 32 : index
          %get3A_1979 = tpu.vector_load %arg8[%get3A_1976, %get3A_1977, %get3A_1978] {strides = array<i32>} : memref<2x128x128xf32, #tpu.memory_space<vmem>>, vector<1x1x16xf32>,
          %get3A_1980 = vector.shape_cast %get3A_1979 : vector<1x1x16xf32> to vector<16xf32>
          %mul3A_1981 = arith.mulf %get3A_1980, %broadcast_in_dim3A_1946 : vector<16xf32>
          %swap3A_1982 = arith.constant 0 : i32
          %swap3A_1983 = arith.index_cast %swap3A_1982 : i32 to index
          %swap3A_1984 = arith.index_cast %add3A_1943 : i32 to index
          %swap3A_1985 = arith.constant 32 : index
          %swap3A_1986 = tpu.vector_load %arg8[%swap3A_1983, %swap3A_1984, %swap3A_1985] {strides = array<i32>} : memref<2x128x128xf32, #tpu.memory_space<vmem>>, vector<1x1x16xf32>,
          %swap3A_1987 = vector.shape_cast %swap3A_1986 : vector<1x1x16xf32> to vector<16xf32>
          %swap3A_1988 = vector.shape_cast %mul3A_1981 : vector<16xf32> to vector<1x1x16xf32>
          tpu.vector_store %arg8[%swap3A_1983, %swap3A_1984, %swap3A_1985], %swap3A_1988 {strides = array<i32>} : memref<2x128x128xf32, #tpu.memory_space<vmem>>, vector<1x1x16xf32>,
          %get3A_1989 = arith.constant 0 : i32
          %get3A_1990 = arith.index_cast %get3A_1989 : i32 to index
          %get3A_1991 = arith.index_cast %add3A_1943 : i32 to index
          %get3A_1992 = arith.constant 48 : index
          %get3A_1993 = tpu.vector_load %arg8[%get3A_1990, %get3A_1991, %get3A_1992] {strides = array<i32>} : memref<2x128x128xf32, #tpu.memory_space<vmem>>, vector<1x1x16xf32>,
          %get3A_1994 = vector.shape_cast %get3A_1993 : vector<1x1x16xf32> to vector<16xf32>
          %mul3A_1995 = arith.mulf %get3A_1994, %broadcast_in_dim3A_1946 : vector<16xf32>
          %swap3A_1996 = arith.constant 0 : i32
          %swap3A_1997 = arith.index_cast %swap3A_1996 : i32 to index
          %swap3A_1998 = arith.index_cast %add3A_1943 : i32 to index
          %swap3A_1999 = arith.constant 48 : index
          %swap3A_2000 = tpu.vector_load %arg8[%swap3A_1997, %swap3A_1998, %swap3A_1999] {strides = array<i32>} : memref<2x128x128xf32, #tpu.memory_space<vmem>>, vector<1x1x16xf32>,
          %swap3A_2001 = vector.shape_cast %swap3A_2000 : vector<1x1x16xf32> to vector<16xf32>
          %swap3A_2002 = vector.shape_cast %mul3A_1995 : vector<16xf32> to vector<1x1x16xf32>
          tpu.vector_store %arg8[%swap3A_1997, %swap3A_1998, %swap3A_1999], %swap3A_2002 {strides = array<i32>} : memref<2x128x128xf32, #tpu.memory_space<vmem>>, vector<1x1x16xf32>,
          %get3A_2003 = arith.constant 0 : i32
          %get3A_2004 = arith.index_cast %get3A_2003 : i32 to index
          %get3A_2005 = arith.index_cast %add3A_1943 : i32 to index
          %get3A_2006 = arith.constant 64 : index
          %get3A_2007 = tpu.vector_load %arg8[%get3A_2004, %get3A_2005, %get3A_2006] {strides = array<i32>} : memref<2x128x128xf32, #tpu.memory_space<vmem>>, vector<1x1x16xf32>,
          %get3A_2008 = vector.shape_cast %get3A_2007 : vector<1x1x16xf32> to vector<16xf32>
          %mul3A_2009 = arith.mulf %get3A_2008, %broadcast_in_dim3A_1946 : vector<16xf32>
          %swap3A_2010 = arith.constant 0 : i32
          %swap3A_2011 = arith.index_cast %swap3A_2010 : i32 to index
          %swap3A_2012 = arith.index_cast %add3A_1943 : i32 to index
          %swap3A_2013 = arith.constant 64 : index
          %swap3A_2014 = tpu.vector_load %arg8[%swap3A_2011, %swap3A_2012, %swap3A_2013] {strides = array<i32>} : memref<2x128x128xf32, #tpu.memory_space<vmem>>, vector<1x1x16xf32>,
          %swap3A_2015 = vector.shape_cast %swap3A_2014 : vector<1x1x16xf32> to vector<16xf32>
          %swap3A_2016 = vector.shape_cast %mul3A_2009 : vector<16xf32> to vector<1x1x16xf32>
          tpu.vector_store %arg8[%swap3A_2011, %swap3A_2012, %swap3A_2013], %swap3A_2016 {strides = array<i32>} : memref<2x128x128xf32, #tpu.memory_space<vmem>>, vector<1x1x16xf32>,
          %get3A_2017 = arith.constant 0 : i32
          %get3A_2018 = arith.index_cast %get3A_2017 : i32 to index
          %get3A_2019 = arith.index_cast %add3A_1943 : i32 to index
          %get3A_2020 = arith.constant 80 : index
          %get3A_2021 = tpu.vector_load %arg8[%get3A_2018, %get3A_2019, %get3A_2020] {strides = array<i32>} : memref<2x128x128xf32, #tpu.memory_space<vmem>>, vector<1x1x16xf32>,
          %get3A_2022 = vector.shape_cast %get3A_2021 : vector<1x1x16xf32> to vector<16xf32>
          %mul3A_2023 = arith.mulf %get3A_2022, %broadcast_in_dim3A_1946 : vector<16xf32>
          %swap3A_2024 = arith.constant 0 : i32
          %swap3A_2025 = arith.index_cast %swap3A_2024 : i32 to index
          %swap3A_2026 = arith.index_cast %add3A_1943 : i32 to index
          %swap3A_2027 = arith.constant 80 : index
          %swap3A_2028 = tpu.vector_load %arg8[%swap3A_2025, %swap3A_2026, %swap3A_2027] {strides = array<i32>} : memref<2x128x128xf32, #tpu.memory_space<vmem>>, vector<1x1x16xf32>,
          %swap3A_2029 = vector.shape_cast %swap3A_2028 : vector<1x1x16xf32> to vector<16xf32>
          %swap3A_2030 = vector.shape_cast %mul3A_2023 : vector<16xf32> to vector<1x1x16xf32>
          tpu.vector_store %arg8[%swap3A_2025, %swap3A_2026, %swap3A_2027], %swap3A_2030 {strides = array<i32>} : memref<2x128x128xf32, #tpu.memory_space<vmem>>, vector<1x1x16xf32>,
          %get3A_2031 = arith.constant 0 : i32
          %get3A_2032 = arith.index_cast %get3A_2031 : i32 to index
          %get3A_2033 = arith.index_cast %add3A_1943 : i32 to index
          %get3A_2034 = arith.constant 96 : index
          %get3A_2035 = tpu.vector_load %arg8[%get3A_2032, %get3A_2033, %get3A_2034] {strides = array<i32>} : memref<2x128x128xf32, #tpu.memory_space<vmem>>, vector<1x1x16xf32>,
          %get3A_2036 = vector.shape_cast %get3A_2035 : vector<1x1x16xf32> to vector<16xf32>
          %mul3A_2037 = arith.mulf %get3A_2036, %broadcast_in_dim3A_1946 : vector<16xf32>
          %swap3A_2038 = arith.constant 0 : i32
          %swap3A_2039 = arith.index_cast %swap3A_2038 : i32 to index
          %swap3A_2040 = arith.index_cast %add3A_1943 : i32 to index
          %swap3A_2041 = arith.constant 96 : index
          %swap3A_2042 = tpu.vector_load %arg8[%swap3A_2039, %swap3A_2040, %swap3A_2041] {strides = array<i32>} : memref<2x128x128xf32, #tpu.memory_space<vmem>>, vector<1x1x16xf32>,
          %swap3A_2043 = vector.shape_cast %swap3A_2042 : vector<1x1x16xf32> to vector<16xf32>
          %swap3A_2044 = vector.shape_cast %mul3A_2037 : vector<16xf32> to vector<1x1x16xf32>
          tpu.vector_store %arg8[%swap3A_2039, %swap3A_2040, %swap3A_2041], %swap3A_2044 {strides = array<i32>} : memref<2x128x128xf32, #tpu.memory_space<vmem>>, vector<1x1x16xf32>,
          %get3A_2045 = arith.constant 0 : i32
          %get3A_2046 = arith.index_cast %get3A_2045 : i32 to index
          %get3A_2047 = arith.index_cast %add3A_1943 : i32 to index
          %get3A_2048 = arith.constant 112 : index
          %get3A_2049 = tpu.vector_load %arg8[%get3A_2046, %get3A_2047, %get3A_2048] {strides = array<i32>} : memref<2x128x128xf32, #tpu.memory_space<vmem>>, vector<1x1x16xf32>,
          %get3A_2050 = vector.shape_cast %get3A_2049 : vector<1x1x16xf32> to vector<16xf32>
          %mul3A_2051 = arith.mulf %get3A_2050, %broadcast_in_dim3A_1946 : vector<16xf32>
          %swap3A_2052 = arith.constant 0 : i32
          %swap3A_2053 = arith.index_cast %swap3A_2052 : i32 to index
          %swap3A_2054 = arith.index_cast %add3A_1943 : i32 to index
          %swap3A_2055 = arith.constant 112 : index
          %swap3A_2056 = tpu.vector_load %arg8[%swap3A_2053, %swap3A_2054, %swap3A_2055] {strides = array<i32>} : memref<2x128x128xf32, #tpu.memory_space<vmem>>, vector<1x1x16xf32>,
          %swap3A_2057 = vector.shape_cast %swap3A_2056 : vector<1x1x16xf32> to vector<16xf32>
          %swap3A_2058 = vector.shape_cast %mul3A_2051 : vector<16xf32> to vector<1x1x16xf32>
          tpu.vector_store %arg8[%swap3A_2053, %swap3A_2054, %swap3A_2055], %swap3A_2058 {strides = array<i32>} : memref<2x128x128xf32, #tpu.memory_space<vmem>>, vector<1x1x16xf32>,
        }
        %scan3A_147 = arith.constant 8 : i32
        %run_scoped3A_148 = arith.constant 0 : i32
        %run_scoped3A_149 = arith.constant 0 : i32
        %run_scoped3A_150 = arith.constant 1 : i32
        "tpu.region"() ({
          %run_scoped3A_151 = tpu.sem_alloc : memref<!tpu.dma_semaphore, #tpu.memory_space<semaphore_mem>>
          %dma_start3A_152 = arith.constant 0 : i32
          %dma_start3A_153 = arith.constant 0 : i32
          %dma_start3A_154 = tpu.memref_slice %arg8[%run_scoped3A_148, %dma_start3A_152, %dma_start3A_153] : memref<2x128x128xf32, #tpu.memory_space<vmem>> -> memref<1x128x128xf32, #tpu.memory_space<vmem>>
          %dma_start3A_155 = tpu.memref_squeeze %dma_start3A_154 : memref<1x128x128xf32, #tpu.memory_space<vmem>> -> memref<128x128xf32, #tpu.memory_space<vmem>>
          %dma_start3A_156 = arith.constant 0 : i32
          %dma_start3A_157 = tpu.memref_slice %arg6[%run_scoped3A_149, %run_scoped3A_150, %dma_start3A_156] : memref<2x2x128xi32, #tpu.memory_space<vmem>> -> memref<1x1x128xi32, #tpu.memory_space<vmem>>
          %dma_start3A_158 = tpu.memref_squeeze %dma_start3A_157 : memref<1x1x128xi32, #tpu.memory_space<vmem>> -> memref<128xi32, #tpu.memory_space<vmem>>
          %dma_start3A_159 = arith.constant 0 : i32
          %dma_start3A_160 = arith.constant 0 : i32
          %dma_start3A_161 = tpu.memref_slice %arg9[%dma_start3A_159, %dma_start3A_160] : memref<10000x128xf32, #tpu.memory_space<vmem_shared>> -> memref<10000x128xf32, #tpu.memory_space<vmem_shared>>
          tpu.enqueue_indirect_dma source(%dma_start3A_155 : memref<128x128xf32, #tpu.memory_space<vmem>>) target(%dma_start3A_161 : memref<10000x128xf32, #tpu.memory_space<vmem_shared>>) offsets(%dma_start3A_158 : memref<128xi32, #tpu.memory_space<vmem>>) semaphore(%run_scoped3A_151 : memref<!tpu.dma_semaphore, #tpu.memory_space<semaphore_mem>>) {add = true}
          %dma_wait3A = arith.constant 0 : i32
          %dma_wait3A_162 = arith.constant 0 : i32
          %dma_wait3A_163 = tpu.memref_slice %arg8[%run_scoped3A_148, %dma_wait3A, %dma_wait3A_162] : memref<2x128x128xf32, #tpu.memory_space<vmem>> -> memref<1x128x128xf32, #tpu.memory_space<vmem>>
          %dma_wait3A_164 = tpu.memref_squeeze %dma_wait3A_163 : memref<1x128x128xf32, #tpu.memory_space<vmem>> -> memref<128x128xf32, #tpu.memory_space<vmem>>
          %dma_wait3A_165 = arith.constant 0 : i32
          %dma_wait3A_166 = tpu.memref_slice %arg6[%run_scoped3A_149, %run_scoped3A_150, %dma_wait3A_165] : memref<2x2x128xi32, #tpu.memory_space<vmem>> -> memref<1x1x128xi32, #tpu.memory_space<vmem>>
          %dma_wait3A_167 = tpu.memref_squeeze %dma_wait3A_166 : memref<1x1x128xi32, #tpu.memory_space<vmem>> -> memref<128xi32, #tpu.memory_space<vmem>>
          %dma_wait3A_168 = arith.constant 0 : i32
          %dma_wait3A_169 = arith.constant 0 : i32
          %dma_wait3A_170 = tpu.memref_slice %arg9[%dma_wait3A_168, %dma_wait3A_169] : memref<10000x128xf32, #tpu.memory_space<vmem_shared>> -> memref<10000x128xf32, #tpu.memory_space<vmem_shared>>
          tpu.wait_indirect_dma semaphore(%run_scoped3A_151 : memref<!tpu.dma_semaphore, #tpu.memory_space<semaphore_mem>>) src(%dma_wait3A_164 : memref<128x128xf32, #tpu.memory_space<vmem>>) dst(%dma_wait3A_170 : memref<10000x128xf32, #tpu.memory_space<vmem_shared>>)
          tpu.yield
        }) : () -> ()
      } else {
      }
      %add3A_112 = arith.constant 2 : i32
      %add3A_113 = arith.addi %add3A_98, %add3A_112 : i32
      %lt3A_114 = arith.cmpi slt, %add3A_113, %select_n3A : i32
      %convert_element_type3A_115 = arith.extui %lt3A_114 : i1 to i32
      %cond3A_116 = arith.constant 0 : i32
      %cond3A_117 = arith.cmpi ne, %convert_element_type3A_115, %cond3A_116 : i32
      scf.if %cond3A_117 {
        %add3A_142 = arith.addi %select_n3A_8, %add3A_98 : i32
        %add3A_143 = arith.constant 2 : i32
        %add3A_144 = arith.addi %add3A_142, %add3A_143 : i32
        %dma_start3A_145 = arith.constant 0 : i32
        %dma_start3A_146 = arith.constant 0 : i32
        %dma_start3A_147 = arith.constant 0 : i32
        %dma_start3A_148 = tpu.memref_slice %arg6[%dma_start3A_145, %dma_start3A_146, %dma_start3A_147] : memref<2x2x128xi32, #tpu.memory_space<vmem>> -> memref<1x2x128xi32, #tpu.memory_space<vmem>>
        %dma_start3A_149 = tpu.memref_squeeze %dma_start3A_148 : memref<1x2x128xi32, #tpu.memory_space<vmem>> -> memref<2x128xi32, #tpu.memory_space<vmem>>
        %dma_start3A_150 = arith.constant 0 : i32
        %dma_start3A_151 = arith.constant 0 : i32
        %dma_start3A_152 = tpu.memref_slice %arg3[%add3A_144, %dma_start3A_150, %dma_start3A_151] : memref<2560x2x128xi32, #tpu.memory_space<hbm>> -> memref<1x2x128xi32, #tpu.memory_space<hbm>>
        %dma_start3A_153 = tpu.memref_squeeze %dma_start3A_152 : memref<1x2x128xi32, #tpu.memory_space<hbm>> -> memref<2x128xi32, #tpu.memory_space<hbm>>
        %dma_start3A_154 = arith.constant 0 : i32
        %dma_start3A_155 = arith.constant 0 : i32
        %dma_start3A_156 = tpu.memref_slice %arg6[%dma_start3A_145, %dma_start3A_154, %dma_start3A_155] : memref<2x2x128xi32, #tpu.memory_space<vmem>> -> memref<1x2x128xi32, #tpu.memory_space<vmem>>
        %dma_start3A_157 = tpu.memref_squeeze %dma_start3A_156 : memref<1x2x128xi32, #tpu.memory_space<vmem>> -> memref<2x128xi32, #tpu.memory_space<vmem>>
        %dma_start3A_158 = arith.constant 0 : i32
        %dma_start3A_159 = arith.constant 0 : i32
        %dma_start3A_160 = tpu.memref_slice %arg3[%add3A_144, %dma_start3A_158, %dma_start3A_159] : memref<2560x2x128xi32, #tpu.memory_space<hbm>> -> memref<1x2x128xi32, #tpu.memory_space<hbm>>
        %dma_start3A_161 = tpu.memref_squeeze %dma_start3A_160 : memref<1x2x128xi32, #tpu.memory_space<hbm>> -> memref<2x128xi32, #tpu.memory_space<hbm>>
        tpu.enqueue_dma source(%dma_start3A_161 : memref<2x128xi32, #tpu.memory_space<hbm>>) target(%dma_start3A_157 : memref<2x128xi32, #tpu.memory_space<vmem>>) target_semaphore(%arg12 : memref<!tpu.dma_semaphore, #tpu.memory_space<semaphore_mem>>)
        %add3A_162 = arith.addi %select_n3A_8, %add3A_98 : i32
        %add3A_163 = arith.constant 2 : i32
        %add3A_164 = arith.addi %add3A_162, %add3A_163 : i32
        %dma_start3A_165 = arith.constant 0 : i32
        %dma_start3A_166 = arith.constant 0 : i32
        %dma_start3A_167 = tpu.memref_slice %arg7[%dma_start3A_165, %dma_start3A_166] : memref<2x128xf32, #tpu.memory_space<vmem>> -> memref<1x128xf32, #tpu.memory_space<vmem>>
        %dma_start3A_168 = tpu.memref_squeeze %dma_start3A_167 : memref<1x128xf32, #tpu.memory_space<vmem>> -> memref<128xf32, #tpu.memory_space<vmem>>
        %dma_start3A_169 = arith.constant 0 : i32
        %dma_start3A_170 = tpu.memref_slice %arg4[%add3A_164, %dma_start3A_169] : memref<2560x128xf32, #tpu.memory_space<hbm>> -> memref<1x128xf32, #tpu.memory_space<hbm>>
        %dma_start3A_171 = tpu.memref_squeeze %dma_start3A_170 : memref<1x128xf32, #tpu.memory_space<hbm>> -> memref<128xf32, #tpu.memory_space<hbm>>
        %dma_start3A_172 = arith.constant 0 : i32
        %dma_start3A_173 = tpu.memref_slice %arg7[%dma_start3A_165, %dma_start3A_172] : memref<2x128xf32, #tpu.memory_space<vmem>> -> memref<1x128xf32, #tpu.memory_space<vmem>>
        %dma_start3A_174 = tpu.memref_squeeze %dma_start3A_173 : memref<1x128xf32, #tpu.memory_space<vmem>> -> memref<128xf32, #tpu.memory_space<vmem>>
        %dma_start3A_175 = arith.constant 0 : i32
        %dma_start3A_176 = tpu.memref_slice %arg4[%add3A_164, %dma_start3A_175] : memref<2560x128xf32, #tpu.memory_space<hbm>> -> memref<1x128xf32, #tpu.memory_space<hbm>>
        %dma_start3A_177 = tpu.memref_squeeze %dma_start3A_176 : memref<1x128xf32, #tpu.memory_space<hbm>> -> memref<128xf32, #tpu.memory_space<hbm>>
        tpu.enqueue_dma source(%dma_start3A_177 : memref<128xf32, #tpu.memory_space<hbm>>) target(%dma_start3A_174 : memref<128xf32, #tpu.memory_space<vmem>>) target_semaphore(%arg12 : memref<!tpu.dma_semaphore, #tpu.memory_space<semaphore_mem>>)
      } else {
      }
      %mul3A_118 = arith.constant 2 : i32
      %mul3A_119 = arith.muli %mul3A_118, %scan3A_94 : i32
      %add3A_120 = arith.constant 1 : i32
      %add3A_121 = arith.addi %mul3A_119, %add3A_120 : i32
      %add3A_122 = arith.constant 1 : i32
      %add3A_123 = arith.addi %add3A_121, %add3A_122 : i32
      %lt3A_124 = arith.cmpi slt, %add3A_123, %select_n3A : i32
      %convert_element_type3A_125 = arith.extui %lt3A_124 : i1 to i32
      %cond3A_126 = arith.constant 0 : i32
      %cond3A_127 = arith.cmpi ne, %convert_element_type3A_125, %cond3A_126 : i32
      scf.if %cond3A_127 {
        %add3A_142 = arith.addi %select_n3A_8, %add3A_121 : i32
        %add3A_143 = arith.constant 1 : i32
        %add3A_144 = arith.addi %add3A_142, %add3A_143 : i32
        %dma_wait3A = arith.constant 0 : i32
        %dma_wait3A_145 = arith.constant 0 : i32
        %dma_wait3A_146 = arith.constant 0 : i32
        %dma_wait3A_147 = tpu.memref_slice %arg6[%dma_wait3A, %dma_wait3A_145, %dma_wait3A_146] : memref<2x2x128xi32, #tpu.memory_space<vmem>> -> memref<1x2x128xi32, #tpu.memory_space<vmem>>
        %dma_wait3A_148 = tpu.memref_squeeze %dma_wait3A_147 : memref<1x2x128xi32, #tpu.memory_space<vmem>> -> memref<2x128xi32, #tpu.memory_space<vmem>>
        %dma_wait3A_149 = arith.constant 0 : i32
        %dma_wait3A_150 = arith.constant 0 : i32
        %dma_wait3A_151 = tpu.memref_slice %arg3[%add3A_144, %dma_wait3A_149, %dma_wait3A_150] : memref<2560x2x128xi32, #tpu.memory_space<hbm>> -> memref<1x2x128xi32, #tpu.memory_space<hbm>>
        %dma_wait3A_152 = tpu.memref_squeeze %dma_wait3A_151 : memref<1x2x128xi32, #tpu.memory_space<hbm>> -> memref<2x128xi32, #tpu.memory_space<hbm>>
        %dma_wait3A_153 = arith.constant 0 : i32
        %dma_wait3A_154 = arith.constant 0 : i32
        %dma_wait3A_155 = tpu.memref_slice %arg6[%dma_wait3A, %dma_wait3A_153, %dma_wait3A_154] : memref<2x2x128xi32, #tpu.memory_space<vmem>> -> memref<1x2x128xi32, #tpu.memory_space<vmem>>
        %dma_wait3A_156 = tpu.memref_squeeze %dma_wait3A_155 : memref<1x2x128xi32, #tpu.memory_space<vmem>> -> memref<2x128xi32, #tpu.memory_space<vmem>>
        %dma_wait3A_157 = arith.constant 0 : i32
        %dma_wait3A_158 = arith.constant 0 : i32
        %dma_wait3A_159 = tpu.memref_slice %arg3[%add3A_144, %dma_wait3A_157, %dma_wait3A_158] : memref<2560x2x128xi32, #tpu.memory_space<hbm>> -> memref<1x2x128xi32, #tpu.memory_space<hbm>>
        %dma_wait3A_160 = tpu.memref_squeeze %dma_wait3A_159 : memref<1x2x128xi32, #tpu.memory_space<hbm>> -> memref<2x128xi32, #tpu.memory_space<hbm>>
        tpu.wait_dma2 semaphore(%arg12 : memref<!tpu.dma_semaphore, #tpu.memory_space<semaphore_mem>>) src(%dma_wait3A_160 : memref<2x128xi32, #tpu.memory_space<hbm>>) dst(%dma_wait3A_156 : memref<2x128xi32, #tpu.memory_space<vmem>>)
        %add3A_161 = arith.addi %select_n3A_8, %add3A_121 : i32
        %add3A_162 = arith.constant 1 : i32
        %add3A_163 = arith.addi %add3A_161, %add3A_162 : i32
        %dma_wait3A_164 = arith.constant 0 : i32
        %dma_wait3A_165 = arith.constant 0 : i32
        %dma_wait3A_166 = tpu.memref_slice %arg7[%dma_wait3A_164, %dma_wait3A_165] : memref<2x128xf32, #tpu.memory_space<vmem>> -> memref<1x128xf32, #tpu.memory_space<vmem>>
        %dma_wait3A_167 = tpu.memref_squeeze %dma_wait3A_166 : memref<1x128xf32, #tpu.memory_space<vmem>> -> memref<128xf32, #tpu.memory_space<vmem>>
        %dma_wait3A_168 = arith.constant 0 : i32
        %dma_wait3A_169 = tpu.memref_slice %arg4[%add3A_163, %dma_wait3A_168] : memref<2560x128xf32, #tpu.memory_space<hbm>> -> memref<1x128xf32, #tpu.memory_space<hbm>>
        %dma_wait3A_170 = tpu.memref_squeeze %dma_wait3A_169 : memref<1x128xf32, #tpu.memory_space<hbm>> -> memref<128xf32, #tpu.memory_space<hbm>>
        %dma_wait3A_171 = arith.constant 0 : i32
        %dma_wait3A_172 = tpu.memref_slice %arg7[%dma_wait3A_164, %dma_wait3A_171] : memref<2x128xf32, #tpu.memory_space<vmem>> -> memref<1x128xf32, #tpu.memory_space<vmem>>
        %dma_wait3A_173 = tpu.memref_squeeze %dma_wait3A_172 : memref<1x128xf32, #tpu.memory_space<vmem>> -> memref<128xf32, #tpu.memory_space<vmem>>
        %dma_wait3A_174 = arith.constant 0 : i32
        %dma_wait3A_175 = tpu.memref_slice %arg4[%add3A_163, %dma_wait3A_174] : memref<2560x128xf32, #tpu.memory_space<hbm>> -> memref<1x128xf32, #tpu.memory_space<hbm>>
        %dma_wait3A_176 = tpu.memref_squeeze %dma_wait3A_175 : memref<1x128xf32, #tpu.memory_space<hbm>> -> memref<128xf32, #tpu.memory_space<hbm>>
        tpu.wait_dma2 semaphore(%arg12 : memref<!tpu.dma_semaphore, #tpu.memory_space<semaphore_mem>>) src(%dma_wait3A_176 : memref<128xf32, #tpu.memory_space<hbm>>) dst(%dma_wait3A_173 : memref<128xf32, #tpu.memory_space<vmem>>)
        %dma_start3A_177 = arith.constant 0 : i32
        %dma_start3A_178 = arith.constant 0 : i32
        %dma_start3A_179 = arith.constant 0 : i32
        %dma_start3A_180 = arith.constant 0 : i32
        %dma_start3A_181 = arith.constant 0 : i32
        %dma_start3A_182 = tpu.memref_slice %arg8[%dma_start3A_179, %dma_start3A_180, %dma_start3A_181] : memref<2x128x128xf32, #tpu.memory_space<vmem>> -> memref<1x128x128xf32, #tpu.memory_space<vmem>>
        %dma_start3A_183 = tpu.memref_squeeze %dma_start3A_182 : memref<1x128x128xf32, #tpu.memory_space<vmem>> -> memref<128x128xf32, #tpu.memory_space<vmem>>
        %dma_start3A_184 = arith.constant 0 : i32
        %dma_start3A_185 = tpu.memref_slice %arg6[%dma_start3A_177, %dma_start3A_178, %dma_start3A_184] : memref<2x2x128xi32, #tpu.memory_space<vmem>> -> memref<1x1x128xi32, #tpu.memory_space<vmem>>
        %dma_start3A_186 = tpu.memref_squeeze %dma_start3A_185 : memref<1x1x128xi32, #tpu.memory_space<vmem>> -> memref<128xi32, #tpu.memory_space<vmem>>
        %dma_start3A_187 = arith.constant 0 : i32
        %dma_start3A_188 = arith.constant 0 : i32
        %dma_start3A_189 = tpu.memref_slice %arg2[%dma_start3A_187, %dma_start3A_188] : memref<10000x128xf32, #tpu.memory_space<hbm>> -> memref<10000x128xf32, #tpu.memory_space<hbm>>
        tpu.enqueue_indirect_dma source(%dma_start3A_189 : memref<10000x128xf32, #tpu.memory_space<hbm>>) target(%dma_start3A_183 : memref<128x128xf32, #tpu.memory_space<vmem>>) offsets(%dma_start3A_186 : memref<128xi32, #tpu.memory_space<vmem>>) semaphore(%arg10 : memref<!tpu.dma_semaphore, #tpu.memory_space<semaphore_mem>>)
      } else {
      }
      %lt3A_128 = arith.cmpi slt, %add3A_121, %select_n3A : i32
      %convert_element_type3A_129 = arith.extui %lt3A_128 : i1 to i32
      %cond3A_130 = arith.constant 0 : i32
      %cond3A_131 = arith.cmpi ne, %convert_element_type3A_129, %cond3A_130 : i32
      scf.if %cond3A_131 {
        %dma_wait3A = arith.constant 1 : i32
        %dma_wait3A_142 = arith.constant 0 : i32
        %dma_wait3A_143 = arith.constant 1 : i32
        %dma_wait3A_144 = arith.constant 0 : i32
        %dma_wait3A_145 = arith.constant 0 : i32
        %dma_wait3A_146 = tpu.memref_slice %arg8[%dma_wait3A_143, %dma_wait3A_144, %dma_wait3A_145] : memref<2x128x128xf32, #tpu.memory_space<vmem>> -> memref<1x128x128xf32, #tpu.memory_space<vmem>>
        %dma_wait3A_147 = tpu.memref_squeeze %dma_wait3A_146 : memref<1x128x128xf32, #tpu.memory_space<vmem>> -> memref<128x128xf32, #tpu.memory_space<vmem>>
        %dma_wait3A_148 = arith.constant 0 : i32
        %dma_wait3A_149 = tpu.memref_slice %arg6[%dma_wait3A, %dma_wait3A_142, %dma_wait3A_148] : memref<2x2x128xi32, #tpu.memory_space<vmem>> -> memref<1x1x128xi32, #tpu.memory_space<vmem>>
        %dma_wait3A_150 = tpu.memref_squeeze %dma_wait3A_149 : memref<1x1x128xi32, #tpu.memory_space<vmem>> -> memref<128xi32, #tpu.memory_space<vmem>>
        %dma_wait3A_151 = arith.constant 0 : i32
        %dma_wait3A_152 = arith.constant 0 : i32
        %dma_wait3A_153 = tpu.memref_slice %arg2[%dma_wait3A_151, %dma_wait3A_152] : memref<10000x128xf32, #tpu.memory_space<hbm>> -> memref<10000x128xf32, #tpu.memory_space<hbm>>
        tpu.wait_indirect_dma semaphore(%arg11 : memref<!tpu.dma_semaphore, #tpu.memory_space<semaphore_mem>>) src(%dma_wait3A_153 : memref<10000x128xf32, #tpu.memory_space<hbm>>) dst(%dma_wait3A_147 : memref<128x128xf32, #tpu.memory_space<vmem>>)
      } else {
      }
      %lt3A_132 = arith.cmpi slt, %add3A_121, %select_n3A : i32
      %convert_element_type3A_133 = arith.extui %lt3A_132 : i1 to i32
      %cond3A_134 = arith.constant 0 : i32
      %cond3A_135 = arith.cmpi ne, %convert_element_type3A_133, %cond3A_134 : i32
      scf.if %cond3A_135 {
        %scan3A_142 = arith.constant 0 : i32
        %scan3A_143 = arith.constant 0 : i32
        %scan3A_144 = arith.constant 8 : i32
        %scan3A_145 = arith.addi %scan3A_143, %scan3A_144 : i32
        %scan3A_146 = arith.constant 1 : i32
        scf.for %scan3A_151 = %scan3A_143 to %scan3A_145 step %scan3A_146  : i32 {
          %mul3A_152 = arith.constant 16 : i32
          %mul3A_153 = arith.muli %mul3A_152, %scan3A_151 : i32
          %get3A = arith.constant 1 : i32
          %get3A_154 = arith.index_cast %get3A : i32 to index
          %get3A_155 = arith.index_cast %mul3A_153 : i32 to index
          %get3A_156 = tpu.vector_load %arg7[%get3A_154, %get3A_155] {strides = array<i32>} : memref<2x128xf32, #tpu.memory_space<vmem>>, vector<1x16xf32>,
          %get3A_157 = vector.shape_cast %get3A_156 : vector<1x16xf32> to vector<16xf32>
          %mul3A_158 = arith.constant 16 : i32
          %mul3A_159 = arith.muli %mul3A_158, %scan3A_151 : i32
          %add3A_160 = arith.constant 0 : i32
          %add3A_161 = arith.addi %mul3A_159, %add3A_160 : i32
          %slice3A = vector.extract_strided_slice %get3A_157 {offsets = [0], sizes = [1], strides = [1]} : vector<16xf32> to vector<1xf32>
          %squeeze3A = vector.extract %slice3A[0] : f32 from vector<1xf32>
          %broadcast_in_dim3A_162 = vector.broadcast %squeeze3A : f32 to vector<16xf32>
          %get3A_163 = arith.constant 1 : i32
          %get3A_164 = arith.index_cast %get3A_163 : i32 to index
          %get3A_165 = arith.index_cast %add3A_161 : i32 to index
          %get3A_166 = arith.constant 0 : index
          %get3A_167 = tpu.vector_load %arg8[%get3A_164, %get3A_165, %get3A_166] {strides = array<i32>} : memref<2x128x128xf32, #tpu.memory_space<vmem>>, vector<1x1x16xf32>,
          %get3A_168 = vector.shape_cast %get3A_167 : vector<1x1x16xf32> to vector<16xf32>
          %mul3A_169 = arith.mulf %get3A_168, %broadcast_in_dim3A_162 : vector<16xf32>
          %swap3A = arith.constant 1 : i32
          %swap3A_170 = arith.index_cast %swap3A : i32 to index
          %swap3A_171 = arith.index_cast %add3A_161 : i32 to index
          %swap3A_172 = arith.constant 0 : index
          %swap3A_173 = tpu.vector_load %arg8[%swap3A_170, %swap3A_171, %swap3A_172] {strides = array<i32>} : memref<2x128x128xf32, #tpu.memory_space<vmem>>, vector<1x1x16xf32>,
          %swap3A_174 = vector.shape_cast %swap3A_173 : vector<1x1x16xf32> to vector<16xf32>
          %swap3A_175 = vector.shape_cast %mul3A_169 : vector<16xf32> to vector<1x1x16xf32>
          tpu.vector_store %arg8[%swap3A_170, %swap3A_171, %swap3A_172], %swap3A_175 {strides = array<i32>} : memref<2x128x128xf32, #tpu.memory_space<vmem>>, vector<1x1x16xf32>,
          %get3A_176 = arith.constant 1 : i32
          %get3A_177 = arith.index_cast %get3A_176 : i32 to index
          %get3A_178 = arith.index_cast %add3A_161 : i32 to index
          %get3A_179 = arith.constant 16 : index
          %get3A_180 = tpu.vector_load %arg8[%get3A_177, %get3A_178, %get3A_179] {strides = array<i32>} : memref<2x128x128xf32, #tpu.memory_space<vmem>>, vector<1x1x16xf32>,
          %get3A_181 = vector.shape_cast %get3A_180 : vector<1x1x16xf32> to vector<16xf32>
          %mul3A_182 = arith.mulf %get3A_181, %broadcast_in_dim3A_162 : vector<16xf32>
          %swap3A_183 = arith.constant 1 : i32
          %swap3A_184 = arith.index_cast %swap3A_183 : i32 to index
          %swap3A_185 = arith.index_cast %add3A_161 : i32 to index
          %swap3A_186 = arith.constant 16 : index
          %swap3A_187 = tpu.vector_load %arg8[%swap3A_184, %swap3A_185, %swap3A_186] {strides = array<i32>} : memref<2x128x128xf32, #tpu.memory_space<vmem>>, vector<1x1x16xf32>,
          %swap3A_188 = vector.shape_cast %swap3A_187 : vector<1x1x16xf32> to vector<16xf32>
          %swap3A_189 = vector.shape_cast %mul3A_182 : vector<16xf32> to vector<1x1x16xf32>
          tpu.vector_store %arg8[%swap3A_184, %swap3A_185, %swap3A_186], %swap3A_189 {strides = array<i32>} : memref<2x128x128xf32, #tpu.memory_space<vmem>>, vector<1x1x16xf32>,
          %get3A_190 = arith.constant 1 : i32
          %get3A_191 = arith.index_cast %get3A_190 : i32 to index
          %get3A_192 = arith.index_cast %add3A_161 : i32 to index
          %get3A_193 = arith.constant 32 : index
          %get3A_194 = tpu.vector_load %arg8[%get3A_191, %get3A_192, %get3A_193] {strides = array<i32>} : memref<2x128x128xf32, #tpu.memory_space<vmem>>, vector<1x1x16xf32>,
          %get3A_195 = vector.shape_cast %get3A_194 : vector<1x1x16xf32> to vector<16xf32>
          %mul3A_196 = arith.mulf %get3A_195, %broadcast_in_dim3A_162 : vector<16xf32>
          %swap3A_197 = arith.constant 1 : i32
          %swap3A_198 = arith.index_cast %swap3A_197 : i32 to index
          %swap3A_199 = arith.index_cast %add3A_161 : i32 to index
          %swap3A_200 = arith.constant 32 : index
          %swap3A_201 = tpu.vector_load %arg8[%swap3A_198, %swap3A_199, %swap3A_200] {strides = array<i32>} : memref<2x128x128xf32, #tpu.memory_space<vmem>>, vector<1x1x16xf32>,
          %swap3A_202 = vector.shape_cast %swap3A_201 : vector<1x1x16xf32> to vector<16xf32>
          %swap3A_203 = vector.shape_cast %mul3A_196 : vector<16xf32> to vector<1x1x16xf32>
          tpu.vector_store %arg8[%swap3A_198, %swap3A_199, %swap3A_200], %swap3A_203 {strides = array<i32>} : memref<2x128x128xf32, #tpu.memory_space<vmem>>, vector<1x1x16xf32>,
          %get3A_204 = arith.constant 1 : i32
          %get3A_205 = arith.index_cast %get3A_204 : i32 to index
          %get3A_206 = arith.index_cast %add3A_161 : i32 to index
          %get3A_207 = arith.constant 48 : index
          %get3A_208 = tpu.vector_load %arg8[%get3A_205, %get3A_206, %get3A_207] {strides = array<i32>} : memref<2x128x128xf32, #tpu.memory_space<vmem>>, vector<1x1x16xf32>,
          %get3A_209 = vector.shape_cast %get3A_208 : vector<1x1x16xf32> to vector<16xf32>
          %mul3A_210 = arith.mulf %get3A_209, %broadcast_in_dim3A_162 : vector<16xf32>
          %swap3A_211 = arith.constant 1 : i32
          %swap3A_212 = arith.index_cast %swap3A_211 : i32 to index
          %swap3A_213 = arith.index_cast %add3A_161 : i32 to index
          %swap3A_214 = arith.constant 48 : index
          %swap3A_215 = tpu.vector_load %arg8[%swap3A_212, %swap3A_213, %swap3A_214] {strides = array<i32>} : memref<2x128x128xf32, #tpu.memory_space<vmem>>, vector<1x1x16xf32>,
          %swap3A_216 = vector.shape_cast %swap3A_215 : vector<1x1x16xf32> to vector<16xf32>
          %swap3A_217 = vector.shape_cast %mul3A_210 : vector<16xf32> to vector<1x1x16xf32>
          tpu.vector_store %arg8[%swap3A_212, %swap3A_213, %swap3A_214], %swap3A_217 {strides = array<i32>} : memref<2x128x128xf32, #tpu.memory_space<vmem>>, vector<1x1x16xf32>,
          %get3A_218 = arith.constant 1 : i32
          %get3A_219 = arith.index_cast %get3A_218 : i32 to index
          %get3A_220 = arith.index_cast %add3A_161 : i32 to index
          %get3A_221 = arith.constant 64 : index
          %get3A_222 = tpu.vector_load %arg8[%get3A_219, %get3A_220, %get3A_221] {strides = array<i32>} : memref<2x128x128xf32, #tpu.memory_space<vmem>>, vector<1x1x16xf32>,
          %get3A_223 = vector.shape_cast %get3A_222 : vector<1x1x16xf32> to vector<16xf32>
          %mul3A_224 = arith.mulf %get3A_223, %broadcast_in_dim3A_162 : vector<16xf32>
          %swap3A_225 = arith.constant 1 : i32
          %swap3A_226 = arith.index_cast %swap3A_225 : i32 to index
          %swap3A_227 = arith.index_cast %add3A_161 : i32 to index
          %swap3A_228 = arith.constant 64 : index
          %swap3A_229 = tpu.vector_load %arg8[%swap3A_226, %swap3A_227, %swap3A_228] {strides = array<i32>} : memref<2x128x128xf32, #tpu.memory_space<vmem>>, vector<1x1x16xf32>,
          %swap3A_230 = vector.shape_cast %swap3A_229 : vector<1x1x16xf32> to vector<16xf32>
          %swap3A_231 = vector.shape_cast %mul3A_224 : vector<16xf32> to vector<1x1x16xf32>
          tpu.vector_store %arg8[%swap3A_226, %swap3A_227, %swap3A_228], %swap3A_231 {strides = array<i32>} : memref<2x128x128xf32, #tpu.memory_space<vmem>>, vector<1x1x16xf32>,
          %get3A_232 = arith.constant 1 : i32
          %get3A_233 = arith.index_cast %get3A_232 : i32 to index
          %get3A_234 = arith.index_cast %add3A_161 : i32 to index
          %get3A_235 = arith.constant 80 : index
          %get3A_236 = tpu.vector_load %arg8[%get3A_233, %get3A_234, %get3A_235] {strides = array<i32>} : memref<2x128x128xf32, #tpu.memory_space<vmem>>, vector<1x1x16xf32>,
          %get3A_237 = vector.shape_cast %get3A_236 : vector<1x1x16xf32> to vector<16xf32>
          %mul3A_238 = arith.mulf %get3A_237, %broadcast_in_dim3A_162 : vector<16xf32>
          %swap3A_239 = arith.constant 1 : i32
          %swap3A_240 = arith.index_cast %swap3A_239 : i32 to index
          %swap3A_241 = arith.index_cast %add3A_161 : i32 to index
          %swap3A_242 = arith.constant 80 : index
          %swap3A_243 = tpu.vector_load %arg8[%swap3A_240, %swap3A_241, %swap3A_242] {strides = array<i32>} : memref<2x128x128xf32, #tpu.memory_space<vmem>>, vector<1x1x16xf32>,
          %swap3A_244 = vector.shape_cast %swap3A_243 : vector<1x1x16xf32> to vector<16xf32>
          %swap3A_245 = vector.shape_cast %mul3A_238 : vector<16xf32> to vector<1x1x16xf32>
          tpu.vector_store %arg8[%swap3A_240, %swap3A_241, %swap3A_242], %swap3A_245 {strides = array<i32>} : memref<2x128x128xf32, #tpu.memory_space<vmem>>, vector<1x1x16xf32>,
          %get3A_246 = arith.constant 1 : i32
          %get3A_247 = arith.index_cast %get3A_246 : i32 to index
          %get3A_248 = arith.index_cast %add3A_161 : i32 to index
          %get3A_249 = arith.constant 96 : index
          %get3A_250 = tpu.vector_load %arg8[%get3A_247, %get3A_248, %get3A_249] {strides = array<i32>} : memref<2x128x128xf32, #tpu.memory_space<vmem>>, vector<1x1x16xf32>,
          %get3A_251 = vector.shape_cast %get3A_250 : vector<1x1x16xf32> to vector<16xf32>
          %mul3A_252 = arith.mulf %get3A_251, %broadcast_in_dim3A_162 : vector<16xf32>
          %swap3A_253 = arith.constant 1 : i32
          %swap3A_254 = arith.index_cast %swap3A_253 : i32 to index
          %swap3A_255 = arith.index_cast %add3A_161 : i32 to index
          %swap3A_256 = arith.constant 96 : index
          %swap3A_257 = tpu.vector_load %arg8[%swap3A_254, %swap3A_255, %swap3A_256] {strides = array<i32>} : memref<2x128x128xf32, #tpu.memory_space<vmem>>, vector<1x1x16xf32>,
          %swap3A_258 = vector.shape_cast %swap3A_257 : vector<1x1x16xf32> to vector<16xf32>
          %swap3A_259 = vector.shape_cast %mul3A_252 : vector<16xf32> to vector<1x1x16xf32>
          tpu.vector_store %arg8[%swap3A_254, %swap3A_255, %swap3A_256], %swap3A_259 {strides = array<i32>} : memref<2x128x128xf32, #tpu.memory_space<vmem>>, vector<1x1x16xf32>,
          %get3A_260 = arith.constant 1 : i32
          %get3A_261 = arith.index_cast %get3A_260 : i32 to index
          %get3A_262 = arith.index_cast %add3A_161 : i32 to index
          %get3A_263 = arith.constant 112 : index
          %get3A_264 = tpu.vector_load %arg8[%get3A_261, %get3A_262, %get3A_263] {strides = array<i32>} : memref<2x128x128xf32, #tpu.memory_space<vmem>>, vector<1x1x16xf32>,
          %get3A_265 = vector.shape_cast %get3A_264 : vector<1x1x16xf32> to vector<16xf32>
          %mul3A_266 = arith.mulf %get3A_265, %broadcast_in_dim3A_162 : vector<16xf32>
          %swap3A_267 = arith.constant 1 : i32
          %swap3A_268 = arith.index_cast %swap3A_267 : i32 to index
          %swap3A_269 = arith.index_cast %add3A_161 : i32 to index
          %swap3A_270 = arith.constant 112 : index
          %swap3A_271 = tpu.vector_load %arg8[%swap3A_268, %swap3A_269, %swap3A_270] {strides = array<i32>} : memref<2x128x128xf32, #tpu.memory_space<vmem>>, vector<1x1x16xf32>,
          %swap3A_272 = vector.shape_cast %swap3A_271 : vector<1x1x16xf32> to vector<16xf32>
          %swap3A_273 = vector.shape_cast %mul3A_266 : vector<16xf32> to vector<1x1x16xf32>
          tpu.vector_store %arg8[%swap3A_268, %swap3A_269, %swap3A_270], %swap3A_273 {strides = array<i32>} : memref<2x128x128xf32, #tpu.memory_space<vmem>>, vector<1x1x16xf32>,
          %mul3A_274 = arith.constant 16 : i32
          %mul3A_275 = arith.muli %mul3A_274, %scan3A_151 : i32
          %add3A_276 = arith.constant 1 : i32
          %add3A_277 = arith.addi %mul3A_275, %add3A_276 : i32
          %slice3A_278 = vector.extract_strided_slice %get3A_157 {offsets = [1], sizes = [1], strides = [1]} : vector<16xf32> to vector<1xf32>
          %squeeze3A_279 = vector.extract %slice3A_278[0] : f32 from vector<1xf32>
          %broadcast_in_dim3A_280 = vector.broadcast %squeeze3A_279 : f32 to vector<16xf32>
          %get3A_281 = arith.constant 1 : i32
          %get3A_282 = arith.index_cast %get3A_281 : i32 to index
          %get3A_283 = arith.index_cast %add3A_277 : i32 to index
          %get3A_284 = arith.constant 0 : index
          %get3A_285 = tpu.vector_load %arg8[%get3A_282, %get3A_283, %get3A_284] {strides = array<i32>} : memref<2x128x128xf32, #tpu.memory_space<vmem>>, vector<1x1x16xf32>,
          %get3A_286 = vector.shape_cast %get3A_285 : vector<1x1x16xf32> to vector<16xf32>
          %mul3A_287 = arith.mulf %get3A_286, %broadcast_in_dim3A_280 : vector<16xf32>
          %swap3A_288 = arith.constant 1 : i32
          %swap3A_289 = arith.index_cast %swap3A_288 : i32 to index
          %swap3A_290 = arith.index_cast %add3A_277 : i32 to index
          %swap3A_291 = arith.constant 0 : index
          %swap3A_292 = tpu.vector_load %arg8[%swap3A_289, %swap3A_290, %swap3A_291] {strides = array<i32>} : memref<2x128x128xf32, #tpu.memory_space<vmem>>, vector<1x1x16xf32>,
          %swap3A_293 = vector.shape_cast %swap3A_292 : vector<1x1x16xf32> to vector<16xf32>
          %swap3A_294 = vector.shape_cast %mul3A_287 : vector<16xf32> to vector<1x1x16xf32>
          tpu.vector_store %arg8[%swap3A_289, %swap3A_290, %swap3A_291], %swap3A_294 {strides = array<i32>} : memref<2x128x128xf32, #tpu.memory_space<vmem>>, vector<1x1x16xf32>,
          %get3A_295 = arith.constant 1 : i32
          %get3A_296 = arith.index_cast %get3A_295 : i32 to index
          %get3A_297 = arith.index_cast %add3A_277 : i32 to index
          %get3A_298 = arith.constant 16 : index
          %get3A_299 = tpu.vector_load %arg8[%get3A_296, %get3A_297, %get3A_298] {strides = array<i32>} : memref<2x128x128xf32, #tpu.memory_space<vmem>>, vector<1x1x16xf32>,
          %get3A_300 = vector.shape_cast %get3A_299 : vector<1x1x16xf32> to vector<16xf32>
          %mul3A_301 = arith.mulf %get3A_300, %broadcast_in_dim3A_280 : vector<16xf32>
          %swap3A_302 = arith.constant 1 : i32
          %swap3A_303 = arith.index_cast %swap3A_302 : i32 to index
          %swap3A_304 = arith.index_cast %add3A_277 : i32 to index
          %swap3A_305 = arith.constant 16 : index
          %swap3A_306 = tpu.vector_load %arg8[%swap3A_303, %swap3A_304, %swap3A_305] {strides = array<i32>} : memref<2x128x128xf32, #tpu.memory_space<vmem>>, vector<1x1x16xf32>,
          %swap3A_307 = vector.shape_cast %swap3A_306 : vector<1x1x16xf32> to vector<16xf32>
          %swap3A_308 = vector.shape_cast %mul3A_301 : vector<16xf32> to vector<1x1x16xf32>
          tpu.vector_store %arg8[%swap3A_303, %swap3A_304, %swap3A_305], %swap3A_308 {strides = array<i32>} : memref<2x128x128xf32, #tpu.memory_space<vmem>>, vector<1x1x16xf32>,
          %get3A_309 = arith.constant 1 : i32
          %get3A_310 = arith.index_cast %get3A_309 : i32 to index
          %get3A_311 = arith.index_cast %add3A_277 : i32 to index
          %get3A_312 = arith.constant 32 : index
          %get3A_313 = tpu.vector_load %arg8[%get3A_310, %get3A_311, %get3A_312] {strides = array<i32>} : memref<2x128x128xf32, #tpu.memory_space<vmem>>, vector<1x1x16xf32>,
          %get3A_314 = vector.shape_cast %get3A_313 : vector<1x1x16xf32> to vector<16xf32>
          %mul3A_315 = arith.mulf %get3A_314, %broadcast_in_dim3A_280 : vector<16xf32>
          %swap3A_316 = arith.constant 1 : i32
          %swap3A_317 = arith.index_cast %swap3A_316 : i32 to index
          %swap3A_318 = arith.index_cast %add3A_277 : i32 to index
          %swap3A_319 = arith.constant 32 : index
          %swap3A_320 = tpu.vector_load %arg8[%swap3A_317, %swap3A_318, %swap3A_319] {strides = array<i32>} : memref<2x128x128xf32, #tpu.memory_space<vmem>>, vector<1x1x16xf32>,
          %swap3A_321 = vector.shape_cast %swap3A_320 : vector<1x1x16xf32> to vector<16xf32>
          %swap3A_322 = vector.shape_cast %mul3A_315 : vector<16xf32> to vector<1x1x16xf32>
          tpu.vector_store %arg8[%swap3A_317, %swap3A_318, %swap3A_319], %swap3A_322 {strides = array<i32>} : memref<2x128x128xf32, #tpu.memory_space<vmem>>, vector<1x1x16xf32>,
          %get3A_323 = arith.constant 1 : i32
          %get3A_324 = arith.index_cast %get3A_323 : i32 to index
          %get3A_325 = arith.index_cast %add3A_277 : i32 to index
          %get3A_326 = arith.constant 48 : index
          %get3A_327 = tpu.vector_load %arg8[%get3A_324, %get3A_325, %get3A_326] {strides = array<i32>} : memref<2x128x128xf32, #tpu.memory_space<vmem>>, vector<1x1x16xf32>,
          %get3A_328 = vector.shape_cast %get3A_327 : vector<1x1x16xf32> to vector<16xf32>
          %mul3A_329 = arith.mulf %get3A_328, %broadcast_in_dim3A_280 : vector<16xf32>
          %swap3A_330 = arith.constant 1 : i32
          %swap3A_331 = arith.index_cast %swap3A_330 : i32 to index
          %swap3A_332 = arith.index_cast %add3A_277 : i32 to index
          %swap3A_333 = arith.constant 48 : index
          %swap3A_334 = tpu.vector_load %arg8[%swap3A_331, %swap3A_332, %swap3A_333] {strides = array<i32>} : memref<2x128x128xf32, #tpu.memory_space<vmem>>, vector<1x1x16xf32>,
          %swap3A_335 = vector.shape_cast %swap3A_334 : vector<1x1x16xf32> to vector<16xf32>
          %swap3A_336 = vector.shape_cast %mul3A_329 : vector<16xf32> to vector<1x1x16xf32>
          tpu.vector_store %arg8[%swap3A_331, %swap3A_332, %swap3A_333], %swap3A_336 {strides = array<i32>} : memref<2x128x128xf32, #tpu.memory_space<vmem>>, vector<1x1x16xf32>,
          %get3A_337 = arith.constant 1 : i32
          %get3A_338 = arith.index_cast %get3A_337 : i32 to index
          %get3A_339 = arith.index_cast %add3A_277 : i32 to index
          %get3A_340 = arith.constant 64 : index
          %get3A_341 = tpu.vector_load %arg8[%get3A_338, %get3A_339, %get3A_340] {strides = array<i32>} : memref<2x128x128xf32, #tpu.memory_space<vmem>>, vector<1x1x16xf32>,
          %get3A_342 = vector.shape_cast %get3A_341 : vector<1x1x16xf32> to vector<16xf32>
          %mul3A_343 = arith.mulf %get3A_342, %broadcast_in_dim3A_280 : vector<16xf32>
          %swap3A_344 = arith.constant 1 : i32
          %swap3A_345 = arith.index_cast %swap3A_344 : i32 to index
          %swap3A_346 = arith.index_cast %add3A_277 : i32 to index
          %swap3A_347 = arith.constant 64 : index
          %swap3A_348 = tpu.vector_load %arg8[%swap3A_345, %swap3A_346, %swap3A_347] {strides = array<i32>} : memref<2x128x128xf32, #tpu.memory_space<vmem>>, vector<1x1x16xf32>,
          %swap3A_349 = vector.shape_cast %swap3A_348 : vector<1x1x16xf32> to vector<16xf32>
          %swap3A_350 = vector.shape_cast %mul3A_343 : vector<16xf32> to vector<1x1x16xf32>
          tpu.vector_store %arg8[%swap3A_345, %swap3A_346, %swap3A_347], %swap3A_350 {strides = array<i32>} : memref<2x128x128xf32, #tpu.memory_space<vmem>>, vector<1x1x16xf32>,
          %get3A_351 = arith.constant 1 : i32
          %get3A_352 = arith.index_cast %get3A_351 : i32 to index
          %get3A_353 = arith.index_cast %add3A_277 : i32 to index
          %get3A_354 = arith.constant 80 : index
          %get3A_355 = tpu.vector_load %arg8[%get3A_352, %get3A_353, %get3A_354] {strides = array<i32>} : memref<2x128x128xf32, #tpu.memory_space<vmem>>, vector<1x1x16xf32>,
          %get3A_356 = vector.shape_cast %get3A_355 : vector<1x1x16xf32> to vector<16xf32>
          %mul3A_357 = arith.mulf %get3A_356, %broadcast_in_dim3A_280 : vector<16xf32>
          %swap3A_358 = arith.constant 1 : i32
          %swap3A_359 = arith.index_cast %swap3A_358 : i32 to index
          %swap3A_360 = arith.index_cast %add3A_277 : i32 to index
          %swap3A_361 = arith.constant 80 : index
          %swap3A_362 = tpu.vector_load %arg8[%swap3A_359, %swap3A_360, %swap3A_361] {strides = array<i32>} : memref<2x128x128xf32, #tpu.memory_space<vmem>>, vector<1x1x16xf32>,
          %swap3A_363 = vector.shape_cast %swap3A_362 : vector<1x1x16xf32> to vector<16xf32>
          %swap3A_364 = vector.shape_cast %mul3A_357 : vector<16xf32> to vector<1x1x16xf32>
          tpu.vector_store %arg8[%swap3A_359, %swap3A_360, %swap3A_361], %swap3A_364 {strides = array<i32>} : memref<2x128x128xf32, #tpu.memory_space<vmem>>, vector<1x1x16xf32>,
          %get3A_365 = arith.constant 1 : i32
          %get3A_366 = arith.index_cast %get3A_365 : i32 to index
          %get3A_367 = arith.index_cast %add3A_277 : i32 to index
          %get3A_368 = arith.constant 96 : index
          %get3A_369 = tpu.vector_load %arg8[%get3A_366, %get3A_367, %get3A_368] {strides = array<i32>} : memref<2x128x128xf32, #tpu.memory_space<vmem>>, vector<1x1x16xf32>,
          %get3A_370 = vector.shape_cast %get3A_369 : vector<1x1x16xf32> to vector<16xf32>
          %mul3A_371 = arith.mulf %get3A_370, %broadcast_in_dim3A_280 : vector<16xf32>
          %swap3A_372 = arith.constant 1 : i32
          %swap3A_373 = arith.index_cast %swap3A_372 : i32 to index
          %swap3A_374 = arith.index_cast %add3A_277 : i32 to index
          %swap3A_375 = arith.constant 96 : index
          %swap3A_376 = tpu.vector_load %arg8[%swap3A_373, %swap3A_374, %swap3A_375] {strides = array<i32>} : memref<2x128x128xf32, #tpu.memory_space<vmem>>, vector<1x1x16xf32>,
          %swap3A_377 = vector.shape_cast %swap3A_376 : vector<1x1x16xf32> to vector<16xf32>
          %swap3A_378 = vector.shape_cast %mul3A_371 : vector<16xf32> to vector<1x1x16xf32>
          tpu.vector_store %arg8[%swap3A_373, %swap3A_374, %swap3A_375], %swap3A_378 {strides = array<i32>} : memref<2x128x128xf32, #tpu.memory_space<vmem>>, vector<1x1x16xf32>,
          %get3A_379 = arith.constant 1 : i32
          %get3A_380 = arith.index_cast %get3A_379 : i32 to index
          %get3A_381 = arith.index_cast %add3A_277 : i32 to index
          %get3A_382 = arith.constant 112 : index
          %get3A_383 = tpu.vector_load %arg8[%get3A_380, %get3A_381, %get3A_382] {strides = array<i32>} : memref<2x128x128xf32, #tpu.memory_space<vmem>>, vector<1x1x16xf32>,
          %get3A_384 = vector.shape_cast %get3A_383 : vector<1x1x16xf32> to vector<16xf32>
          %mul3A_385 = arith.mulf %get3A_384, %broadcast_in_dim3A_280 : vector<16xf32>
          %swap3A_386 = arith.constant 1 : i32
          %swap3A_387 = arith.index_cast %swap3A_386 : i32 to index
          %swap3A_388 = arith.index_cast %add3A_277 : i32 to index
          %swap3A_389 = arith.constant 112 : index
          %swap3A_390 = tpu.vector_load %arg8[%swap3A_387, %swap3A_388, %swap3A_389] {strides = array<i32>} : memref<2x128x128xf32, #tpu.memory_space<vmem>>, vector<1x1x16xf32>,
          %swap3A_391 = vector.shape_cast %swap3A_390 : vector<1x1x16xf32> to vector<16xf32>
          %swap3A_392 = vector.shape_cast %mul3A_385 : vector<16xf32> to vector<1x1x16xf32>
          tpu.vector_store %arg8[%swap3A_387, %swap3A_388, %swap3A_389], %swap3A_392 {strides = array<i32>} : memref<2x128x128xf32, #tpu.memory_space<vmem>>, vector<1x1x16xf32>,
          %mul3A_393 = arith.constant 16 : i32
          %mul3A_394 = arith.muli %mul3A_393, %scan3A_151 : i32
          %add3A_395 = arith.constant 2 : i32
          %add3A_396 = arith.addi %mul3A_394, %add3A_395 : i32
          %slice3A_397 = vector.extract_strided_slice %get3A_157 {offsets = [2], sizes = [1], strides = [1]} : vector<16xf32> to vector<1xf32>
          %squeeze3A_398 = vector.extract %slice3A_397[0] : f32 from vector<1xf32>
          %broadcast_in_dim3A_399 = vector.broadcast %squeeze3A_398 : f32 to vector<16xf32>
          %get3A_400 = arith.constant 1 : i32
          %get3A_401 = arith.index_cast %get3A_400 : i32 to index
          %get3A_402 = arith.index_cast %add3A_396 : i32 to index
          %get3A_403 = arith.constant 0 : index
          %get3A_404 = tpu.vector_load %arg8[%get3A_401, %get3A_402, %get3A_403] {strides = array<i32>} : memref<2x128x128xf32, #tpu.memory_space<vmem>>, vector<1x1x16xf32>,
          %get3A_405 = vector.shape_cast %get3A_404 : vector<1x1x16xf32> to vector<16xf32>
          %mul3A_406 = arith.mulf %get3A_405, %broadcast_in_dim3A_399 : vector<16xf32>
          %swap3A_407 = arith.constant 1 : i32
          %swap3A_408 = arith.index_cast %swap3A_407 : i32 to index
          %swap3A_409 = arith.index_cast %add3A_396 : i32 to index
          %swap3A_410 = arith.constant 0 : index
          %swap3A_411 = tpu.vector_load %arg8[%swap3A_408, %swap3A_409, %swap3A_410] {strides = array<i32>} : memref<2x128x128xf32, #tpu.memory_space<vmem>>, vector<1x1x16xf32>,
          %swap3A_412 = vector.shape_cast %swap3A_411 : vector<1x1x16xf32> to vector<16xf32>
          %swap3A_413 = vector.shape_cast %mul3A_406 : vector<16xf32> to vector<1x1x16xf32>
          tpu.vector_store %arg8[%swap3A_408, %swap3A_409, %swap3A_410], %swap3A_413 {strides = array<i32>} : memref<2x128x128xf32, #tpu.memory_space<vmem>>, vector<1x1x16xf32>,
          %get3A_414 = arith.constant 1 : i32
          %get3A_415 = arith.index_cast %get3A_414 : i32 to index
          %get3A_416 = arith.index_cast %add3A_396 : i32 to index
          %get3A_417 = arith.constant 16 : index
          %get3A_418 = tpu.vector_load %arg8[%get3A_415, %get3A_416, %get3A_417] {strides = array<i32>} : memref<2x128x128xf32, #tpu.memory_space<vmem>>, vector<1x1x16xf32>,
          %get3A_419 = vector.shape_cast %get3A_418 : vector<1x1x16xf32> to vector<16xf32>
          %mul3A_420 = arith.mulf %get3A_419, %broadcast_in_dim3A_399 : vector<16xf32>
          %swap3A_421 = arith.constant 1 : i32
          %swap3A_422 = arith.index_cast %swap3A_421 : i32 to index
          %swap3A_423 = arith.index_cast %add3A_396 : i32 to index
          %swap3A_424 = arith.constant 16 : index
          %swap3A_425 = tpu.vector_load %arg8[%swap3A_422, %swap3A_423, %swap3A_424] {strides = array<i32>} : memref<2x128x128xf32, #tpu.memory_space<vmem>>, vector<1x1x16xf32>,
          %swap3A_426 = vector.shape_cast %swap3A_425 : vector<1x1x16xf32> to vector<16xf32>
          %swap3A_427 = vector.shape_cast %mul3A_420 : vector<16xf32> to vector<1x1x16xf32>
          tpu.vector_store %arg8[%swap3A_422, %swap3A_423, %swap3A_424], %swap3A_427 {strides = array<i32>} : memref<2x128x128xf32, #tpu.memory_space<vmem>>, vector<1x1x16xf32>,
          %get3A_428 = arith.constant 1 : i32
          %get3A_429 = arith.index_cast %get3A_428 : i32 to index
          %get3A_430 = arith.index_cast %add3A_396 : i32 to index
          %get3A_431 = arith.constant 32 : index
          %get3A_432 = tpu.vector_load %arg8[%get3A_429, %get3A_430, %get3A_431] {strides = array<i32>} : memref<2x128x128xf32, #tpu.memory_space<vmem>>, vector<1x1x16xf32>,
          %get3A_433 = vector.shape_cast %get3A_432 : vector<1x1x16xf32> to vector<16xf32>
          %mul3A_434 = arith.mulf %get3A_433, %broadcast_in_dim3A_399 : vector<16xf32>
          %swap3A_435 = arith.constant 1 : i32
          %swap3A_436 = arith.index_cast %swap3A_435 : i32 to index
          %swap3A_437 = arith.index_cast %add3A_396 : i32 to index
          %swap3A_438 = arith.constant 32 : index
          %swap3A_439 = tpu.vector_load %arg8[%swap3A_436, %swap3A_437, %swap3A_438] {strides = array<i32>} : memref<2x128x128xf32, #tpu.memory_space<vmem>>, vector<1x1x16xf32>,
          %swap3A_440 = vector.shape_cast %swap3A_439 : vector<1x1x16xf32> to vector<16xf32>
          %swap3A_441 = vector.shape_cast %mul3A_434 : vector<16xf32> to vector<1x1x16xf32>
          tpu.vector_store %arg8[%swap3A_436, %swap3A_437, %swap3A_438], %swap3A_441 {strides = array<i32>} : memref<2x128x128xf32, #tpu.memory_space<vmem>>, vector<1x1x16xf32>,
          %get3A_442 = arith.constant 1 : i32
          %get3A_443 = arith.index_cast %get3A_442 : i32 to index
          %get3A_444 = arith.index_cast %add3A_396 : i32 to index
          %get3A_445 = arith.constant 48 : index
          %get3A_446 = tpu.vector_load %arg8[%get3A_443, %get3A_444, %get3A_445] {strides = array<i32>} : memref<2x128x128xf32, #tpu.memory_space<vmem>>, vector<1x1x16xf32>,
          %get3A_447 = vector.shape_cast %get3A_446 : vector<1x1x16xf32> to vector<16xf32>
          %mul3A_448 = arith.mulf %get3A_447, %broadcast_in_dim3A_399 : vector<16xf32>
          %swap3A_449 = arith.constant 1 : i32
          %swap3A_450 = arith.index_cast %swap3A_449 : i32 to index
          %swap3A_451 = arith.index_cast %add3A_396 : i32 to index
          %swap3A_452 = arith.constant 48 : index
          %swap3A_453 = tpu.vector_load %arg8[%swap3A_450, %swap3A_451, %swap3A_452] {strides = array<i32>} : memref<2x128x128xf32, #tpu.memory_space<vmem>>, vector<1x1x16xf32>,
          %swap3A_454 = vector.shape_cast %swap3A_453 : vector<1x1x16xf32> to vector<16xf32>
          %swap3A_455 = vector.shape_cast %mul3A_448 : vector<16xf32> to vector<1x1x16xf32>
          tpu.vector_store %arg8[%swap3A_450, %swap3A_451, %swap3A_452], %swap3A_455 {strides = array<i32>} : memref<2x128x128xf32, #tpu.memory_space<vmem>>, vector<1x1x16xf32>,
          %get3A_456 = arith.constant 1 : i32
          %get3A_457 = arith.index_cast %get3A_456 : i32 to index
          %get3A_458 = arith.index_cast %add3A_396 : i32 to index
          %get3A_459 = arith.constant 64 : index
          %get3A_460 = tpu.vector_load %arg8[%get3A_457, %get3A_458, %get3A_459] {strides = array<i32>} : memref<2x128x128xf32, #tpu.memory_space<vmem>>, vector<1x1x16xf32>,
          %get3A_461 = vector.shape_cast %get3A_460 : vector<1x1x16xf32> to vector<16xf32>
          %mul3A_462 = arith.mulf %get3A_461, %broadcast_in_dim3A_399 : vector<16xf32>
          %swap3A_463 = arith.constant 1 : i32
          %swap3A_464 = arith.index_cast %swap3A_463 : i32 to index
          %swap3A_465 = arith.index_cast %add3A_396 : i32 to index
          %swap3A_466 = arith.constant 64 : index
          %swap3A_467 = tpu.vector_load %arg8[%swap3A_464, %swap3A_465, %swap3A_466] {strides = array<i32>} : memref<2x128x128xf32, #tpu.memory_space<vmem>>, vector<1x1x16xf32>,
          %swap3A_468 = vector.shape_cast %swap3A_467 : vector<1x1x16xf32> to vector<16xf32>
          %swap3A_469 = vector.shape_cast %mul3A_462 : vector<16xf32> to vector<1x1x16xf32>
          tpu.vector_store %arg8[%swap3A_464, %swap3A_465, %swap3A_466], %swap3A_469 {strides = array<i32>} : memref<2x128x128xf32, #tpu.memory_space<vmem>>, vector<1x1x16xf32>,
          %get3A_470 = arith.constant 1 : i32
          %get3A_471 = arith.index_cast %get3A_470 : i32 to index
          %get3A_472 = arith.index_cast %add3A_396 : i32 to index
          %get3A_473 = arith.constant 80 : index
          %get3A_474 = tpu.vector_load %arg8[%get3A_471, %get3A_472, %get3A_473] {strides = array<i32>} : memref<2x128x128xf32, #tpu.memory_space<vmem>>, vector<1x1x16xf32>,
          %get3A_475 = vector.shape_cast %get3A_474 : vector<1x1x16xf32> to vector<16xf32>
          %mul3A_476 = arith.mulf %get3A_475, %broadcast_in_dim3A_399 : vector<16xf32>
          %swap3A_477 = arith.constant 1 : i32
          %swap3A_478 = arith.index_cast %swap3A_477 : i32 to index
          %swap3A_479 = arith.index_cast %add3A_396 : i32 to index
          %swap3A_480 = arith.constant 80 : index
          %swap3A_481 = tpu.vector_load %arg8[%swap3A_478, %swap3A_479, %swap3A_480] {strides = array<i32>} : memref<2x128x128xf32, #tpu.memory_space<vmem>>, vector<1x1x16xf32>,
          %swap3A_482 = vector.shape_cast %swap3A_481 : vector<1x1x16xf32> to vector<16xf32>
          %swap3A_483 = vector.shape_cast %mul3A_476 : vector<16xf32> to vector<1x1x16xf32>
          tpu.vector_store %arg8[%swap3A_478, %swap3A_479, %swap3A_480], %swap3A_483 {strides = array<i32>} : memref<2x128x128xf32, #tpu.memory_space<vmem>>, vector<1x1x16xf32>,
          %get3A_484 = arith.constant 1 : i32
          %get3A_485 = arith.index_cast %get3A_484 : i32 to index
          %get3A_486 = arith.index_cast %add3A_396 : i32 to index
          %get3A_487 = arith.constant 96 : index
          %get3A_488 = tpu.vector_load %arg8[%get3A_485, %get3A_486, %get3A_487] {strides = array<i32>} : memref<2x128x128xf32, #tpu.memory_space<vmem>>, vector<1x1x16xf32>,
          %get3A_489 = vector.shape_cast %get3A_488 : vector<1x1x16xf32> to vector<16xf32>
          %mul3A_490 = arith.mulf %get3A_489, %broadcast_in_dim3A_399 : vector<16xf32>
          %swap3A_491 = arith.constant 1 : i32
          %swap3A_492 = arith.index_cast %swap3A_491 : i32 to index
          %swap3A_493 = arith.index_cast %add3A_396 : i32 to index
          %swap3A_494 = arith.constant 96 : index
          %swap3A_495 = tpu.vector_load %arg8[%swap3A_492, %swap3A_493, %swap3A_494] {strides = array<i32>} : memref<2x128x128xf32, #tpu.memory_space<vmem>>, vector<1x1x16xf32>,
          %swap3A_496 = vector.shape_cast %swap3A_495 : vector<1x1x16xf32> to vector<16xf32>
          %swap3A_497 = vector.shape_cast %mul3A_490 : vector<16xf32> to vector<1x1x16xf32>
          tpu.vector_store %arg8[%swap3A_492, %swap3A_493, %swap3A_494], %swap3A_497 {strides = array<i32>} : memref<2x128x128xf32, #tpu.memory_space<vmem>>, vector<1x1x16xf32>,
          %get3A_498 = arith.constant 1 : i32
          %get3A_499 = arith.index_cast %get3A_498 : i32 to index
          %get3A_500 = arith.index_cast %add3A_396 : i32 to index
          %get3A_501 = arith.constant 112 : index
          %get3A_502 = tpu.vector_load %arg8[%get3A_499, %get3A_500, %get3A_501] {strides = array<i32>} : memref<2x128x128xf32, #tpu.memory_space<vmem>>, vector<1x1x16xf32>,
          %get3A_503 = vector.shape_cast %get3A_502 : vector<1x1x16xf32> to vector<16xf32>
          %mul3A_504 = arith.mulf %get3A_503, %broadcast_in_dim3A_399 : vector<16xf32>
          %swap3A_505 = arith.constant 1 : i32
          %swap3A_506 = arith.index_cast %swap3A_505 : i32 to index
          %swap3A_507 = arith.index_cast %add3A_396 : i32 to index
          %swap3A_508 = arith.constant 112 : index
          %swap3A_509 = tpu.vector_load %arg8[%swap3A_506, %swap3A_507, %swap3A_508] {strides = array<i32>} : memref<2x128x128xf32, #tpu.memory_space<vmem>>, vector<1x1x16xf32>,
          %swap3A_510 = vector.shape_cast %swap3A_509 : vector<1x1x16xf32> to vector<16xf32>
          %swap3A_511 = vector.shape_cast %mul3A_504 : vector<16xf32> to vector<1x1x16xf32>
          tpu.vector_store %arg8[%swap3A_506, %swap3A_507, %swap3A_508], %swap3A_511 {strides = array<i32>} : memref<2x128x128xf32, #tpu.memory_space<vmem>>, vector<1x1x16xf32>,
          %mul3A_512 = arith.constant 16 : i32
          %mul3A_513 = arith.muli %mul3A_512, %scan3A_151 : i32
          %add3A_514 = arith.constant 3 : i32
          %add3A_515 = arith.addi %mul3A_513, %add3A_514 : i32
          %slice3A_516 = vector.extract_strided_slice %get3A_157 {offsets = [3], sizes = [1], strides = [1]} : vector<16xf32> to vector<1xf32>
          %squeeze3A_517 = vector.extract %slice3A_516[0] : f32 from vector<1xf32>
          %broadcast_in_dim3A_518 = vector.broadcast %squeeze3A_517 : f32 to vector<16xf32>
          %get3A_519 = arith.constant 1 : i32
          %get3A_520 = arith.index_cast %get3A_519 : i32 to index
          %get3A_521 = arith.index_cast %add3A_515 : i32 to index
          %get3A_522 = arith.constant 0 : index
          %get3A_523 = tpu.vector_load %arg8[%get3A_520, %get3A_521, %get3A_522] {strides = array<i32>} : memref<2x128x128xf32, #tpu.memory_space<vmem>>, vector<1x1x16xf32>,
          %get3A_524 = vector.shape_cast %get3A_523 : vector<1x1x16xf32> to vector<16xf32>
          %mul3A_525 = arith.mulf %get3A_524, %broadcast_in_dim3A_518 : vector<16xf32>
          %swap3A_526 = arith.constant 1 : i32
          %swap3A_527 = arith.index_cast %swap3A_526 : i32 to index
          %swap3A_528 = arith.index_cast %add3A_515 : i32 to index
          %swap3A_529 = arith.constant 0 : index
          %swap3A_530 = tpu.vector_load %arg8[%swap3A_527, %swap3A_528, %swap3A_529] {strides = array<i32>} : memref<2x128x128xf32, #tpu.memory_space<vmem>>, vector<1x1x16xf32>,
          %swap3A_531 = vector.shape_cast %swap3A_530 : vector<1x1x16xf32> to vector<16xf32>
          %swap3A_532 = vector.shape_cast %mul3A_525 : vector<16xf32> to vector<1x1x16xf32>
          tpu.vector_store %arg8[%swap3A_527, %swap3A_528, %swap3A_529], %swap3A_532 {strides = array<i32>} : memref<2x128x128xf32, #tpu.memory_space<vmem>>, vector<1x1x16xf32>,
          %get3A_533 = arith.constant 1 : i32
          %get3A_534 = arith.index_cast %get3A_533 : i32 to index
          %get3A_535 = arith.index_cast %add3A_515 : i32 to index
          %get3A_536 = arith.constant 16 : index
          %get3A_537 = tpu.vector_load %arg8[%get3A_534, %get3A_535, %get3A_536] {strides = array<i32>} : memref<2x128x128xf32, #tpu.memory_space<vmem>>, vector<1x1x16xf32>,
          %get3A_538 = vector.shape_cast %get3A_537 : vector<1x1x16xf32> to vector<16xf32>
          %mul3A_539 = arith.mulf %get3A_538, %broadcast_in_dim3A_518 : vector<16xf32>
          %swap3A_540 = arith.constant 1 : i32
          %swap3A_541 = arith.index_cast %swap3A_540 : i32 to index
          %swap3A_542 = arith.index_cast %add3A_515 : i32 to index
          %swap3A_543 = arith.constant 16 : index
          %swap3A_544 = tpu.vector_load %arg8[%swap3A_541, %swap3A_542, %swap3A_543] {strides = array<i32>} : memref<2x128x128xf32, #tpu.memory_space<vmem>>, vector<1x1x16xf32>,
          %swap3A_545 = vector.shape_cast %swap3A_544 : vector<1x1x16xf32> to vector<16xf32>
          %swap3A_546 = vector.shape_cast %mul3A_539 : vector<16xf32> to vector<1x1x16xf32>
          tpu.vector_store %arg8[%swap3A_541, %swap3A_542, %swap3A_543], %swap3A_546 {strides = array<i32>} : memref<2x128x128xf32, #tpu.memory_space<vmem>>, vector<1x1x16xf32>,
          %get3A_547 = arith.constant 1 : i32
          %get3A_548 = arith.index_cast %get3A_547 : i32 to index
          %get3A_549 = arith.index_cast %add3A_515 : i32 to index
          %get3A_550 = arith.constant 32 : index
          %get3A_551 = tpu.vector_load %arg8[%get3A_548, %get3A_549, %get3A_550] {strides = array<i32>} : memref<2x128x128xf32, #tpu.memory_space<vmem>>, vector<1x1x16xf32>,
          %get3A_552 = vector.shape_cast %get3A_551 : vector<1x1x16xf32> to vector<16xf32>
          %mul3A_553 = arith.mulf %get3A_552, %broadcast_in_dim3A_518 : vector<16xf32>
          %swap3A_554 = arith.constant 1 : i32
          %swap3A_555 = arith.index_cast %swap3A_554 : i32 to index
          %swap3A_556 = arith.index_cast %add3A_515 : i32 to index
          %swap3A_557 = arith.constant 32 : index
          %swap3A_558 = tpu.vector_load %arg8[%swap3A_555, %swap3A_556, %swap3A_557] {strides = array<i32>} : memref<2x128x128xf32, #tpu.memory_space<vmem>>, vector<1x1x16xf32>,
          %swap3A_559 = vector.shape_cast %swap3A_558 : vector<1x1x16xf32> to vector<16xf32>
          %swap3A_560 = vector.shape_cast %mul3A_553 : vector<16xf32> to vector<1x1x16xf32>
          tpu.vector_store %arg8[%swap3A_555, %swap3A_556, %swap3A_557], %swap3A_560 {strides = array<i32>} : memref<2x128x128xf32, #tpu.memory_space<vmem>>, vector<1x1x16xf32>,
          %get3A_561 = arith.constant 1 : i32
          %get3A_562 = arith.index_cast %get3A_561 : i32 to index
          %get3A_563 = arith.index_cast %add3A_515 : i32 to index
          %get3A_564 = arith.constant 48 : index
          %get3A_565 = tpu.vector_load %arg8[%get3A_562, %get3A_563, %get3A_564] {strides = array<i32>} : memref<2x128x128xf32, #tpu.memory_space<vmem>>, vector<1x1x16xf32>,
          %get3A_566 = vector.shape_cast %get3A_565 : vector<1x1x16xf32> to vector<16xf32>
          %mul3A_567 = arith.mulf %get3A_566, %broadcast_in_dim3A_518 : vector<16xf32>
          %swap3A_568 = arith.constant 1 : i32
          %swap3A_569 = arith.index_cast %swap3A_568 : i32 to index
          %swap3A_570 = arith.index_cast %add3A_515 : i32 to index
          %swap3A_571 = arith.constant 48 : index
          %swap3A_572 = tpu.vector_load %arg8[%swap3A_569, %swap3A_570, %swap3A_571] {strides = array<i32>} : memref<2x128x128xf32, #tpu.memory_space<vmem>>, vector<1x1x16xf32>,
          %swap3A_573 = vector.shape_cast %swap3A_572 : vector<1x1x16xf32> to vector<16xf32>
          %swap3A_574 = vector.shape_cast %mul3A_567 : vector<16xf32> to vector<1x1x16xf32>
          tpu.vector_store %arg8[%swap3A_569, %swap3A_570, %swap3A_571], %swap3A_574 {strides = array<i32>} : memref<2x128x128xf32, #tpu.memory_space<vmem>>, vector<1x1x16xf32>,
          %get3A_575 = arith.constant 1 : i32
          %get3A_576 = arith.index_cast %get3A_575 : i32 to index
          %get3A_577 = arith.index_cast %add3A_515 : i32 to index
          %get3A_578 = arith.constant 64 : index
          %get3A_579 = tpu.vector_load %arg8[%get3A_576, %get3A_577, %get3A_578] {strides = array<i32>} : memref<2x128x128xf32, #tpu.memory_space<vmem>>, vector<1x1x16xf32>,
          %get3A_580 = vector.shape_cast %get3A_579 : vector<1x1x16xf32> to vector<16xf32>
          %mul3A_581 = arith.mulf %get3A_580, %broadcast_in_dim3A_518 : vector<16xf32>
          %swap3A_582 = arith.constant 1 : i32
          %swap3A_583 = arith.index_cast %swap3A_582 : i32 to index
          %swap3A_584 = arith.index_cast %add3A_515 : i32 to index
          %swap3A_585 = arith.constant 64 : index
          %swap3A_586 = tpu.vector_load %arg8[%swap3A_583, %swap3A_584, %swap3A_585] {strides = array<i32>} : memref<2x128x128xf32, #tpu.memory_space<vmem>>, vector<1x1x16xf32>,
          %swap3A_587 = vector.shape_cast %swap3A_586 : vector<1x1x16xf32> to vector<16xf32>
          %swap3A_588 = vector.shape_cast %mul3A_581 : vector<16xf32> to vector<1x1x16xf32>
          tpu.vector_store %arg8[%swap3A_583, %swap3A_584, %swap3A_585], %swap3A_588 {strides = array<i32>} : memref<2x128x128xf32, #tpu.memory_space<vmem>>, vector<1x1x16xf32>,
          %get3A_589 = arith.constant 1 : i32
          %get3A_590 = arith.index_cast %get3A_589 : i32 to index
          %get3A_591 = arith.index_cast %add3A_515 : i32 to index
          %get3A_592 = arith.constant 80 : index
          %get3A_593 = tpu.vector_load %arg8[%get3A_590, %get3A_591, %get3A_592] {strides = array<i32>} : memref<2x128x128xf32, #tpu.memory_space<vmem>>, vector<1x1x16xf32>,
          %get3A_594 = vector.shape_cast %get3A_593 : vector<1x1x16xf32> to vector<16xf32>
          %mul3A_595 = arith.mulf %get3A_594, %broadcast_in_dim3A_518 : vector<16xf32>
          %swap3A_596 = arith.constant 1 : i32
          %swap3A_597 = arith.index_cast %swap3A_596 : i32 to index
          %swap3A_598 = arith.index_cast %add3A_515 : i32 to index
          %swap3A_599 = arith.constant 80 : index
          %swap3A_600 = tpu.vector_load %arg8[%swap3A_597, %swap3A_598, %swap3A_599] {strides = array<i32>} : memref<2x128x128xf32, #tpu.memory_space<vmem>>, vector<1x1x16xf32>,
          %swap3A_601 = vector.shape_cast %swap3A_600 : vector<1x1x16xf32> to vector<16xf32>
          %swap3A_602 = vector.shape_cast %mul3A_595 : vector<16xf32> to vector<1x1x16xf32>
          tpu.vector_store %arg8[%swap3A_597, %swap3A_598, %swap3A_599], %swap3A_602 {strides = array<i32>} : memref<2x128x128xf32, #tpu.memory_space<vmem>>, vector<1x1x16xf32>,
          %get3A_603 = arith.constant 1 : i32
          %get3A_604 = arith.index_cast %get3A_603 : i32 to index
          %get3A_605 = arith.index_cast %add3A_515 : i32 to index
          %get3A_606 = arith.constant 96 : index
          %get3A_607 = tpu.vector_load %arg8[%get3A_604, %get3A_605, %get3A_606] {strides = array<i32>} : memref<2x128x128xf32, #tpu.memory_space<vmem>>, vector<1x1x16xf32>,
          %get3A_608 = vector.shape_cast %get3A_607 : vector<1x1x16xf32> to vector<16xf32>
          %mul3A_609 = arith.mulf %get3A_608, %broadcast_in_dim3A_518 : vector<16xf32>
          %swap3A_610 = arith.constant 1 : i32
          %swap3A_611 = arith.index_cast %swap3A_610 : i32 to index
          %swap3A_612 = arith.index_cast %add3A_515 : i32 to index
          %swap3A_613 = arith.constant 96 : index
          %swap3A_614 = tpu.vector_load %arg8[%swap3A_611, %swap3A_612, %swap3A_613] {strides = array<i32>} : memref<2x128x128xf32, #tpu.memory_space<vmem>>, vector<1x1x16xf32>,
          %swap3A_615 = vector.shape_cast %swap3A_614 : vector<1x1x16xf32> to vector<16xf32>
          %swap3A_616 = vector.shape_cast %mul3A_609 : vector<16xf32> to vector<1x1x16xf32>
          tpu.vector_store %arg8[%swap3A_611, %swap3A_612, %swap3A_613], %swap3A_616 {strides = array<i32>} : memref<2x128x128xf32, #tpu.memory_space<vmem>>, vector<1x1x16xf32>,
          %get3A_617 = arith.constant 1 : i32
          %get3A_618 = arith.index_cast %get3A_617 : i32 to index
          %get3A_619 = arith.index_cast %add3A_515 : i32 to index
          %get3A_620 = arith.constant 112 : index
          %get3A_621 = tpu.vector_load %arg8[%get3A_618, %get3A_619, %get3A_620] {strides = array<i32>} : memref<2x128x128xf32, #tpu.memory_space<vmem>>, vector<1x1x16xf32>,
          %get3A_622 = vector.shape_cast %get3A_621 : vector<1x1x16xf32> to vector<16xf32>
          %mul3A_623 = arith.mulf %get3A_622, %broadcast_in_dim3A_518 : vector<16xf32>
          %swap3A_624 = arith.constant 1 : i32
          %swap3A_625 = arith.index_cast %swap3A_624 : i32 to index
          %swap3A_626 = arith.index_cast %add3A_515 : i32 to index
          %swap3A_627 = arith.constant 112 : index
          %swap3A_628 = tpu.vector_load %arg8[%swap3A_625, %swap3A_626, %swap3A_627] {strides = array<i32>} : memref<2x128x128xf32, #tpu.memory_space<vmem>>, vector<1x1x16xf32>,
          %swap3A_629 = vector.shape_cast %swap3A_628 : vector<1x1x16xf32> to vector<16xf32>
          %swap3A_630 = vector.shape_cast %mul3A_623 : vector<16xf32> to vector<1x1x16xf32>
          tpu.vector_store %arg8[%swap3A_625, %swap3A_626, %swap3A_627], %swap3A_630 {strides = array<i32>} : memref<2x128x128xf32, #tpu.memory_space<vmem>>, vector<1x1x16xf32>,
          %mul3A_631 = arith.constant 16 : i32
          %mul3A_632 = arith.muli %mul3A_631, %scan3A_151 : i32
          %add3A_633 = arith.constant 4 : i32
          %add3A_634 = arith.addi %mul3A_632, %add3A_633 : i32
          %slice3A_635 = vector.extract_strided_slice %get3A_157 {offsets = [4], sizes = [1], strides = [1]} : vector<16xf32> to vector<1xf32>
          %squeeze3A_636 = vector.extract %slice3A_635[0] : f32 from vector<1xf32>
          %broadcast_in_dim3A_637 = vector.broadcast %squeeze3A_636 : f32 to vector<16xf32>
          %get3A_638 = arith.constant 1 : i32
          %get3A_639 = arith.index_cast %get3A_638 : i32 to index
          %get3A_640 = arith.index_cast %add3A_634 : i32 to index
          %get3A_641 = arith.constant 0 : index
          %get3A_642 = tpu.vector_load %arg8[%get3A_639, %get3A_640, %get3A_641] {strides = array<i32>} : memref<2x128x128xf32, #tpu.memory_space<vmem>>, vector<1x1x16xf32>,
          %get3A_643 = vector.shape_cast %get3A_642 : vector<1x1x16xf32> to vector<16xf32>
          %mul3A_644 = arith.mulf %get3A_643, %broadcast_in_dim3A_637 : vector<16xf32>
          %swap3A_645 = arith.constant 1 : i32
          %swap3A_646 = arith.index_cast %swap3A_645 : i32 to index
          %swap3A_647 = arith.index_cast %add3A_634 : i32 to index
          %swap3A_648 = arith.constant 0 : index
          %swap3A_649 = tpu.vector_load %arg8[%swap3A_646, %swap3A_647, %swap3A_648] {strides = array<i32>} : memref<2x128x128xf32, #tpu.memory_space<vmem>>, vector<1x1x16xf32>,
          %swap3A_650 = vector.shape_cast %swap3A_649 : vector<1x1x16xf32> to vector<16xf32>
          %swap3A_651 = vector.shape_cast %mul3A_644 : vector<16xf32> to vector<1x1x16xf32>
          tpu.vector_store %arg8[%swap3A_646, %swap3A_647, %swap3A_648], %swap3A_651 {strides = array<i32>} : memref<2x128x128xf32, #tpu.memory_space<vmem>>, vector<1x1x16xf32>,
          %get3A_652 = arith.constant 1 : i32
          %get3A_653 = arith.index_cast %get3A_652 : i32 to index
          %get3A_654 = arith.index_cast %add3A_634 : i32 to index
          %get3A_655 = arith.constant 16 : index
          %get3A_656 = tpu.vector_load %arg8[%get3A_653, %get3A_654, %get3A_655] {strides = array<i32>} : memref<2x128x128xf32, #tpu.memory_space<vmem>>, vector<1x1x16xf32>,
          %get3A_657 = vector.shape_cast %get3A_656 : vector<1x1x16xf32> to vector<16xf32>
          %mul3A_658 = arith.mulf %get3A_657, %broadcast_in_dim3A_637 : vector<16xf32>
          %swap3A_659 = arith.constant 1 : i32
          %swap3A_660 = arith.index_cast %swap3A_659 : i32 to index
          %swap3A_661 = arith.index_cast %add3A_634 : i32 to index
          %swap3A_662 = arith.constant 16 : index
          %swap3A_663 = tpu.vector_load %arg8[%swap3A_660, %swap3A_661, %swap3A_662] {strides = array<i32>} : memref<2x128x128xf32, #tpu.memory_space<vmem>>, vector<1x1x16xf32>,
          %swap3A_664 = vector.shape_cast %swap3A_663 : vector<1x1x16xf32> to vector<16xf32>
          %swap3A_665 = vector.shape_cast %mul3A_658 : vector<16xf32> to vector<1x1x16xf32>
          tpu.vector_store %arg8[%swap3A_660, %swap3A_661, %swap3A_662], %swap3A_665 {strides = array<i32>} : memref<2x128x128xf32, #tpu.memory_space<vmem>>, vector<1x1x16xf32>,
          %get3A_666 = arith.constant 1 : i32
          %get3A_667 = arith.index_cast %get3A_666 : i32 to index
          %get3A_668 = arith.index_cast %add3A_634 : i32 to index
          %get3A_669 = arith.constant 32 : index
          %get3A_670 = tpu.vector_load %arg8[%get3A_667, %get3A_668, %get3A_669] {strides = array<i32>} : memref<2x128x128xf32, #tpu.memory_space<vmem>>, vector<1x1x16xf32>,
          %get3A_671 = vector.shape_cast %get3A_670 : vector<1x1x16xf32> to vector<16xf32>
          %mul3A_672 = arith.mulf %get3A_671, %broadcast_in_dim3A_637 : vector<16xf32>
          %swap3A_673 = arith.constant 1 : i32
          %swap3A_674 = arith.index_cast %swap3A_673 : i32 to index
          %swap3A_675 = arith.index_cast %add3A_634 : i32 to index
          %swap3A_676 = arith.constant 32 : index
          %swap3A_677 = tpu.vector_load %arg8[%swap3A_674, %swap3A_675, %swap3A_676] {strides = array<i32>} : memref<2x128x128xf32, #tpu.memory_space<vmem>>, vector<1x1x16xf32>,
          %swap3A_678 = vector.shape_cast %swap3A_677 : vector<1x1x16xf32> to vector<16xf32>
          %swap3A_679 = vector.shape_cast %mul3A_672 : vector<16xf32> to vector<1x1x16xf32>
          tpu.vector_store %arg8[%swap3A_674, %swap3A_675, %swap3A_676], %swap3A_679 {strides = array<i32>} : memref<2x128x128xf32, #tpu.memory_space<vmem>>, vector<1x1x16xf32>,
          %get3A_680 = arith.constant 1 : i32
          %get3A_681 = arith.index_cast %get3A_680 : i32 to index
          %get3A_682 = arith.index_cast %add3A_634 : i32 to index
          %get3A_683 = arith.constant 48 : index
          %get3A_684 = tpu.vector_load %arg8[%get3A_681, %get3A_682, %get3A_683] {strides = array<i32>} : memref<2x128x128xf32, #tpu.memory_space<vmem>>, vector<1x1x16xf32>,
          %get3A_685 = vector.shape_cast %get3A_684 : vector<1x1x16xf32> to vector<16xf32>
          %mul3A_686 = arith.mulf %get3A_685, %broadcast_in_dim3A_637 : vector<16xf32>
          %swap3A_687 = arith.constant 1 : i32
          %swap3A_688 = arith.index_cast %swap3A_687 : i32 to index
          %swap3A_689 = arith.index_cast %add3A_634 : i32 to index
          %swap3A_690 = arith.constant 48 : index
          %swap3A_691 = tpu.vector_load %arg8[%swap3A_688, %swap3A_689, %swap3A_690] {strides = array<i32>} : memref<2x128x128xf32, #tpu.memory_space<vmem>>, vector<1x1x16xf32>,
          %swap3A_692 = vector.shape_cast %swap3A_691 : vector<1x1x16xf32> to vector<16xf32>
          %swap3A_693 = vector.shape_cast %mul3A_686 : vector<16xf32> to vector<1x1x16xf32>
          tpu.vector_store %arg8[%swap3A_688, %swap3A_689, %swap3A_690], %swap3A_693 {strides = array<i32>} : memref<2x128x128xf32, #tpu.memory_space<vmem>>, vector<1x1x16xf32>,
          %get3A_694 = arith.constant 1 : i32
          %get3A_695 = arith.index_cast %get3A_694 : i32 to index
          %get3A_696 = arith.index_cast %add3A_634 : i32 to index
          %get3A_697 = arith.constant 64 : index
          %get3A_698 = tpu.vector_load %arg8[%get3A_695, %get3A_696, %get3A_697] {strides = array<i32>} : memref<2x128x128xf32, #tpu.memory_space<vmem>>, vector<1x1x16xf32>,
          %get3A_699 = vector.shape_cast %get3A_698 : vector<1x1x16xf32> to vector<16xf32>
          %mul3A_700 = arith.mulf %get3A_699, %broadcast_in_dim3A_637 : vector<16xf32>
          %swap3A_701 = arith.constant 1 : i32
          %swap3A_702 = arith.index_cast %swap3A_701 : i32 to index
          %swap3A_703 = arith.index_cast %add3A_634 : i32 to index
          %swap3A_704 = arith.constant 64 : index
          %swap3A_705 = tpu.vector_load %arg8[%swap3A_702, %swap3A_703, %swap3A_704] {strides = array<i32>} : memref<2x128x128xf32, #tpu.memory_space<vmem>>, vector<1x1x16xf32>,
          %swap3A_706 = vector.shape_cast %swap3A_705 : vector<1x1x16xf32> to vector<16xf32>
          %swap3A_707 = vector.shape_cast %mul3A_700 : vector<16xf32> to vector<1x1x16xf32>
          tpu.vector_store %arg8[%swap3A_702, %swap3A_703, %swap3A_704], %swap3A_707 {strides = array<i32>} : memref<2x128x128xf32, #tpu.memory_space<vmem>>, vector<1x1x16xf32>,
          %get3A_708 = arith.constant 1 : i32
          %get3A_709 = arith.index_cast %get3A_708 : i32 to index
          %get3A_710 = arith.index_cast %add3A_634 : i32 to index
          %get3A_711 = arith.constant 80 : index
          %get3A_712 = tpu.vector_load %arg8[%get3A_709, %get3A_710, %get3A_711] {strides = array<i32>} : memref<2x128x128xf32, #tpu.memory_space<vmem>>, vector<1x1x16xf32>,
          %get3A_713 = vector.shape_cast %get3A_712 : vector<1x1x16xf32> to vector<16xf32>
          %mul3A_714 = arith.mulf %get3A_713, %broadcast_in_dim3A_637 : vector<16xf32>
          %swap3A_715 = arith.constant 1 : i32
          %swap3A_716 = arith.index_cast %swap3A_715 : i32 to index
          %swap3A_717 = arith.index_cast %add3A_634 : i32 to index
          %swap3A_718 = arith.constant 80 : index
          %swap3A_719 = tpu.vector_load %arg8[%swap3A_716, %swap3A_717, %swap3A_718] {strides = array<i32>} : memref<2x128x128xf32, #tpu.memory_space<vmem>>, vector<1x1x16xf32>,
          %swap3A_720 = vector.shape_cast %swap3A_719 : vector<1x1x16xf32> to vector<16xf32>
          %swap3A_721 = vector.shape_cast %mul3A_714 : vector<16xf32> to vector<1x1x16xf32>
          tpu.vector_store %arg8[%swap3A_716, %swap3A_717, %swap3A_718], %swap3A_721 {strides = array<i32>} : memref<2x128x128xf32, #tpu.memory_space<vmem>>, vector<1x1x16xf32>,
          %get3A_722 = arith.constant 1 : i32
          %get3A_723 = arith.index_cast %get3A_722 : i32 to index
          %get3A_724 = arith.index_cast %add3A_634 : i32 to index
          %get3A_725 = arith.constant 96 : index
          %get3A_726 = tpu.vector_load %arg8[%get3A_723, %get3A_724, %get3A_725] {strides = array<i32>} : memref<2x128x128xf32, #tpu.memory_space<vmem>>, vector<1x1x16xf32>,
          %get3A_727 = vector.shape_cast %get3A_726 : vector<1x1x16xf32> to vector<16xf32>
          %mul3A_728 = arith.mulf %get3A_727, %broadcast_in_dim3A_637 : vector<16xf32>
          %swap3A_729 = arith.constant 1 : i32
          %swap3A_730 = arith.index_cast %swap3A_729 : i32 to index
          %swap3A_731 = arith.index_cast %add3A_634 : i32 to index
          %swap3A_732 = arith.constant 96 : index
          %swap3A_733 = tpu.vector_load %arg8[%swap3A_730, %swap3A_731, %swap3A_732] {strides = array<i32>} : memref<2x128x128xf32, #tpu.memory_space<vmem>>, vector<1x1x16xf32>,
          %swap3A_734 = vector.shape_cast %swap3A_733 : vector<1x1x16xf32> to vector<16xf32>
          %swap3A_735 = vector.shape_cast %mul3A_728 : vector<16xf32> to vector<1x1x16xf32>
          tpu.vector_store %arg8[%swap3A_730, %swap3A_731, %swap3A_732], %swap3A_735 {strides = array<i32>} : memref<2x128x128xf32, #tpu.memory_space<vmem>>, vector<1x1x16xf32>,
          %get3A_736 = arith.constant 1 : i32
          %get3A_737 = arith.index_cast %get3A_736 : i32 to index
          %get3A_738 = arith.index_cast %add3A_634 : i32 to index
          %get3A_739 = arith.constant 112 : index
          %get3A_740 = tpu.vector_load %arg8[%get3A_737, %get3A_738, %get3A_739] {strides = array<i32>} : memref<2x128x128xf32, #tpu.memory_space<vmem>>, vector<1x1x16xf32>,
          %get3A_741 = vector.shape_cast %get3A_740 : vector<1x1x16xf32> to vector<16xf32>
          %mul3A_742 = arith.mulf %get3A_741, %broadcast_in_dim3A_637 : vector<16xf32>
          %swap3A_743 = arith.constant 1 : i32
          %swap3A_744 = arith.index_cast %swap3A_743 : i32 to index
          %swap3A_745 = arith.index_cast %add3A_634 : i32 to index
          %swap3A_746 = arith.constant 112 : index
          %swap3A_747 = tpu.vector_load %arg8[%swap3A_744, %swap3A_745, %swap3A_746] {strides = array<i32>} : memref<2x128x128xf32, #tpu.memory_space<vmem>>, vector<1x1x16xf32>,
          %swap3A_748 = vector.shape_cast %swap3A_747 : vector<1x1x16xf32> to vector<16xf32>
          %swap3A_749 = vector.shape_cast %mul3A_742 : vector<16xf32> to vector<1x1x16xf32>
          tpu.vector_store %arg8[%swap3A_744, %swap3A_745, %swap3A_746], %swap3A_749 {strides = array<i32>} : memref<2x128x128xf32, #tpu.memory_space<vmem>>, vector<1x1x16xf32>,
          %mul3A_750 = arith.constant 16 : i32
          %mul3A_751 = arith.muli %mul3A_750, %scan3A_151 : i32
          %add3A_752 = arith.constant 5 : i32
          %add3A_753 = arith.addi %mul3A_751, %add3A_752 : i32
          %slice3A_754 = vector.extract_strided_slice %get3A_157 {offsets = [5], sizes = [1], strides = [1]} : vector<16xf32> to vector<1xf32>
          %squeeze3A_755 = vector.extract %slice3A_754[0] : f32 from vector<1xf32>
          %broadcast_in_dim3A_756 = vector.broadcast %squeeze3A_755 : f32 to vector<16xf32>
          %get3A_757 = arith.constant 1 : i32
          %get3A_758 = arith.index_cast %get3A_757 : i32 to index
          %get3A_759 = arith.index_cast %add3A_753 : i32 to index
          %get3A_760 = arith.constant 0 : index
          %get3A_761 = tpu.vector_load %arg8[%get3A_758, %get3A_759, %get3A_760] {strides = array<i32>} : memref<2x128x128xf32, #tpu.memory_space<vmem>>, vector<1x1x16xf32>,
          %get3A_762 = vector.shape_cast %get3A_761 : vector<1x1x16xf32> to vector<16xf32>
          %mul3A_763 = arith.mulf %get3A_762, %broadcast_in_dim3A_756 : vector<16xf32>
          %swap3A_764 = arith.constant 1 : i32
          %swap3A_765 = arith.index_cast %swap3A_764 : i32 to index
          %swap3A_766 = arith.index_cast %add3A_753 : i32 to index
          %swap3A_767 = arith.constant 0 : index
          %swap3A_768 = tpu.vector_load %arg8[%swap3A_765, %swap3A_766, %swap3A_767] {strides = array<i32>} : memref<2x128x128xf32, #tpu.memory_space<vmem>>, vector<1x1x16xf32>,
          %swap3A_769 = vector.shape_cast %swap3A_768 : vector<1x1x16xf32> to vector<16xf32>
          %swap3A_770 = vector.shape_cast %mul3A_763 : vector<16xf32> to vector<1x1x16xf32>
          tpu.vector_store %arg8[%swap3A_765, %swap3A_766, %swap3A_767], %swap3A_770 {strides = array<i32>} : memref<2x128x128xf32, #tpu.memory_space<vmem>>, vector<1x1x16xf32>,
          %get3A_771 = arith.constant 1 : i32
          %get3A_772 = arith.index_cast %get3A_771 : i32 to index
          %get3A_773 = arith.index_cast %add3A_753 : i32 to index
          %get3A_774 = arith.constant 16 : index
          %get3A_775 = tpu.vector_load %arg8[%get3A_772, %get3A_773, %get3A_774] {strides = array<i32>} : memref<2x128x128xf32, #tpu.memory_space<vmem>>, vector<1x1x16xf32>,
          %get3A_776 = vector.shape_cast %get3A_775 : vector<1x1x16xf32> to vector<16xf32>
          %mul3A_777 = arith.mulf %get3A_776, %broadcast_in_dim3A_756 : vector<16xf32>
          %swap3A_778 = arith.constant 1 : i32
          %swap3A_779 = arith.index_cast %swap3A_778 : i32 to index
          %swap3A_780 = arith.index_cast %add3A_753 : i32 to index
          %swap3A_781 = arith.constant 16 : index
          %swap3A_782 = tpu.vector_load %arg8[%swap3A_779, %swap3A_780, %swap3A_781] {strides = array<i32>} : memref<2x128x128xf32, #tpu.memory_space<vmem>>, vector<1x1x16xf32>,
          %swap3A_783 = vector.shape_cast %swap3A_782 : vector<1x1x16xf32> to vector<16xf32>
          %swap3A_784 = vector.shape_cast %mul3A_777 : vector<16xf32> to vector<1x1x16xf32>
          tpu.vector_store %arg8[%swap3A_779, %swap3A_780, %swap3A_781], %swap3A_784 {strides = array<i32>} : memref<2x128x128xf32, #tpu.memory_space<vmem>>, vector<1x1x16xf32>,
          %get3A_785 = arith.constant 1 : i32
          %get3A_786 = arith.index_cast %get3A_785 : i32 to index
          %get3A_787 = arith.index_cast %add3A_753 : i32 to index
          %get3A_788 = arith.constant 32 : index
          %get3A_789 = tpu.vector_load %arg8[%get3A_786, %get3A_787, %get3A_788] {strides = array<i32>} : memref<2x128x128xf32, #tpu.memory_space<vmem>>, vector<1x1x16xf32>,
          %get3A_790 = vector.shape_cast %get3A_789 : vector<1x1x16xf32> to vector<16xf32>
          %mul3A_791 = arith.mulf %get3A_790, %broadcast_in_dim3A_756 : vector<16xf32>
          %swap3A_792 = arith.constant 1 : i32
          %swap3A_793 = arith.index_cast %swap3A_792 : i32 to index
          %swap3A_794 = arith.index_cast %add3A_753 : i32 to index
          %swap3A_795 = arith.constant 32 : index
          %swap3A_796 = tpu.vector_load %arg8[%swap3A_793, %swap3A_794, %swap3A_795] {strides = array<i32>} : memref<2x128x128xf32, #tpu.memory_space<vmem>>, vector<1x1x16xf32>,
          %swap3A_797 = vector.shape_cast %swap3A_796 : vector<1x1x16xf32> to vector<16xf32>
          %swap3A_798 = vector.shape_cast %mul3A_791 : vector<16xf32> to vector<1x1x16xf32>
          tpu.vector_store %arg8[%swap3A_793, %swap3A_794, %swap3A_795], %swap3A_798 {strides = array<i32>} : memref<2x128x128xf32, #tpu.memory_space<vmem>>, vector<1x1x16xf32>,
          %get3A_799 = arith.constant 1 : i32
          %get3A_800 = arith.index_cast %get3A_799 : i32 to index
          %get3A_801 = arith.index_cast %add3A_753 : i32 to index
          %get3A_802 = arith.constant 48 : index
          %get3A_803 = tpu.vector_load %arg8[%get3A_800, %get3A_801, %get3A_802] {strides = array<i32>} : memref<2x128x128xf32, #tpu.memory_space<vmem>>, vector<1x1x16xf32>,
          %get3A_804 = vector.shape_cast %get3A_803 : vector<1x1x16xf32> to vector<16xf32>
          %mul3A_805 = arith.mulf %get3A_804, %broadcast_in_dim3A_756 : vector<16xf32>
          %swap3A_806 = arith.constant 1 : i32
          %swap3A_807 = arith.index_cast %swap3A_806 : i32 to index
          %swap3A_808 = arith.index_cast %add3A_753 : i32 to index
          %swap3A_809 = arith.constant 48 : index
          %swap3A_810 = tpu.vector_load %arg8[%swap3A_807, %swap3A_808, %swap3A_809] {strides = array<i32>} : memref<2x128x128xf32, #tpu.memory_space<vmem>>, vector<1x1x16xf32>,
          %swap3A_811 = vector.shape_cast %swap3A_810 : vector<1x1x16xf32> to vector<16xf32>
          %swap3A_812 = vector.shape_cast %mul3A_805 : vector<16xf32> to vector<1x1x16xf32>
          tpu.vector_store %arg8[%swap3A_807, %swap3A_808, %swap3A_809], %swap3A_812 {strides = array<i32>} : memref<2x128x128xf32, #tpu.memory_space<vmem>>, vector<1x1x16xf32>,
          %get3A_813 = arith.constant 1 : i32
          %get3A_814 = arith.index_cast %get3A_813 : i32 to index
          %get3A_815 = arith.index_cast %add3A_753 : i32 to index
          %get3A_816 = arith.constant 64 : index
          %get3A_817 = tpu.vector_load %arg8[%get3A_814, %get3A_815, %get3A_816] {strides = array<i32>} : memref<2x128x128xf32, #tpu.memory_space<vmem>>, vector<1x1x16xf32>,
          %get3A_818 = vector.shape_cast %get3A_817 : vector<1x1x16xf32> to vector<16xf32>
          %mul3A_819 = arith.mulf %get3A_818, %broadcast_in_dim3A_756 : vector<16xf32>
          %swap3A_820 = arith.constant 1 : i32
          %swap3A_821 = arith.index_cast %swap3A_820 : i32 to index
          %swap3A_822 = arith.index_cast %add3A_753 : i32 to index
          %swap3A_823 = arith.constant 64 : index
          %swap3A_824 = tpu.vector_load %arg8[%swap3A_821, %swap3A_822, %swap3A_823] {strides = array<i32>} : memref<2x128x128xf32, #tpu.memory_space<vmem>>, vector<1x1x16xf32>,
          %swap3A_825 = vector.shape_cast %swap3A_824 : vector<1x1x16xf32> to vector<16xf32>
          %swap3A_826 = vector.shape_cast %mul3A_819 : vector<16xf32> to vector<1x1x16xf32>
          tpu.vector_store %arg8[%swap3A_821, %swap3A_822, %swap3A_823], %swap3A_826 {strides = array<i32>} : memref<2x128x128xf32, #tpu.memory_space<vmem>>, vector<1x1x16xf32>,
          %get3A_827 = arith.constant 1 : i32
          %get3A_828 = arith.index_cast %get3A_827 : i32 to index
          %get3A_829 = arith.index_cast %add3A_753 : i32 to index
          %get3A_830 = arith.constant 80 : index
          %get3A_831 = tpu.vector_load %arg8[%get3A_828, %get3A_829, %get3A_830] {strides = array<i32>} : memref<2x128x128xf32, #tpu.memory_space<vmem>>, vector<1x1x16xf32>,
          %get3A_832 = vector.shape_cast %get3A_831 : vector<1x1x16xf32> to vector<16xf32>
          %mul3A_833 = arith.mulf %get3A_832, %broadcast_in_dim3A_756 : vector<16xf32>
          %swap3A_834 = arith.constant 1 : i32
          %swap3A_835 = arith.index_cast %swap3A_834 : i32 to index
          %swap3A_836 = arith.index_cast %add3A_753 : i32 to index
          %swap3A_837 = arith.constant 80 : index
          %swap3A_838 = tpu.vector_load %arg8[%swap3A_835, %swap3A_836, %swap3A_837] {strides = array<i32>} : memref<2x128x128xf32, #tpu.memory_space<vmem>>, vector<1x1x16xf32>,
          %swap3A_839 = vector.shape_cast %swap3A_838 : vector<1x1x16xf32> to vector<16xf32>
          %swap3A_840 = vector.shape_cast %mul3A_833 : vector<16xf32> to vector<1x1x16xf32>
          tpu.vector_store %arg8[%swap3A_835, %swap3A_836, %swap3A_837], %swap3A_840 {strides = array<i32>} : memref<2x128x128xf32, #tpu.memory_space<vmem>>, vector<1x1x16xf32>,
          %get3A_841 = arith.constant 1 : i32
          %get3A_842 = arith.index_cast %get3A_841 : i32 to index
          %get3A_843 = arith.index_cast %add3A_753 : i32 to index
          %get3A_844 = arith.constant 96 : index
          %get3A_845 = tpu.vector_load %arg8[%get3A_842, %get3A_843, %get3A_844] {strides = array<i32>} : memref<2x128x128xf32, #tpu.memory_space<vmem>>, vector<1x1x16xf32>,
          %get3A_846 = vector.shape_cast %get3A_845 : vector<1x1x16xf32> to vector<16xf32>
          %mul3A_847 = arith.mulf %get3A_846, %broadcast_in_dim3A_756 : vector<16xf32>
          %swap3A_848 = arith.constant 1 : i32
          %swap3A_849 = arith.index_cast %swap3A_848 : i32 to index
          %swap3A_850 = arith.index_cast %add3A_753 : i32 to index
          %swap3A_851 = arith.constant 96 : index
          %swap3A_852 = tpu.vector_load %arg8[%swap3A_849, %swap3A_850, %swap3A_851] {strides = array<i32>} : memref<2x128x128xf32, #tpu.memory_space<vmem>>, vector<1x1x16xf32>,
          %swap3A_853 = vector.shape_cast %swap3A_852 : vector<1x1x16xf32> to vector<16xf32>
          %swap3A_854 = vector.shape_cast %mul3A_847 : vector<16xf32> to vector<1x1x16xf32>
          tpu.vector_store %arg8[%swap3A_849, %swap3A_850, %swap3A_851], %swap3A_854 {strides = array<i32>} : memref<2x128x128xf32, #tpu.memory_space<vmem>>, vector<1x1x16xf32>,
          %get3A_855 = arith.constant 1 : i32
          %get3A_856 = arith.index_cast %get3A_855 : i32 to index
          %get3A_857 = arith.index_cast %add3A_753 : i32 to index
          %get3A_858 = arith.constant 112 : index
          %get3A_859 = tpu.vector_load %arg8[%get3A_856, %get3A_857, %get3A_858] {strides = array<i32>} : memref<2x128x128xf32, #tpu.memory_space<vmem>>, vector<1x1x16xf32>,
          %get3A_860 = vector.shape_cast %get3A_859 : vector<1x1x16xf32> to vector<16xf32>
          %mul3A_861 = arith.mulf %get3A_860, %broadcast_in_dim3A_756 : vector<16xf32>
          %swap3A_862 = arith.constant 1 : i32
          %swap3A_863 = arith.index_cast %swap3A_862 : i32 to index
          %swap3A_864 = arith.index_cast %add3A_753 : i32 to index
          %swap3A_865 = arith.constant 112 : index
          %swap3A_866 = tpu.vector_load %arg8[%swap3A_863, %swap3A_864, %swap3A_865] {strides = array<i32>} : memref<2x128x128xf32, #tpu.memory_space<vmem>>, vector<1x1x16xf32>,
          %swap3A_867 = vector.shape_cast %swap3A_866 : vector<1x1x16xf32> to vector<16xf32>
          %swap3A_868 = vector.shape_cast %mul3A_861 : vector<16xf32> to vector<1x1x16xf32>
          tpu.vector_store %arg8[%swap3A_863, %swap3A_864, %swap3A_865], %swap3A_868 {strides = array<i32>} : memref<2x128x128xf32, #tpu.memory_space<vmem>>, vector<1x1x16xf32>,
          %mul3A_869 = arith.constant 16 : i32
          %mul3A_870 = arith.muli %mul3A_869, %scan3A_151 : i32
          %add3A_871 = arith.constant 6 : i32
          %add3A_872 = arith.addi %mul3A_870, %add3A_871 : i32
          %slice3A_873 = vector.extract_strided_slice %get3A_157 {offsets = [6], sizes = [1], strides = [1]} : vector<16xf32> to vector<1xf32>
          %squeeze3A_874 = vector.extract %slice3A_873[0] : f32 from vector<1xf32>
          %broadcast_in_dim3A_875 = vector.broadcast %squeeze3A_874 : f32 to vector<16xf32>
          %get3A_876 = arith.constant 1 : i32
          %get3A_877 = arith.index_cast %get3A_876 : i32 to index
          %get3A_878 = arith.index_cast %add3A_872 : i32 to index
          %get3A_879 = arith.constant 0 : index
          %get3A_880 = tpu.vector_load %arg8[%get3A_877, %get3A_878, %get3A_879] {strides = array<i32>} : memref<2x128x128xf32, #tpu.memory_space<vmem>>, vector<1x1x16xf32>,
          %get3A_881 = vector.shape_cast %get3A_880 : vector<1x1x16xf32> to vector<16xf32>
          %mul3A_882 = arith.mulf %get3A_881, %broadcast_in_dim3A_875 : vector<16xf32>
          %swap3A_883 = arith.constant 1 : i32
          %swap3A_884 = arith.index_cast %swap3A_883 : i32 to index
          %swap3A_885 = arith.index_cast %add3A_872 : i32 to index
          %swap3A_886 = arith.constant 0 : index
          %swap3A_887 = tpu.vector_load %arg8[%swap3A_884, %swap3A_885, %swap3A_886] {strides = array<i32>} : memref<2x128x128xf32, #tpu.memory_space<vmem>>, vector<1x1x16xf32>,
          %swap3A_888 = vector.shape_cast %swap3A_887 : vector<1x1x16xf32> to vector<16xf32>
          %swap3A_889 = vector.shape_cast %mul3A_882 : vector<16xf32> to vector<1x1x16xf32>
          tpu.vector_store %arg8[%swap3A_884, %swap3A_885, %swap3A_886], %swap3A_889 {strides = array<i32>} : memref<2x128x128xf32, #tpu.memory_space<vmem>>, vector<1x1x16xf32>,
          %get3A_890 = arith.constant 1 : i32
          %get3A_891 = arith.index_cast %get3A_890 : i32 to index
          %get3A_892 = arith.index_cast %add3A_872 : i32 to index
          %get3A_893 = arith.constant 16 : index
          %get3A_894 = tpu.vector_load %arg8[%get3A_891, %get3A_892, %get3A_893] {strides = array<i32>} : memref<2x128x128xf32, #tpu.memory_space<vmem>>, vector<1x1x16xf32>,
          %get3A_895 = vector.shape_cast %get3A_894 : vector<1x1x16xf32> to vector<16xf32>
          %mul3A_896 = arith.mulf %get3A_895, %broadcast_in_dim3A_875 : vector<16xf32>
          %swap3A_897 = arith.constant 1 : i32
          %swap3A_898 = arith.index_cast %swap3A_897 : i32 to index
          %swap3A_899 = arith.index_cast %add3A_872 : i32 to index
          %swap3A_900 = arith.constant 16 : index
          %swap3A_901 = tpu.vector_load %arg8[%swap3A_898, %swap3A_899, %swap3A_900] {strides = array<i32>} : memref<2x128x128xf32, #tpu.memory_space<vmem>>, vector<1x1x16xf32>,
          %swap3A_902 = vector.shape_cast %swap3A_901 : vector<1x1x16xf32> to vector<16xf32>
          %swap3A_903 = vector.shape_cast %mul3A_896 : vector<16xf32> to vector<1x1x16xf32>
          tpu.vector_store %arg8[%swap3A_898, %swap3A_899, %swap3A_900], %swap3A_903 {strides = array<i32>} : memref<2x128x128xf32, #tpu.memory_space<vmem>>, vector<1x1x16xf32>,
          %get3A_904 = arith.constant 1 : i32
          %get3A_905 = arith.index_cast %get3A_904 : i32 to index
          %get3A_906 = arith.index_cast %add3A_872 : i32 to index
          %get3A_907 = arith.constant 32 : index
          %get3A_908 = tpu.vector_load %arg8[%get3A_905, %get3A_906, %get3A_907] {strides = array<i32>} : memref<2x128x128xf32, #tpu.memory_space<vmem>>, vector<1x1x16xf32>,
          %get3A_909 = vector.shape_cast %get3A_908 : vector<1x1x16xf32> to vector<16xf32>
          %mul3A_910 = arith.mulf %get3A_909, %broadcast_in_dim3A_875 : vector<16xf32>
          %swap3A_911 = arith.constant 1 : i32
          %swap3A_912 = arith.index_cast %swap3A_911 : i32 to index
          %swap3A_913 = arith.index_cast %add3A_872 : i32 to index
          %swap3A_914 = arith.constant 32 : index
          %swap3A_915 = tpu.vector_load %arg8[%swap3A_912, %swap3A_913, %swap3A_914] {strides = array<i32>} : memref<2x128x128xf32, #tpu.memory_space<vmem>>, vector<1x1x16xf32>,
          %swap3A_916 = vector.shape_cast %swap3A_915 : vector<1x1x16xf32> to vector<16xf32>
          %swap3A_917 = vector.shape_cast %mul3A_910 : vector<16xf32> to vector<1x1x16xf32>
          tpu.vector_store %arg8[%swap3A_912, %swap3A_913, %swap3A_914], %swap3A_917 {strides = array<i32>} : memref<2x128x128xf32, #tpu.memory_space<vmem>>, vector<1x1x16xf32>,
          %get3A_918 = arith.constant 1 : i32
          %get3A_919 = arith.index_cast %get3A_918 : i32 to index
          %get3A_920 = arith.index_cast %add3A_872 : i32 to index
          %get3A_921 = arith.constant 48 : index
          %get3A_922 = tpu.vector_load %arg8[%get3A_919, %get3A_920, %get3A_921] {strides = array<i32>} : memref<2x128x128xf32, #tpu.memory_space<vmem>>, vector<1x1x16xf32>,
          %get3A_923 = vector.shape_cast %get3A_922 : vector<1x1x16xf32> to vector<16xf32>
          %mul3A_924 = arith.mulf %get3A_923, %broadcast_in_dim3A_875 : vector<16xf32>
          %swap3A_925 = arith.constant 1 : i32
          %swap3A_926 = arith.index_cast %swap3A_925 : i32 to index
          %swap3A_927 = arith.index_cast %add3A_872 : i32 to index
          %swap3A_928 = arith.constant 48 : index
          %swap3A_929 = tpu.vector_load %arg8[%swap3A_926, %swap3A_927, %swap3A_928] {strides = array<i32>} : memref<2x128x128xf32, #tpu.memory_space<vmem>>, vector<1x1x16xf32>,
          %swap3A_930 = vector.shape_cast %swap3A_929 : vector<1x1x16xf32> to vector<16xf32>
          %swap3A_931 = vector.shape_cast %mul3A_924 : vector<16xf32> to vector<1x1x16xf32>
          tpu.vector_store %arg8[%swap3A_926, %swap3A_927, %swap3A_928], %swap3A_931 {strides = array<i32>} : memref<2x128x128xf32, #tpu.memory_space<vmem>>, vector<1x1x16xf32>,
          %get3A_932 = arith.constant 1 : i32
          %get3A_933 = arith.index_cast %get3A_932 : i32 to index
          %get3A_934 = arith.index_cast %add3A_872 : i32 to index
          %get3A_935 = arith.constant 64 : index
          %get3A_936 = tpu.vector_load %arg8[%get3A_933, %get3A_934, %get3A_935] {strides = array<i32>} : memref<2x128x128xf32, #tpu.memory_space<vmem>>, vector<1x1x16xf32>,
          %get3A_937 = vector.shape_cast %get3A_936 : vector<1x1x16xf32> to vector<16xf32>
          %mul3A_938 = arith.mulf %get3A_937, %broadcast_in_dim3A_875 : vector<16xf32>
          %swap3A_939 = arith.constant 1 : i32
          %swap3A_940 = arith.index_cast %swap3A_939 : i32 to index
          %swap3A_941 = arith.index_cast %add3A_872 : i32 to index
          %swap3A_942 = arith.constant 64 : index
          %swap3A_943 = tpu.vector_load %arg8[%swap3A_940, %swap3A_941, %swap3A_942] {strides = array<i32>} : memref<2x128x128xf32, #tpu.memory_space<vmem>>, vector<1x1x16xf32>,
          %swap3A_944 = vector.shape_cast %swap3A_943 : vector<1x1x16xf32> to vector<16xf32>
          %swap3A_945 = vector.shape_cast %mul3A_938 : vector<16xf32> to vector<1x1x16xf32>
          tpu.vector_store %arg8[%swap3A_940, %swap3A_941, %swap3A_942], %swap3A_945 {strides = array<i32>} : memref<2x128x128xf32, #tpu.memory_space<vmem>>, vector<1x1x16xf32>,
          %get3A_946 = arith.constant 1 : i32
          %get3A_947 = arith.index_cast %get3A_946 : i32 to index
          %get3A_948 = arith.index_cast %add3A_872 : i32 to index
          %get3A_949 = arith.constant 80 : index
          %get3A_950 = tpu.vector_load %arg8[%get3A_947, %get3A_948, %get3A_949] {strides = array<i32>} : memref<2x128x128xf32, #tpu.memory_space<vmem>>, vector<1x1x16xf32>,
          %get3A_951 = vector.shape_cast %get3A_950 : vector<1x1x16xf32> to vector<16xf32>
          %mul3A_952 = arith.mulf %get3A_951, %broadcast_in_dim3A_875 : vector<16xf32>
          %swap3A_953 = arith.constant 1 : i32
          %swap3A_954 = arith.index_cast %swap3A_953 : i32 to index
          %swap3A_955 = arith.index_cast %add3A_872 : i32 to index
          %swap3A_956 = arith.constant 80 : index
          %swap3A_957 = tpu.vector_load %arg8[%swap3A_954, %swap3A_955, %swap3A_956] {strides = array<i32>} : memref<2x128x128xf32, #tpu.memory_space<vmem>>, vector<1x1x16xf32>,
          %swap3A_958 = vector.shape_cast %swap3A_957 : vector<1x1x16xf32> to vector<16xf32>
          %swap3A_959 = vector.shape_cast %mul3A_952 : vector<16xf32> to vector<1x1x16xf32>
          tpu.vector_store %arg8[%swap3A_954, %swap3A_955, %swap3A_956], %swap3A_959 {strides = array<i32>} : memref<2x128x128xf32, #tpu.memory_space<vmem>>, vector<1x1x16xf32>,
          %get3A_960 = arith.constant 1 : i32
          %get3A_961 = arith.index_cast %get3A_960 : i32 to index
          %get3A_962 = arith.index_cast %add3A_872 : i32 to index
          %get3A_963 = arith.constant 96 : index
          %get3A_964 = tpu.vector_load %arg8[%get3A_961, %get3A_962, %get3A_963] {strides = array<i32>} : memref<2x128x128xf32, #tpu.memory_space<vmem>>, vector<1x1x16xf32>,
          %get3A_965 = vector.shape_cast %get3A_964 : vector<1x1x16xf32> to vector<16xf32>
          %mul3A_966 = arith.mulf %get3A_965, %broadcast_in_dim3A_875 : vector<16xf32>
          %swap3A_967 = arith.constant 1 : i32
          %swap3A_968 = arith.index_cast %swap3A_967 : i32 to index
          %swap3A_969 = arith.index_cast %add3A_872 : i32 to index
          %swap3A_970 = arith.constant 96 : index
          %swap3A_971 = tpu.vector_load %arg8[%swap3A_968, %swap3A_969, %swap3A_970] {strides = array<i32>} : memref<2x128x128xf32, #tpu.memory_space<vmem>>, vector<1x1x16xf32>,
          %swap3A_972 = vector.shape_cast %swap3A_971 : vector<1x1x16xf32> to vector<16xf32>
          %swap3A_973 = vector.shape_cast %mul3A_966 : vector<16xf32> to vector<1x1x16xf32>
          tpu.vector_store %arg8[%swap3A_968, %swap3A_969, %swap3A_970], %swap3A_973 {strides = array<i32>} : memref<2x128x128xf32, #tpu.memory_space<vmem>>, vector<1x1x16xf32>,
          %get3A_974 = arith.constant 1 : i32
          %get3A_975 = arith.index_cast %get3A_974 : i32 to index
          %get3A_976 = arith.index_cast %add3A_872 : i32 to index
          %get3A_977 = arith.constant 112 : index
          %get3A_978 = tpu.vector_load %arg8[%get3A_975, %get3A_976, %get3A_977] {strides = array<i32>} : memref<2x128x128xf32, #tpu.memory_space<vmem>>, vector<1x1x16xf32>,
          %get3A_979 = vector.shape_cast %get3A_978 : vector<1x1x16xf32> to vector<16xf32>
          %mul3A_980 = arith.mulf %get3A_979, %broadcast_in_dim3A_875 : vector<16xf32>
          %swap3A_981 = arith.constant 1 : i32
          %swap3A_982 = arith.index_cast %swap3A_981 : i32 to index
          %swap3A_983 = arith.index_cast %add3A_872 : i32 to index
          %swap3A_984 = arith.constant 112 : index
          %swap3A_985 = tpu.vector_load %arg8[%swap3A_982, %swap3A_983, %swap3A_984] {strides = array<i32>} : memref<2x128x128xf32, #tpu.memory_space<vmem>>, vector<1x1x16xf32>,
          %swap3A_986 = vector.shape_cast %swap3A_985 : vector<1x1x16xf32> to vector<16xf32>
          %swap3A_987 = vector.shape_cast %mul3A_980 : vector<16xf32> to vector<1x1x16xf32>
          tpu.vector_store %arg8[%swap3A_982, %swap3A_983, %swap3A_984], %swap3A_987 {strides = array<i32>} : memref<2x128x128xf32, #tpu.memory_space<vmem>>, vector<1x1x16xf32>,
          %mul3A_988 = arith.constant 16 : i32
          %mul3A_989 = arith.muli %mul3A_988, %scan3A_151 : i32
          %add3A_990 = arith.constant 7 : i32
          %add3A_991 = arith.addi %mul3A_989, %add3A_990 : i32
          %slice3A_992 = vector.extract_strided_slice %get3A_157 {offsets = [7], sizes = [1], strides = [1]} : vector<16xf32> to vector<1xf32>
          %squeeze3A_993 = vector.extract %slice3A_992[0] : f32 from vector<1xf32>
          %broadcast_in_dim3A_994 = vector.broadcast %squeeze3A_993 : f32 to vector<16xf32>
          %get3A_995 = arith.constant 1 : i32
          %get3A_996 = arith.index_cast %get3A_995 : i32 to index
          %get3A_997 = arith.index_cast %add3A_991 : i32 to index
          %get3A_998 = arith.constant 0 : index
          %get3A_999 = tpu.vector_load %arg8[%get3A_996, %get3A_997, %get3A_998] {strides = array<i32>} : memref<2x128x128xf32, #tpu.memory_space<vmem>>, vector<1x1x16xf32>,
          %get3A_1000 = vector.shape_cast %get3A_999 : vector<1x1x16xf32> to vector<16xf32>
          %mul3A_1001 = arith.mulf %get3A_1000, %broadcast_in_dim3A_994 : vector<16xf32>
          %swap3A_1002 = arith.constant 1 : i32
          %swap3A_1003 = arith.index_cast %swap3A_1002 : i32 to index
          %swap3A_1004 = arith.index_cast %add3A_991 : i32 to index
          %swap3A_1005 = arith.constant 0 : index
          %swap3A_1006 = tpu.vector_load %arg8[%swap3A_1003, %swap3A_1004, %swap3A_1005] {strides = array<i32>} : memref<2x128x128xf32, #tpu.memory_space<vmem>>, vector<1x1x16xf32>,
          %swap3A_1007 = vector.shape_cast %swap3A_1006 : vector<1x1x16xf32> to vector<16xf32>
          %swap3A_1008 = vector.shape_cast %mul3A_1001 : vector<16xf32> to vector<1x1x16xf32>
          tpu.vector_store %arg8[%swap3A_1003, %swap3A_1004, %swap3A_1005], %swap3A_1008 {strides = array<i32>} : memref<2x128x128xf32, #tpu.memory_space<vmem>>, vector<1x1x16xf32>,
          %get3A_1009 = arith.constant 1 : i32
          %get3A_1010 = arith.index_cast %get3A_1009 : i32 to index
          %get3A_1011 = arith.index_cast %add3A_991 : i32 to index
          %get3A_1012 = arith.constant 16 : index
          %get3A_1013 = tpu.vector_load %arg8[%get3A_1010, %get3A_1011, %get3A_1012] {strides = array<i32>} : memref<2x128x128xf32, #tpu.memory_space<vmem>>, vector<1x1x16xf32>,
          %get3A_1014 = vector.shape_cast %get3A_1013 : vector<1x1x16xf32> to vector<16xf32>
          %mul3A_1015 = arith.mulf %get3A_1014, %broadcast_in_dim3A_994 : vector<16xf32>
          %swap3A_1016 = arith.constant 1 : i32
          %swap3A_1017 = arith.index_cast %swap3A_1016 : i32 to index
          %swap3A_1018 = arith.index_cast %add3A_991 : i32 to index
          %swap3A_1019 = arith.constant 16 : index
          %swap3A_1020 = tpu.vector_load %arg8[%swap3A_1017, %swap3A_1018, %swap3A_1019] {strides = array<i32>} : memref<2x128x128xf32, #tpu.memory_space<vmem>>, vector<1x1x16xf32>,
          %swap3A_1021 = vector.shape_cast %swap3A_1020 : vector<1x1x16xf32> to vector<16xf32>
          %swap3A_1022 = vector.shape_cast %mul3A_1015 : vector<16xf32> to vector<1x1x16xf32>
          tpu.vector_store %arg8[%swap3A_1017, %swap3A_1018, %swap3A_1019], %swap3A_1022 {strides = array<i32>} : memref<2x128x128xf32, #tpu.memory_space<vmem>>, vector<1x1x16xf32>,
          %get3A_1023 = arith.constant 1 : i32
          %get3A_1024 = arith.index_cast %get3A_1023 : i32 to index
          %get3A_1025 = arith.index_cast %add3A_991 : i32 to index
          %get3A_1026 = arith.constant 32 : index
          %get3A_1027 = tpu.vector_load %arg8[%get3A_1024, %get3A_1025, %get3A_1026] {strides = array<i32>} : memref<2x128x128xf32, #tpu.memory_space<vmem>>, vector<1x1x16xf32>,
          %get3A_1028 = vector.shape_cast %get3A_1027 : vector<1x1x16xf32> to vector<16xf32>
          %mul3A_1029 = arith.mulf %get3A_1028, %broadcast_in_dim3A_994 : vector<16xf32>
          %swap3A_1030 = arith.constant 1 : i32
          %swap3A_1031 = arith.index_cast %swap3A_1030 : i32 to index
          %swap3A_1032 = arith.index_cast %add3A_991 : i32 to index
          %swap3A_1033 = arith.constant 32 : index
          %swap3A_1034 = tpu.vector_load %arg8[%swap3A_1031, %swap3A_1032, %swap3A_1033] {strides = array<i32>} : memref<2x128x128xf32, #tpu.memory_space<vmem>>, vector<1x1x16xf32>,
          %swap3A_1035 = vector.shape_cast %swap3A_1034 : vector<1x1x16xf32> to vector<16xf32>
          %swap3A_1036 = vector.shape_cast %mul3A_1029 : vector<16xf32> to vector<1x1x16xf32>
          tpu.vector_store %arg8[%swap3A_1031, %swap3A_1032, %swap3A_1033], %swap3A_1036 {strides = array<i32>} : memref<2x128x128xf32, #tpu.memory_space<vmem>>, vector<1x1x16xf32>,
          %get3A_1037 = arith.constant 1 : i32
          %get3A_1038 = arith.index_cast %get3A_1037 : i32 to index
          %get3A_1039 = arith.index_cast %add3A_991 : i32 to index
          %get3A_1040 = arith.constant 48 : index
          %get3A_1041 = tpu.vector_load %arg8[%get3A_1038, %get3A_1039, %get3A_1040] {strides = array<i32>} : memref<2x128x128xf32, #tpu.memory_space<vmem>>, vector<1x1x16xf32>,
          %get3A_1042 = vector.shape_cast %get3A_1041 : vector<1x1x16xf32> to vector<16xf32>
          %mul3A_1043 = arith.mulf %get3A_1042, %broadcast_in_dim3A_994 : vector<16xf32>
          %swap3A_1044 = arith.constant 1 : i32
          %swap3A_1045 = arith.index_cast %swap3A_1044 : i32 to index
          %swap3A_1046 = arith.index_cast %add3A_991 : i32 to index
          %swap3A_1047 = arith.constant 48 : index
          %swap3A_1048 = tpu.vector_load %arg8[%swap3A_1045, %swap3A_1046, %swap3A_1047] {strides = array<i32>} : memref<2x128x128xf32, #tpu.memory_space<vmem>>, vector<1x1x16xf32>,
          %swap3A_1049 = vector.shape_cast %swap3A_1048 : vector<1x1x16xf32> to vector<16xf32>
          %swap3A_1050 = vector.shape_cast %mul3A_1043 : vector<16xf32> to vector<1x1x16xf32>
          tpu.vector_store %arg8[%swap3A_1045, %swap3A_1046, %swap3A_1047], %swap3A_1050 {strides = array<i32>} : memref<2x128x128xf32, #tpu.memory_space<vmem>>, vector<1x1x16xf32>,
          %get3A_1051 = arith.constant 1 : i32
          %get3A_1052 = arith.index_cast %get3A_1051 : i32 to index
          %get3A_1053 = arith.index_cast %add3A_991 : i32 to index
          %get3A_1054 = arith.constant 64 : index
          %get3A_1055 = tpu.vector_load %arg8[%get3A_1052, %get3A_1053, %get3A_1054] {strides = array<i32>} : memref<2x128x128xf32, #tpu.memory_space<vmem>>, vector<1x1x16xf32>,
          %get3A_1056 = vector.shape_cast %get3A_1055 : vector<1x1x16xf32> to vector<16xf32>
          %mul3A_1057 = arith.mulf %get3A_1056, %broadcast_in_dim3A_994 : vector<16xf32>
          %swap3A_1058 = arith.constant 1 : i32
          %swap3A_1059 = arith.index_cast %swap3A_1058 : i32 to index
          %swap3A_1060 = arith.index_cast %add3A_991 : i32 to index
          %swap3A_1061 = arith.constant 64 : index
          %swap3A_1062 = tpu.vector_load %arg8[%swap3A_1059, %swap3A_1060, %swap3A_1061] {strides = array<i32>} : memref<2x128x128xf32, #tpu.memory_space<vmem>>, vector<1x1x16xf32>,
          %swap3A_1063 = vector.shape_cast %swap3A_1062 : vector<1x1x16xf32> to vector<16xf32>
          %swap3A_1064 = vector.shape_cast %mul3A_1057 : vector<16xf32> to vector<1x1x16xf32>
          tpu.vector_store %arg8[%swap3A_1059, %swap3A_1060, %swap3A_1061], %swap3A_1064 {strides = array<i32>} : memref<2x128x128xf32, #tpu.memory_space<vmem>>, vector<1x1x16xf32>,
          %get3A_1065 = arith.constant 1 : i32
          %get3A_1066 = arith.index_cast %get3A_1065 : i32 to index
          %get3A_1067 = arith.index_cast %add3A_991 : i32 to index
          %get3A_1068 = arith.constant 80 : index
          %get3A_1069 = tpu.vector_load %arg8[%get3A_1066, %get3A_1067, %get3A_1068] {strides = array<i32>} : memref<2x128x128xf32, #tpu.memory_space<vmem>>, vector<1x1x16xf32>,
          %get3A_1070 = vector.shape_cast %get3A_1069 : vector<1x1x16xf32> to vector<16xf32>
          %mul3A_1071 = arith.mulf %get3A_1070, %broadcast_in_dim3A_994 : vector<16xf32>
          %swap3A_1072 = arith.constant 1 : i32
          %swap3A_1073 = arith.index_cast %swap3A_1072 : i32 to index
          %swap3A_1074 = arith.index_cast %add3A_991 : i32 to index
          %swap3A_1075 = arith.constant 80 : index
          %swap3A_1076 = tpu.vector_load %arg8[%swap3A_1073, %swap3A_1074, %swap3A_1075] {strides = array<i32>} : memref<2x128x128xf32, #tpu.memory_space<vmem>>, vector<1x1x16xf32>,
          %swap3A_1077 = vector.shape_cast %swap3A_1076 : vector<1x1x16xf32> to vector<16xf32>
          %swap3A_1078 = vector.shape_cast %mul3A_1071 : vector<16xf32> to vector<1x1x16xf32>
          tpu.vector_store %arg8[%swap3A_1073, %swap3A_1074, %swap3A_1075], %swap3A_1078 {strides = array<i32>} : memref<2x128x128xf32, #tpu.memory_space<vmem>>, vector<1x1x16xf32>,
          %get3A_1079 = arith.constant 1 : i32
          %get3A_1080 = arith.index_cast %get3A_1079 : i32 to index
          %get3A_1081 = arith.index_cast %add3A_991 : i32 to index
          %get3A_1082 = arith.constant 96 : index
          %get3A_1083 = tpu.vector_load %arg8[%get3A_1080, %get3A_1081, %get3A_1082] {strides = array<i32>} : memref<2x128x128xf32, #tpu.memory_space<vmem>>, vector<1x1x16xf32>,
          %get3A_1084 = vector.shape_cast %get3A_1083 : vector<1x1x16xf32> to vector<16xf32>
          %mul3A_1085 = arith.mulf %get3A_1084, %broadcast_in_dim3A_994 : vector<16xf32>
          %swap3A_1086 = arith.constant 1 : i32
          %swap3A_1087 = arith.index_cast %swap3A_1086 : i32 to index
          %swap3A_1088 = arith.index_cast %add3A_991 : i32 to index
          %swap3A_1089 = arith.constant 96 : index
          %swap3A_1090 = tpu.vector_load %arg8[%swap3A_1087, %swap3A_1088, %swap3A_1089] {strides = array<i32>} : memref<2x128x128xf32, #tpu.memory_space<vmem>>, vector<1x1x16xf32>,
          %swap3A_1091 = vector.shape_cast %swap3A_1090 : vector<1x1x16xf32> to vector<16xf32>
          %swap3A_1092 = vector.shape_cast %mul3A_1085 : vector<16xf32> to vector<1x1x16xf32>
          tpu.vector_store %arg8[%swap3A_1087, %swap3A_1088, %swap3A_1089], %swap3A_1092 {strides = array<i32>} : memref<2x128x128xf32, #tpu.memory_space<vmem>>, vector<1x1x16xf32>,
          %get3A_1093 = arith.constant 1 : i32
          %get3A_1094 = arith.index_cast %get3A_1093 : i32 to index
          %get3A_1095 = arith.index_cast %add3A_991 : i32 to index
          %get3A_1096 = arith.constant 112 : index
          %get3A_1097 = tpu.vector_load %arg8[%get3A_1094, %get3A_1095, %get3A_1096] {strides = array<i32>} : memref<2x128x128xf32, #tpu.memory_space<vmem>>, vector<1x1x16xf32>,
          %get3A_1098 = vector.shape_cast %get3A_1097 : vector<1x1x16xf32> to vector<16xf32>
          %mul3A_1099 = arith.mulf %get3A_1098, %broadcast_in_dim3A_994 : vector<16xf32>
          %swap3A_1100 = arith.constant 1 : i32
          %swap3A_1101 = arith.index_cast %swap3A_1100 : i32 to index
          %swap3A_1102 = arith.index_cast %add3A_991 : i32 to index
          %swap3A_1103 = arith.constant 112 : index
          %swap3A_1104 = tpu.vector_load %arg8[%swap3A_1101, %swap3A_1102, %swap3A_1103] {strides = array<i32>} : memref<2x128x128xf32, #tpu.memory_space<vmem>>, vector<1x1x16xf32>,
          %swap3A_1105 = vector.shape_cast %swap3A_1104 : vector<1x1x16xf32> to vector<16xf32>
          %swap3A_1106 = vector.shape_cast %mul3A_1099 : vector<16xf32> to vector<1x1x16xf32>
          tpu.vector_store %arg8[%swap3A_1101, %swap3A_1102, %swap3A_1103], %swap3A_1106 {strides = array<i32>} : memref<2x128x128xf32, #tpu.memory_space<vmem>>, vector<1x1x16xf32>,
          %mul3A_1107 = arith.constant 16 : i32
          %mul3A_1108 = arith.muli %mul3A_1107, %scan3A_151 : i32
          %add3A_1109 = arith.constant 8 : i32
          %add3A_1110 = arith.addi %mul3A_1108, %add3A_1109 : i32
          %slice3A_1111 = vector.extract_strided_slice %get3A_157 {offsets = [8], sizes = [1], strides = [1]} : vector<16xf32> to vector<1xf32>
          %squeeze3A_1112 = vector.extract %slice3A_1111[0] : f32 from vector<1xf32>
          %broadcast_in_dim3A_1113 = vector.broadcast %squeeze3A_1112 : f32 to vector<16xf32>
          %get3A_1114 = arith.constant 1 : i32
          %get3A_1115 = arith.index_cast %get3A_1114 : i32 to index
          %get3A_1116 = arith.index_cast %add3A_1110 : i32 to index
          %get3A_1117 = arith.constant 0 : index
          %get3A_1118 = tpu.vector_load %arg8[%get3A_1115, %get3A_1116, %get3A_1117] {strides = array<i32>} : memref<2x128x128xf32, #tpu.memory_space<vmem>>, vector<1x1x16xf32>,
          %get3A_1119 = vector.shape_cast %get3A_1118 : vector<1x1x16xf32> to vector<16xf32>
          %mul3A_1120 = arith.mulf %get3A_1119, %broadcast_in_dim3A_1113 : vector<16xf32>
          %swap3A_1121 = arith.constant 1 : i32
          %swap3A_1122 = arith.index_cast %swap3A_1121 : i32 to index
          %swap3A_1123 = arith.index_cast %add3A_1110 : i32 to index
          %swap3A_1124 = arith.constant 0 : index
          %swap3A_1125 = tpu.vector_load %arg8[%swap3A_1122, %swap3A_1123, %swap3A_1124] {strides = array<i32>} : memref<2x128x128xf32, #tpu.memory_space<vmem>>, vector<1x1x16xf32>,
          %swap3A_1126 = vector.shape_cast %swap3A_1125 : vector<1x1x16xf32> to vector<16xf32>
          %swap3A_1127 = vector.shape_cast %mul3A_1120 : vector<16xf32> to vector<1x1x16xf32>
          tpu.vector_store %arg8[%swap3A_1122, %swap3A_1123, %swap3A_1124], %swap3A_1127 {strides = array<i32>} : memref<2x128x128xf32, #tpu.memory_space<vmem>>, vector<1x1x16xf32>,
          %get3A_1128 = arith.constant 1 : i32
          %get3A_1129 = arith.index_cast %get3A_1128 : i32 to index
          %get3A_1130 = arith.index_cast %add3A_1110 : i32 to index
          %get3A_1131 = arith.constant 16 : index
          %get3A_1132 = tpu.vector_load %arg8[%get3A_1129, %get3A_1130, %get3A_1131] {strides = array<i32>} : memref<2x128x128xf32, #tpu.memory_space<vmem>>, vector<1x1x16xf32>,
          %get3A_1133 = vector.shape_cast %get3A_1132 : vector<1x1x16xf32> to vector<16xf32>
          %mul3A_1134 = arith.mulf %get3A_1133, %broadcast_in_dim3A_1113 : vector<16xf32>
          %swap3A_1135 = arith.constant 1 : i32
          %swap3A_1136 = arith.index_cast %swap3A_1135 : i32 to index
          %swap3A_1137 = arith.index_cast %add3A_1110 : i32 to index
          %swap3A_1138 = arith.constant 16 : index
          %swap3A_1139 = tpu.vector_load %arg8[%swap3A_1136, %swap3A_1137, %swap3A_1138] {strides = array<i32>} : memref<2x128x128xf32, #tpu.memory_space<vmem>>, vector<1x1x16xf32>,
          %swap3A_1140 = vector.shape_cast %swap3A_1139 : vector<1x1x16xf32> to vector<16xf32>
          %swap3A_1141 = vector.shape_cast %mul3A_1134 : vector<16xf32> to vector<1x1x16xf32>
          tpu.vector_store %arg8[%swap3A_1136, %swap3A_1137, %swap3A_1138], %swap3A_1141 {strides = array<i32>} : memref<2x128x128xf32, #tpu.memory_space<vmem>>, vector<1x1x16xf32>,
          %get3A_1142 = arith.constant 1 : i32
          %get3A_1143 = arith.index_cast %get3A_1142 : i32 to index
          %get3A_1144 = arith.index_cast %add3A_1110 : i32 to index
          %get3A_1145 = arith.constant 32 : index
          %get3A_1146 = tpu.vector_load %arg8[%get3A_1143, %get3A_1144, %get3A_1145] {strides = array<i32>} : memref<2x128x128xf32, #tpu.memory_space<vmem>>, vector<1x1x16xf32>,
          %get3A_1147 = vector.shape_cast %get3A_1146 : vector<1x1x16xf32> to vector<16xf32>
          %mul3A_1148 = arith.mulf %get3A_1147, %broadcast_in_dim3A_1113 : vector<16xf32>
          %swap3A_1149 = arith.constant 1 : i32
          %swap3A_1150 = arith.index_cast %swap3A_1149 : i32 to index
          %swap3A_1151 = arith.index_cast %add3A_1110 : i32 to index
          %swap3A_1152 = arith.constant 32 : index
          %swap3A_1153 = tpu.vector_load %arg8[%swap3A_1150, %swap3A_1151, %swap3A_1152] {strides = array<i32>} : memref<2x128x128xf32, #tpu.memory_space<vmem>>, vector<1x1x16xf32>,
          %swap3A_1154 = vector.shape_cast %swap3A_1153 : vector<1x1x16xf32> to vector<16xf32>
          %swap3A_1155 = vector.shape_cast %mul3A_1148 : vector<16xf32> to vector<1x1x16xf32>
          tpu.vector_store %arg8[%swap3A_1150, %swap3A_1151, %swap3A_1152], %swap3A_1155 {strides = array<i32>} : memref<2x128x128xf32, #tpu.memory_space<vmem>>, vector<1x1x16xf32>,
          %get3A_1156 = arith.constant 1 : i32
          %get3A_1157 = arith.index_cast %get3A_1156 : i32 to index
          %get3A_1158 = arith.index_cast %add3A_1110 : i32 to index
          %get3A_1159 = arith.constant 48 : index
          %get3A_1160 = tpu.vector_load %arg8[%get3A_1157, %get3A_1158, %get3A_1159] {strides = array<i32>} : memref<2x128x128xf32, #tpu.memory_space<vmem>>, vector<1x1x16xf32>,
          %get3A_1161 = vector.shape_cast %get3A_1160 : vector<1x1x16xf32> to vector<16xf32>
          %mul3A_1162 = arith.mulf %get3A_1161, %broadcast_in_dim3A_1113 : vector<16xf32>
          %swap3A_1163 = arith.constant 1 : i32
          %swap3A_1164 = arith.index_cast %swap3A_1163 : i32 to index
          %swap3A_1165 = arith.index_cast %add3A_1110 : i32 to index
          %swap3A_1166 = arith.constant 48 : index
          %swap3A_1167 = tpu.vector_load %arg8[%swap3A_1164, %swap3A_1165, %swap3A_1166] {strides = array<i32>} : memref<2x128x128xf32, #tpu.memory_space<vmem>>, vector<1x1x16xf32>,
          %swap3A_1168 = vector.shape_cast %swap3A_1167 : vector<1x1x16xf32> to vector<16xf32>
          %swap3A_1169 = vector.shape_cast %mul3A_1162 : vector<16xf32> to vector<1x1x16xf32>
          tpu.vector_store %arg8[%swap3A_1164, %swap3A_1165, %swap3A_1166], %swap3A_1169 {strides = array<i32>} : memref<2x128x128xf32, #tpu.memory_space<vmem>>, vector<1x1x16xf32>,
          %get3A_1170 = arith.constant 1 : i32
          %get3A_1171 = arith.index_cast %get3A_1170 : i32 to index
          %get3A_1172 = arith.index_cast %add3A_1110 : i32 to index
          %get3A_1173 = arith.constant 64 : index
          %get3A_1174 = tpu.vector_load %arg8[%get3A_1171, %get3A_1172, %get3A_1173] {strides = array<i32>} : memref<2x128x128xf32, #tpu.memory_space<vmem>>, vector<1x1x16xf32>,
          %get3A_1175 = vector.shape_cast %get3A_1174 : vector<1x1x16xf32> to vector<16xf32>
          %mul3A_1176 = arith.mulf %get3A_1175, %broadcast_in_dim3A_1113 : vector<16xf32>
          %swap3A_1177 = arith.constant 1 : i32
          %swap3A_1178 = arith.index_cast %swap3A_1177 : i32 to index
          %swap3A_1179 = arith.index_cast %add3A_1110 : i32 to index
          %swap3A_1180 = arith.constant 64 : index
          %swap3A_1181 = tpu.vector_load %arg8[%swap3A_1178, %swap3A_1179, %swap3A_1180] {strides = array<i32>} : memref<2x128x128xf32, #tpu.memory_space<vmem>>, vector<1x1x16xf32>,
          %swap3A_1182 = vector.shape_cast %swap3A_1181 : vector<1x1x16xf32> to vector<16xf32>
          %swap3A_1183 = vector.shape_cast %mul3A_1176 : vector<16xf32> to vector<1x1x16xf32>
          tpu.vector_store %arg8[%swap3A_1178, %swap3A_1179, %swap3A_1180], %swap3A_1183 {strides = array<i32>} : memref<2x128x128xf32, #tpu.memory_space<vmem>>, vector<1x1x16xf32>,
          %get3A_1184 = arith.constant 1 : i32
          %get3A_1185 = arith.index_cast %get3A_1184 : i32 to index
          %get3A_1186 = arith.index_cast %add3A_1110 : i32 to index
          %get3A_1187 = arith.constant 80 : index
          %get3A_1188 = tpu.vector_load %arg8[%get3A_1185, %get3A_1186, %get3A_1187] {strides = array<i32>} : memref<2x128x128xf32, #tpu.memory_space<vmem>>, vector<1x1x16xf32>,
          %get3A_1189 = vector.shape_cast %get3A_1188 : vector<1x1x16xf32> to vector<16xf32>
          %mul3A_1190 = arith.mulf %get3A_1189, %broadcast_in_dim3A_1113 : vector<16xf32>
          %swap3A_1191 = arith.constant 1 : i32
          %swap3A_1192 = arith.index_cast %swap3A_1191 : i32 to index
          %swap3A_1193 = arith.index_cast %add3A_1110 : i32 to index
          %swap3A_1194 = arith.constant 80 : index
          %swap3A_1195 = tpu.vector_load %arg8[%swap3A_1192, %swap3A_1193, %swap3A_1194] {strides = array<i32>} : memref<2x128x128xf32, #tpu.memory_space<vmem>>, vector<1x1x16xf32>,
          %swap3A_1196 = vector.shape_cast %swap3A_1195 : vector<1x1x16xf32> to vector<16xf32>
          %swap3A_1197 = vector.shape_cast %mul3A_1190 : vector<16xf32> to vector<1x1x16xf32>
          tpu.vector_store %arg8[%swap3A_1192, %swap3A_1193, %swap3A_1194], %swap3A_1197 {strides = array<i32>} : memref<2x128x128xf32, #tpu.memory_space<vmem>>, vector<1x1x16xf32>,
          %get3A_1198 = arith.constant 1 : i32
          %get3A_1199 = arith.index_cast %get3A_1198 : i32 to index
          %get3A_1200 = arith.index_cast %add3A_1110 : i32 to index
          %get3A_1201 = arith.constant 96 : index
          %get3A_1202 = tpu.vector_load %arg8[%get3A_1199, %get3A_1200, %get3A_1201] {strides = array<i32>} : memref<2x128x128xf32, #tpu.memory_space<vmem>>, vector<1x1x16xf32>,
          %get3A_1203 = vector.shape_cast %get3A_1202 : vector<1x1x16xf32> to vector<16xf32>
          %mul3A_1204 = arith.mulf %get3A_1203, %broadcast_in_dim3A_1113 : vector<16xf32>
          %swap3A_1205 = arith.constant 1 : i32
          %swap3A_1206 = arith.index_cast %swap3A_1205 : i32 to index
          %swap3A_1207 = arith.index_cast %add3A_1110 : i32 to index
          %swap3A_1208 = arith.constant 96 : index
          %swap3A_1209 = tpu.vector_load %arg8[%swap3A_1206, %swap3A_1207, %swap3A_1208] {strides = array<i32>} : memref<2x128x128xf32, #tpu.memory_space<vmem>>, vector<1x1x16xf32>,
          %swap3A_1210 = vector.shape_cast %swap3A_1209 : vector<1x1x16xf32> to vector<16xf32>
          %swap3A_1211 = vector.shape_cast %mul3A_1204 : vector<16xf32> to vector<1x1x16xf32>
          tpu.vector_store %arg8[%swap3A_1206, %swap3A_1207, %swap3A_1208], %swap3A_1211 {strides = array<i32>} : memref<2x128x128xf32, #tpu.memory_space<vmem>>, vector<1x1x16xf32>,
          %get3A_1212 = arith.constant 1 : i32
          %get3A_1213 = arith.index_cast %get3A_1212 : i32 to index
          %get3A_1214 = arith.index_cast %add3A_1110 : i32 to index
          %get3A_1215 = arith.constant 112 : index
          %get3A_1216 = tpu.vector_load %arg8[%get3A_1213, %get3A_1214, %get3A_1215] {strides = array<i32>} : memref<2x128x128xf32, #tpu.memory_space<vmem>>, vector<1x1x16xf32>,
          %get3A_1217 = vector.shape_cast %get3A_1216 : vector<1x1x16xf32> to vector<16xf32>
          %mul3A_1218 = arith.mulf %get3A_1217, %broadcast_in_dim3A_1113 : vector<16xf32>
          %swap3A_1219 = arith.constant 1 : i32
          %swap3A_1220 = arith.index_cast %swap3A_1219 : i32 to index
          %swap3A_1221 = arith.index_cast %add3A_1110 : i32 to index
          %swap3A_1222 = arith.constant 112 : index
          %swap3A_1223 = tpu.vector_load %arg8[%swap3A_1220, %swap3A_1221, %swap3A_1222] {strides = array<i32>} : memref<2x128x128xf32, #tpu.memory_space<vmem>>, vector<1x1x16xf32>,
          %swap3A_1224 = vector.shape_cast %swap3A_1223 : vector<1x1x16xf32> to vector<16xf32>
          %swap3A_1225 = vector.shape_cast %mul3A_1218 : vector<16xf32> to vector<1x1x16xf32>
          tpu.vector_store %arg8[%swap3A_1220, %swap3A_1221, %swap3A_1222], %swap3A_1225 {strides = array<i32>} : memref<2x128x128xf32, #tpu.memory_space<vmem>>, vector<1x1x16xf32>,
          %mul3A_1226 = arith.constant 16 : i32
          %mul3A_1227 = arith.muli %mul3A_1226, %scan3A_151 : i32
          %add3A_1228 = arith.constant 9 : i32
          %add3A_1229 = arith.addi %mul3A_1227, %add3A_1228 : i32
          %slice3A_1230 = vector.extract_strided_slice %get3A_157 {offsets = [9], sizes = [1], strides = [1]} : vector<16xf32> to vector<1xf32>
          %squeeze3A_1231 = vector.extract %slice3A_1230[0] : f32 from vector<1xf32>
          %broadcast_in_dim3A_1232 = vector.broadcast %squeeze3A_1231 : f32 to vector<16xf32>
          %get3A_1233 = arith.constant 1 : i32
          %get3A_1234 = arith.index_cast %get3A_1233 : i32 to index
          %get3A_1235 = arith.index_cast %add3A_1229 : i32 to index
          %get3A_1236 = arith.constant 0 : index
          %get3A_1237 = tpu.vector_load %arg8[%get3A_1234, %get3A_1235, %get3A_1236] {strides = array<i32>} : memref<2x128x128xf32, #tpu.memory_space<vmem>>, vector<1x1x16xf32>,
          %get3A_1238 = vector.shape_cast %get3A_1237 : vector<1x1x16xf32> to vector<16xf32>
          %mul3A_1239 = arith.mulf %get3A_1238, %broadcast_in_dim3A_1232 : vector<16xf32>
          %swap3A_1240 = arith.constant 1 : i32
          %swap3A_1241 = arith.index_cast %swap3A_1240 : i32 to index
          %swap3A_1242 = arith.index_cast %add3A_1229 : i32 to index
          %swap3A_1243 = arith.constant 0 : index
          %swap3A_1244 = tpu.vector_load %arg8[%swap3A_1241, %swap3A_1242, %swap3A_1243] {strides = array<i32>} : memref<2x128x128xf32, #tpu.memory_space<vmem>>, vector<1x1x16xf32>,
          %swap3A_1245 = vector.shape_cast %swap3A_1244 : vector<1x1x16xf32> to vector<16xf32>
          %swap3A_1246 = vector.shape_cast %mul3A_1239 : vector<16xf32> to vector<1x1x16xf32>
          tpu.vector_store %arg8[%swap3A_1241, %swap3A_1242, %swap3A_1243], %swap3A_1246 {strides = array<i32>} : memref<2x128x128xf32, #tpu.memory_space<vmem>>, vector<1x1x16xf32>,
          %get3A_1247 = arith.constant 1 : i32
          %get3A_1248 = arith.index_cast %get3A_1247 : i32 to index
          %get3A_1249 = arith.index_cast %add3A_1229 : i32 to index
          %get3A_1250 = arith.constant 16 : index
          %get3A_1251 = tpu.vector_load %arg8[%get3A_1248, %get3A_1249, %get3A_1250] {strides = array<i32>} : memref<2x128x128xf32, #tpu.memory_space<vmem>>, vector<1x1x16xf32>,
          %get3A_1252 = vector.shape_cast %get3A_1251 : vector<1x1x16xf32> to vector<16xf32>
          %mul3A_1253 = arith.mulf %get3A_1252, %broadcast_in_dim3A_1232 : vector<16xf32>
          %swap3A_1254 = arith.constant 1 : i32
          %swap3A_1255 = arith.index_cast %swap3A_1254 : i32 to index
          %swap3A_1256 = arith.index_cast %add3A_1229 : i32 to index
          %swap3A_1257 = arith.constant 16 : index
          %swap3A_1258 = tpu.vector_load %arg8[%swap3A_1255, %swap3A_1256, %swap3A_1257] {strides = array<i32>} : memref<2x128x128xf32, #tpu.memory_space<vmem>>, vector<1x1x16xf32>,
          %swap3A_1259 = vector.shape_cast %swap3A_1258 : vector<1x1x16xf32> to vector<16xf32>
          %swap3A_1260 = vector.shape_cast %mul3A_1253 : vector<16xf32> to vector<1x1x16xf32>
          tpu.vector_store %arg8[%swap3A_1255, %swap3A_1256, %swap3A_1257], %swap3A_1260 {strides = array<i32>} : memref<2x128x128xf32, #tpu.memory_space<vmem>>, vector<1x1x16xf32>,
          %get3A_1261 = arith.constant 1 : i32
          %get3A_1262 = arith.index_cast %get3A_1261 : i32 to index
          %get3A_1263 = arith.index_cast %add3A_1229 : i32 to index
          %get3A_1264 = arith.constant 32 : index
          %get3A_1265 = tpu.vector_load %arg8[%get3A_1262, %get3A_1263, %get3A_1264] {strides = array<i32>} : memref<2x128x128xf32, #tpu.memory_space<vmem>>, vector<1x1x16xf32>,
          %get3A_1266 = vector.shape_cast %get3A_1265 : vector<1x1x16xf32> to vector<16xf32>
          %mul3A_1267 = arith.mulf %get3A_1266, %broadcast_in_dim3A_1232 : vector<16xf32>
          %swap3A_1268 = arith.constant 1 : i32
          %swap3A_1269 = arith.index_cast %swap3A_1268 : i32 to index
          %swap3A_1270 = arith.index_cast %add3A_1229 : i32 to index
          %swap3A_1271 = arith.constant 32 : index
          %swap3A_1272 = tpu.vector_load %arg8[%swap3A_1269, %swap3A_1270, %swap3A_1271] {strides = array<i32>} : memref<2x128x128xf32, #tpu.memory_space<vmem>>, vector<1x1x16xf32>,
          %swap3A_1273 = vector.shape_cast %swap3A_1272 : vector<1x1x16xf32> to vector<16xf32>
          %swap3A_1274 = vector.shape_cast %mul3A_1267 : vector<16xf32> to vector<1x1x16xf32>
          tpu.vector_store %arg8[%swap3A_1269, %swap3A_1270, %swap3A_1271], %swap3A_1274 {strides = array<i32>} : memref<2x128x128xf32, #tpu.memory_space<vmem>>, vector<1x1x16xf32>,
          %get3A_1275 = arith.constant 1 : i32
          %get3A_1276 = arith.index_cast %get3A_1275 : i32 to index
          %get3A_1277 = arith.index_cast %add3A_1229 : i32 to index
          %get3A_1278 = arith.constant 48 : index
          %get3A_1279 = tpu.vector_load %arg8[%get3A_1276, %get3A_1277, %get3A_1278] {strides = array<i32>} : memref<2x128x128xf32, #tpu.memory_space<vmem>>, vector<1x1x16xf32>,
          %get3A_1280 = vector.shape_cast %get3A_1279 : vector<1x1x16xf32> to vector<16xf32>
          %mul3A_1281 = arith.mulf %get3A_1280, %broadcast_in_dim3A_1232 : vector<16xf32>
          %swap3A_1282 = arith.constant 1 : i32
          %swap3A_1283 = arith.index_cast %swap3A_1282 : i32 to index
          %swap3A_1284 = arith.index_cast %add3A_1229 : i32 to index
          %swap3A_1285 = arith.constant 48 : index
          %swap3A_1286 = tpu.vector_load %arg8[%swap3A_1283, %swap3A_1284, %swap3A_1285] {strides = array<i32>} : memref<2x128x128xf32, #tpu.memory_space<vmem>>, vector<1x1x16xf32>,
          %swap3A_1287 = vector.shape_cast %swap3A_1286 : vector<1x1x16xf32> to vector<16xf32>
          %swap3A_1288 = vector.shape_cast %mul3A_1281 : vector<16xf32> to vector<1x1x16xf32>
          tpu.vector_store %arg8[%swap3A_1283, %swap3A_1284, %swap3A_1285], %swap3A_1288 {strides = array<i32>} : memref<2x128x128xf32, #tpu.memory_space<vmem>>, vector<1x1x16xf32>,
          %get3A_1289 = arith.constant 1 : i32
          %get3A_1290 = arith.index_cast %get3A_1289 : i32 to index
          %get3A_1291 = arith.index_cast %add3A_1229 : i32 to index
          %get3A_1292 = arith.constant 64 : index
          %get3A_1293 = tpu.vector_load %arg8[%get3A_1290, %get3A_1291, %get3A_1292] {strides = array<i32>} : memref<2x128x128xf32, #tpu.memory_space<vmem>>, vector<1x1x16xf32>,
          %get3A_1294 = vector.shape_cast %get3A_1293 : vector<1x1x16xf32> to vector<16xf32>
          %mul3A_1295 = arith.mulf %get3A_1294, %broadcast_in_dim3A_1232 : vector<16xf32>
          %swap3A_1296 = arith.constant 1 : i32
          %swap3A_1297 = arith.index_cast %swap3A_1296 : i32 to index
          %swap3A_1298 = arith.index_cast %add3A_1229 : i32 to index
          %swap3A_1299 = arith.constant 64 : index
          %swap3A_1300 = tpu.vector_load %arg8[%swap3A_1297, %swap3A_1298, %swap3A_1299] {strides = array<i32>} : memref<2x128x128xf32, #tpu.memory_space<vmem>>, vector<1x1x16xf32>,
          %swap3A_1301 = vector.shape_cast %swap3A_1300 : vector<1x1x16xf32> to vector<16xf32>
          %swap3A_1302 = vector.shape_cast %mul3A_1295 : vector<16xf32> to vector<1x1x16xf32>
          tpu.vector_store %arg8[%swap3A_1297, %swap3A_1298, %swap3A_1299], %swap3A_1302 {strides = array<i32>} : memref<2x128x128xf32, #tpu.memory_space<vmem>>, vector<1x1x16xf32>,
          %get3A_1303 = arith.constant 1 : i32
          %get3A_1304 = arith.index_cast %get3A_1303 : i32 to index
          %get3A_1305 = arith.index_cast %add3A_1229 : i32 to index
          %get3A_1306 = arith.constant 80 : index
          %get3A_1307 = tpu.vector_load %arg8[%get3A_1304, %get3A_1305, %get3A_1306] {strides = array<i32>} : memref<2x128x128xf32, #tpu.memory_space<vmem>>, vector<1x1x16xf32>,
          %get3A_1308 = vector.shape_cast %get3A_1307 : vector<1x1x16xf32> to vector<16xf32>
          %mul3A_1309 = arith.mulf %get3A_1308, %broadcast_in_dim3A_1232 : vector<16xf32>
          %swap3A_1310 = arith.constant 1 : i32
          %swap3A_1311 = arith.index_cast %swap3A_1310 : i32 to index
          %swap3A_1312 = arith.index_cast %add3A_1229 : i32 to index
          %swap3A_1313 = arith.constant 80 : index
          %swap3A_1314 = tpu.vector_load %arg8[%swap3A_1311, %swap3A_1312, %swap3A_1313] {strides = array<i32>} : memref<2x128x128xf32, #tpu.memory_space<vmem>>, vector<1x1x16xf32>,
          %swap3A_1315 = vector.shape_cast %swap3A_1314 : vector<1x1x16xf32> to vector<16xf32>
          %swap3A_1316 = vector.shape_cast %mul3A_1309 : vector<16xf32> to vector<1x1x16xf32>
          tpu.vector_store %arg8[%swap3A_1311, %swap3A_1312, %swap3A_1313], %swap3A_1316 {strides = array<i32>} : memref<2x128x128xf32, #tpu.memory_space<vmem>>, vector<1x1x16xf32>,
          %get3A_1317 = arith.constant 1 : i32
          %get3A_1318 = arith.index_cast %get3A_1317 : i32 to index
          %get3A_1319 = arith.index_cast %add3A_1229 : i32 to index
          %get3A_1320 = arith.constant 96 : index
          %get3A_1321 = tpu.vector_load %arg8[%get3A_1318, %get3A_1319, %get3A_1320] {strides = array<i32>} : memref<2x128x128xf32, #tpu.memory_space<vmem>>, vector<1x1x16xf32>,
          %get3A_1322 = vector.shape_cast %get3A_1321 : vector<1x1x16xf32> to vector<16xf32>
          %mul3A_1323 = arith.mulf %get3A_1322, %broadcast_in_dim3A_1232 : vector<16xf32>
          %swap3A_1324 = arith.constant 1 : i32
          %swap3A_1325 = arith.index_cast %swap3A_1324 : i32 to index
          %swap3A_1326 = arith.index_cast %add3A_1229 : i32 to index
          %swap3A_1327 = arith.constant 96 : index
          %swap3A_1328 = tpu.vector_load %arg8[%swap3A_1325, %swap3A_1326, %swap3A_1327] {strides = array<i32>} : memref<2x128x128xf32, #tpu.memory_space<vmem>>, vector<1x1x16xf32>,
          %swap3A_1329 = vector.shape_cast %swap3A_1328 : vector<1x1x16xf32> to vector<16xf32>
          %swap3A_1330 = vector.shape_cast %mul3A_1323 : vector<16xf32> to vector<1x1x16xf32>
          tpu.vector_store %arg8[%swap3A_1325, %swap3A_1326, %swap3A_1327], %swap3A_1330 {strides = array<i32>} : memref<2x128x128xf32, #tpu.memory_space<vmem>>, vector<1x1x16xf32>,
          %get3A_1331 = arith.constant 1 : i32
          %get3A_1332 = arith.index_cast %get3A_1331 : i32 to index
          %get3A_1333 = arith.index_cast %add3A_1229 : i32 to index
          %get3A_1334 = arith.constant 112 : index
          %get3A_1335 = tpu.vector_load %arg8[%get3A_1332, %get3A_1333, %get3A_1334] {strides = array<i32>} : memref<2x128x128xf32, #tpu.memory_space<vmem>>, vector<1x1x16xf32>,
          %get3A_1336 = vector.shape_cast %get3A_1335 : vector<1x1x16xf32> to vector<16xf32>
          %mul3A_1337 = arith.mulf %get3A_1336, %broadcast_in_dim3A_1232 : vector<16xf32>
          %swap3A_1338 = arith.constant 1 : i32
          %swap3A_1339 = arith.index_cast %swap3A_1338 : i32 to index
          %swap3A_1340 = arith.index_cast %add3A_1229 : i32 to index
          %swap3A_1341 = arith.constant 112 : index
          %swap3A_1342 = tpu.vector_load %arg8[%swap3A_1339, %swap3A_1340, %swap3A_1341] {strides = array<i32>} : memref<2x128x128xf32, #tpu.memory_space<vmem>>, vector<1x1x16xf32>,
          %swap3A_1343 = vector.shape_cast %swap3A_1342 : vector<1x1x16xf32> to vector<16xf32>
          %swap3A_1344 = vector.shape_cast %mul3A_1337 : vector<16xf32> to vector<1x1x16xf32>
          tpu.vector_store %arg8[%swap3A_1339, %swap3A_1340, %swap3A_1341], %swap3A_1344 {strides = array<i32>} : memref<2x128x128xf32, #tpu.memory_space<vmem>>, vector<1x1x16xf32>,
          %mul3A_1345 = arith.constant 16 : i32
          %mul3A_1346 = arith.muli %mul3A_1345, %scan3A_151 : i32
          %add3A_1347 = arith.constant 10 : i32
          %add3A_1348 = arith.addi %mul3A_1346, %add3A_1347 : i32
          %slice3A_1349 = vector.extract_strided_slice %get3A_157 {offsets = [10], sizes = [1], strides = [1]} : vector<16xf32> to vector<1xf32>
          %squeeze3A_1350 = vector.extract %slice3A_1349[0] : f32 from vector<1xf32>
          %broadcast_in_dim3A_1351 = vector.broadcast %squeeze3A_1350 : f32 to vector<16xf32>
          %get3A_1352 = arith.constant 1 : i32
          %get3A_1353 = arith.index_cast %get3A_1352 : i32 to index
          %get3A_1354 = arith.index_cast %add3A_1348 : i32 to index
          %get3A_1355 = arith.constant 0 : index
          %get3A_1356 = tpu.vector_load %arg8[%get3A_1353, %get3A_1354, %get3A_1355] {strides = array<i32>} : memref<2x128x128xf32, #tpu.memory_space<vmem>>, vector<1x1x16xf32>,
          %get3A_1357 = vector.shape_cast %get3A_1356 : vector<1x1x16xf32> to vector<16xf32>
          %mul3A_1358 = arith.mulf %get3A_1357, %broadcast_in_dim3A_1351 : vector<16xf32>
          %swap3A_1359 = arith.constant 1 : i32
          %swap3A_1360 = arith.index_cast %swap3A_1359 : i32 to index
          %swap3A_1361 = arith.index_cast %add3A_1348 : i32 to index
          %swap3A_1362 = arith.constant 0 : index
          %swap3A_1363 = tpu.vector_load %arg8[%swap3A_1360, %swap3A_1361, %swap3A_1362] {strides = array<i32>} : memref<2x128x128xf32, #tpu.memory_space<vmem>>, vector<1x1x16xf32>,
          %swap3A_1364 = vector.shape_cast %swap3A_1363 : vector<1x1x16xf32> to vector<16xf32>
          %swap3A_1365 = vector.shape_cast %mul3A_1358 : vector<16xf32> to vector<1x1x16xf32>
          tpu.vector_store %arg8[%swap3A_1360, %swap3A_1361, %swap3A_1362], %swap3A_1365 {strides = array<i32>} : memref<2x128x128xf32, #tpu.memory_space<vmem>>, vector<1x1x16xf32>,
          %get3A_1366 = arith.constant 1 : i32
          %get3A_1367 = arith.index_cast %get3A_1366 : i32 to index
          %get3A_1368 = arith.index_cast %add3A_1348 : i32 to index
          %get3A_1369 = arith.constant 16 : index
          %get3A_1370 = tpu.vector_load %arg8[%get3A_1367, %get3A_1368, %get3A_1369] {strides = array<i32>} : memref<2x128x128xf32, #tpu.memory_space<vmem>>, vector<1x1x16xf32>,
          %get3A_1371 = vector.shape_cast %get3A_1370 : vector<1x1x16xf32> to vector<16xf32>
          %mul3A_1372 = arith.mulf %get3A_1371, %broadcast_in_dim3A_1351 : vector<16xf32>
          %swap3A_1373 = arith.constant 1 : i32
          %swap3A_1374 = arith.index_cast %swap3A_1373 : i32 to index
          %swap3A_1375 = arith.index_cast %add3A_1348 : i32 to index
          %swap3A_1376 = arith.constant 16 : index
          %swap3A_1377 = tpu.vector_load %arg8[%swap3A_1374, %swap3A_1375, %swap3A_1376] {strides = array<i32>} : memref<2x128x128xf32, #tpu.memory_space<vmem>>, vector<1x1x16xf32>,
          %swap3A_1378 = vector.shape_cast %swap3A_1377 : vector<1x1x16xf32> to vector<16xf32>
          %swap3A_1379 = vector.shape_cast %mul3A_1372 : vector<16xf32> to vector<1x1x16xf32>
          tpu.vector_store %arg8[%swap3A_1374, %swap3A_1375, %swap3A_1376], %swap3A_1379 {strides = array<i32>} : memref<2x128x128xf32, #tpu.memory_space<vmem>>, vector<1x1x16xf32>,
          %get3A_1380 = arith.constant 1 : i32
          %get3A_1381 = arith.index_cast %get3A_1380 : i32 to index
          %get3A_1382 = arith.index_cast %add3A_1348 : i32 to index
          %get3A_1383 = arith.constant 32 : index
          %get3A_1384 = tpu.vector_load %arg8[%get3A_1381, %get3A_1382, %get3A_1383] {strides = array<i32>} : memref<2x128x128xf32, #tpu.memory_space<vmem>>, vector<1x1x16xf32>,
          %get3A_1385 = vector.shape_cast %get3A_1384 : vector<1x1x16xf32> to vector<16xf32>
          %mul3A_1386 = arith.mulf %get3A_1385, %broadcast_in_dim3A_1351 : vector<16xf32>
          %swap3A_1387 = arith.constant 1 : i32
          %swap3A_1388 = arith.index_cast %swap3A_1387 : i32 to index
          %swap3A_1389 = arith.index_cast %add3A_1348 : i32 to index
          %swap3A_1390 = arith.constant 32 : index
          %swap3A_1391 = tpu.vector_load %arg8[%swap3A_1388, %swap3A_1389, %swap3A_1390] {strides = array<i32>} : memref<2x128x128xf32, #tpu.memory_space<vmem>>, vector<1x1x16xf32>,
          %swap3A_1392 = vector.shape_cast %swap3A_1391 : vector<1x1x16xf32> to vector<16xf32>
          %swap3A_1393 = vector.shape_cast %mul3A_1386 : vector<16xf32> to vector<1x1x16xf32>
          tpu.vector_store %arg8[%swap3A_1388, %swap3A_1389, %swap3A_1390], %swap3A_1393 {strides = array<i32>} : memref<2x128x128xf32, #tpu.memory_space<vmem>>, vector<1x1x16xf32>,
          %get3A_1394 = arith.constant 1 : i32
          %get3A_1395 = arith.index_cast %get3A_1394 : i32 to index
          %get3A_1396 = arith.index_cast %add3A_1348 : i32 to index
          %get3A_1397 = arith.constant 48 : index
          %get3A_1398 = tpu.vector_load %arg8[%get3A_1395, %get3A_1396, %get3A_1397] {strides = array<i32>} : memref<2x128x128xf32, #tpu.memory_space<vmem>>, vector<1x1x16xf32>,
          %get3A_1399 = vector.shape_cast %get3A_1398 : vector<1x1x16xf32> to vector<16xf32>
          %mul3A_1400 = arith.mulf %get3A_1399, %broadcast_in_dim3A_1351 : vector<16xf32>
          %swap3A_1401 = arith.constant 1 : i32
          %swap3A_1402 = arith.index_cast %swap3A_1401 : i32 to index
          %swap3A_1403 = arith.index_cast %add3A_1348 : i32 to index
          %swap3A_1404 = arith.constant 48 : index
          %swap3A_1405 = tpu.vector_load %arg8[%swap3A_1402, %swap3A_1403, %swap3A_1404] {strides = array<i32>} : memref<2x128x128xf32, #tpu.memory_space<vmem>>, vector<1x1x16xf32>,
          %swap3A_1406 = vector.shape_cast %swap3A_1405 : vector<1x1x16xf32> to vector<16xf32>
          %swap3A_1407 = vector.shape_cast %mul3A_1400 : vector<16xf32> to vector<1x1x16xf32>
          tpu.vector_store %arg8[%swap3A_1402, %swap3A_1403, %swap3A_1404], %swap3A_1407 {strides = array<i32>} : memref<2x128x128xf32, #tpu.memory_space<vmem>>, vector<1x1x16xf32>,
          %get3A_1408 = arith.constant 1 : i32
          %get3A_1409 = arith.index_cast %get3A_1408 : i32 to index
          %get3A_1410 = arith.index_cast %add3A_1348 : i32 to index
          %get3A_1411 = arith.constant 64 : index
          %get3A_1412 = tpu.vector_load %arg8[%get3A_1409, %get3A_1410, %get3A_1411] {strides = array<i32>} : memref<2x128x128xf32, #tpu.memory_space<vmem>>, vector<1x1x16xf32>,
          %get3A_1413 = vector.shape_cast %get3A_1412 : vector<1x1x16xf32> to vector<16xf32>
          %mul3A_1414 = arith.mulf %get3A_1413, %broadcast_in_dim3A_1351 : vector<16xf32>
          %swap3A_1415 = arith.constant 1 : i32
          %swap3A_1416 = arith.index_cast %swap3A_1415 : i32 to index
          %swap3A_1417 = arith.index_cast %add3A_1348 : i32 to index
          %swap3A_1418 = arith.constant 64 : index
          %swap3A_1419 = tpu.vector_load %arg8[%swap3A_1416, %swap3A_1417, %swap3A_1418] {strides = array<i32>} : memref<2x128x128xf32, #tpu.memory_space<vmem>>, vector<1x1x16xf32>,
          %swap3A_1420 = vector.shape_cast %swap3A_1419 : vector<1x1x16xf32> to vector<16xf32>
          %swap3A_1421 = vector.shape_cast %mul3A_1414 : vector<16xf32> to vector<1x1x16xf32>
          tpu.vector_store %arg8[%swap3A_1416, %swap3A_1417, %swap3A_1418], %swap3A_1421 {strides = array<i32>} : memref<2x128x128xf32, #tpu.memory_space<vmem>>, vector<1x1x16xf32>,
          %get3A_1422 = arith.constant 1 : i32
          %get3A_1423 = arith.index_cast %get3A_1422 : i32 to index
          %get3A_1424 = arith.index_cast %add3A_1348 : i32 to index
          %get3A_1425 = arith.constant 80 : index
          %get3A_1426 = tpu.vector_load %arg8[%get3A_1423, %get3A_1424, %get3A_1425] {strides = array<i32>} : memref<2x128x128xf32, #tpu.memory_space<vmem>>, vector<1x1x16xf32>,
          %get3A_1427 = vector.shape_cast %get3A_1426 : vector<1x1x16xf32> to vector<16xf32>
          %mul3A_1428 = arith.mulf %get3A_1427, %broadcast_in_dim3A_1351 : vector<16xf32>
          %swap3A_1429 = arith.constant 1 : i32
          %swap3A_1430 = arith.index_cast %swap3A_1429 : i32 to index
          %swap3A_1431 = arith.index_cast %add3A_1348 : i32 to index
          %swap3A_1432 = arith.constant 80 : index
          %swap3A_1433 = tpu.vector_load %arg8[%swap3A_1430, %swap3A_1431, %swap3A_1432] {strides = array<i32>} : memref<2x128x128xf32, #tpu.memory_space<vmem>>, vector<1x1x16xf32>,
          %swap3A_1434 = vector.shape_cast %swap3A_1433 : vector<1x1x16xf32> to vector<16xf32>
          %swap3A_1435 = vector.shape_cast %mul3A_1428 : vector<16xf32> to vector<1x1x16xf32>
          tpu.vector_store %arg8[%swap3A_1430, %swap3A_1431, %swap3A_1432], %swap3A_1435 {strides = array<i32>} : memref<2x128x128xf32, #tpu.memory_space<vmem>>, vector<1x1x16xf32>,
          %get3A_1436 = arith.constant 1 : i32
          %get3A_1437 = arith.index_cast %get3A_1436 : i32 to index
          %get3A_1438 = arith.index_cast %add3A_1348 : i32 to index
          %get3A_1439 = arith.constant 96 : index
          %get3A_1440 = tpu.vector_load %arg8[%get3A_1437, %get3A_1438, %get3A_1439] {strides = array<i32>} : memref<2x128x128xf32, #tpu.memory_space<vmem>>, vector<1x1x16xf32>,
          %get3A_1441 = vector.shape_cast %get3A_1440 : vector<1x1x16xf32> to vector<16xf32>
          %mul3A_1442 = arith.mulf %get3A_1441, %broadcast_in_dim3A_1351 : vector<16xf32>
          %swap3A_1443 = arith.constant 1 : i32
          %swap3A_1444 = arith.index_cast %swap3A_1443 : i32 to index
          %swap3A_1445 = arith.index_cast %add3A_1348 : i32 to index
          %swap3A_1446 = arith.constant 96 : index
          %swap3A_1447 = tpu.vector_load %arg8[%swap3A_1444, %swap3A_1445, %swap3A_1446] {strides = array<i32>} : memref<2x128x128xf32, #tpu.memory_space<vmem>>, vector<1x1x16xf32>,
          %swap3A_1448 = vector.shape_cast %swap3A_1447 : vector<1x1x16xf32> to vector<16xf32>
          %swap3A_1449 = vector.shape_cast %mul3A_1442 : vector<16xf32> to vector<1x1x16xf32>
          tpu.vector_store %arg8[%swap3A_1444, %swap3A_1445, %swap3A_1446], %swap3A_1449 {strides = array<i32>} : memref<2x128x128xf32, #tpu.memory_space<vmem>>, vector<1x1x16xf32>,
          %get3A_1450 = arith.constant 1 : i32
          %get3A_1451 = arith.index_cast %get3A_1450 : i32 to index
          %get3A_1452 = arith.index_cast %add3A_1348 : i32 to index
          %get3A_1453 = arith.constant 112 : index
          %get3A_1454 = tpu.vector_load %arg8[%get3A_1451, %get3A_1452, %get3A_1453] {strides = array<i32>} : memref<2x128x128xf32, #tpu.memory_space<vmem>>, vector<1x1x16xf32>,
          %get3A_1455 = vector.shape_cast %get3A_1454 : vector<1x1x16xf32> to vector<16xf32>
          %mul3A_1456 = arith.mulf %get3A_1455, %broadcast_in_dim3A_1351 : vector<16xf32>
          %swap3A_1457 = arith.constant 1 : i32
          %swap3A_1458 = arith.index_cast %swap3A_1457 : i32 to index
          %swap3A_1459 = arith.index_cast %add3A_1348 : i32 to index
          %swap3A_1460 = arith.constant 112 : index
          %swap3A_1461 = tpu.vector_load %arg8[%swap3A_1458, %swap3A_1459, %swap3A_1460] {strides = array<i32>} : memref<2x128x128xf32, #tpu.memory_space<vmem>>, vector<1x1x16xf32>,
          %swap3A_1462 = vector.shape_cast %swap3A_1461 : vector<1x1x16xf32> to vector<16xf32>
          %swap3A_1463 = vector.shape_cast %mul3A_1456 : vector<16xf32> to vector<1x1x16xf32>
          tpu.vector_store %arg8[%swap3A_1458, %swap3A_1459, %swap3A_1460], %swap3A_1463 {strides = array<i32>} : memref<2x128x128xf32, #tpu.memory_space<vmem>>, vector<1x1x16xf32>,
          %mul3A_1464 = arith.constant 16 : i32
          %mul3A_1465 = arith.muli %mul3A_1464, %scan3A_151 : i32
          %add3A_1466 = arith.constant 11 : i32
          %add3A_1467 = arith.addi %mul3A_1465, %add3A_1466 : i32
          %slice3A_1468 = vector.extract_strided_slice %get3A_157 {offsets = [11], sizes = [1], strides = [1]} : vector<16xf32> to vector<1xf32>
          %squeeze3A_1469 = vector.extract %slice3A_1468[0] : f32 from vector<1xf32>
          %broadcast_in_dim3A_1470 = vector.broadcast %squeeze3A_1469 : f32 to vector<16xf32>
          %get3A_1471 = arith.constant 1 : i32
          %get3A_1472 = arith.index_cast %get3A_1471 : i32 to index
          %get3A_1473 = arith.index_cast %add3A_1467 : i32 to index
          %get3A_1474 = arith.constant 0 : index
          %get3A_1475 = tpu.vector_load %arg8[%get3A_1472, %get3A_1473, %get3A_1474] {strides = array<i32>} : memref<2x128x128xf32, #tpu.memory_space<vmem>>, vector<1x1x16xf32>,
          %get3A_1476 = vector.shape_cast %get3A_1475 : vector<1x1x16xf32> to vector<16xf32>
          %mul3A_1477 = arith.mulf %get3A_1476, %broadcast_in_dim3A_1470 : vector<16xf32>
          %swap3A_1478 = arith.constant 1 : i32
          %swap3A_1479 = arith.index_cast %swap3A_1478 : i32 to index
          %swap3A_1480 = arith.index_cast %add3A_1467 : i32 to index
          %swap3A_1481 = arith.constant 0 : index
          %swap3A_1482 = tpu.vector_load %arg8[%swap3A_1479, %swap3A_1480, %swap3A_1481] {strides = array<i32>} : memref<2x128x128xf32, #tpu.memory_space<vmem>>, vector<1x1x16xf32>,
          %swap3A_1483 = vector.shape_cast %swap3A_1482 : vector<1x1x16xf32> to vector<16xf32>
          %swap3A_1484 = vector.shape_cast %mul3A_1477 : vector<16xf32> to vector<1x1x16xf32>
          tpu.vector_store %arg8[%swap3A_1479, %swap3A_1480, %swap3A_1481], %swap3A_1484 {strides = array<i32>} : memref<2x128x128xf32, #tpu.memory_space<vmem>>, vector<1x1x16xf32>,
          %get3A_1485 = arith.constant 1 : i32
          %get3A_1486 = arith.index_cast %get3A_1485 : i32 to index
          %get3A_1487 = arith.index_cast %add3A_1467 : i32 to index
          %get3A_1488 = arith.constant 16 : index
          %get3A_1489 = tpu.vector_load %arg8[%get3A_1486, %get3A_1487, %get3A_1488] {strides = array<i32>} : memref<2x128x128xf32, #tpu.memory_space<vmem>>, vector<1x1x16xf32>,
          %get3A_1490 = vector.shape_cast %get3A_1489 : vector<1x1x16xf32> to vector<16xf32>
          %mul3A_1491 = arith.mulf %get3A_1490, %broadcast_in_dim3A_1470 : vector<16xf32>
          %swap3A_1492 = arith.constant 1 : i32
          %swap3A_1493 = arith.index_cast %swap3A_1492 : i32 to index
          %swap3A_1494 = arith.index_cast %add3A_1467 : i32 to index
          %swap3A_1495 = arith.constant 16 : index
          %swap3A_1496 = tpu.vector_load %arg8[%swap3A_1493, %swap3A_1494, %swap3A_1495] {strides = array<i32>} : memref<2x128x128xf32, #tpu.memory_space<vmem>>, vector<1x1x16xf32>,
          %swap3A_1497 = vector.shape_cast %swap3A_1496 : vector<1x1x16xf32> to vector<16xf32>
          %swap3A_1498 = vector.shape_cast %mul3A_1491 : vector<16xf32> to vector<1x1x16xf32>
          tpu.vector_store %arg8[%swap3A_1493, %swap3A_1494, %swap3A_1495], %swap3A_1498 {strides = array<i32>} : memref<2x128x128xf32, #tpu.memory_space<vmem>>, vector<1x1x16xf32>,
          %get3A_1499 = arith.constant 1 : i32
          %get3A_1500 = arith.index_cast %get3A_1499 : i32 to index
          %get3A_1501 = arith.index_cast %add3A_1467 : i32 to index
          %get3A_1502 = arith.constant 32 : index
          %get3A_1503 = tpu.vector_load %arg8[%get3A_1500, %get3A_1501, %get3A_1502] {strides = array<i32>} : memref<2x128x128xf32, #tpu.memory_space<vmem>>, vector<1x1x16xf32>,
          %get3A_1504 = vector.shape_cast %get3A_1503 : vector<1x1x16xf32> to vector<16xf32>
          %mul3A_1505 = arith.mulf %get3A_1504, %broadcast_in_dim3A_1470 : vector<16xf32>
          %swap3A_1506 = arith.constant 1 : i32
          %swap3A_1507 = arith.index_cast %swap3A_1506 : i32 to index
          %swap3A_1508 = arith.index_cast %add3A_1467 : i32 to index
          %swap3A_1509 = arith.constant 32 : index
          %swap3A_1510 = tpu.vector_load %arg8[%swap3A_1507, %swap3A_1508, %swap3A_1509] {strides = array<i32>} : memref<2x128x128xf32, #tpu.memory_space<vmem>>, vector<1x1x16xf32>,
          %swap3A_1511 = vector.shape_cast %swap3A_1510 : vector<1x1x16xf32> to vector<16xf32>
          %swap3A_1512 = vector.shape_cast %mul3A_1505 : vector<16xf32> to vector<1x1x16xf32>
          tpu.vector_store %arg8[%swap3A_1507, %swap3A_1508, %swap3A_1509], %swap3A_1512 {strides = array<i32>} : memref<2x128x128xf32, #tpu.memory_space<vmem>>, vector<1x1x16xf32>,
          %get3A_1513 = arith.constant 1 : i32
          %get3A_1514 = arith.index_cast %get3A_1513 : i32 to index
          %get3A_1515 = arith.index_cast %add3A_1467 : i32 to index
          %get3A_1516 = arith.constant 48 : index
          %get3A_1517 = tpu.vector_load %arg8[%get3A_1514, %get3A_1515, %get3A_1516] {strides = array<i32>} : memref<2x128x128xf32, #tpu.memory_space<vmem>>, vector<1x1x16xf32>,
          %get3A_1518 = vector.shape_cast %get3A_1517 : vector<1x1x16xf32> to vector<16xf32>
          %mul3A_1519 = arith.mulf %get3A_1518, %broadcast_in_dim3A_1470 : vector<16xf32>
          %swap3A_1520 = arith.constant 1 : i32
          %swap3A_1521 = arith.index_cast %swap3A_1520 : i32 to index
          %swap3A_1522 = arith.index_cast %add3A_1467 : i32 to index
          %swap3A_1523 = arith.constant 48 : index
          %swap3A_1524 = tpu.vector_load %arg8[%swap3A_1521, %swap3A_1522, %swap3A_1523] {strides = array<i32>} : memref<2x128x128xf32, #tpu.memory_space<vmem>>, vector<1x1x16xf32>,
          %swap3A_1525 = vector.shape_cast %swap3A_1524 : vector<1x1x16xf32> to vector<16xf32>
          %swap3A_1526 = vector.shape_cast %mul3A_1519 : vector<16xf32> to vector<1x1x16xf32>
          tpu.vector_store %arg8[%swap3A_1521, %swap3A_1522, %swap3A_1523], %swap3A_1526 {strides = array<i32>} : memref<2x128x128xf32, #tpu.memory_space<vmem>>, vector<1x1x16xf32>,
          %get3A_1527 = arith.constant 1 : i32
          %get3A_1528 = arith.index_cast %get3A_1527 : i32 to index
          %get3A_1529 = arith.index_cast %add3A_1467 : i32 to index
          %get3A_1530 = arith.constant 64 : index
          %get3A_1531 = tpu.vector_load %arg8[%get3A_1528, %get3A_1529, %get3A_1530] {strides = array<i32>} : memref<2x128x128xf32, #tpu.memory_space<vmem>>, vector<1x1x16xf32>,
          %get3A_1532 = vector.shape_cast %get3A_1531 : vector<1x1x16xf32> to vector<16xf32>
          %mul3A_1533 = arith.mulf %get3A_1532, %broadcast_in_dim3A_1470 : vector<16xf32>
          %swap3A_1534 = arith.constant 1 : i32
          %swap3A_1535 = arith.index_cast %swap3A_1534 : i32 to index
          %swap3A_1536 = arith.index_cast %add3A_1467 : i32 to index
          %swap3A_1537 = arith.constant 64 : index
          %swap3A_1538 = tpu.vector_load %arg8[%swap3A_1535, %swap3A_1536, %swap3A_1537] {strides = array<i32>} : memref<2x128x128xf32, #tpu.memory_space<vmem>>, vector<1x1x16xf32>,
          %swap3A_1539 = vector.shape_cast %swap3A_1538 : vector<1x1x16xf32> to vector<16xf32>
          %swap3A_1540 = vector.shape_cast %mul3A_1533 : vector<16xf32> to vector<1x1x16xf32>
          tpu.vector_store %arg8[%swap3A_1535, %swap3A_1536, %swap3A_1537], %swap3A_1540 {strides = array<i32>} : memref<2x128x128xf32, #tpu.memory_space<vmem>>, vector<1x1x16xf32>,
          %get3A_1541 = arith.constant 1 : i32
          %get3A_1542 = arith.index_cast %get3A_1541 : i32 to index
          %get3A_1543 = arith.index_cast %add3A_1467 : i32 to index
          %get3A_1544 = arith.constant 80 : index
          %get3A_1545 = tpu.vector_load %arg8[%get3A_1542, %get3A_1543, %get3A_1544] {strides = array<i32>} : memref<2x128x128xf32, #tpu.memory_space<vmem>>, vector<1x1x16xf32>,
          %get3A_1546 = vector.shape_cast %get3A_1545 : vector<1x1x16xf32> to vector<16xf32>
          %mul3A_1547 = arith.mulf %get3A_1546, %broadcast_in_dim3A_1470 : vector<16xf32>
          %swap3A_1548 = arith.constant 1 : i32
          %swap3A_1549 = arith.index_cast %swap3A_1548 : i32 to index
          %swap3A_1550 = arith.index_cast %add3A_1467 : i32 to index
          %swap3A_1551 = arith.constant 80 : index
          %swap3A_1552 = tpu.vector_load %arg8[%swap3A_1549, %swap3A_1550, %swap3A_1551] {strides = array<i32>} : memref<2x128x128xf32, #tpu.memory_space<vmem>>, vector<1x1x16xf32>,
          %swap3A_1553 = vector.shape_cast %swap3A_1552 : vector<1x1x16xf32> to vector<16xf32>
          %swap3A_1554 = vector.shape_cast %mul3A_1547 : vector<16xf32> to vector<1x1x16xf32>
          tpu.vector_store %arg8[%swap3A_1549, %swap3A_1550, %swap3A_1551], %swap3A_1554 {strides = array<i32>} : memref<2x128x128xf32, #tpu.memory_space<vmem>>, vector<1x1x16xf32>,
          %get3A_1555 = arith.constant 1 : i32
          %get3A_1556 = arith.index_cast %get3A_1555 : i32 to index
          %get3A_1557 = arith.index_cast %add3A_1467 : i32 to index
          %get3A_1558 = arith.constant 96 : index
          %get3A_1559 = tpu.vector_load %arg8[%get3A_1556, %get3A_1557, %get3A_1558] {strides = array<i32>} : memref<2x128x128xf32, #tpu.memory_space<vmem>>, vector<1x1x16xf32>,
          %get3A_1560 = vector.shape_cast %get3A_1559 : vector<1x1x16xf32> to vector<16xf32>
          %mul3A_1561 = arith.mulf %get3A_1560, %broadcast_in_dim3A_1470 : vector<16xf32>
          %swap3A_1562 = arith.constant 1 : i32
          %swap3A_1563 = arith.index_cast %swap3A_1562 : i32 to index
          %swap3A_1564 = arith.index_cast %add3A_1467 : i32 to index
          %swap3A_1565 = arith.constant 96 : index
          %swap3A_1566 = tpu.vector_load %arg8[%swap3A_1563, %swap3A_1564, %swap3A_1565] {strides = array<i32>} : memref<2x128x128xf32, #tpu.memory_space<vmem>>, vector<1x1x16xf32>,
          %swap3A_1567 = vector.shape_cast %swap3A_1566 : vector<1x1x16xf32> to vector<16xf32>
          %swap3A_1568 = vector.shape_cast %mul3A_1561 : vector<16xf32> to vector<1x1x16xf32>
          tpu.vector_store %arg8[%swap3A_1563, %swap3A_1564, %swap3A_1565], %swap3A_1568 {strides = array<i32>} : memref<2x128x128xf32, #tpu.memory_space<vmem>>, vector<1x1x16xf32>,
          %get3A_1569 = arith.constant 1 : i32
          %get3A_1570 = arith.index_cast %get3A_1569 : i32 to index
          %get3A_1571 = arith.index_cast %add3A_1467 : i32 to index
          %get3A_1572 = arith.constant 112 : index
          %get3A_1573 = tpu.vector_load %arg8[%get3A_1570, %get3A_1571, %get3A_1572] {strides = array<i32>} : memref<2x128x128xf32, #tpu.memory_space<vmem>>, vector<1x1x16xf32>,
          %get3A_1574 = vector.shape_cast %get3A_1573 : vector<1x1x16xf32> to vector<16xf32>
          %mul3A_1575 = arith.mulf %get3A_1574, %broadcast_in_dim3A_1470 : vector<16xf32>
          %swap3A_1576 = arith.constant 1 : i32
          %swap3A_1577 = arith.index_cast %swap3A_1576 : i32 to index
          %swap3A_1578 = arith.index_cast %add3A_1467 : i32 to index
          %swap3A_1579 = arith.constant 112 : index
          %swap3A_1580 = tpu.vector_load %arg8[%swap3A_1577, %swap3A_1578, %swap3A_1579] {strides = array<i32>} : memref<2x128x128xf32, #tpu.memory_space<vmem>>, vector<1x1x16xf32>,
          %swap3A_1581 = vector.shape_cast %swap3A_1580 : vector<1x1x16xf32> to vector<16xf32>
          %swap3A_1582 = vector.shape_cast %mul3A_1575 : vector<16xf32> to vector<1x1x16xf32>
          tpu.vector_store %arg8[%swap3A_1577, %swap3A_1578, %swap3A_1579], %swap3A_1582 {strides = array<i32>} : memref<2x128x128xf32, #tpu.memory_space<vmem>>, vector<1x1x16xf32>,
          %mul3A_1583 = arith.constant 16 : i32
          %mul3A_1584 = arith.muli %mul3A_1583, %scan3A_151 : i32
          %add3A_1585 = arith.constant 12 : i32
          %add3A_1586 = arith.addi %mul3A_1584, %add3A_1585 : i32
          %slice3A_1587 = vector.extract_strided_slice %get3A_157 {offsets = [12], sizes = [1], strides = [1]} : vector<16xf32> to vector<1xf32>
          %squeeze3A_1588 = vector.extract %slice3A_1587[0] : f32 from vector<1xf32>
          %broadcast_in_dim3A_1589 = vector.broadcast %squeeze3A_1588 : f32 to vector<16xf32>
          %get3A_1590 = arith.constant 1 : i32
          %get3A_1591 = arith.index_cast %get3A_1590 : i32 to index
          %get3A_1592 = arith.index_cast %add3A_1586 : i32 to index
          %get3A_1593 = arith.constant 0 : index
          %get3A_1594 = tpu.vector_load %arg8[%get3A_1591, %get3A_1592, %get3A_1593] {strides = array<i32>} : memref<2x128x128xf32, #tpu.memory_space<vmem>>, vector<1x1x16xf32>,
          %get3A_1595 = vector.shape_cast %get3A_1594 : vector<1x1x16xf32> to vector<16xf32>
          %mul3A_1596 = arith.mulf %get3A_1595, %broadcast_in_dim3A_1589 : vector<16xf32>
          %swap3A_1597 = arith.constant 1 : i32
          %swap3A_1598 = arith.index_cast %swap3A_1597 : i32 to index
          %swap3A_1599 = arith.index_cast %add3A_1586 : i32 to index
          %swap3A_1600 = arith.constant 0 : index
          %swap3A_1601 = tpu.vector_load %arg8[%swap3A_1598, %swap3A_1599, %swap3A_1600] {strides = array<i32>} : memref<2x128x128xf32, #tpu.memory_space<vmem>>, vector<1x1x16xf32>,
          %swap3A_1602 = vector.shape_cast %swap3A_1601 : vector<1x1x16xf32> to vector<16xf32>
          %swap3A_1603 = vector.shape_cast %mul3A_1596 : vector<16xf32> to vector<1x1x16xf32>
          tpu.vector_store %arg8[%swap3A_1598, %swap3A_1599, %swap3A_1600], %swap3A_1603 {strides = array<i32>} : memref<2x128x128xf32, #tpu.memory_space<vmem>>, vector<1x1x16xf32>,
          %get3A_1604 = arith.constant 1 : i32
          %get3A_1605 = arith.index_cast %get3A_1604 : i32 to index
          %get3A_1606 = arith.index_cast %add3A_1586 : i32 to index
          %get3A_1607 = arith.constant 16 : index
          %get3A_1608 = tpu.vector_load %arg8[%get3A_1605, %get3A_1606, %get3A_1607] {strides = array<i32>} : memref<2x128x128xf32, #tpu.memory_space<vmem>>, vector<1x1x16xf32>,
          %get3A_1609 = vector.shape_cast %get3A_1608 : vector<1x1x16xf32> to vector<16xf32>
          %mul3A_1610 = arith.mulf %get3A_1609, %broadcast_in_dim3A_1589 : vector<16xf32>
          %swap3A_1611 = arith.constant 1 : i32
          %swap3A_1612 = arith.index_cast %swap3A_1611 : i32 to index
          %swap3A_1613 = arith.index_cast %add3A_1586 : i32 to index
          %swap3A_1614 = arith.constant 16 : index
          %swap3A_1615 = tpu.vector_load %arg8[%swap3A_1612, %swap3A_1613, %swap3A_1614] {strides = array<i32>} : memref<2x128x128xf32, #tpu.memory_space<vmem>>, vector<1x1x16xf32>,
          %swap3A_1616 = vector.shape_cast %swap3A_1615 : vector<1x1x16xf32> to vector<16xf32>
          %swap3A_1617 = vector.shape_cast %mul3A_1610 : vector<16xf32> to vector<1x1x16xf32>
          tpu.vector_store %arg8[%swap3A_1612, %swap3A_1613, %swap3A_1614], %swap3A_1617 {strides = array<i32>} : memref<2x128x128xf32, #tpu.memory_space<vmem>>, vector<1x1x16xf32>,
          %get3A_1618 = arith.constant 1 : i32
          %get3A_1619 = arith.index_cast %get3A_1618 : i32 to index
          %get3A_1620 = arith.index_cast %add3A_1586 : i32 to index
          %get3A_1621 = arith.constant 32 : index
          %get3A_1622 = tpu.vector_load %arg8[%get3A_1619, %get3A_1620, %get3A_1621] {strides = array<i32>} : memref<2x128x128xf32, #tpu.memory_space<vmem>>, vector<1x1x16xf32>,
          %get3A_1623 = vector.shape_cast %get3A_1622 : vector<1x1x16xf32> to vector<16xf32>
          %mul3A_1624 = arith.mulf %get3A_1623, %broadcast_in_dim3A_1589 : vector<16xf32>
          %swap3A_1625 = arith.constant 1 : i32
          %swap3A_1626 = arith.index_cast %swap3A_1625 : i32 to index
          %swap3A_1627 = arith.index_cast %add3A_1586 : i32 to index
          %swap3A_1628 = arith.constant 32 : index
          %swap3A_1629 = tpu.vector_load %arg8[%swap3A_1626, %swap3A_1627, %swap3A_1628] {strides = array<i32>} : memref<2x128x128xf32, #tpu.memory_space<vmem>>, vector<1x1x16xf32>,
          %swap3A_1630 = vector.shape_cast %swap3A_1629 : vector<1x1x16xf32> to vector<16xf32>
          %swap3A_1631 = vector.shape_cast %mul3A_1624 : vector<16xf32> to vector<1x1x16xf32>
          tpu.vector_store %arg8[%swap3A_1626, %swap3A_1627, %swap3A_1628], %swap3A_1631 {strides = array<i32>} : memref<2x128x128xf32, #tpu.memory_space<vmem>>, vector<1x1x16xf32>,
          %get3A_1632 = arith.constant 1 : i32
          %get3A_1633 = arith.index_cast %get3A_1632 : i32 to index
          %get3A_1634 = arith.index_cast %add3A_1586 : i32 to index
          %get3A_1635 = arith.constant 48 : index
          %get3A_1636 = tpu.vector_load %arg8[%get3A_1633, %get3A_1634, %get3A_1635] {strides = array<i32>} : memref<2x128x128xf32, #tpu.memory_space<vmem>>, vector<1x1x16xf32>,
          %get3A_1637 = vector.shape_cast %get3A_1636 : vector<1x1x16xf32> to vector<16xf32>
          %mul3A_1638 = arith.mulf %get3A_1637, %broadcast_in_dim3A_1589 : vector<16xf32>
          %swap3A_1639 = arith.constant 1 : i32
          %swap3A_1640 = arith.index_cast %swap3A_1639 : i32 to index
          %swap3A_1641 = arith.index_cast %add3A_1586 : i32 to index
          %swap3A_1642 = arith.constant 48 : index
          %swap3A_1643 = tpu.vector_load %arg8[%swap3A_1640, %swap3A_1641, %swap3A_1642] {strides = array<i32>} : memref<2x128x128xf32, #tpu.memory_space<vmem>>, vector<1x1x16xf32>,
          %swap3A_1644 = vector.shape_cast %swap3A_1643 : vector<1x1x16xf32> to vector<16xf32>
          %swap3A_1645 = vector.shape_cast %mul3A_1638 : vector<16xf32> to vector<1x1x16xf32>
          tpu.vector_store %arg8[%swap3A_1640, %swap3A_1641, %swap3A_1642], %swap3A_1645 {strides = array<i32>} : memref<2x128x128xf32, #tpu.memory_space<vmem>>, vector<1x1x16xf32>,
          %get3A_1646 = arith.constant 1 : i32
          %get3A_1647 = arith.index_cast %get3A_1646 : i32 to index
          %get3A_1648 = arith.index_cast %add3A_1586 : i32 to index
          %get3A_1649 = arith.constant 64 : index
          %get3A_1650 = tpu.vector_load %arg8[%get3A_1647, %get3A_1648, %get3A_1649] {strides = array<i32>} : memref<2x128x128xf32, #tpu.memory_space<vmem>>, vector<1x1x16xf32>,
          %get3A_1651 = vector.shape_cast %get3A_1650 : vector<1x1x16xf32> to vector<16xf32>
          %mul3A_1652 = arith.mulf %get3A_1651, %broadcast_in_dim3A_1589 : vector<16xf32>
          %swap3A_1653 = arith.constant 1 : i32
          %swap3A_1654 = arith.index_cast %swap3A_1653 : i32 to index
          %swap3A_1655 = arith.index_cast %add3A_1586 : i32 to index
          %swap3A_1656 = arith.constant 64 : index
          %swap3A_1657 = tpu.vector_load %arg8[%swap3A_1654, %swap3A_1655, %swap3A_1656] {strides = array<i32>} : memref<2x128x128xf32, #tpu.memory_space<vmem>>, vector<1x1x16xf32>,
          %swap3A_1658 = vector.shape_cast %swap3A_1657 : vector<1x1x16xf32> to vector<16xf32>
          %swap3A_1659 = vector.shape_cast %mul3A_1652 : vector<16xf32> to vector<1x1x16xf32>
          tpu.vector_store %arg8[%swap3A_1654, %swap3A_1655, %swap3A_1656], %swap3A_1659 {strides = array<i32>} : memref<2x128x128xf32, #tpu.memory_space<vmem>>, vector<1x1x16xf32>,
          %get3A_1660 = arith.constant 1 : i32
          %get3A_1661 = arith.index_cast %get3A_1660 : i32 to index
          %get3A_1662 = arith.index_cast %add3A_1586 : i32 to index
          %get3A_1663 = arith.constant 80 : index
          %get3A_1664 = tpu.vector_load %arg8[%get3A_1661, %get3A_1662, %get3A_1663] {strides = array<i32>} : memref<2x128x128xf32, #tpu.memory_space<vmem>>, vector<1x1x16xf32>,
          %get3A_1665 = vector.shape_cast %get3A_1664 : vector<1x1x16xf32> to vector<16xf32>
          %mul3A_1666 = arith.mulf %get3A_1665, %broadcast_in_dim3A_1589 : vector<16xf32>
          %swap3A_1667 = arith.constant 1 : i32
          %swap3A_1668 = arith.index_cast %swap3A_1667 : i32 to index
          %swap3A_1669 = arith.index_cast %add3A_1586 : i32 to index
          %swap3A_1670 = arith.constant 80 : index
          %swap3A_1671 = tpu.vector_load %arg8[%swap3A_1668, %swap3A_1669, %swap3A_1670] {strides = array<i32>} : memref<2x128x128xf32, #tpu.memory_space<vmem>>, vector<1x1x16xf32>,
          %swap3A_1672 = vector.shape_cast %swap3A_1671 : vector<1x1x16xf32> to vector<16xf32>
          %swap3A_1673 = vector.shape_cast %mul3A_1666 : vector<16xf32> to vector<1x1x16xf32>
          tpu.vector_store %arg8[%swap3A_1668, %swap3A_1669, %swap3A_1670], %swap3A_1673 {strides = array<i32>} : memref<2x128x128xf32, #tpu.memory_space<vmem>>, vector<1x1x16xf32>,
          %get3A_1674 = arith.constant 1 : i32
          %get3A_1675 = arith.index_cast %get3A_1674 : i32 to index
          %get3A_1676 = arith.index_cast %add3A_1586 : i32 to index
          %get3A_1677 = arith.constant 96 : index
          %get3A_1678 = tpu.vector_load %arg8[%get3A_1675, %get3A_1676, %get3A_1677] {strides = array<i32>} : memref<2x128x128xf32, #tpu.memory_space<vmem>>, vector<1x1x16xf32>,
          %get3A_1679 = vector.shape_cast %get3A_1678 : vector<1x1x16xf32> to vector<16xf32>
          %mul3A_1680 = arith.mulf %get3A_1679, %broadcast_in_dim3A_1589 : vector<16xf32>
          %swap3A_1681 = arith.constant 1 : i32
          %swap3A_1682 = arith.index_cast %swap3A_1681 : i32 to index
          %swap3A_1683 = arith.index_cast %add3A_1586 : i32 to index
          %swap3A_1684 = arith.constant 96 : index
          %swap3A_1685 = tpu.vector_load %arg8[%swap3A_1682, %swap3A_1683, %swap3A_1684] {strides = array<i32>} : memref<2x128x128xf32, #tpu.memory_space<vmem>>, vector<1x1x16xf32>,
          %swap3A_1686 = vector.shape_cast %swap3A_1685 : vector<1x1x16xf32> to vector<16xf32>
          %swap3A_1687 = vector.shape_cast %mul3A_1680 : vector<16xf32> to vector<1x1x16xf32>
          tpu.vector_store %arg8[%swap3A_1682, %swap3A_1683, %swap3A_1684], %swap3A_1687 {strides = array<i32>} : memref<2x128x128xf32, #tpu.memory_space<vmem>>, vector<1x1x16xf32>,
          %get3A_1688 = arith.constant 1 : i32
          %get3A_1689 = arith.index_cast %get3A_1688 : i32 to index
          %get3A_1690 = arith.index_cast %add3A_1586 : i32 to index
          %get3A_1691 = arith.constant 112 : index
          %get3A_1692 = tpu.vector_load %arg8[%get3A_1689, %get3A_1690, %get3A_1691] {strides = array<i32>} : memref<2x128x128xf32, #tpu.memory_space<vmem>>, vector<1x1x16xf32>,
          %get3A_1693 = vector.shape_cast %get3A_1692 : vector<1x1x16xf32> to vector<16xf32>
          %mul3A_1694 = arith.mulf %get3A_1693, %broadcast_in_dim3A_1589 : vector<16xf32>
          %swap3A_1695 = arith.constant 1 : i32
          %swap3A_1696 = arith.index_cast %swap3A_1695 : i32 to index
          %swap3A_1697 = arith.index_cast %add3A_1586 : i32 to index
          %swap3A_1698 = arith.constant 112 : index
          %swap3A_1699 = tpu.vector_load %arg8[%swap3A_1696, %swap3A_1697, %swap3A_1698] {strides = array<i32>} : memref<2x128x128xf32, #tpu.memory_space<vmem>>, vector<1x1x16xf32>,
          %swap3A_1700 = vector.shape_cast %swap3A_1699 : vector<1x1x16xf32> to vector<16xf32>
          %swap3A_1701 = vector.shape_cast %mul3A_1694 : vector<16xf32> to vector<1x1x16xf32>
          tpu.vector_store %arg8[%swap3A_1696, %swap3A_1697, %swap3A_1698], %swap3A_1701 {strides = array<i32>} : memref<2x128x128xf32, #tpu.memory_space<vmem>>, vector<1x1x16xf32>,
          %mul3A_1702 = arith.constant 16 : i32
          %mul3A_1703 = arith.muli %mul3A_1702, %scan3A_151 : i32
          %add3A_1704 = arith.constant 13 : i32
          %add3A_1705 = arith.addi %mul3A_1703, %add3A_1704 : i32
          %slice3A_1706 = vector.extract_strided_slice %get3A_157 {offsets = [13], sizes = [1], strides = [1]} : vector<16xf32> to vector<1xf32>
          %squeeze3A_1707 = vector.extract %slice3A_1706[0] : f32 from vector<1xf32>
          %broadcast_in_dim3A_1708 = vector.broadcast %squeeze3A_1707 : f32 to vector<16xf32>
          %get3A_1709 = arith.constant 1 : i32
          %get3A_1710 = arith.index_cast %get3A_1709 : i32 to index
          %get3A_1711 = arith.index_cast %add3A_1705 : i32 to index
          %get3A_1712 = arith.constant 0 : index
          %get3A_1713 = tpu.vector_load %arg8[%get3A_1710, %get3A_1711, %get3A_1712] {strides = array<i32>} : memref<2x128x128xf32, #tpu.memory_space<vmem>>, vector<1x1x16xf32>,
          %get3A_1714 = vector.shape_cast %get3A_1713 : vector<1x1x16xf32> to vector<16xf32>
          %mul3A_1715 = arith.mulf %get3A_1714, %broadcast_in_dim3A_1708 : vector<16xf32>
          %swap3A_1716 = arith.constant 1 : i32
          %swap3A_1717 = arith.index_cast %swap3A_1716 : i32 to index
          %swap3A_1718 = arith.index_cast %add3A_1705 : i32 to index
          %swap3A_1719 = arith.constant 0 : index
          %swap3A_1720 = tpu.vector_load %arg8[%swap3A_1717, %swap3A_1718, %swap3A_1719] {strides = array<i32>} : memref<2x128x128xf32, #tpu.memory_space<vmem>>, vector<1x1x16xf32>,
          %swap3A_1721 = vector.shape_cast %swap3A_1720 : vector<1x1x16xf32> to vector<16xf32>
          %swap3A_1722 = vector.shape_cast %mul3A_1715 : vector<16xf32> to vector<1x1x16xf32>
          tpu.vector_store %arg8[%swap3A_1717, %swap3A_1718, %swap3A_1719], %swap3A_1722 {strides = array<i32>} : memref<2x128x128xf32, #tpu.memory_space<vmem>>, vector<1x1x16xf32>,
          %get3A_1723 = arith.constant 1 : i32
          %get3A_1724 = arith.index_cast %get3A_1723 : i32 to index
          %get3A_1725 = arith.index_cast %add3A_1705 : i32 to index
          %get3A_1726 = arith.constant 16 : index
          %get3A_1727 = tpu.vector_load %arg8[%get3A_1724, %get3A_1725, %get3A_1726] {strides = array<i32>} : memref<2x128x128xf32, #tpu.memory_space<vmem>>, vector<1x1x16xf32>,
          %get3A_1728 = vector.shape_cast %get3A_1727 : vector<1x1x16xf32> to vector<16xf32>
          %mul3A_1729 = arith.mulf %get3A_1728, %broadcast_in_dim3A_1708 : vector<16xf32>
          %swap3A_1730 = arith.constant 1 : i32
          %swap3A_1731 = arith.index_cast %swap3A_1730 : i32 to index
          %swap3A_1732 = arith.index_cast %add3A_1705 : i32 to index
          %swap3A_1733 = arith.constant 16 : index
          %swap3A_1734 = tpu.vector_load %arg8[%swap3A_1731, %swap3A_1732, %swap3A_1733] {strides = array<i32>} : memref<2x128x128xf32, #tpu.memory_space<vmem>>, vector<1x1x16xf32>,
          %swap3A_1735 = vector.shape_cast %swap3A_1734 : vector<1x1x16xf32> to vector<16xf32>
          %swap3A_1736 = vector.shape_cast %mul3A_1729 : vector<16xf32> to vector<1x1x16xf32>
          tpu.vector_store %arg8[%swap3A_1731, %swap3A_1732, %swap3A_1733], %swap3A_1736 {strides = array<i32>} : memref<2x128x128xf32, #tpu.memory_space<vmem>>, vector<1x1x16xf32>,
          %get3A_1737 = arith.constant 1 : i32
          %get3A_1738 = arith.index_cast %get3A_1737 : i32 to index
          %get3A_1739 = arith.index_cast %add3A_1705 : i32 to index
          %get3A_1740 = arith.constant 32 : index
          %get3A_1741 = tpu.vector_load %arg8[%get3A_1738, %get3A_1739, %get3A_1740] {strides = array<i32>} : memref<2x128x128xf32, #tpu.memory_space<vmem>>, vector<1x1x16xf32>,
          %get3A_1742 = vector.shape_cast %get3A_1741 : vector<1x1x16xf32> to vector<16xf32>
          %mul3A_1743 = arith.mulf %get3A_1742, %broadcast_in_dim3A_1708 : vector<16xf32>
          %swap3A_1744 = arith.constant 1 : i32
          %swap3A_1745 = arith.index_cast %swap3A_1744 : i32 to index
          %swap3A_1746 = arith.index_cast %add3A_1705 : i32 to index
          %swap3A_1747 = arith.constant 32 : index
          %swap3A_1748 = tpu.vector_load %arg8[%swap3A_1745, %swap3A_1746, %swap3A_1747] {strides = array<i32>} : memref<2x128x128xf32, #tpu.memory_space<vmem>>, vector<1x1x16xf32>,
          %swap3A_1749 = vector.shape_cast %swap3A_1748 : vector<1x1x16xf32> to vector<16xf32>
          %swap3A_1750 = vector.shape_cast %mul3A_1743 : vector<16xf32> to vector<1x1x16xf32>
          tpu.vector_store %arg8[%swap3A_1745, %swap3A_1746, %swap3A_1747], %swap3A_1750 {strides = array<i32>} : memref<2x128x128xf32, #tpu.memory_space<vmem>>, vector<1x1x16xf32>,
          %get3A_1751 = arith.constant 1 : i32
          %get3A_1752 = arith.index_cast %get3A_1751 : i32 to index
          %get3A_1753 = arith.index_cast %add3A_1705 : i32 to index
          %get3A_1754 = arith.constant 48 : index
          %get3A_1755 = tpu.vector_load %arg8[%get3A_1752, %get3A_1753, %get3A_1754] {strides = array<i32>} : memref<2x128x128xf32, #tpu.memory_space<vmem>>, vector<1x1x16xf32>,
          %get3A_1756 = vector.shape_cast %get3A_1755 : vector<1x1x16xf32> to vector<16xf32>
          %mul3A_1757 = arith.mulf %get3A_1756, %broadcast_in_dim3A_1708 : vector<16xf32>
          %swap3A_1758 = arith.constant 1 : i32
          %swap3A_1759 = arith.index_cast %swap3A_1758 : i32 to index
          %swap3A_1760 = arith.index_cast %add3A_1705 : i32 to index
          %swap3A_1761 = arith.constant 48 : index
          %swap3A_1762 = tpu.vector_load %arg8[%swap3A_1759, %swap3A_1760, %swap3A_1761] {strides = array<i32>} : memref<2x128x128xf32, #tpu.memory_space<vmem>>, vector<1x1x16xf32>,
          %swap3A_1763 = vector.shape_cast %swap3A_1762 : vector<1x1x16xf32> to vector<16xf32>
          %swap3A_1764 = vector.shape_cast %mul3A_1757 : vector<16xf32> to vector<1x1x16xf32>
          tpu.vector_store %arg8[%swap3A_1759, %swap3A_1760, %swap3A_1761], %swap3A_1764 {strides = array<i32>} : memref<2x128x128xf32, #tpu.memory_space<vmem>>, vector<1x1x16xf32>,
          %get3A_1765 = arith.constant 1 : i32
          %get3A_1766 = arith.index_cast %get3A_1765 : i32 to index
          %get3A_1767 = arith.index_cast %add3A_1705 : i32 to index
          %get3A_1768 = arith.constant 64 : index
          %get3A_1769 = tpu.vector_load %arg8[%get3A_1766, %get3A_1767, %get3A_1768] {strides = array<i32>} : memref<2x128x128xf32, #tpu.memory_space<vmem>>, vector<1x1x16xf32>,
          %get3A_1770 = vector.shape_cast %get3A_1769 : vector<1x1x16xf32> to vector<16xf32>
          %mul3A_1771 = arith.mulf %get3A_1770, %broadcast_in_dim3A_1708 : vector<16xf32>
          %swap3A_1772 = arith.constant 1 : i32
          %swap3A_1773 = arith.index_cast %swap3A_1772 : i32 to index
          %swap3A_1774 = arith.index_cast %add3A_1705 : i32 to index
          %swap3A_1775 = arith.constant 64 : index
          %swap3A_1776 = tpu.vector_load %arg8[%swap3A_1773, %swap3A_1774, %swap3A_1775] {strides = array<i32>} : memref<2x128x128xf32, #tpu.memory_space<vmem>>, vector<1x1x16xf32>,
          %swap3A_1777 = vector.shape_cast %swap3A_1776 : vector<1x1x16xf32> to vector<16xf32>
          %swap3A_1778 = vector.shape_cast %mul3A_1771 : vector<16xf32> to vector<1x1x16xf32>
          tpu.vector_store %arg8[%swap3A_1773, %swap3A_1774, %swap3A_1775], %swap3A_1778 {strides = array<i32>} : memref<2x128x128xf32, #tpu.memory_space<vmem>>, vector<1x1x16xf32>,
          %get3A_1779 = arith.constant 1 : i32
          %get3A_1780 = arith.index_cast %get3A_1779 : i32 to index
          %get3A_1781 = arith.index_cast %add3A_1705 : i32 to index
          %get3A_1782 = arith.constant 80 : index
          %get3A_1783 = tpu.vector_load %arg8[%get3A_1780, %get3A_1781, %get3A_1782] {strides = array<i32>} : memref<2x128x128xf32, #tpu.memory_space<vmem>>, vector<1x1x16xf32>,
          %get3A_1784 = vector.shape_cast %get3A_1783 : vector<1x1x16xf32> to vector<16xf32>
          %mul3A_1785 = arith.mulf %get3A_1784, %broadcast_in_dim3A_1708 : vector<16xf32>
          %swap3A_1786 = arith.constant 1 : i32
          %swap3A_1787 = arith.index_cast %swap3A_1786 : i32 to index
          %swap3A_1788 = arith.index_cast %add3A_1705 : i32 to index
          %swap3A_1789 = arith.constant 80 : index
          %swap3A_1790 = tpu.vector_load %arg8[%swap3A_1787, %swap3A_1788, %swap3A_1789] {strides = array<i32>} : memref<2x128x128xf32, #tpu.memory_space<vmem>>, vector<1x1x16xf32>,
          %swap3A_1791 = vector.shape_cast %swap3A_1790 : vector<1x1x16xf32> to vector<16xf32>
          %swap3A_1792 = vector.shape_cast %mul3A_1785 : vector<16xf32> to vector<1x1x16xf32>
          tpu.vector_store %arg8[%swap3A_1787, %swap3A_1788, %swap3A_1789], %swap3A_1792 {strides = array<i32>} : memref<2x128x128xf32, #tpu.memory_space<vmem>>, vector<1x1x16xf32>,
          %get3A_1793 = arith.constant 1 : i32
          %get3A_1794 = arith.index_cast %get3A_1793 : i32 to index
          %get3A_1795 = arith.index_cast %add3A_1705 : i32 to index
          %get3A_1796 = arith.constant 96 : index
          %get3A_1797 = tpu.vector_load %arg8[%get3A_1794, %get3A_1795, %get3A_1796] {strides = array<i32>} : memref<2x128x128xf32, #tpu.memory_space<vmem>>, vector<1x1x16xf32>,
          %get3A_1798 = vector.shape_cast %get3A_1797 : vector<1x1x16xf32> to vector<16xf32>
          %mul3A_1799 = arith.mulf %get3A_1798, %broadcast_in_dim3A_1708 : vector<16xf32>
          %swap3A_1800 = arith.constant 1 : i32
          %swap3A_1801 = arith.index_cast %swap3A_1800 : i32 to index
          %swap3A_1802 = arith.index_cast %add3A_1705 : i32 to index
          %swap3A_1803 = arith.constant 96 : index
          %swap3A_1804 = tpu.vector_load %arg8[%swap3A_1801, %swap3A_1802, %swap3A_1803] {strides = array<i32>} : memref<2x128x128xf32, #tpu.memory_space<vmem>>, vector<1x1x16xf32>,
          %swap3A_1805 = vector.shape_cast %swap3A_1804 : vector<1x1x16xf32> to vector<16xf32>
          %swap3A_1806 = vector.shape_cast %mul3A_1799 : vector<16xf32> to vector<1x1x16xf32>
          tpu.vector_store %arg8[%swap3A_1801, %swap3A_1802, %swap3A_1803], %swap3A_1806 {strides = array<i32>} : memref<2x128x128xf32, #tpu.memory_space<vmem>>, vector<1x1x16xf32>,
          %get3A_1807 = arith.constant 1 : i32
          %get3A_1808 = arith.index_cast %get3A_1807 : i32 to index
          %get3A_1809 = arith.index_cast %add3A_1705 : i32 to index
          %get3A_1810 = arith.constant 112 : index
          %get3A_1811 = tpu.vector_load %arg8[%get3A_1808, %get3A_1809, %get3A_1810] {strides = array<i32>} : memref<2x128x128xf32, #tpu.memory_space<vmem>>, vector<1x1x16xf32>,
          %get3A_1812 = vector.shape_cast %get3A_1811 : vector<1x1x16xf32> to vector<16xf32>
          %mul3A_1813 = arith.mulf %get3A_1812, %broadcast_in_dim3A_1708 : vector<16xf32>
          %swap3A_1814 = arith.constant 1 : i32
          %swap3A_1815 = arith.index_cast %swap3A_1814 : i32 to index
          %swap3A_1816 = arith.index_cast %add3A_1705 : i32 to index
          %swap3A_1817 = arith.constant 112 : index
          %swap3A_1818 = tpu.vector_load %arg8[%swap3A_1815, %swap3A_1816, %swap3A_1817] {strides = array<i32>} : memref<2x128x128xf32, #tpu.memory_space<vmem>>, vector<1x1x16xf32>,
          %swap3A_1819 = vector.shape_cast %swap3A_1818 : vector<1x1x16xf32> to vector<16xf32>
          %swap3A_1820 = vector.shape_cast %mul3A_1813 : vector<16xf32> to vector<1x1x16xf32>
          tpu.vector_store %arg8[%swap3A_1815, %swap3A_1816, %swap3A_1817], %swap3A_1820 {strides = array<i32>} : memref<2x128x128xf32, #tpu.memory_space<vmem>>, vector<1x1x16xf32>,
          %mul3A_1821 = arith.constant 16 : i32
          %mul3A_1822 = arith.muli %mul3A_1821, %scan3A_151 : i32
          %add3A_1823 = arith.constant 14 : i32
          %add3A_1824 = arith.addi %mul3A_1822, %add3A_1823 : i32
          %slice3A_1825 = vector.extract_strided_slice %get3A_157 {offsets = [14], sizes = [1], strides = [1]} : vector<16xf32> to vector<1xf32>
          %squeeze3A_1826 = vector.extract %slice3A_1825[0] : f32 from vector<1xf32>
          %broadcast_in_dim3A_1827 = vector.broadcast %squeeze3A_1826 : f32 to vector<16xf32>
          %get3A_1828 = arith.constant 1 : i32
          %get3A_1829 = arith.index_cast %get3A_1828 : i32 to index
          %get3A_1830 = arith.index_cast %add3A_1824 : i32 to index
          %get3A_1831 = arith.constant 0 : index
          %get3A_1832 = tpu.vector_load %arg8[%get3A_1829, %get3A_1830, %get3A_1831] {strides = array<i32>} : memref<2x128x128xf32, #tpu.memory_space<vmem>>, vector<1x1x16xf32>,
          %get3A_1833 = vector.shape_cast %get3A_1832 : vector<1x1x16xf32> to vector<16xf32>
          %mul3A_1834 = arith.mulf %get3A_1833, %broadcast_in_dim3A_1827 : vector<16xf32>
          %swap3A_1835 = arith.constant 1 : i32
          %swap3A_1836 = arith.index_cast %swap3A_1835 : i32 to index
          %swap3A_1837 = arith.index_cast %add3A_1824 : i32 to index
          %swap3A_1838 = arith.constant 0 : index
          %swap3A_1839 = tpu.vector_load %arg8[%swap3A_1836, %swap3A_1837, %swap3A_1838] {strides = array<i32>} : memref<2x128x128xf32, #tpu.memory_space<vmem>>, vector<1x1x16xf32>,
          %swap3A_1840 = vector.shape_cast %swap3A_1839 : vector<1x1x16xf32> to vector<16xf32>
          %swap3A_1841 = vector.shape_cast %mul3A_1834 : vector<16xf32> to vector<1x1x16xf32>
          tpu.vector_store %arg8[%swap3A_1836, %swap3A_1837, %swap3A_1838], %swap3A_1841 {strides = array<i32>} : memref<2x128x128xf32, #tpu.memory_space<vmem>>, vector<1x1x16xf32>,
          %get3A_1842 = arith.constant 1 : i32
          %get3A_1843 = arith.index_cast %get3A_1842 : i32 to index
          %get3A_1844 = arith.index_cast %add3A_1824 : i32 to index
          %get3A_1845 = arith.constant 16 : index
          %get3A_1846 = tpu.vector_load %arg8[%get3A_1843, %get3A_1844, %get3A_1845] {strides = array<i32>} : memref<2x128x128xf32, #tpu.memory_space<vmem>>, vector<1x1x16xf32>,
          %get3A_1847 = vector.shape_cast %get3A_1846 : vector<1x1x16xf32> to vector<16xf32>
          %mul3A_1848 = arith.mulf %get3A_1847, %broadcast_in_dim3A_1827 : vector<16xf32>
          %swap3A_1849 = arith.constant 1 : i32
          %swap3A_1850 = arith.index_cast %swap3A_1849 : i32 to index
          %swap3A_1851 = arith.index_cast %add3A_1824 : i32 to index
          %swap3A_1852 = arith.constant 16 : index
          %swap3A_1853 = tpu.vector_load %arg8[%swap3A_1850, %swap3A_1851, %swap3A_1852] {strides = array<i32>} : memref<2x128x128xf32, #tpu.memory_space<vmem>>, vector<1x1x16xf32>,
          %swap3A_1854 = vector.shape_cast %swap3A_1853 : vector<1x1x16xf32> to vector<16xf32>
          %swap3A_1855 = vector.shape_cast %mul3A_1848 : vector<16xf32> to vector<1x1x16xf32>
          tpu.vector_store %arg8[%swap3A_1850, %swap3A_1851, %swap3A_1852], %swap3A_1855 {strides = array<i32>} : memref<2x128x128xf32, #tpu.memory_space<vmem>>, vector<1x1x16xf32>,
          %get3A_1856 = arith.constant 1 : i32
          %get3A_1857 = arith.index_cast %get3A_1856 : i32 to index
          %get3A_1858 = arith.index_cast %add3A_1824 : i32 to index
          %get3A_1859 = arith.constant 32 : index
          %get3A_1860 = tpu.vector_load %arg8[%get3A_1857, %get3A_1858, %get3A_1859] {strides = array<i32>} : memref<2x128x128xf32, #tpu.memory_space<vmem>>, vector<1x1x16xf32>,
          %get3A_1861 = vector.shape_cast %get3A_1860 : vector<1x1x16xf32> to vector<16xf32>
          %mul3A_1862 = arith.mulf %get3A_1861, %broadcast_in_dim3A_1827 : vector<16xf32>
          %swap3A_1863 = arith.constant 1 : i32
          %swap3A_1864 = arith.index_cast %swap3A_1863 : i32 to index
          %swap3A_1865 = arith.index_cast %add3A_1824 : i32 to index
          %swap3A_1866 = arith.constant 32 : index
          %swap3A_1867 = tpu.vector_load %arg8[%swap3A_1864, %swap3A_1865, %swap3A_1866] {strides = array<i32>} : memref<2x128x128xf32, #tpu.memory_space<vmem>>, vector<1x1x16xf32>,
          %swap3A_1868 = vector.shape_cast %swap3A_1867 : vector<1x1x16xf32> to vector<16xf32>
          %swap3A_1869 = vector.shape_cast %mul3A_1862 : vector<16xf32> to vector<1x1x16xf32>
          tpu.vector_store %arg8[%swap3A_1864, %swap3A_1865, %swap3A_1866], %swap3A_1869 {strides = array<i32>} : memref<2x128x128xf32, #tpu.memory_space<vmem>>, vector<1x1x16xf32>,
          %get3A_1870 = arith.constant 1 : i32
          %get3A_1871 = arith.index_cast %get3A_1870 : i32 to index
          %get3A_1872 = arith.index_cast %add3A_1824 : i32 to index
          %get3A_1873 = arith.constant 48 : index
          %get3A_1874 = tpu.vector_load %arg8[%get3A_1871, %get3A_1872, %get3A_1873] {strides = array<i32>} : memref<2x128x128xf32, #tpu.memory_space<vmem>>, vector<1x1x16xf32>,
          %get3A_1875 = vector.shape_cast %get3A_1874 : vector<1x1x16xf32> to vector<16xf32>
          %mul3A_1876 = arith.mulf %get3A_1875, %broadcast_in_dim3A_1827 : vector<16xf32>
          %swap3A_1877 = arith.constant 1 : i32
          %swap3A_1878 = arith.index_cast %swap3A_1877 : i32 to index
          %swap3A_1879 = arith.index_cast %add3A_1824 : i32 to index
          %swap3A_1880 = arith.constant 48 : index
          %swap3A_1881 = tpu.vector_load %arg8[%swap3A_1878, %swap3A_1879, %swap3A_1880] {strides = array<i32>} : memref<2x128x128xf32, #tpu.memory_space<vmem>>, vector<1x1x16xf32>,
          %swap3A_1882 = vector.shape_cast %swap3A_1881 : vector<1x1x16xf32> to vector<16xf32>
          %swap3A_1883 = vector.shape_cast %mul3A_1876 : vector<16xf32> to vector<1x1x16xf32>
          tpu.vector_store %arg8[%swap3A_1878, %swap3A_1879, %swap3A_1880], %swap3A_1883 {strides = array<i32>} : memref<2x128x128xf32, #tpu.memory_space<vmem>>, vector<1x1x16xf32>,
          %get3A_1884 = arith.constant 1 : i32
          %get3A_1885 = arith.index_cast %get3A_1884 : i32 to index
          %get3A_1886 = arith.index_cast %add3A_1824 : i32 to index
          %get3A_1887 = arith.constant 64 : index
          %get3A_1888 = tpu.vector_load %arg8[%get3A_1885, %get3A_1886, %get3A_1887] {strides = array<i32>} : memref<2x128x128xf32, #tpu.memory_space<vmem>>, vector<1x1x16xf32>,
          %get3A_1889 = vector.shape_cast %get3A_1888 : vector<1x1x16xf32> to vector<16xf32>
          %mul3A_1890 = arith.mulf %get3A_1889, %broadcast_in_dim3A_1827 : vector<16xf32>
          %swap3A_1891 = arith.constant 1 : i32
          %swap3A_1892 = arith.index_cast %swap3A_1891 : i32 to index
          %swap3A_1893 = arith.index_cast %add3A_1824 : i32 to index
          %swap3A_1894 = arith.constant 64 : index
          %swap3A_1895 = tpu.vector_load %arg8[%swap3A_1892, %swap3A_1893, %swap3A_1894] {strides = array<i32>} : memref<2x128x128xf32, #tpu.memory_space<vmem>>, vector<1x1x16xf32>,
          %swap3A_1896 = vector.shape_cast %swap3A_1895 : vector<1x1x16xf32> to vector<16xf32>
          %swap3A_1897 = vector.shape_cast %mul3A_1890 : vector<16xf32> to vector<1x1x16xf32>
          tpu.vector_store %arg8[%swap3A_1892, %swap3A_1893, %swap3A_1894], %swap3A_1897 {strides = array<i32>} : memref<2x128x128xf32, #tpu.memory_space<vmem>>, vector<1x1x16xf32>,
          %get3A_1898 = arith.constant 1 : i32
          %get3A_1899 = arith.index_cast %get3A_1898 : i32 to index
          %get3A_1900 = arith.index_cast %add3A_1824 : i32 to index
          %get3A_1901 = arith.constant 80 : index
          %get3A_1902 = tpu.vector_load %arg8[%get3A_1899, %get3A_1900, %get3A_1901] {strides = array<i32>} : memref<2x128x128xf32, #tpu.memory_space<vmem>>, vector<1x1x16xf32>,
          %get3A_1903 = vector.shape_cast %get3A_1902 : vector<1x1x16xf32> to vector<16xf32>
          %mul3A_1904 = arith.mulf %get3A_1903, %broadcast_in_dim3A_1827 : vector<16xf32>
          %swap3A_1905 = arith.constant 1 : i32
          %swap3A_1906 = arith.index_cast %swap3A_1905 : i32 to index
          %swap3A_1907 = arith.index_cast %add3A_1824 : i32 to index
          %swap3A_1908 = arith.constant 80 : index
          %swap3A_1909 = tpu.vector_load %arg8[%swap3A_1906, %swap3A_1907, %swap3A_1908] {strides = array<i32>} : memref<2x128x128xf32, #tpu.memory_space<vmem>>, vector<1x1x16xf32>,
          %swap3A_1910 = vector.shape_cast %swap3A_1909 : vector<1x1x16xf32> to vector<16xf32>
          %swap3A_1911 = vector.shape_cast %mul3A_1904 : vector<16xf32> to vector<1x1x16xf32>
          tpu.vector_store %arg8[%swap3A_1906, %swap3A_1907, %swap3A_1908], %swap3A_1911 {strides = array<i32>} : memref<2x128x128xf32, #tpu.memory_space<vmem>>, vector<1x1x16xf32>,
          %get3A_1912 = arith.constant 1 : i32
          %get3A_1913 = arith.index_cast %get3A_1912 : i32 to index
          %get3A_1914 = arith.index_cast %add3A_1824 : i32 to index
          %get3A_1915 = arith.constant 96 : index
          %get3A_1916 = tpu.vector_load %arg8[%get3A_1913, %get3A_1914, %get3A_1915] {strides = array<i32>} : memref<2x128x128xf32, #tpu.memory_space<vmem>>, vector<1x1x16xf32>,
          %get3A_1917 = vector.shape_cast %get3A_1916 : vector<1x1x16xf32> to vector<16xf32>
          %mul3A_1918 = arith.mulf %get3A_1917, %broadcast_in_dim3A_1827 : vector<16xf32>
          %swap3A_1919 = arith.constant 1 : i32
          %swap3A_1920 = arith.index_cast %swap3A_1919 : i32 to index
          %swap3A_1921 = arith.index_cast %add3A_1824 : i32 to index
          %swap3A_1922 = arith.constant 96 : index
          %swap3A_1923 = tpu.vector_load %arg8[%swap3A_1920, %swap3A_1921, %swap3A_1922] {strides = array<i32>} : memref<2x128x128xf32, #tpu.memory_space<vmem>>, vector<1x1x16xf32>,
          %swap3A_1924 = vector.shape_cast %swap3A_1923 : vector<1x1x16xf32> to vector<16xf32>
          %swap3A_1925 = vector.shape_cast %mul3A_1918 : vector<16xf32> to vector<1x1x16xf32>
          tpu.vector_store %arg8[%swap3A_1920, %swap3A_1921, %swap3A_1922], %swap3A_1925 {strides = array<i32>} : memref<2x128x128xf32, #tpu.memory_space<vmem>>, vector<1x1x16xf32>,
          %get3A_1926 = arith.constant 1 : i32
          %get3A_1927 = arith.index_cast %get3A_1926 : i32 to index
          %get3A_1928 = arith.index_cast %add3A_1824 : i32 to index
          %get3A_1929 = arith.constant 112 : index
          %get3A_1930 = tpu.vector_load %arg8[%get3A_1927, %get3A_1928, %get3A_1929] {strides = array<i32>} : memref<2x128x128xf32, #tpu.memory_space<vmem>>, vector<1x1x16xf32>,
          %get3A_1931 = vector.shape_cast %get3A_1930 : vector<1x1x16xf32> to vector<16xf32>
          %mul3A_1932 = arith.mulf %get3A_1931, %broadcast_in_dim3A_1827 : vector<16xf32>
          %swap3A_1933 = arith.constant 1 : i32
          %swap3A_1934 = arith.index_cast %swap3A_1933 : i32 to index
          %swap3A_1935 = arith.index_cast %add3A_1824 : i32 to index
          %swap3A_1936 = arith.constant 112 : index
          %swap3A_1937 = tpu.vector_load %arg8[%swap3A_1934, %swap3A_1935, %swap3A_1936] {strides = array<i32>} : memref<2x128x128xf32, #tpu.memory_space<vmem>>, vector<1x1x16xf32>,
          %swap3A_1938 = vector.shape_cast %swap3A_1937 : vector<1x1x16xf32> to vector<16xf32>
          %swap3A_1939 = vector.shape_cast %mul3A_1932 : vector<16xf32> to vector<1x1x16xf32>
          tpu.vector_store %arg8[%swap3A_1934, %swap3A_1935, %swap3A_1936], %swap3A_1939 {strides = array<i32>} : memref<2x128x128xf32, #tpu.memory_space<vmem>>, vector<1x1x16xf32>,
          %mul3A_1940 = arith.constant 16 : i32
          %mul3A_1941 = arith.muli %mul3A_1940, %scan3A_151 : i32
          %add3A_1942 = arith.constant 15 : i32
          %add3A_1943 = arith.addi %mul3A_1941, %add3A_1942 : i32
          %slice3A_1944 = vector.extract_strided_slice %get3A_157 {offsets = [15], sizes = [1], strides = [1]} : vector<16xf32> to vector<1xf32>
          %squeeze3A_1945 = vector.extract %slice3A_1944[0] : f32 from vector<1xf32>
          %broadcast_in_dim3A_1946 = vector.broadcast %squeeze3A_1945 : f32 to vector<16xf32>
          %get3A_1947 = arith.constant 1 : i32
          %get3A_1948 = arith.index_cast %get3A_1947 : i32 to index
          %get3A_1949 = arith.index_cast %add3A_1943 : i32 to index
          %get3A_1950 = arith.constant 0 : index
          %get3A_1951 = tpu.vector_load %arg8[%get3A_1948, %get3A_1949, %get3A_1950] {strides = array<i32>} : memref<2x128x128xf32, #tpu.memory_space<vmem>>, vector<1x1x16xf32>,
          %get3A_1952 = vector.shape_cast %get3A_1951 : vector<1x1x16xf32> to vector<16xf32>
          %mul3A_1953 = arith.mulf %get3A_1952, %broadcast_in_dim3A_1946 : vector<16xf32>
          %swap3A_1954 = arith.constant 1 : i32
          %swap3A_1955 = arith.index_cast %swap3A_1954 : i32 to index
          %swap3A_1956 = arith.index_cast %add3A_1943 : i32 to index
          %swap3A_1957 = arith.constant 0 : index
          %swap3A_1958 = tpu.vector_load %arg8[%swap3A_1955, %swap3A_1956, %swap3A_1957] {strides = array<i32>} : memref<2x128x128xf32, #tpu.memory_space<vmem>>, vector<1x1x16xf32>,
          %swap3A_1959 = vector.shape_cast %swap3A_1958 : vector<1x1x16xf32> to vector<16xf32>
          %swap3A_1960 = vector.shape_cast %mul3A_1953 : vector<16xf32> to vector<1x1x16xf32>
          tpu.vector_store %arg8[%swap3A_1955, %swap3A_1956, %swap3A_1957], %swap3A_1960 {strides = array<i32>} : memref<2x128x128xf32, #tpu.memory_space<vmem>>, vector<1x1x16xf32>,
          %get3A_1961 = arith.constant 1 : i32
          %get3A_1962 = arith.index_cast %get3A_1961 : i32 to index
          %get3A_1963 = arith.index_cast %add3A_1943 : i32 to index
          %get3A_1964 = arith.constant 16 : index
          %get3A_1965 = tpu.vector_load %arg8[%get3A_1962, %get3A_1963, %get3A_1964] {strides = array<i32>} : memref<2x128x128xf32, #tpu.memory_space<vmem>>, vector<1x1x16xf32>,
          %get3A_1966 = vector.shape_cast %get3A_1965 : vector<1x1x16xf32> to vector<16xf32>
          %mul3A_1967 = arith.mulf %get3A_1966, %broadcast_in_dim3A_1946 : vector<16xf32>
          %swap3A_1968 = arith.constant 1 : i32
          %swap3A_1969 = arith.index_cast %swap3A_1968 : i32 to index
          %swap3A_1970 = arith.index_cast %add3A_1943 : i32 to index
          %swap3A_1971 = arith.constant 16 : index
          %swap3A_1972 = tpu.vector_load %arg8[%swap3A_1969, %swap3A_1970, %swap3A_1971] {strides = array<i32>} : memref<2x128x128xf32, #tpu.memory_space<vmem>>, vector<1x1x16xf32>,
          %swap3A_1973 = vector.shape_cast %swap3A_1972 : vector<1x1x16xf32> to vector<16xf32>
          %swap3A_1974 = vector.shape_cast %mul3A_1967 : vector<16xf32> to vector<1x1x16xf32>
          tpu.vector_store %arg8[%swap3A_1969, %swap3A_1970, %swap3A_1971], %swap3A_1974 {strides = array<i32>} : memref<2x128x128xf32, #tpu.memory_space<vmem>>, vector<1x1x16xf32>,
          %get3A_1975 = arith.constant 1 : i32
          %get3A_1976 = arith.index_cast %get3A_1975 : i32 to index
          %get3A_1977 = arith.index_cast %add3A_1943 : i32 to index
          %get3A_1978 = arith.constant 32 : index
          %get3A_1979 = tpu.vector_load %arg8[%get3A_1976, %get3A_1977, %get3A_1978] {strides = array<i32>} : memref<2x128x128xf32, #tpu.memory_space<vmem>>, vector<1x1x16xf32>,
          %get3A_1980 = vector.shape_cast %get3A_1979 : vector<1x1x16xf32> to vector<16xf32>
          %mul3A_1981 = arith.mulf %get3A_1980, %broadcast_in_dim3A_1946 : vector<16xf32>
          %swap3A_1982 = arith.constant 1 : i32
          %swap3A_1983 = arith.index_cast %swap3A_1982 : i32 to index
          %swap3A_1984 = arith.index_cast %add3A_1943 : i32 to index
          %swap3A_1985 = arith.constant 32 : index
          %swap3A_1986 = tpu.vector_load %arg8[%swap3A_1983, %swap3A_1984, %swap3A_1985] {strides = array<i32>} : memref<2x128x128xf32, #tpu.memory_space<vmem>>, vector<1x1x16xf32>,
          %swap3A_1987 = vector.shape_cast %swap3A_1986 : vector<1x1x16xf32> to vector<16xf32>
          %swap3A_1988 = vector.shape_cast %mul3A_1981 : vector<16xf32> to vector<1x1x16xf32>
          tpu.vector_store %arg8[%swap3A_1983, %swap3A_1984, %swap3A_1985], %swap3A_1988 {strides = array<i32>} : memref<2x128x128xf32, #tpu.memory_space<vmem>>, vector<1x1x16xf32>,
          %get3A_1989 = arith.constant 1 : i32
          %get3A_1990 = arith.index_cast %get3A_1989 : i32 to index
          %get3A_1991 = arith.index_cast %add3A_1943 : i32 to index
          %get3A_1992 = arith.constant 48 : index
          %get3A_1993 = tpu.vector_load %arg8[%get3A_1990, %get3A_1991, %get3A_1992] {strides = array<i32>} : memref<2x128x128xf32, #tpu.memory_space<vmem>>, vector<1x1x16xf32>,
          %get3A_1994 = vector.shape_cast %get3A_1993 : vector<1x1x16xf32> to vector<16xf32>
          %mul3A_1995 = arith.mulf %get3A_1994, %broadcast_in_dim3A_1946 : vector<16xf32>
          %swap3A_1996 = arith.constant 1 : i32
          %swap3A_1997 = arith.index_cast %swap3A_1996 : i32 to index
          %swap3A_1998 = arith.index_cast %add3A_1943 : i32 to index
          %swap3A_1999 = arith.constant 48 : index
          %swap3A_2000 = tpu.vector_load %arg8[%swap3A_1997, %swap3A_1998, %swap3A_1999] {strides = array<i32>} : memref<2x128x128xf32, #tpu.memory_space<vmem>>, vector<1x1x16xf32>,
          %swap3A_2001 = vector.shape_cast %swap3A_2000 : vector<1x1x16xf32> to vector<16xf32>
          %swap3A_2002 = vector.shape_cast %mul3A_1995 : vector<16xf32> to vector<1x1x16xf32>
          tpu.vector_store %arg8[%swap3A_1997, %swap3A_1998, %swap3A_1999], %swap3A_2002 {strides = array<i32>} : memref<2x128x128xf32, #tpu.memory_space<vmem>>, vector<1x1x16xf32>,
          %get3A_2003 = arith.constant 1 : i32
          %get3A_2004 = arith.index_cast %get3A_2003 : i32 to index
          %get3A_2005 = arith.index_cast %add3A_1943 : i32 to index
          %get3A_2006 = arith.constant 64 : index
          %get3A_2007 = tpu.vector_load %arg8[%get3A_2004, %get3A_2005, %get3A_2006] {strides = array<i32>} : memref<2x128x128xf32, #tpu.memory_space<vmem>>, vector<1x1x16xf32>,
          %get3A_2008 = vector.shape_cast %get3A_2007 : vector<1x1x16xf32> to vector<16xf32>
          %mul3A_2009 = arith.mulf %get3A_2008, %broadcast_in_dim3A_1946 : vector<16xf32>
          %swap3A_2010 = arith.constant 1 : i32
          %swap3A_2011 = arith.index_cast %swap3A_2010 : i32 to index
          %swap3A_2012 = arith.index_cast %add3A_1943 : i32 to index
          %swap3A_2013 = arith.constant 64 : index
          %swap3A_2014 = tpu.vector_load %arg8[%swap3A_2011, %swap3A_2012, %swap3A_2013] {strides = array<i32>} : memref<2x128x128xf32, #tpu.memory_space<vmem>>, vector<1x1x16xf32>,
          %swap3A_2015 = vector.shape_cast %swap3A_2014 : vector<1x1x16xf32> to vector<16xf32>
          %swap3A_2016 = vector.shape_cast %mul3A_2009 : vector<16xf32> to vector<1x1x16xf32>
          tpu.vector_store %arg8[%swap3A_2011, %swap3A_2012, %swap3A_2013], %swap3A_2016 {strides = array<i32>} : memref<2x128x128xf32, #tpu.memory_space<vmem>>, vector<1x1x16xf32>,
          %get3A_2017 = arith.constant 1 : i32
          %get3A_2018 = arith.index_cast %get3A_2017 : i32 to index
          %get3A_2019 = arith.index_cast %add3A_1943 : i32 to index
          %get3A_2020 = arith.constant 80 : index
          %get3A_2021 = tpu.vector_load %arg8[%get3A_2018, %get3A_2019, %get3A_2020] {strides = array<i32>} : memref<2x128x128xf32, #tpu.memory_space<vmem>>, vector<1x1x16xf32>,
          %get3A_2022 = vector.shape_cast %get3A_2021 : vector<1x1x16xf32> to vector<16xf32>
          %mul3A_2023 = arith.mulf %get3A_2022, %broadcast_in_dim3A_1946 : vector<16xf32>
          %swap3A_2024 = arith.constant 1 : i32
          %swap3A_2025 = arith.index_cast %swap3A_2024 : i32 to index
          %swap3A_2026 = arith.index_cast %add3A_1943 : i32 to index
          %swap3A_2027 = arith.constant 80 : index
          %swap3A_2028 = tpu.vector_load %arg8[%swap3A_2025, %swap3A_2026, %swap3A_2027] {strides = array<i32>} : memref<2x128x128xf32, #tpu.memory_space<vmem>>, vector<1x1x16xf32>,
          %swap3A_2029 = vector.shape_cast %swap3A_2028 : vector<1x1x16xf32> to vector<16xf32>
          %swap3A_2030 = vector.shape_cast %mul3A_2023 : vector<16xf32> to vector<1x1x16xf32>
          tpu.vector_store %arg8[%swap3A_2025, %swap3A_2026, %swap3A_2027], %swap3A_2030 {strides = array<i32>} : memref<2x128x128xf32, #tpu.memory_space<vmem>>, vector<1x1x16xf32>,
          %get3A_2031 = arith.constant 1 : i32
          %get3A_2032 = arith.index_cast %get3A_2031 : i32 to index
          %get3A_2033 = arith.index_cast %add3A_1943 : i32 to index
          %get3A_2034 = arith.constant 96 : index
          %get3A_2035 = tpu.vector_load %arg8[%get3A_2032, %get3A_2033, %get3A_2034] {strides = array<i32>} : memref<2x128x128xf32, #tpu.memory_space<vmem>>, vector<1x1x16xf32>,
          %get3A_2036 = vector.shape_cast %get3A_2035 : vector<1x1x16xf32> to vector<16xf32>
          %mul3A_2037 = arith.mulf %get3A_2036, %broadcast_in_dim3A_1946 : vector<16xf32>
          %swap3A_2038 = arith.constant 1 : i32
          %swap3A_2039 = arith.index_cast %swap3A_2038 : i32 to index
          %swap3A_2040 = arith.index_cast %add3A_1943 : i32 to index
          %swap3A_2041 = arith.constant 96 : index
          %swap3A_2042 = tpu.vector_load %arg8[%swap3A_2039, %swap3A_2040, %swap3A_2041] {strides = array<i32>} : memref<2x128x128xf32, #tpu.memory_space<vmem>>, vector<1x1x16xf32>,
          %swap3A_2043 = vector.shape_cast %swap3A_2042 : vector<1x1x16xf32> to vector<16xf32>
          %swap3A_2044 = vector.shape_cast %mul3A_2037 : vector<16xf32> to vector<1x1x16xf32>
          tpu.vector_store %arg8[%swap3A_2039, %swap3A_2040, %swap3A_2041], %swap3A_2044 {strides = array<i32>} : memref<2x128x128xf32, #tpu.memory_space<vmem>>, vector<1x1x16xf32>,
          %get3A_2045 = arith.constant 1 : i32
          %get3A_2046 = arith.index_cast %get3A_2045 : i32 to index
          %get3A_2047 = arith.index_cast %add3A_1943 : i32 to index
          %get3A_2048 = arith.constant 112 : index
          %get3A_2049 = tpu.vector_load %arg8[%get3A_2046, %get3A_2047, %get3A_2048] {strides = array<i32>} : memref<2x128x128xf32, #tpu.memory_space<vmem>>, vector<1x1x16xf32>,
          %get3A_2050 = vector.shape_cast %get3A_2049 : vector<1x1x16xf32> to vector<16xf32>
          %mul3A_2051 = arith.mulf %get3A_2050, %broadcast_in_dim3A_1946 : vector<16xf32>
          %swap3A_2052 = arith.constant 1 : i32
          %swap3A_2053 = arith.index_cast %swap3A_2052 : i32 to index
          %swap3A_2054 = arith.index_cast %add3A_1943 : i32 to index
          %swap3A_2055 = arith.constant 112 : index
          %swap3A_2056 = tpu.vector_load %arg8[%swap3A_2053, %swap3A_2054, %swap3A_2055] {strides = array<i32>} : memref<2x128x128xf32, #tpu.memory_space<vmem>>, vector<1x1x16xf32>,
          %swap3A_2057 = vector.shape_cast %swap3A_2056 : vector<1x1x16xf32> to vector<16xf32>
          %swap3A_2058 = vector.shape_cast %mul3A_2051 : vector<16xf32> to vector<1x1x16xf32>
          tpu.vector_store %arg8[%swap3A_2053, %swap3A_2054, %swap3A_2055], %swap3A_2058 {strides = array<i32>} : memref<2x128x128xf32, #tpu.memory_space<vmem>>, vector<1x1x16xf32>,
        }
        %scan3A_147 = arith.constant 8 : i32
        %run_scoped3A_148 = arith.constant 1 : i32
        %run_scoped3A_149 = arith.constant 1 : i32
        %run_scoped3A_150 = arith.constant 1 : i32
        "tpu.region"() ({
          %run_scoped3A_151 = tpu.sem_alloc : memref<!tpu.dma_semaphore, #tpu.memory_space<semaphore_mem>>
          %dma_start3A_152 = arith.constant 0 : i32
          %dma_start3A_153 = arith.constant 0 : i32
          %dma_start3A_154 = tpu.memref_slice %arg8[%run_scoped3A_148, %dma_start3A_152, %dma_start3A_153] : memref<2x128x128xf32, #tpu.memory_space<vmem>> -> memref<1x128x128xf32, #tpu.memory_space<vmem>>
          %dma_start3A_155 = tpu.memref_squeeze %dma_start3A_154 : memref<1x128x128xf32, #tpu.memory_space<vmem>> -> memref<128x128xf32, #tpu.memory_space<vmem>>
          %dma_start3A_156 = arith.constant 0 : i32
          %dma_start3A_157 = tpu.memref_slice %arg6[%run_scoped3A_149, %run_scoped3A_150, %dma_start3A_156] : memref<2x2x128xi32, #tpu.memory_space<vmem>> -> memref<1x1x128xi32, #tpu.memory_space<vmem>>
          %dma_start3A_158 = tpu.memref_squeeze %dma_start3A_157 : memref<1x1x128xi32, #tpu.memory_space<vmem>> -> memref<128xi32, #tpu.memory_space<vmem>>
          %dma_start3A_159 = arith.constant 0 : i32
          %dma_start3A_160 = arith.constant 0 : i32
          %dma_start3A_161 = tpu.memref_slice %arg9[%dma_start3A_159, %dma_start3A_160] : memref<10000x128xf32, #tpu.memory_space<vmem_shared>> -> memref<10000x128xf32, #tpu.memory_space<vmem_shared>>
          tpu.enqueue_indirect_dma source(%dma_start3A_155 : memref<128x128xf32, #tpu.memory_space<vmem>>) target(%dma_start3A_161 : memref<10000x128xf32, #tpu.memory_space<vmem_shared>>) offsets(%dma_start3A_158 : memref<128xi32, #tpu.memory_space<vmem>>) semaphore(%run_scoped3A_151 : memref<!tpu.dma_semaphore, #tpu.memory_space<semaphore_mem>>) {add = true}
          %dma_wait3A = arith.constant 0 : i32
          %dma_wait3A_162 = arith.constant 0 : i32
          %dma_wait3A_163 = tpu.memref_slice %arg8[%run_scoped3A_148, %dma_wait3A, %dma_wait3A_162] : memref<2x128x128xf32, #tpu.memory_space<vmem>> -> memref<1x128x128xf32, #tpu.memory_space<vmem>>
          %dma_wait3A_164 = tpu.memref_squeeze %dma_wait3A_163 : memref<1x128x128xf32, #tpu.memory_space<vmem>> -> memref<128x128xf32, #tpu.memory_space<vmem>>
          %dma_wait3A_165 = arith.constant 0 : i32
          %dma_wait3A_166 = tpu.memref_slice %arg6[%run_scoped3A_149, %run_scoped3A_150, %dma_wait3A_165] : memref<2x2x128xi32, #tpu.memory_space<vmem>> -> memref<1x1x128xi32, #tpu.memory_space<vmem>>
          %dma_wait3A_167 = tpu.memref_squeeze %dma_wait3A_166 : memref<1x1x128xi32, #tpu.memory_space<vmem>> -> memref<128xi32, #tpu.memory_space<vmem>>
          %dma_wait3A_168 = arith.constant 0 : i32
          %dma_wait3A_169 = arith.constant 0 : i32
          %dma_wait3A_170 = tpu.memref_slice %arg9[%dma_wait3A_168, %dma_wait3A_169] : memref<10000x128xf32, #tpu.memory_space<vmem_shared>> -> memref<10000x128xf32, #tpu.memory_space<vmem_shared>>
          tpu.wait_indirect_dma semaphore(%run_scoped3A_151 : memref<!tpu.dma_semaphore, #tpu.memory_space<semaphore_mem>>) src(%dma_wait3A_164 : memref<128x128xf32, #tpu.memory_space<vmem>>) dst(%dma_wait3A_170 : memref<10000x128xf32, #tpu.memory_space<vmem_shared>>)
          tpu.yield
        }) : () -> ()
      } else {
      }
      %add3A_136 = arith.constant 2 : i32
      %add3A_137 = arith.addi %add3A_121, %add3A_136 : i32
      %lt3A_138 = arith.cmpi slt, %add3A_137, %select_n3A : i32
      %convert_element_type3A_139 = arith.extui %lt3A_138 : i1 to i32
      %cond3A_140 = arith.constant 0 : i32
      %cond3A_141 = arith.cmpi ne, %convert_element_type3A_139, %cond3A_140 : i32
      scf.if %cond3A_141 {
        %add3A_142 = arith.addi %select_n3A_8, %add3A_121 : i32
        %add3A_143 = arith.constant 2 : i32
        %add3A_144 = arith.addi %add3A_142, %add3A_143 : i32
        %dma_start3A_145 = arith.constant 1 : i32
        %dma_start3A_146 = arith.constant 0 : i32
        %dma_start3A_147 = arith.constant 0 : i32
        %dma_start3A_148 = tpu.memref_slice %arg6[%dma_start3A_145, %dma_start3A_146, %dma_start3A_147] : memref<2x2x128xi32, #tpu.memory_space<vmem>> -> memref<1x2x128xi32, #tpu.memory_space<vmem>>
        %dma_start3A_149 = tpu.memref_squeeze %dma_start3A_148 : memref<1x2x128xi32, #tpu.memory_space<vmem>> -> memref<2x128xi32, #tpu.memory_space<vmem>>
        %dma_start3A_150 = arith.constant 0 : i32
        %dma_start3A_151 = arith.constant 0 : i32
        %dma_start3A_152 = tpu.memref_slice %arg3[%add3A_144, %dma_start3A_150, %dma_start3A_151] : memref<2560x2x128xi32, #tpu.memory_space<hbm>> -> memref<1x2x128xi32, #tpu.memory_space<hbm>>
        %dma_start3A_153 = tpu.memref_squeeze %dma_start3A_152 : memref<1x2x128xi32, #tpu.memory_space<hbm>> -> memref<2x128xi32, #tpu.memory_space<hbm>>
        %dma_start3A_154 = arith.constant 0 : i32
        %dma_start3A_155 = arith.constant 0 : i32
        %dma_start3A_156 = tpu.memref_slice %arg6[%dma_start3A_145, %dma_start3A_154, %dma_start3A_155] : memref<2x2x128xi32, #tpu.memory_space<vmem>> -> memref<1x2x128xi32, #tpu.memory_space<vmem>>
        %dma_start3A_157 = tpu.memref_squeeze %dma_start3A_156 : memref<1x2x128xi32, #tpu.memory_space<vmem>> -> memref<2x128xi32, #tpu.memory_space<vmem>>
        %dma_start3A_158 = arith.constant 0 : i32
        %dma_start3A_159 = arith.constant 0 : i32
        %dma_start3A_160 = tpu.memref_slice %arg3[%add3A_144, %dma_start3A_158, %dma_start3A_159] : memref<2560x2x128xi32, #tpu.memory_space<hbm>> -> memref<1x2x128xi32, #tpu.memory_space<hbm>>
        %dma_start3A_161 = tpu.memref_squeeze %dma_start3A_160 : memref<1x2x128xi32, #tpu.memory_space<hbm>> -> memref<2x128xi32, #tpu.memory_space<hbm>>
        tpu.enqueue_dma source(%dma_start3A_161 : memref<2x128xi32, #tpu.memory_space<hbm>>) target(%dma_start3A_157 : memref<2x128xi32, #tpu.memory_space<vmem>>) target_semaphore(%arg13 : memref<!tpu.dma_semaphore, #tpu.memory_space<semaphore_mem>>)
        %add3A_162 = arith.addi %select_n3A_8, %add3A_121 : i32
        %add3A_163 = arith.constant 2 : i32
        %add3A_164 = arith.addi %add3A_162, %add3A_163 : i32
        %dma_start3A_165 = arith.constant 1 : i32
        %dma_start3A_166 = arith.constant 0 : i32
        %dma_start3A_167 = tpu.memref_slice %arg7[%dma_start3A_165, %dma_start3A_166] : memref<2x128xf32, #tpu.memory_space<vmem>> -> memref<1x128xf32, #tpu.memory_space<vmem>>
        %dma_start3A_168 = tpu.memref_squeeze %dma_start3A_167 : memref<1x128xf32, #tpu.memory_space<vmem>> -> memref<128xf32, #tpu.memory_space<vmem>>
        %dma_start3A_169 = arith.constant 0 : i32
        %dma_start3A_170 = tpu.memref_slice %arg4[%add3A_164, %dma_start3A_169] : memref<2560x128xf32, #tpu.memory_space<hbm>> -> memref<1x128xf32, #tpu.memory_space<hbm>>
        %dma_start3A_171 = tpu.memref_squeeze %dma_start3A_170 : memref<1x128xf32, #tpu.memory_space<hbm>> -> memref<128xf32, #tpu.memory_space<hbm>>
        %dma_start3A_172 = arith.constant 0 : i32
        %dma_start3A_173 = tpu.memref_slice %arg7[%dma_start3A_165, %dma_start3A_172] : memref<2x128xf32, #tpu.memory_space<vmem>> -> memref<1x128xf32, #tpu.memory_space<vmem>>
        %dma_start3A_174 = tpu.memref_squeeze %dma_start3A_173 : memref<1x128xf32, #tpu.memory_space<vmem>> -> memref<128xf32, #tpu.memory_space<vmem>>
        %dma_start3A_175 = arith.constant 0 : i32
        %dma_start3A_176 = tpu.memref_slice %arg4[%add3A_164, %dma_start3A_175] : memref<2560x128xf32, #tpu.memory_space<hbm>> -> memref<1x128xf32, #tpu.memory_space<hbm>>
        %dma_start3A_177 = tpu.memref_squeeze %dma_start3A_176 : memref<1x128xf32, #tpu.memory_space<hbm>> -> memref<128xf32, #tpu.memory_space<hbm>>
        tpu.enqueue_dma source(%dma_start3A_177 : memref<128xf32, #tpu.memory_space<hbm>>) target(%dma_start3A_174 : memref<128xf32, #tpu.memory_space<vmem>>) target_semaphore(%arg13 : memref<!tpu.dma_semaphore, #tpu.memory_space<semaphore_mem>>)
      } else {
      }
    }
    %scan3A_87 = arith.constant 60 : i32
    %barrier3A_88 = arith.constant 0 : index
    tpu.barrier barrier_id(%barrier3A_88)
    "tpu.region"() ({
      %run_scoped3A_94 = tpu.sem_alloc : memref<!tpu.dma_semaphore, #tpu.memory_space<semaphore_mem>>
      %dma_start3A_95 = arith.constant 0 : i32
      %dma_start3A_96 = tpu.memref_slice %arg5[%arg0, %mul3A_16, %dma_start3A_95] : memref<2x10000x128xf32, #tpu.memory_space<hbm>> -> memref<1x624x128xf32, #tpu.memory_space<hbm>>
      %dma_start3A_97 = tpu.memref_squeeze %dma_start3A_96 : memref<1x624x128xf32, #tpu.memory_space<hbm>> -> memref<624x128xf32, #tpu.memory_space<hbm>>
      %dma_start3A_98 = arith.constant 0 : i32
      %dma_start3A_99 = tpu.memref_slice %arg9[%mul3A_16, %dma_start3A_98] : memref<10000x128xf32, #tpu.memory_space<vmem_shared>> -> memref<624x128xf32, #tpu.memory_space<vmem_shared>>
      tpu.enqueue_dma source(%dma_start3A_99 : memref<624x128xf32, #tpu.memory_space<vmem_shared>>) target(%dma_start3A_97 : memref<624x128xf32, #tpu.memory_space<hbm>>) target_semaphore(%run_scoped3A_94 : memref<!tpu.dma_semaphore, #tpu.memory_space<semaphore_mem>>)
      %dma_wait3A = arith.constant 0 : i32
      %dma_wait3A_100 = tpu.memref_slice %arg5[%arg0, %mul3A_16, %dma_wait3A] : memref<2x10000x128xf32, #tpu.memory_space<hbm>> -> memref<1x624x128xf32, #tpu.memory_space<hbm>>
      %dma_wait3A_101 = tpu.memref_squeeze %dma_wait3A_100 : memref<1x624x128xf32, #tpu.memory_space<hbm>> -> memref<624x128xf32, #tpu.memory_space<hbm>>
      %dma_wait3A_102 = arith.constant 0 : i32
      %dma_wait3A_103 = tpu.memref_slice %arg9[%mul3A_16, %dma_wait3A_102] : memref<10000x128xf32, #tpu.memory_space<vmem_shared>> -> memref<624x128xf32, #tpu.memory_space<vmem_shared>>
      tpu.wait_dma2 semaphore(%run_scoped3A_94 : memref<!tpu.dma_semaphore, #tpu.memory_space<semaphore_mem>>) src(%dma_wait3A_103 : memref<624x128xf32, #tpu.memory_space<vmem_shared>>) dst(%dma_wait3A_101 : memref<624x128xf32, #tpu.memory_space<hbm>>)
      tpu.yield
    }) : () -> ()
    %eq3A_89 = arith.constant 15 : i32
    %eq3A_90 = arith.cmpi eq, %arg1, %eq3A_89 : i32
    %convert_element_type3A_91 = arith.extui %eq3A_90 : i1 to i32
    %cond3A_92 = arith.constant 0 : i32
    %cond3A_93 = arith.cmpi ne, %convert_element_type3A_91, %cond3A_92 : i32
    scf.if %cond3A_93 {
      "tpu.region"() ({
        %run_scoped3A_94 = tpu.sem_alloc : memref<!tpu.dma_semaphore, #tpu.memory_space<semaphore_mem>>
        %dma_start3A_95 = arith.constant 9984 : i32
        %dma_start3A_96 = arith.constant 0 : i32
        %dma_start3A_97 = tpu.memref_slice %arg5[%arg0, %dma_start3A_95, %dma_start3A_96] : memref<2x10000x128xf32, #tpu.memory_space<hbm>> -> memref<1x16x128xf32, #tpu.memory_space<hbm>>
        %dma_start3A_98 = tpu.memref_squeeze %dma_start3A_97 : memref<1x16x128xf32, #tpu.memory_space<hbm>> -> memref<16x128xf32, #tpu.memory_space<hbm>>
        %dma_start3A_99 = arith.constant 9984 : i32
        %dma_start3A_100 = arith.constant 0 : i32
        %dma_start3A_101 = tpu.memref_slice %arg9[%dma_start3A_99, %dma_start3A_100] : memref<10000x128xf32, #tpu.memory_space<vmem_shared>> -> memref<16x128xf32, #tpu.memory_space<vmem_shared>>
        tpu.enqueue_dma source(%dma_start3A_101 : memref<16x128xf32, #tpu.memory_space<vmem_shared>>) target(%dma_start3A_98 : memref<16x128xf32, #tpu.memory_space<hbm>>) target_semaphore(%run_scoped3A_94 : memref<!tpu.dma_semaphore, #tpu.memory_space<semaphore_mem>>)
        %dma_wait3A = arith.constant 9984 : i32
        %dma_wait3A_102 = arith.constant 0 : i32
        %dma_wait3A_103 = tpu.memref_slice %arg5[%arg0, %dma_wait3A, %dma_wait3A_102] : memref<2x10000x128xf32, #tpu.memory_space<hbm>> -> memref<1x16x128xf32, #tpu.memory_space<hbm>>
        %dma_wait3A_104 = tpu.memref_squeeze %dma_wait3A_103 : memref<1x16x128xf32, #tpu.memory_space<hbm>> -> memref<16x128xf32, #tpu.memory_space<hbm>>
        %dma_wait3A_105 = arith.constant 9984 : i32
        %dma_wait3A_106 = arith.constant 0 : i32
        %dma_wait3A_107 = tpu.memref_slice %arg9[%dma_wait3A_105, %dma_wait3A_106] : memref<10000x128xf32, #tpu.memory_space<vmem_shared>> -> memref<16x128xf32, #tpu.memory_space<vmem_shared>>
        tpu.wait_dma2 semaphore(%run_scoped3A_94 : memref<!tpu.dma_semaphore, #tpu.memory_space<semaphore_mem>>) src(%dma_wait3A_107 : memref<16x128xf32, #tpu.memory_space<vmem_shared>>) dst(%dma_wait3A_104 : memref<16x128xf32, #tpu.memory_space<hbm>>)
        tpu.yield
      }) : () -> ()
    } else {
    }
    return
  }
}

module attributes {stable_mosaic.version = 14 : i64} {
  func.func @_add_body(%arg0: i32, %arg1: memref<1000x128xf32, #tpu.memory_space<vmem>>, %arg2: memref<1000x128xf32, #tpu.memory_space<vmem>>, %arg3: memref<1000x128xf32, #tpu.memory_space<vmem>>) attributes {dimension_semantics = [#tpu.dimension_semantics<arbitrary>], iteration_bounds = array<i64: 10>, scalar_prefetch = 0 : i64, scratch_operands = 0 : i64, tpu.core_type = #tpu.core_type<tc>, window_params = [{transform_indices = @transform_0, window_bounds = array<i64: 1000, 128>}, {transform_indices = @transform_1, window_bounds = array<i64: 1000, 128>}, {transform_indices = @transform_2, window_bounds = array<i64: 1000, 128>}]} {
    %get3A = arith.constant 0 : index
    %get3A_0 = arith.constant 0 : index
    %get3A_1 = vector.load %arg1[%get3A, %get3A_0] : memref<1000x128xf32, #tpu.memory_space<vmem>>, vector<1000x128xf32>
    %get3A_2 = arith.constant 0 : index
    %get3A_3 = arith.constant 0 : index
    %get3A_4 = vector.load %arg2[%get3A_2, %get3A_3] : memref<1000x128xf32, #tpu.memory_space<vmem>>, vector<1000x128xf32>
    %add3A = arith.addf %get3A_1, %get3A_4 : vector<1000x128xf32>
    %swap3A = arith.constant 0 : index
    %swap3A_5 = arith.constant 0 : index
    %swap3A_6 = vector.load %arg3[%swap3A, %swap3A_5] : memref<1000x128xf32, #tpu.memory_space<vmem>>, vector<1000x128xf32>
    tpu.vector_store %arg3[%swap3A, %swap3A_5], %add3A {strides = array<i32>} : memref<1000x128xf32, #tpu.memory_space<vmem>>, vector<1000x128xf32>,
    return
  }
  func.func @transform_0(%arg0: i32) -> (i32, i32) {
    %c0_i32 = arith.constant 0 : i32
    %c0_i32_0 = arith.constant 0 : i32
    return %arg0, %c0_i32 : i32, i32
  }
  func.func @transform_1(%arg0: i32) -> (i32, i32) {
    %c0_i32 = arith.constant 0 : i32
    %c0_i32_0 = arith.constant 0 : i32
    return %arg0, %c0_i32 : i32, i32
  }
  func.func @transform_2(%arg0: i32) -> (i32, i32) {
    %c0_i32 = arith.constant 0 : i32
    %c0_i32_0 = arith.constant 0 : i32
    return %arg0, %c0_i32 : i32, i32
  }
}

</mosaic_0001>

<sc_bundles>
// kernel: kernel.4.cloned.1.call-start
scs
__scs_entry_jumppad:
0x0: {  	(pc) =	sbr.rel $0x88, $3  }
0x1: {  	(tag) =	ssettag $0x0;
	lr =	simm.s32 $0x1  }
0x2: {  	[smem:$0x3F9E] =	sst lr;
	_ =	strace $0xD0000000  }
0x3: {  	_ = 	snop  }
0x4: {  	_ = 	snop  }
0x5: {  	_ = 	snop  }
0x6: {  	_ = 	snop  }
0x7: {  	_ = 	snop  }
__scs_overlays_trampoline_lowered:
0x8: {  	[smem:$0x3FAD] =	sst s0  }
0x9: {  	[smem:$0x3FAE] =	sst s1  }
0xa: {  	[smem:$0x3FAF] =	sst s2  }
0xb: {  	[smem:$0x3FB0] =	sst s3  }
0xc: {  	[smem:$0x3FB1] =	sst s4  }
0xd: {  	[smem:$0x3FB2] =	sst s5  }
0xe: {  	[smem:$0x3FB3] =	sst s6  }
0xf: {  	[smem:$0x3FB4] =	sst s7  }
0x10: {  	[smem:$0x3FB5] =	sst s8  }
0x11: {  	[smem:$0x3FB6] =	sst s9;
	s0 =	simm.s32 @!p0 $0x0  }
0x12: {  	s1 =	sld [smem:$0x3F9C];
	s0 =	simm.s32 @p0 $0x1  }
0x13: {  	[smem:$0x3FB7] =	sst s0;
	s0 =	simm.s32 @!p1 $0x0  }
0x14: {  	s2 =	sld [smem:$0x3F9B];
	s0 =	simm.s32 @p1 $0x1  }
0x15: {  	[smem:$0x3FB8] =	sst s0;
	s0 =	simm.s32 @!p2 $0x0  }
0x16: {  	s3 =	sld [smem:$0x3FDB];
	s0 =	simm.s32 @p2 $0x1  }
0x17: {  	s4 =	simm.s32 $0x1BF5;
	[smem:$0x3FBA] =	sst s0  }
0x18: {  	s0 =	sld [smem:$0x3F9D];
	_ =	swait.ge [sflag:s4], $0x0  }
0x19: {  	s7 =	sld [smem:$0x3F9E]  }
0x1a: {  	s8 =	sadd.s32 $0xFFFFE003, lr  }
0x1b: {  	s9 =	sadd.s32 $0xFFFFFEF7, lr;
	s5 =	simm.s32 $0xFFFFFFFF;
	p2 =	slt.u32 s8, $0xFFFFF086  }
0x1c: {  	p1 =	slt.u32 s9, $0xF7A;
	s5 =	simm.s32 @!p2 $0x0  }
0x1d: {  	s5 =	simm.s32 @p1 $0x1;
	p0 =	seq.s32 s7, s2  }
0x1e: {  	s7 =	smul.u32 @!p0 $0xF7A, s2;
	p2 =	seq.s32 @!p0 s5, $0x0  }
0x1f: {  	s9 =	smul.u32 $0xF7A, s1;
	s8 =	simm.s32 @!p0 $0x1BF5;
	p2 =	por !p2, p0  }
0x20: {  	[sflag:s8] =	ssyncset.s32 @!p0 $0xFFFFF086;
	s6 =	sadd.s32 @!p0 s3, s7;
	s7 =	simm.s32 @!p0 $0x108  }
0x21: {  	s3 =	sadd.s32 s3, s9;
	s6 =	sadd.s32 @!p0 $0x88, s6;
	s7 =	simm.s32 @p2 $0x1082  }
0x22: {  	[simem:s7], [sflag:s8] =	dma.local @!p0 [hbm:s6], $0xF7A  }
0x23: {  	s9 =	sor.u32 $0xD0000000, s2;
	s6 =	simm.s32 $0x108;
	_ =	swait.ge @!p0 [sflag:s8], $0x0  }
0x24: {  	s3 =	sadd.s32 $0x88, s3;
	s6 =	simm.s32 @!p1 $0x1082;
	[sflag:s4] =	ssyncset.s32 $0xFFFFF086  }
0x25: {  	[simem:s6], [sflag:s4] =	dma.local [hbm:s3], $0xF7A  }
0x26: {  	[smem:$0x3F9E] =	sst s1;
	(tag) =	ssettag s2;
	_ =	strace s9  }
0x27: {  	s1 =	sld [smem:$0x3FAE]  }
0x28: {  	s2 =	sld [smem:$0x3FAF]  }
0x29: {  	s4 =	sld [smem:$0x3FB1]  }
0x2a: {  	p0 =	seq.s32 s5, $0x0;
	s5 =	sld [smem:$0x3FB2]  }
0x2b: {  	s6 =	sld [smem:$0x3FB3]  }
0x2c: {  	s7 =	sld [smem:$0x3FB4]  }
0x2d: {  	s3 =	simm.s32 $0x108;
	s8 =	sld [smem:$0x3FB5]  }
0x2e: {  	s3 =	simm.s32 @!p0 $0x1082;
	s9 =	sld [smem:$0x3FB6]  }
0x2f: {  	lr =	sadd.s32 s0, s3;
	s0 =	sld [smem:$0x3FAD]  }
0x30: {  	s3 =	sld [smem:$0x3FB0]  }
0x31: {  	[smem:$0x3FB9] =	sst s10  }
0x32: {  	s10 =	sld [smem:$0x3FB7];
	_ =	sdelay $0x3  }
0x33: {  	p0 =	seq.s32 s10, $0x1;
	s10 =	sld [smem:$0x3FB9];
	_ =	sdelay $0x3  }
0x34: {  	[smem:$0x3FB9] =	sst s10  }
0x35: {  	s10 =	sld [smem:$0x3FB8];
	_ =	sdelay $0x3  }
0x36: {  	p1 =	seq.s32 s10, $0x1;
	s10 =	sld [smem:$0x3FB9];
	_ =	sdelay $0x3  }
0x37: {  	[smem:$0x3FB9] =	sst s10  }
0x38: {  	s10 =	sld [smem:$0x3FBA]  }
0x39: {  	_ = 	snop;
	(pc) =	sbr.ind lr, $3  }
0x3a: {  	_ = 	snop  }
0x3b: {  	_ = 	snop  }
0x3c: {  	p2 =	seq.s32 s10, $0x1;
	s10 =	sld [smem:$0x3FB9]  }
0x3d: {  	_ =	shalt  }
0x3e: {  	_ =	shalt  }
0x3f: {  	_ =	shalt  }
0x40: {  	_ =	shalt  }
0x41: {  	_ =	shalt  }
0x42: {  	_ =	shalt  }
0x43: {  	_ =	shalt  }
0x44: {  	_ =	shalt  }
0x45: {  	_ =	shalt  }
0x46: {  	_ =	shalt  }
0x47: {  	_ =	shalt  }
0x48: {  	_ =	shalt  }
0x49: {  	_ =	shalt  }
0x4a: {  	_ =	shalt  }
0x4b: {  	_ =	shalt  }
0x4c: {  	_ =	shalt  }
0x4d: {  	_ =	shalt  }
0x4e: {  	_ =	shalt  }
0x4f: {  	_ =	shalt  }
0x50: {  	_ =	shalt  }
0x51: {  	_ =	shalt  }
0x52: {  	_ =	shalt  }
0x53: {  	_ =	shalt  }
0x54: {  	_ =	shalt  }
0x55: {  	_ =	shalt  }
0x56: {  	_ =	shalt  }
0x57: {  	_ =	shalt  }
0x58: {  	_ =	shalt  }
0x59: {  	_ =	shalt  }
0x5a: {  	_ =	shalt  }
0x5b: {  	_ =	shalt  }
0x5c: {  	_ =	shalt  }
0x5d: {  	_ =	shalt  }
0x5e: {  	_ =	shalt  }
0x5f: {  	_ =	shalt  }
0x60: {  	_ =	shalt  }
0x61: {  	_ =	shalt  }
0x62: {  	_ =	shalt  }
0x63: {  	_ =	shalt  }
0x64: {  	_ =	shalt  }
0x65: {  	_ =	shalt  }
0x66: {  	_ =	shalt  }
0x67: {  	_ =	shalt  }
0x68: {  	_ =	shalt  }
0x69: {  	_ =	shalt  }
0x6a: {  	_ =	shalt  }
0x6b: {  	_ =	shalt  }
0x6c: {  	_ =	shalt  }
0x6d: {  	_ =	shalt  }
0x6e: {  	_ =	shalt  }
0x6f: {  	_ =	shalt  }
0x70: {  	_ =	shalt  }
0x71: {  	_ =	shalt  }
0x72: {  	_ =	shalt  }
0x73: {  	_ =	shalt  }
0x74: {  	_ =	shalt  }
0x75: {  	_ =	shalt  }
0x76: {  	_ =	shalt  }
0x77: {  	_ =	shalt  }
0x78: {  	_ =	shalt  }
0x79: {  	_ =	shalt  }
0x7a: {  	_ =	shalt  }
0x7b: {  	_ =	shalt  }
0x7c: {  	_ =	shalt  }
0x7d: {  	_ =	shalt  }
0x7e: {  	_ =	shalt  }
0x7f: {  	_ =	shalt  }
0x80: {  	_ =	shalt  }
0x81: {  	_ =	shalt  }
0x82: {  	_ =	shalt  }
0x83: {  	_ =	shalt  }
0x84: {  	_ =	shalt  }
0x85: {  	_ =	shalt  }
0x86: {  	_ =	shalt  }
0x87: {  	_ =	shalt  }
.Lfunc_end0:
.L_simem_size_0:
called_computation_lowered:
.L_overlay_start_0:
0x88: {  	s2 =	sld [smem:$0x3FD9]  }
0x89: {  	s3 =	sld [smem:$0x3FFE];
	_ =	sdelay $0x1  }
0x8a: {  	s1 =	srdreg.scid  }
0x8b: {  	s0 =	sand.u32 $0x1, s1  }
0x8c: {  	s17 =	sshll.u32 s0, $0xA;
	s2 =	sadd.s32 s3, s2  }
0x8d: {  	s2 =	sadd.s32 s2, s17  }
0x8e: {  	[smem:$0x3FC5] =	sst s2  }
0x8f: {  	_ = 	snop  }
0x90: {  	s2 =	sld [smem:$0x3FC9]  }
0x91: {  	s18 =	sld [smem:$0x3FD0];
	(tm) =	ssettm $0x1  }
0x92: {  	s4 =	sld [smem:$0x3FFB];
	_ =	sdelay $0x3  }
0x93: {  	_ =	strace s4  }
0x94: {  	s4 =	sld [smem:$0x3FFC];
	_ =	sdelay $0x3  }
0x95: {  	_ =	strace s4  }
0x96: {  	s4 =	sld [smem:$0x3FFD];
	_ =	sdelay $0x3  }
0x97: {  	_ =	strace s4  }
0x98: {  	_ =	strace $0x8FFFFFFF  }
0x99: {  	s19 =	sld [smem:$0x3FDB];
	_ =	sdelay $0x1  }
0x9a: {  	s5 =	simm.s32 $_scs_section_size  }
0x9b: {  	s6 =	simm.s32 $_size__tile_overlayer_lowered;
	s7 =	simm.s32 $_tile_overlayer_lowered  }
0x9c: {  	s22 =	simm.s32 $0x1BFF;
	s21 =	sshll.u32 s7, $0x1;
	s4 =	sadd.s32 s5, s19  }
0x9d: {  	s8 =	simm.s32 $0x0;
	s20 =	sshll.u32 s6, $0x1;
	s6 =	sadd.s32 s21, s4  }
0x9e: {  	[timem:s8], [sflag:s22] =	dma.local [hbm:s6], s20  }
0x9f: {  	_ =	swait.ge [sflag:s22], s20  }
0xa0: {  	s5 =	ssub.s32 $0x0, s20;
	[sflag:s22] =	ssyncset.done $0x0  }
0xa1: {  	[sflag:s22] =	ssyncadd.s32 s5;
	_ =	sdelay $0x1  }
0xa2: {  	s23 =	simm.s32 $0x1B8B  }
0xa3: {  	_ =	swait.ge [sflag:s23], $0x1  }
0xa4: {  	[sflag:s23] =	ssyncset.done $0x0  }
0xa5: {  	s25 =	simm.s32 $0x1B8E;
	s24 =	sld [smem:$0x3FFE];
	[sflag:s23] =	ssyncadd.s32 $0xFFFFFFFF  }
0xa6: {  	s26 =	simm.s32 $execute0_lowered;
	[smem:$0x3FD2] =	sst s25  }
0xa7: {  	s6 =	sshll.u32 s26, $0x1;
	_ =	strace $0x80000046;
	[dreg:$0x1] =	wrdreg $0xFFFFFFFF  }
0xa8: {  	s28 =	simm.s32 $_size_execute0_lowered;
	s4 =	sadd.s32 s4, s6;
	[dreg:$0x0] =	wrdreg $0x0  }
0xa9: {  	s6 =	sshll.u32 s28, $0x1;
	[dreg:$0x2] =	wrdreg s4  }
0xaa: {  	[dreg:$0x3] =	wrdreg s6  }
0xab: {  	[dreg:$0x4] =	wrdreg $0xC0  }
0xac: {  	_ =	task [dreg:s8], $0x5FFFF  }
0xad: {  	[dreg:$0x1] =	wrdreg $0xFFFFFFFF  }
0xae: {  	[dreg:$0x0] =	wrdreg $0x60  }
0xaf: {  	[dreg:$0x2] =	wrdreg s2  }
0xb0: {  	[dreg:$0x3] =	wrdreg s18  }
0xb1: {  	[dreg:$0x4] =	wrdreg s24  }
0xb2: {  	[dreg:$0x5] =	wrdreg $0x83000  }
0xb3: {  	[dreg:$0x6] =	wrdreg $0x9  }
0xb4: {  	_ =	task.clear_ibuf [dreg:s8], $0x7FFFF;
	_ =	strace $0x90000046  }
0xb5: {  	s29 =	simm.s32 $0x9;
	_ =	strace $0x80000048  }
0xb6: {  	_ =	swait.ge [sflag:s29], $0x1  }
0xb7: {  	[sflag:s29] =	ssyncadd.s32 $0xFFFFFFFF  }
0xb8: {  	_ =	strace $0x90000048  }
0xb9: {  	_ =	sfence  }
0xba: {  	s30 =	sld [smem:$0x0];
	_ =	sdelay $0x2  }
0xbb: {  	s31 =	sshll.u32 s1, $0xD;
	s1 =	sshrl.u32 s1, $0x2  }
0xbc: {  	s3 =	sand.u32 $0x4000, s31;
	s1 =	sadd.s32 s1, s30  }
0xbd: {  	s0 =	sor.u32 s3, s0;
	s1 =	sshll.u32 s1, $0x11  }
0xbe: {  	s0 =	sor.u32 s1, s0  }
0xbf: {  	s0 =	sadd.s32 $0x8F2B, s0  }
0xc0: {  	[sflag:s0] =	ssyncadd.remote.s32 $0x1  }
0xc1: {  	_ =	sfence.sel $0xFFFF  }
0xc2: {  	[dreg:$0x0] =	wrdreg $0xFFFFFFFF;
	(pc) =	sbr.abs _section_cstart, $3  }
0xc3: {  	[dreg:$0x1] =	wrdreg $0xFFFFFFFF  }
0xc4: {  	_ =	task.clear_ibuf [dreg:s8], $0x2FFFF;
	_ =	strace $0x9FFFFFFF  }
0xc5: {  	(tm) =	ssettm $0x7FFFFFFF  }
tec
execute0_lowered:
.L_overlay_start_1:
0x0: {  	(tag) =	ssettag $0x1  }
0x1: {  	s1 =	rddreg [dreg:$0x0]  }
0x2: {  	s2 =	rddreg [dreg:$0x1]  }
0x3: {  	s3 =	rddreg [dreg:$0x2]  }
0x4: {  	s4 =	rddreg [dreg:$0x3]  }
0x5: {  	s0 =	srdreg.scid;
	s12 =	stileid.u32  }
0x6: {  	s6 =	simm.s32 $0x0;
	s28 =	simm.s32 $0x80;
	s8 =	smul.u32 $0x4E000, s12  }
0x7: {  	s31 =	simm.s32 $0x1;
	s29 =	simm.s32 $0x4300;
	s10 =	smul.u32 $0x28, s12  }
0x8: {  	s0 =	sand.u32 $0x1, s0;
	[smem:$0x7FF] =	sst s6;
	s11 =	smul.u32 $0x78, s12  }
0x9: {  	s9 =	sadd.s32 $0xA000, s3;
	s30 =	smul.u32 $0x13800, s12;
	s15 =	sadd.s32 $0x138000, s4  }
0xa: {  	s5 =	ssub.s32 $0x2, s0;
	_ =	strace $0x80000047;
	p0 =	seq.s32 s0, $0x0  }
0xb: {  	s0 =	smul.u32 $0x138800, s0;
	s7 =	sshrl.u32 s5, $0x1;
	s8 =	sshrl.u32 s8, $0x2  }
0xc: {  	s10 =	sadd.s32 $0x780, s10;
	s5 =	ssub.s32 s5, s7;
	s7 =	simm.s32 $0x78  }
0xd: {  	s8 =	sadd.s32 s8, s4;
	s10 =	smov.u32 @p0 s11;
	s11 =	sadd.s32 s30, s0  }
0xe: {  	s0 =	sshrl.u32 s0, $0x3;
	s7 =	simm.s32 @!p0 $0x28;
	s22 =	sadd.s32 $0x4000, s8  }
0xf: {  	s23 =	sadd.s32 $0x8000, s8;
	s24 =	sadd.s32 $0xC000, s8;
	s25 =	sadd.s32 $0x10000, s8  }
0x10: {  	s26 =	sshll.u32 s10, $0x5;
	s14 =	sshll.u32 s10, $0x4;
	[dreg:$0x5] =	wrdreg s22  }
0x11: {  	s11 =	sshrl.u32 s11, $0x3;
	s0 =	sadd.s32 s9, s0;
	[dreg:$0x6] =	wrdreg s23  }
0x12: {  	s20 =	sor.u32 $0x2, s10;
	p0 =	sne.s32 s12, $0xF;
	[dreg:$0x7] =	wrdreg s24  }
.Ltmp0:
0x13: {  	[dreg:$0x8] =	wrdreg s25;
	s13 =	sadd.s32 s2, s26;
	(pc) =	sbr.rel .LBB2_1-.Ltmp0, $4  }
0x14: {  	s14 =	sadd.s32 s3, s14;
	s18 =	sadd.s32 $0xFFFFFFFE, s7;
	s19 =	sadd.s32 $0xFFFFFFFD, s7  }
0x15: {  	s21 =	sadd.s32 s9, s11;
	s22 =	sadd.s32 $0x27000, s0;
	s23 =	smax.u32 s5, $0x1  }
0x16: {  	s24 =	simm.s32 $0x300;
	s25 =	simm.s32 $0x5;
	s0 =	simm.s32 $0x2  }
0x17: {  	v0 =	vimm.f32 $0.0e+00;
	s26 =	simm.s32 $0x180;
	s16 =	sadd.s32 $0x20, s13;
	s17 =	sadd.s32 $0x10, s14  }
.LBB2_13:
0x18: {  	s5 =	stileid.u32  }
0x19: {  	s5 =	sshll.u32 s5, $0x6  }
0x1a: {  	[bflag:$0x0] =	sbarrier.arrive $0xFFFF;
	s9 =	sshrl.u32 s8, $0x3;
	s5 =	sor.u32 $0x1C05, s5  }
0x1b: {  	[hbm:s21], [sflag:s5] =	dma.local [spmem:s9], $0x2700  }
0x1c: {  	_ =	swait.ge [sflag:s25], $0x2700  }
0x1d: {  	s6 =	sadd.s32 $0x1, s6;
	[sflag:s25] =	ssyncset.done $0x0  }
0x1e: {  	p1 =	sne.s32 s6, s23;
	s9 =	sshrl.u32 @!p0 s15, $0x3;
	[sflag:s25] =	ssyncadd.s32 $0xFFFFD900  }
0x1f: {  	[hbm:s22], [sflag:s5] =	dma.local @!p0 [spmem:s9], $0x100  }
.Ltmp1:
0x20: {  	_ = 	snop;
	(pc) =	sbr.rel @!p1 .LBB2_14-.Ltmp1, $4  }
0x21: {  	s5 =	simm.s32 @!p0 $0x5  }
0x22: {  	_ =	swait.ge @!p0 [sflag:s5], $0x100  }
0x23: {  	[sflag:s5] =	ssyncset.done @!p0 $0x0  }
0x24: {  	[sflag:s5] =	ssyncadd.s32 @!p0 $0xFFFFFF00  }
.LBB2_1:
0x25: {  	s5 =	simm.s32 $0x380  }
0x26: {  	[tilespmem:s5+$0xFFFFFF80] =	vst v0  }
0x27: {  	[tilespmem:s5+$0x70] =	vst v0  }
0x28: {  	[tilespmem:s5+$0x60] =	vst v0  }
0x29: {  	[tilespmem:s5+$0x50] =	vst v0  }
0x2a: {  	[tilespmem:s5+$0x40] =	vst v0  }
0x2b: {  	[tilespmem:s5+$0x30] =	vst v0  }
0x2c: {  	[tilespmem:s5+$0x20] =	vst v0  }
0x2d: {  	[tilespmem:s5+$0x10] =	vst v0  }
0x2e: {  	[tilespmem:s5+$0x0] =	vst v0  }
0x2f: {  	[tilespmem:s5+$0xFFFFFFF0] =	vst v0  }
0x30: {  	[tilespmem:s5+$0xFFFFFFE0] =	vst v0  }
0x31: {  	[tilespmem:s5+$0xFFFFFFD0] =	vst v0  }
0x32: {  	[tilespmem:s5+$0xFFFFFFC0] =	vst v0  }
0x33: {  	[tilespmem:s5+$0xFFFFFFB0] =	vst v0  }
0x34: {  	s9 =	simm.s32 $0x0;
	[tilespmem:s5+$0xFFFFFFA0] =	vst v0  }
.LBB2_2:
0x35: {  	s9 =	sadd.s32 $0x2, s9;
	[tilespmem:s5+$0xFFFFFF90] =	vst v0;
	s5 =	sadd.s32 $0x100, s5  }
0x36: {  	[tilespmem:s5+$0xFFFFFF80] =	vst v0;
	p1 =	slt.u32 s9, $0x7E  }
0x37: {  	[tilespmem:s5+$0x70] =	vst v0  }
0x38: {  	[tilespmem:s5+$0x60] =	vst v0  }
0x39: {  	[tilespmem:s5+$0x50] =	vst v0  }
0x3a: {  	[tilespmem:s5+$0x40] =	vst v0  }
0x3b: {  	[tilespmem:s5+$0x30] =	vst v0  }
0x3c: {  	[tilespmem:s5+$0x20] =	vst v0  }
0x3d: {  	[tilespmem:s5+$0x10] =	vst v0  }
0x3e: {  	[tilespmem:s5+$0x0] =	vst v0  }
0x3f: {  	[tilespmem:s5+$0xFFFFFFF0] =	vst v0  }
.Ltmp2:
0x40: {  	[tilespmem:s5+$0xFFFFFFE0] =	vst v0;
	(pc) =	sbr.rel @p1 .LBB2_2-.Ltmp2, $4  }
0x41: {  	[tilespmem:s5+$0xFFFFFFD0] =	vst v0  }
0x42: {  	[tilespmem:s5+$0xFFFFFFC0] =	vst v0  }
0x43: {  	[tilespmem:s5+$0xFFFFFFB0] =	vst v0  }
0x44: {  	[tilespmem:s5+$0xFFFFFFA0] =	vst v0  }
0x45: {  	[tilespmem:s5+$0xFFFFFF90] =	vst v0  }
0x46: {  	[spmem:s8] =	stream.linear.scatter [tilespmem:s24], [sflag:$0x5], $0x4000, $0x38;
	[tilespmem:$0x1BB80] =	vst v63  }
0x47: {  	_ =	swait.ge [sflag:s25], $0x4000  }
0x48: {  	[sflag:s25] =	ssyncset.done $0x0  }
0x49: {  	s10 =	rddreg [dreg:$0x5];
	[sflag:s25] =	ssyncadd.s32 $0xFFFFC000  }
0x4a: {  	[spmem:s10] =	stream.linear.scatter [tilespmem:s24], [sflag:$0x5], $0x4000, $0x38;
	[tilespmem:$0x1BB80] =	vst v63  }
0x4b: {  	_ =	swait.ge [sflag:s25], $0x4000  }
0x4c: {  	[sflag:s25] =	ssyncset.done $0x0  }
0x4d: {  	s11 =	rddreg [dreg:$0x6];
	[sflag:s25] =	ssyncadd.s32 $0xFFFFC000  }
0x4e: {  	[spmem:s11] =	stream.linear.scatter [tilespmem:s24], [sflag:$0x5], $0x4000, $0x38;
	[tilespmem:$0x1BB80] =	vst v63  }
0x4f: {  	_ =	swait.ge [sflag:s25], $0x4000  }
0x50: {  	[sflag:s25] =	ssyncset.done $0x0  }
0x51: {  	s12 =	rddreg [dreg:$0x7];
	[sflag:s25] =	ssyncadd.s32 $0xFFFFC000  }
0x52: {  	[spmem:s12] =	stream.linear.scatter [tilespmem:s24], [sflag:$0x5], $0x4000, $0x38;
	[tilespmem:$0x1BB80] =	vst v63  }
0x53: {  	_ =	swait.ge [sflag:s25], $0x4000  }
0x54: {  	[sflag:s25] =	ssyncset.done $0x0  }
0x55: {  	s9 =	rddreg [dreg:$0x8];
	[sflag:s25] =	ssyncadd.s32 $0xFFFFC000  }
0x56: {  	[spmem:s9] =	stream.linear.scatter [tilespmem:s24], [sflag:$0x5], $0x3800, $0x38;
	[tilespmem:$0x1BB80] =	vst v63  }
0x57: {  	_ =	swait.ge [sflag:s25], $0x3800  }
0x58: {  	[sflag:s25] =	ssyncset.done $0x0  }
0x59: {  	s5 =	simm.s32 @!p0 $0x300;
	[sflag:s25] =	ssyncadd.s32 $0xFFFFC800  }
0x5a: {  	[spmem:s15] =	stream.linear.scatter @!p0 [tilespmem:s5], [sflag:$0x5], $0x800, $0x38;
	[tilespmem:$0x1BB80] =	vst v63  }
0x5b: {  	s5 =	simm.s32 @!p0 $0x5  }
0x5c: {  	_ =	swait.ge @!p0 [sflag:s5], $0x800  }
0x5d: {  	[sflag:s5] =	ssyncset.done @!p0 $0x0  }
0x5e: {  	s30 =	simm.s32 $0x0;
	[sflag:s5] =	ssyncadd.s32 @!p0 $0xFFFFF800  }
0x5f: {  	[tilespmem:s30], [sflag:$0x5] =	stream.linear.gather [hbm4b:s13+s30], $0x100, $0x38;
	[tilespmem:$0x1BB80] =	vst v63  }
0x60: {  	_ =	swait.ge [sflag:s25], $0x100  }
0x61: {  	[sflag:s25] =	ssyncset.done $0x0  }
0x62: {  	s10 =	simm.s32 $0x200;
	[sflag:s25] =	ssyncadd.s32 $0xFFFFFF00  }
0x63: {  	[tilespmem:s10], [sflag:$0x5] =	stream.linear.gather [hbm4b:s14+s30], $0x80, $0x38;
	[tilespmem:$0x1BB80] =	vst v63  }
0x64: {  	_ =	swait.ge [sflag:s25], $0x80  }
0x65: {  	[sflag:s25] =	ssyncset.done $0x0  }
0x66: {  	[sflag:s25] =	ssyncadd.s32 $0xFFFFFF80  }
0x67: {  	[tilespmem:s24], [sflag:$0x1] =	stream.indirect.gather [hbm4b:s1+s28], $0x80, s30, s28, $0xb8;
	[tilespmem:$0x1BB80] =	vst v63  }
0x68: {  	s11 =	simm.s32 $0x100  }
0x69: {  	[tilespmem:s11], [sflag:$0x4] =	stream.linear.gather [hbm4b:s16+s30], $0x100, $0x38;
	[tilespmem:$0x1BB80] =	vst v63  }
.Ltmp3:
0x6a: {  	_ = 	snop;
	(pc) =	sbr.rel .LBB2_4-.Ltmp3, $3  }
0x6b: {  	s12 =	simm.s32 $0x280  }
0x6c: {  	[tilespmem:s12], [sflag:$0x4] =	stream.linear.gather [hbm4b:s17+s30], $0x80, $0x38;
	[tilespmem:$0x1BB80] =	vst v63  }
0x6d: {  	[bflag:$0x0] =	sbarrier.arrive $0xFFFF;
	_ =	sdelay $0x1  }
.LBB2_12:
0x6e: {  	p1 =	sge.u32 s9, s19  }
0x6f: {  	s5 =	sadd.s32 @!p1 s5, s20  }
0x70: {  	s10 =	simm.s32 @!p1 $0x0;
	s9 =	sshll.u32 @!p1 s5, $0x5  }
0x71: {  	s11 =	simm.s32 @!p1 $0x100;
	s5 =	sshll.u32 @!p1 s5, $0x4;
	s9 =	sadd.s32 @!p1 s2, s9  }
0x72: {  	[tilespmem:s11], [sflag:$0x4] =	stream.linear.gather @!p1 [hbm4b:s9+s10], $0x100, $0x38;
	[tilespmem:$0x1BB80] =	vst v63  }
0x73: {  	s30 =	sadd.s32 $0x1, s30;
	s5 =	sadd.s32 @!p1 s3, s5;
	s9 =	simm.s32 @!p1 $0x280  }
0x74: {  	[tilespmem:s9], [sflag:$0x4] =	stream.linear.gather @!p1 [hbm4b:s5+s10], $0x80, $0x38;
	[tilespmem:$0x1BB80] =	vst v63  }
0x75: {  	p1 =	sne.s32 s30, $0x3C  }
.Ltmp4:
0x76: {  	_ = 	snop;
	(pc) =	sbr.rel @!p1 .LBB2_13-.Ltmp4, $1  }
0x77: {  	_ =	sdelay $0x3  }
.LBB2_4:
0x78: {  	s5 =	sshllo.u32 s30, $0x1  }
0x79: {  	p1 =	sge.u32 s5, s7  }
0x7a: {  	s10 =	simm.s32 @!p1 $0x4  }
0x7b: {  	s9 =	sshll.u32 s30, $0x1;
	_ =	swait.ge @!p1 [sflag:s10], $0x100  }
0x7c: {  	p2 =	sge.u32 s9, s7;
	[sflag:s10] =	ssyncset.done @!p1 $0x0  }
.Ltmp5:
0x7d: {  	[sflag:s10] =	ssyncadd.s32 @!p1 $0xFFFFFF00;
	(pc) =	sbr.rel @p2 .LBB2_8-.Ltmp5, $4  }
0x7e: {  	_ =	swait.ge @!p1 [sflag:s10], $0x80  }
0x7f: {  	s11 =	simm.s32 @!p1 $0x100;
	[sflag:s10] =	ssyncset.done @!p1 $0x0  }
0x80: {  	s12 =	simm.s32 @!p1 $0x4300;
	[sflag:s10] =	ssyncadd.s32 @!p1 $0xFFFFFF80;
	s10 =	simm.s32 @!p1 $0x80  }
0x81: {  	[tilespmem:s12], [sflag:$0x2] =	stream.indirect.gather @!p1 [hbm4b:s1+s10], $0x80, s11, s10, $0xb8;
	[tilespmem:$0x1BB80] =	vst v63  }
0x82: {  	_ =	swait.ge [sflag:s31], $0x4000  }
0x83: {  	[sflag:s31] =	ssyncset.done $0x0  }
0x84: {  	s10 =	simm.s32 $0x0;
	[sflag:s31] =	ssyncadd.s32 $0xFFFFC000  }
.LBB2_6:
0x85: {  	s11 =	sshll.u32 s10, $0x4  }
0x86: {  	s11 =	sand.u32 $0x3FFFFFF0, s11  }
0x87: {  	s12 =	sshll.u32 s10, $0xB;
	v1 =	vld [tilespmem:s11+$0x200]  }
0x88: {  	s11 =	sand.u32 $0x3FFFF800, s12  }
0x89: {  	v2 =	vld [tilespmem:s11+$0x300]  }
0x8a: {  	v3 =	vld [tilespmem:s11+$0x310]  }
0x8b: {  	v4 =	vld [tilespmem:s11+$0x320]  }
0x8c: {  	v6 =	vld [tilespmem:s11+$0x330];
	v5 =	vbroadcast v1, $0x0  }
0x8d: {  	v7 =	vld [tilespmem:s11+$0x340]  }
0x8e: {  	v8 =	vld [tilespmem:s11+$0x350];
	v2 =	vmul.f32 v5, v2  }
0x8f: {  	v9 =	vld [tilespmem:s11+$0x360];
	v3 =	vmul.f32 v3, v5  }
0x90: {  	v34 =	vld [tilespmem:s11+$0x370];
	[tilespmem:s11+$0x300] =	vst v2;
	v2 =	vmul.f32 v4, v5  }
0x91: {  	v35 =	vld [tilespmem:s11+$0x380];
	[tilespmem:s11+$0x310] =	vst v3;
	v3 =	vmul.f32 v6, v5  }
0x92: {  	v36 =	vld [tilespmem:s11+$0x390];
	[tilespmem:s11+$0x320] =	vst v2;
	v2 =	vmul.f32 v7, v5  }
0x93: {  	v37 =	vld [tilespmem:s11+$0x3A0];
	[tilespmem:s11+$0x330] =	vst v3;
	v3 =	vmul.f32 v8, v5  }
0x94: {  	v10 =	vld [tilespmem:s11+$0x3B0];
	v38 =	vbroadcast v1, $0x1;
	[tilespmem:s11+$0x340] =	vst v2;
	v2 =	vmul.f32 v9, v5  }
0x95: {  	v39 =	vld [tilespmem:s11+$0x3C0];
	[tilespmem:s11+$0x350] =	vst v3;
	v3 =	vmul.f32 v34, v5  }
0x96: {  	v40 =	vld [tilespmem:s11+$0x3D0];
	[tilespmem:s11+$0x360] =	vst v2;
	v2 =	vmul.f32 v35, v38  }
0x97: {  	v41 =	vld [tilespmem:s11+$0x3E0];
	[tilespmem:s11+$0x370] =	vst v3;
	v3 =	vmul.f32 v36, v38  }
0x98: {  	v42 =	vld [tilespmem:s11+$0x3F0];
	[tilespmem:s11+$0x380] =	vst v2;
	v2 =	vmul.f32 v37, v38  }
0x99: {  	v43 =	vld [tilespmem:s11+$0x400];
	[tilespmem:s11+$0x390] =	vst v3;
	v3 =	vmul.f32 v10, v38  }
0x9a: {  	v44 =	vld [tilespmem:s11+$0x410];
	[tilespmem:s11+$0x3A0] =	vst v2;
	v2 =	vmul.f32 v39, v38  }
0x9b: {  	v45 =	vld [tilespmem:s11+$0x420];
	[tilespmem:s11+$0x3B0] =	vst v3;
	v3 =	vmul.f32 v40, v38  }
0x9c: {  	v47 =	vld [tilespmem:s11+$0x430];
	v46 =	vbroadcast v1, $0x2;
	[tilespmem:s11+$0x3C0] =	vst v2;
	v2 =	vmul.f32 v41, v38  }
0x9d: {  	v48 =	vld [tilespmem:s11+$0x440];
	[tilespmem:s11+$0x3D0] =	vst v3;
	v3 =	vmul.f32 v42, v38  }
0x9e: {  	v49 =	vld [tilespmem:s11+$0x450];
	[tilespmem:s11+$0x3E0] =	vst v2;
	v2 =	vmul.f32 v43, v46  }
0x9f: {  	v50 =	vld [tilespmem:s11+$0x460];
	[tilespmem:s11+$0x3F0] =	vst v3;
	v3 =	vmul.f32 v44, v46  }
0xa0: {  	v51 =	vld [tilespmem:s11+$0x470];
	[tilespmem:s11+$0x400] =	vst v2;
	v2 =	vmul.f32 v45, v46  }
0xa1: {  	v52 =	vld [tilespmem:s11+$0x480];
	[tilespmem:s11+$0x410] =	vst v3;
	v3 =	vmul.f32 v47, v46  }
0xa2: {  	v53 =	vld [tilespmem:s11+$0x490];
	[tilespmem:s11+$0x420] =	vst v2;
	v2 =	vmul.f32 v48, v46  }
0xa3: {  	v54 =	vld [tilespmem:s11+$0x4A0];
	[tilespmem:s11+$0x430] =	vst v3;
	v3 =	vmul.f32 v49, v46  }
0xa4: {  	v56 =	vld [tilespmem:s11+$0x4B0];
	v55 =	vbroadcast v1, $0x3;
	[tilespmem:s11+$0x440] =	vst v2;
	v2 =	vmul.f32 v50, v46  }
0xa5: {  	v57 =	vld [tilespmem:s11+$0x4C0];
	[tilespmem:s11+$0x450] =	vst v3;
	v3 =	vmul.f32 v51, v46  }
0xa6: {  	v58 =	vld [tilespmem:s11+$0x4D0];
	[tilespmem:s11+$0x460] =	vst v2;
	v2 =	vmul.f32 v52, v55  }
0xa7: {  	v59 =	vld [tilespmem:s11+$0x4E0];
	[tilespmem:s11+$0x470] =	vst v3;
	v3 =	vmul.f32 v53, v55  }
0xa8: {  	v60 =	vld [tilespmem:s11+$0x4F0];
	[tilespmem:s11+$0x480] =	vst v2;
	v2 =	vmul.f32 v54, v55  }
0xa9: {  	v61 =	vld [tilespmem:s11+$0x500];
	[tilespmem:s11+$0x490] =	vst v3;
	v3 =	vmul.f32 v56, v55  }
0xaa: {  	v62 =	vld [tilespmem:s11+$0x510];
	[tilespmem:s11+$0x4A0] =	vst v2;
	v2 =	vmul.f32 v57, v55  }
0xab: {  	v63 =	vld [tilespmem:s11+$0x520];
	[tilespmem:s11+$0x4B0] =	vst v3;
	v3 =	vmul.f32 v58, v55  }
0xac: {  	v13 =	vld [tilespmem:s11+$0x530];
	v12 =	vbroadcast v1, $0x4;
	[tilespmem:s11+$0x4C0] =	vst v2;
	v2 =	vmul.f32 v59, v55  }
0xad: {  	v14 =	vld [tilespmem:s11+$0x540];
	[tilespmem:s11+$0x4D0] =	vst v3;
	v3 =	vmul.f32 v60, v55  }
0xae: {  	v15 =	vld [tilespmem:s11+$0x550];
	[tilespmem:s11+$0x4E0] =	vst v2;
	v2 =	vmul.f32 v61, v12  }
0xaf: {  	v16 =	vld [tilespmem:s11+$0x560];
	[tilespmem:s11+$0x4F0] =	vst v3;
	v3 =	vmul.f32 v62, v12  }
0xb0: {  	v17 =	vld [tilespmem:s11+$0x570];
	[tilespmem:s11+$0x500] =	vst v2;
	v2 =	vmul.f32 v63, v12  }
0xb1: {  	v18 =	vld [tilespmem:s11+$0x580];
	[tilespmem:s11+$0x510] =	vst v3;
	v3 =	vmul.f32 v13, v12  }
0xb2: {  	v19 =	vld [tilespmem:s11+$0x590];
	[tilespmem:s11+$0x520] =	vst v2;
	v2 =	vmul.f32 v14, v12  }
0xb3: {  	v20 =	vld [tilespmem:s11+$0x5A0];
	[tilespmem:s11+$0x530] =	vst v3;
	v3 =	vmul.f32 v15, v12  }
0xb4: {  	v22 =	vld [tilespmem:s11+$0x5B0];
	v21 =	vbroadcast v1, $0x5;
	[tilespmem:s11+$0x540] =	vst v2;
	v2 =	vmul.f32 v16, v12  }
0xb5: {  	v23 =	vld [tilespmem:s11+$0x5C0];
	[tilespmem:s11+$0x550] =	vst v3;
	v3 =	vmul.f32 v17, v12  }
0xb6: {  	v24 =	vld [tilespmem:s11+$0x5D0];
	[tilespmem:s11+$0x560] =	vst v2;
	v2 =	vmul.f32 v18, v21  }
0xb7: {  	v25 =	vld [tilespmem:s11+$0x5E0];
	[tilespmem:s11+$0x570] =	vst v3;
	v3 =	vmul.f32 v19, v21  }
0xb8: {  	v26 =	vld [tilespmem:s11+$0x5F0];
	[tilespmem:s11+$0x580] =	vst v2;
	v2 =	vmul.f32 v20, v21  }
0xb9: {  	v27 =	vld [tilespmem:s11+$0x600];
	[tilespmem:s11+$0x590] =	vst v3;
	v3 =	vmul.f32 v22, v21  }
0xba: {  	v28 =	vld [tilespmem:s11+$0x610];
	[tilespmem:s11+$0x5A0] =	vst v2;
	v2 =	vmul.f32 v23, v21  }
0xbb: {  	v29 =	vld [tilespmem:s11+$0x620];
	[tilespmem:s11+$0x5B0] =	vst v3;
	v3 =	vmul.f32 v24, v21  }
0xbc: {  	v31 =	vld [tilespmem:s11+$0x630];
	v30 =	vbroadcast v1, $0x6;
	[tilespmem:s11+$0x5C0] =	vst v2;
	v2 =	vmul.f32 v25, v21  }
0xbd: {  	v32 =	vld [tilespmem:s11+$0x640];
	[tilespmem:s11+$0x5D0] =	vst v3;
	v3 =	vmul.f32 v26, v21  }
0xbe: {  	v33 =	vld [tilespmem:s11+$0x650];
	[tilespmem:s11+$0x5E0] =	vst v2;
	v2 =	vmul.f32 v27, v30  }
0xbf: {  	v34 =	vld [tilespmem:s11+$0x660];
	[tilespmem:s11+$0x5F0] =	vst v3;
	v3 =	vmul.f32 v28, v30  }
0xc0: {  	v35 =	vld [tilespmem:s11+$0x670];
	[tilespmem:s11+$0x600] =	vst v2;
	v2 =	vmul.f32 v29, v30  }
0xc1: {  	v36 =	vld [tilespmem:s11+$0x680];
	[tilespmem:s11+$0x610] =	vst v3;
	v3 =	vmul.f32 v31, v30  }
0xc2: {  	v37 =	vld [tilespmem:s11+$0x690];
	[tilespmem:s11+$0x620] =	vst v2;
	v2 =	vmul.f32 v32, v30  }
0xc3: {  	v38 =	vld [tilespmem:s11+$0x6A0];
	[tilespmem:s11+$0x630] =	vst v3;
	v3 =	vmul.f32 v33, v30  }
0xc4: {  	v39 =	vbroadcast v1, $0x7;
	v40 =	vld [tilespmem:s11+$0x6B0];
	[tilespmem:s11+$0x640] =	vst v2;
	v2 =	vmul.f32 v34, v30  }
0xc5: {  	v41 =	vld [tilespmem:s11+$0x6C0];
	[tilespmem:s11+$0x650] =	vst v3;
	v3 =	vmul.f32 v35, v30  }
0xc6: {  	v42 =	vld [tilespmem:s11+$0x6D0];
	[tilespmem:s11+$0x660] =	vst v2;
	v2 =	vmul.f32 v36, v39  }
0xc7: {  	v43 =	vld [tilespmem:s11+$0x6E0];
	[tilespmem:s11+$0x670] =	vst v3;
	v3 =	vmul.f32 v37, v39  }
0xc8: {  	v44 =	vld [tilespmem:s11+$0x6F0];
	[tilespmem:s11+$0x680] =	vst v2;
	v2 =	vmul.f32 v38, v39  }
0xc9: {  	v45 =	vld [tilespmem:s11+$0x700];
	[tilespmem:s11+$0x690] =	vst v3;
	v3 =	vmul.f32 v40, v39  }
0xca: {  	v46 =	vld [tilespmem:s11+$0x710];
	[tilespmem:s11+$0x6A0] =	vst v2;
	v2 =	vmul.f32 v41, v39  }
0xcb: {  	v47 =	vld [tilespmem:s11+$0x720];
	[tilespmem:s11+$0x6B0] =	vst v3;
	v3 =	vmul.f32 v42, v39  }
0xcc: {  	v48 =	vbroadcast v1, $0x8;
	v49 =	vld [tilespmem:s11+$0x730];
	[tilespmem:s11+$0x6C0] =	vst v2;
	v2 =	vmul.f32 v43, v39  }
0xcd: {  	v50 =	vld [tilespmem:s11+$0x740];
	[tilespmem:s11+$0x6D0] =	vst v3;
	v3 =	vmul.f32 v44, v39  }
0xce: {  	v51 =	vld [tilespmem:s11+$0x750];
	[tilespmem:s11+$0x6E0] =	vst v2;
	v2 =	vmul.f32 v45, v48  }
0xcf: {  	v52 =	vld [tilespmem:s11+$0x760];
	[tilespmem:s11+$0x6F0] =	vst v3;
	v3 =	vmul.f32 v46, v48  }
0xd0: {  	v53 =	vld [tilespmem:s11+$0x770];
	[tilespmem:s11+$0x700] =	vst v2;
	v2 =	vmul.f32 v47, v48  }
0xd1: {  	v54 =	vld [tilespmem:s11+$0x780];
	[tilespmem:s11+$0x710] =	vst v3;
	v3 =	vmul.f32 v49, v48  }
0xd2: {  	v55 =	vld [tilespmem:s11+$0x790];
	[tilespmem:s11+$0x720] =	vst v2;
	v2 =	vmul.f32 v50, v48  }
0xd3: {  	v56 =	vld [tilespmem:s11+$0x7A0];
	[tilespmem:s11+$0x730] =	vst v3;
	v3 =	vmul.f32 v51, v48  }
0xd4: {  	v57 =	vbroadcast v1, $0x9;
	v58 =	vld [tilespmem:s11+$0x7B0];
	[tilespmem:s11+$0x740] =	vst v2;
	v2 =	vmul.f32 v52, v48  }
0xd5: {  	v59 =	vld [tilespmem:s11+$0x7C0];
	[tilespmem:s11+$0x750] =	vst v3;
	v3 =	vmul.f32 v53, v48  }
0xd6: {  	v60 =	vld [tilespmem:s11+$0x7D0];
	[tilespmem:s11+$0x760] =	vst v2;
	v2 =	vmul.f32 v54, v57  }
0xd7: {  	v61 =	vld [tilespmem:s11+$0x7E0];
	[tilespmem:s11+$0x770] =	vst v3;
	v3 =	vmul.f32 v55, v57  }
0xd8: {  	v62 =	vld [tilespmem:s11+$0x7F0];
	[tilespmem:s11+$0x780] =	vst v2;
	v2 =	vmul.f32 v56, v57  }
0xd9: {  	v63 =	vld [tilespmem:s11+$0x800];
	[tilespmem:s11+$0x790] =	vst v3;
	v3 =	vmul.f32 v58, v57  }
0xda: {  	v12 =	vld [tilespmem:s11+$0x810];
	[tilespmem:s11+$0x7A0] =	vst v2;
	v2 =	vmul.f32 v59, v57  }
0xdb: {  	v13 =	vld [tilespmem:s11+$0x820];
	[tilespmem:s11+$0x7B0] =	vst v3;
	v3 =	vmul.f32 v60, v57  }
0xdc: {  	v14 =	vbroadcast v1, $0xA;
	v15 =	vld [tilespmem:s11+$0x830];
	[tilespmem:s11+$0x7C0] =	vst v2;
	v2 =	vmul.f32 v61, v57  }
0xdd: {  	v16 =	vld [tilespmem:s11+$0x840];
	[tilespmem:s11+$0x7D0] =	vst v3;
	v3 =	vmul.f32 v62, v57  }
0xde: {  	v17 =	vld [tilespmem:s11+$0x850];
	[tilespmem:s11+$0x7E0] =	vst v2;
	v2 =	vmul.f32 v63, v14  }
0xdf: {  	v18 =	vld [tilespmem:s11+$0x860];
	[tilespmem:s11+$0x7F0] =	vst v3;
	v3 =	vmul.f32 v12, v14  }
0xe0: {  	v19 =	vld [tilespmem:s11+$0x870];
	[tilespmem:s11+$0x800] =	vst v2;
	v2 =	vmul.f32 v13, v14  }
0xe1: {  	v20 =	vld [tilespmem:s11+$0x880];
	[tilespmem:s11+$0x810] =	vst v3;
	v3 =	vmul.f32 v15, v14  }
0xe2: {  	v21 =	vld [tilespmem:s11+$0x890];
	[tilespmem:s11+$0x820] =	vst v2;
	v2 =	vmul.f32 v16, v14  }
0xe3: {  	v22 =	vld [tilespmem:s11+$0x8A0];
	[tilespmem:s11+$0x830] =	vst v3;
	v3 =	vmul.f32 v17, v14  }
0xe4: {  	v23 =	vbroadcast v1, $0xB;
	v24 =	vld [tilespmem:s11+$0x8B0];
	[tilespmem:s11+$0x840] =	vst v2;
	v2 =	vmul.f32 v18, v14  }
0xe5: {  	v25 =	vld [tilespmem:s11+$0x8C0];
	[tilespmem:s11+$0x850] =	vst v3;
	v3 =	vmul.f32 v19, v14  }
0xe6: {  	v26 =	vld [tilespmem:s11+$0x8D0];
	[tilespmem:s11+$0x860] =	vst v2;
	v2 =	vmul.f32 v20, v23  }
0xe7: {  	v27 =	vld [tilespmem:s11+$0x8E0];
	[tilespmem:s11+$0x870] =	vst v3;
	v3 =	vmul.f32 v21, v23  }
0xe8: {  	v28 =	vld [tilespmem:s11+$0x8F0];
	[tilespmem:s11+$0x880] =	vst v2;
	v2 =	vmul.f32 v22, v23  }
0xe9: {  	v29 =	vld [tilespmem:s11+$0x900];
	[tilespmem:s11+$0x890] =	vst v3;
	v3 =	vmul.f32 v24, v23  }
0xea: {  	v30 =	vld [tilespmem:s11+$0x910];
	[tilespmem:s11+$0x8A0] =	vst v2;
	v2 =	vmul.f32 v25, v23  }
0xeb: {  	v31 =	vld [tilespmem:s11+$0x920];
	[tilespmem:s11+$0x8B0] =	vst v3;
	v3 =	vmul.f32 v26, v23  }
0xec: {  	v32 =	vbroadcast v1, $0xC;
	v33 =	vld [tilespmem:s11+$0x930];
	[tilespmem:s11+$0x8C0] =	vst v2;
	v2 =	vmul.f32 v27, v23  }
0xed: {  	v34 =	vld [tilespmem:s11+$0x940];
	[tilespmem:s11+$0x8D0] =	vst v3;
	v3 =	vmul.f32 v28, v23  }
0xee: {  	v35 =	vld [tilespmem:s11+$0x950];
	[tilespmem:s11+$0x8E0] =	vst v2;
	v2 =	vmul.f32 v29, v32  }
0xef: {  	v36 =	vld [tilespmem:s11+$0x960];
	[tilespmem:s11+$0x8F0] =	vst v3;
	v3 =	vmul.f32 v30, v32  }
0xf0: {  	v37 =	vld [tilespmem:s11+$0x970];
	[tilespmem:s11+$0x900] =	vst v2;
	v2 =	vmul.f32 v31, v32  }
0xf1: {  	v38 =	vld [tilespmem:s11+$0x980];
	[tilespmem:s11+$0x910] =	vst v3;
	v3 =	vmul.f32 v33, v32  }
0xf2: {  	v39 =	vld [tilespmem:s11+$0x990];
	[tilespmem:s11+$0x920] =	vst v2;
	v2 =	vmul.f32 v34, v32  }
0xf3: {  	v40 =	vld [tilespmem:s11+$0x9A0];
	[tilespmem:s11+$0x930] =	vst v3;
	v3 =	vmul.f32 v35, v32  }
0xf4: {  	v41 =	vbroadcast v1, $0xD;
	v42 =	vld [tilespmem:s11+$0x9B0];
	[tilespmem:s11+$0x940] =	vst v2;
	v2 =	vmul.f32 v36, v32  }
0xf5: {  	v43 =	vld [tilespmem:s11+$0x9C0];
	[tilespmem:s11+$0x950] =	vst v3;
	v3 =	vmul.f32 v37, v32  }
0xf6: {  	v44 =	vld [tilespmem:s11+$0x9D0];
	[tilespmem:s11+$0x960] =	vst v2;
	v2 =	vmul.f32 v38, v41  }
0xf7: {  	v45 =	vld [tilespmem:s11+$0x9E0];
	[tilespmem:s11+$0x970] =	vst v3;
	v3 =	vmul.f32 v39, v41  }
0xf8: {  	v46 =	vld [tilespmem:s11+$0x9F0];
	[tilespmem:s11+$0x980] =	vst v2;
	v2 =	vmul.f32 v40, v41  }
0xf9: {  	v47 =	vld [tilespmem:s11+$0xA00];
	[tilespmem:s11+$0x990] =	vst v3;
	v3 =	vmul.f32 v42, v41  }
0xfa: {  	v48 =	vld [tilespmem:s11+$0xA10];
	[tilespmem:s11+$0x9A0] =	vst v2;
	v2 =	vmul.f32 v43, v41  }
0xfb: {  	v49 =	vld [tilespmem:s11+$0xA20];
	[tilespmem:s11+$0x9B0] =	vst v3;
	v3 =	vmul.f32 v44, v41  }
0xfc: {  	v50 =	vbroadcast v1, $0xE;
	v51 =	vld [tilespmem:s11+$0xA30];
	[tilespmem:s11+$0x9C0] =	vst v2;
	v2 =	vmul.f32 v45, v41  }
0xfd: {  	v52 =	vld [tilespmem:s11+$0xA40];
	[tilespmem:s11+$0x9D0] =	vst v3;
	v3 =	vmul.f32 v46, v41  }
0xfe: {  	v53 =	vld [tilespmem:s11+$0xA50];
	[tilespmem:s11+$0x9E0] =	vst v2;
	v2 =	vmul.f32 v47, v50  }
0xff: {  	v54 =	vld [tilespmem:s11+$0xA60];
	[tilespmem:s11+$0x9F0] =	vst v3;
	v3 =	vmul.f32 v48, v50  }
0x100: {  	v55 =	vld [tilespmem:s11+$0xA70];
	[tilespmem:s11+$0xA00] =	vst v2;
	v2 =	vmul.f32 v49, v50  }
0x101: {  	v56 =	vld [tilespmem:s11+$0xA80];
	[tilespmem:s11+$0xA10] =	vst v3;
	v3 =	vmul.f32 v51, v50  }
0x102: {  	v57 =	vld [tilespmem:s11+$0xA90];
	[tilespmem:s11+$0xA20] =	vst v2;
	v2 =	vmul.f32 v52, v50  }
0x103: {  	v58 =	vld [tilespmem:s11+$0xAA0];
	[tilespmem:s11+$0xA30] =	vst v3;
	v3 =	vmul.f32 v53, v50  }
0x104: {  	v1 =	vbroadcast v1, $0xF;
	v59 =	vld [tilespmem:s11+$0xAB0];
	[tilespmem:s11+$0xA40] =	vst v2;
	v2 =	vmul.f32 v54, v50  }
0x105: {  	v60 =	vld [tilespmem:s11+$0xAC0];
	[tilespmem:s11+$0xA50] =	vst v3;
	v3 =	vmul.f32 v55, v50  }
0x106: {  	v61 =	vld [tilespmem:s11+$0xAD0];
	[tilespmem:s11+$0xA60] =	vst v2;
	v2 =	vmul.f32 v56, v1  }
0x107: {  	v62 =	vld [tilespmem:s11+$0xAE0];
	[tilespmem:s11+$0xA70] =	vst v3;
	v3 =	vmul.f32 v57, v1  }
0x108: {  	v63 =	vld [tilespmem:s11+$0xAF0];
	[tilespmem:s11+$0xA80] =	vst v2;
	v2 =	vmul.f32 v58, v1  }
0x109: {  	[tilespmem:s11+$0xA90] =	vst v3;
	v3 =	vmul.f32 v59, v1  }
0x10a: {  	p2 =	sne.s32 s10, $0x7;
	[tilespmem:s11+$0xAA0] =	vst v2;
	v2 =	vmul.f32 v60, v1  }
.Ltmp6:
0x10b: {  	[tilespmem:s11+$0xAB0] =	vst v3;
	v3 =	vmul.f32 v61, v1;
	(pc) =	sbr.rel @p2 .LBB2_6-.Ltmp6, $4  }
0x10c: {  	[tilespmem:s11+$0xAC0] =	vst v2;
	v2 =	vmul.f32 v62, v1  }
0x10d: {  	[tilespmem:s11+$0xAD0] =	vst v3;
	v1 =	vmul.f32 v63, v1  }
0x10e: {  	[tilespmem:s11+$0xAE0] =	vst v2  }
0x10f: {  	s10 =	sadd.s32 $0x1, s10;
	[tilespmem:s11+$0xAF0] =	vst v1  }
0x110: {  	[spmem:s4] =	stream.indirect.scatter.add.f32 [tilespmem:s24], [sflag:$0x5], $0x80, s28, s28, $0xb8;
	[tilespmem:$0x1BB80] =	vst v63  }
0x111: {  	_ =	swait.ge [sflag:s25], $0x4000  }
0x112: {  	[sflag:s25] =	ssyncset.done $0x0  }
0x113: {  	[sflag:s25] =	ssyncadd.s32 $0xFFFFC000  }
.LBB2_8:
0x114: {  	p2 =	sge.u32 s9, s18  }
0x115: {  	s10 =	sadd.s32 @!p2 s9, s20  }
0x116: {  	s11 =	sshll.u32 @!p2 s10, $0x5  }
0x117: {  	s12 =	simm.s32 @!p2 $0x0;
	s10 =	sshll.u32 @!p2 s10, $0x4;
	s11 =	sadd.s32 @!p2 s2, s11  }
0x118: {  	[tilespmem:s12], [sflag:$0x3] =	stream.linear.gather @!p2 [hbm4b:s11+s12], $0x100, $0x38;
	[tilespmem:$0x1BB80] =	vst v63  }
0x119: {  	s10 =	sadd.s32 @!p2 s3, s10;
	s11 =	simm.s32 @!p2 $0x200  }
0x11a: {  	[tilespmem:s11], [sflag:$0x3] =	stream.linear.gather @!p2 [hbm4b:s10+s12], $0x80, $0x38;
	[tilespmem:$0x1BB80] =	vst v63  }
0x11b: {  	s10 =	simm.s32 @!p2 $0x3  }
0x11c: {  	_ =	swait.ge @!p2 [sflag:s10], $0x100  }
0x11d: {  	[sflag:s10] =	ssyncset.done @!p2 $0x0  }
.Ltmp7:
0x11e: {  	[sflag:s10] =	ssyncadd.s32 @!p2 $0xFFFFFF00;
	(pc) =	sbr.rel @p1 .LBB2_12-.Ltmp7, $4  }
0x11f: {  	_ =	swait.ge @!p2 [sflag:s10], $0x80  }
0x120: {  	[sflag:s10] =	ssyncset.done @!p2 $0x0  }
0x121: {  	s11 =	simm.s32 @!p2 $0x300;
	[sflag:s10] =	ssyncadd.s32 @!p2 $0xFFFFFF80;
	s10 =	simm.s32 @!p2 $0x80  }
0x122: {  	[tilespmem:s11], [sflag:$0x1] =	stream.indirect.gather @!p2 [hbm4b:s1+s10], $0x80, s12, s10, $0xb8;
	[tilespmem:$0x1BB80] =	vst v63  }
0x123: {  	_ =	swait.ge [sflag:s0], $0x4000  }
0x124: {  	[sflag:s0] =	ssyncset.done $0x0  }
0x125: {  	s10 =	simm.s32 $0x0;
	[sflag:s0] =	ssyncadd.s32 $0xFFFFC000  }
.LBB2_10:
0x126: {  	s11 =	sshll.u32 s10, $0x4  }
0x127: {  	s11 =	sand.u32 $0x3FFFFFF0, s11  }
0x128: {  	s12 =	sshll.u32 s10, $0xB;
	v1 =	vld [tilespmem:s11+$0x280]  }
0x129: {  	s11 =	sand.u32 $0x3FFFF800, s12  }
0x12a: {  	v2 =	vld [tilespmem:s11+$0x4300]  }
0x12b: {  	v3 =	vld [tilespmem:s11+$0x4310]  }
0x12c: {  	v4 =	vld [tilespmem:s11+$0x4320]  }
0x12d: {  	v6 =	vld [tilespmem:s11+$0x4330];
	v5 =	vbroadcast v1, $0x0  }
0x12e: {  	v7 =	vld [tilespmem:s11+$0x4340]  }
0x12f: {  	v8 =	vld [tilespmem:s11+$0x4350];
	v2 =	vmul.f32 v5, v2  }
0x130: {  	v9 =	vld [tilespmem:s11+$0x4360];
	v3 =	vmul.f32 v3, v5  }
0x131: {  	v34 =	vld [tilespmem:s11+$0x4370];
	[tilespmem:s11+$0x4300] =	vst v2;
	v2 =	vmul.f32 v4, v5  }
0x132: {  	v35 =	vld [tilespmem:s11+$0x4380];
	[tilespmem:s11+$0x4310] =	vst v3;
	v3 =	vmul.f32 v6, v5  }
0x133: {  	v36 =	vld [tilespmem:s11+$0x4390];
	[tilespmem:s11+$0x4320] =	vst v2;
	v2 =	vmul.f32 v7, v5  }
0x134: {  	v37 =	vld [tilespmem:s11+$0x43A0];
	[tilespmem:s11+$0x4330] =	vst v3;
	v3 =	vmul.f32 v8, v5  }
0x135: {  	v10 =	vld [tilespmem:s11+$0x43B0];
	v38 =	vbroadcast v1, $0x1;
	[tilespmem:s11+$0x4340] =	vst v2;
	v2 =	vmul.f32 v9, v5  }
0x136: {  	v39 =	vld [tilespmem:s11+$0x43C0];
	[tilespmem:s11+$0x4350] =	vst v3;
	v3 =	vmul.f32 v34, v5  }
0x137: {  	v40 =	vld [tilespmem:s11+$0x43D0];
	[tilespmem:s11+$0x4360] =	vst v2;
	v2 =	vmul.f32 v35, v38  }
0x138: {  	v41 =	vld [tilespmem:s11+$0x43E0];
	[tilespmem:s11+$0x4370] =	vst v3;
	v3 =	vmul.f32 v36, v38  }
0x139: {  	v42 =	vld [tilespmem:s11+$0x43F0];
	[tilespmem:s11+$0x4380] =	vst v2;
	v2 =	vmul.f32 v37, v38  }
0x13a: {  	v43 =	vld [tilespmem:s11+$0x4400];
	[tilespmem:s11+$0x4390] =	vst v3;
	v3 =	vmul.f32 v10, v38  }
0x13b: {  	v44 =	vld [tilespmem:s11+$0x4410];
	[tilespmem:s11+$0x43A0] =	vst v2;
	v2 =	vmul.f32 v39, v38  }
0x13c: {  	v45 =	vld [tilespmem:s11+$0x4420];
	[tilespmem:s11+$0x43B0] =	vst v3;
	v3 =	vmul.f32 v40, v38  }
0x13d: {  	v47 =	vld [tilespmem:s11+$0x4430];
	v46 =	vbroadcast v1, $0x2;
	[tilespmem:s11+$0x43C0] =	vst v2;
	v2 =	vmul.f32 v41, v38  }
0x13e: {  	v48 =	vld [tilespmem:s11+$0x4440];
	[tilespmem:s11+$0x43D0] =	vst v3;
	v3 =	vmul.f32 v42, v38  }
0x13f: {  	v49 =	vld [tilespmem:s11+$0x4450];
	[tilespmem:s11+$0x43E0] =	vst v2;
	v2 =	vmul.f32 v43, v46  }
0x140: {  	v50 =	vld [tilespmem:s11+$0x4460];
	[tilespmem:s11+$0x43F0] =	vst v3;
	v3 =	vmul.f32 v44, v46  }
0x141: {  	v51 =	vld [tilespmem:s11+$0x4470];
	[tilespmem:s11+$0x4400] =	vst v2;
	v2 =	vmul.f32 v45, v46  }
0x142: {  	v52 =	vld [tilespmem:s11+$0x4480];
	[tilespmem:s11+$0x4410] =	vst v3;
	v3 =	vmul.f32 v47, v46  }
0x143: {  	v53 =	vld [tilespmem:s11+$0x4490];
	[tilespmem:s11+$0x4420] =	vst v2;
	v2 =	vmul.f32 v48, v46  }
0x144: {  	v54 =	vld [tilespmem:s11+$0x44A0];
	[tilespmem:s11+$0x4430] =	vst v3;
	v3 =	vmul.f32 v49, v46  }
0x145: {  	v56 =	vld [tilespmem:s11+$0x44B0];
	v55 =	vbroadcast v1, $0x3;
	[tilespmem:s11+$0x4440] =	vst v2;
	v2 =	vmul.f32 v50, v46  }
0x146: {  	v57 =	vld [tilespmem:s11+$0x44C0];
	[tilespmem:s11+$0x4450] =	vst v3;
	v3 =	vmul.f32 v51, v46  }
0x147: {  	v58 =	vld [tilespmem:s11+$0x44D0];
	[tilespmem:s11+$0x4460] =	vst v2;
	v2 =	vmul.f32 v52, v55  }
0x148: {  	v59 =	vld [tilespmem:s11+$0x44E0];
	[tilespmem:s11+$0x4470] =	vst v3;
	v3 =	vmul.f32 v53, v55  }
0x149: {  	v60 =	vld [tilespmem:s11+$0x44F0];
	[tilespmem:s11+$0x4480] =	vst v2;
	v2 =	vmul.f32 v54, v55  }
0x14a: {  	v61 =	vld [tilespmem:s11+$0x4500];
	[tilespmem:s11+$0x4490] =	vst v3;
	v3 =	vmul.f32 v56, v55  }
0x14b: {  	v62 =	vld [tilespmem:s11+$0x4510];
	[tilespmem:s11+$0x44A0] =	vst v2;
	v2 =	vmul.f32 v57, v55  }
0x14c: {  	v63 =	vld [tilespmem:s11+$0x4520];
	[tilespmem:s11+$0x44B0] =	vst v3;
	v3 =	vmul.f32 v58, v55  }
0x14d: {  	v13 =	vld [tilespmem:s11+$0x4530];
	v12 =	vbroadcast v1, $0x4;
	[tilespmem:s11+$0x44C0] =	vst v2;
	v2 =	vmul.f32 v59, v55  }
0x14e: {  	v14 =	vld [tilespmem:s11+$0x4540];
	[tilespmem:s11+$0x44D0] =	vst v3;
	v3 =	vmul.f32 v60, v55  }
0x14f: {  	v15 =	vld [tilespmem:s11+$0x4550];
	[tilespmem:s11+$0x44E0] =	vst v2;
	v2 =	vmul.f32 v61, v12  }
0x150: {  	v16 =	vld [tilespmem:s11+$0x4560];
	[tilespmem:s11+$0x44F0] =	vst v3;
	v3 =	vmul.f32 v62, v12  }
0x151: {  	v17 =	vld [tilespmem:s11+$0x4570];
	[tilespmem:s11+$0x4500] =	vst v2;
	v2 =	vmul.f32 v63, v12  }
0x152: {  	v18 =	vld [tilespmem:s11+$0x4580];
	[tilespmem:s11+$0x4510] =	vst v3;
	v3 =	vmul.f32 v13, v12  }
0x153: {  	v19 =	vld [tilespmem:s11+$0x4590];
	[tilespmem:s11+$0x4520] =	vst v2;
	v2 =	vmul.f32 v14, v12  }
0x154: {  	v20 =	vld [tilespmem:s11+$0x45A0];
	[tilespmem:s11+$0x4530] =	vst v3;
	v3 =	vmul.f32 v15, v12  }
0x155: {  	v22 =	vld [tilespmem:s11+$0x45B0];
	v21 =	vbroadcast v1, $0x5;
	[tilespmem:s11+$0x4540] =	vst v2;
	v2 =	vmul.f32 v16, v12  }
0x156: {  	v23 =	vld [tilespmem:s11+$0x45C0];
	[tilespmem:s11+$0x4550] =	vst v3;
	v3 =	vmul.f32 v17, v12  }
0x157: {  	v24 =	vld [tilespmem:s11+$0x45D0];
	[tilespmem:s11+$0x4560] =	vst v2;
	v2 =	vmul.f32 v18, v21  }
0x158: {  	v25 =	vld [tilespmem:s11+$0x45E0];
	[tilespmem:s11+$0x4570] =	vst v3;
	v3 =	vmul.f32 v19, v21  }
0x159: {  	v26 =	vld [tilespmem:s11+$0x45F0];
	[tilespmem:s11+$0x4580] =	vst v2;
	v2 =	vmul.f32 v20, v21  }
0x15a: {  	v27 =	vld [tilespmem:s11+$0x4600];
	[tilespmem:s11+$0x4590] =	vst v3;
	v3 =	vmul.f32 v22, v21  }
0x15b: {  	v28 =	vld [tilespmem:s11+$0x4610];
	[tilespmem:s11+$0x45A0] =	vst v2;
	v2 =	vmul.f32 v23, v21  }
0x15c: {  	v29 =	vld [tilespmem:s11+$0x4620];
	[tilespmem:s11+$0x45B0] =	vst v3;
	v3 =	vmul.f32 v24, v21  }
0x15d: {  	v31 =	vld [tilespmem:s11+$0x4630];
	v30 =	vbroadcast v1, $0x6;
	[tilespmem:s11+$0x45C0] =	vst v2;
	v2 =	vmul.f32 v25, v21  }
0x15e: {  	v32 =	vld [tilespmem:s11+$0x4640];
	[tilespmem:s11+$0x45D0] =	vst v3;
	v3 =	vmul.f32 v26, v21  }
0x15f: {  	v33 =	vld [tilespmem:s11+$0x4650];
	[tilespmem:s11+$0x45E0] =	vst v2;
	v2 =	vmul.f32 v27, v30  }
0x160: {  	v34 =	vld [tilespmem:s11+$0x4660];
	[tilespmem:s11+$0x45F0] =	vst v3;
	v3 =	vmul.f32 v28, v30  }
0x161: {  	v35 =	vld [tilespmem:s11+$0x4670];
	[tilespmem:s11+$0x4600] =	vst v2;
	v2 =	vmul.f32 v29, v30  }
0x162: {  	v36 =	vld [tilespmem:s11+$0x4680];
	[tilespmem:s11+$0x4610] =	vst v3;
	v3 =	vmul.f32 v31, v30  }
0x163: {  	v37 =	vld [tilespmem:s11+$0x4690];
	[tilespmem:s11+$0x4620] =	vst v2;
	v2 =	vmul.f32 v32, v30  }
0x164: {  	v38 =	vld [tilespmem:s11+$0x46A0];
	[tilespmem:s11+$0x4630] =	vst v3;
	v3 =	vmul.f32 v33, v30  }
0x165: {  	v39 =	vbroadcast v1, $0x7;
	v40 =	vld [tilespmem:s11+$0x46B0];
	[tilespmem:s11+$0x4640] =	vst v2;
	v2 =	vmul.f32 v34, v30  }
0x166: {  	v41 =	vld [tilespmem:s11+$0x46C0];
	[tilespmem:s11+$0x4650] =	vst v3;
	v3 =	vmul.f32 v35, v30  }
0x167: {  	v42 =	vld [tilespmem:s11+$0x46D0];
	[tilespmem:s11+$0x4660] =	vst v2;
	v2 =	vmul.f32 v36, v39  }
0x168: {  	v43 =	vld [tilespmem:s11+$0x46E0];
	[tilespmem:s11+$0x4670] =	vst v3;
	v3 =	vmul.f32 v37, v39  }
0x169: {  	v44 =	vld [tilespmem:s11+$0x46F0];
	[tilespmem:s11+$0x4680] =	vst v2;
	v2 =	vmul.f32 v38, v39  }
0x16a: {  	v45 =	vld [tilespmem:s11+$0x4700];
	[tilespmem:s11+$0x4690] =	vst v3;
	v3 =	vmul.f32 v40, v39  }
0x16b: {  	v46 =	vld [tilespmem:s11+$0x4710];
	[tilespmem:s11+$0x46A0] =	vst v2;
	v2 =	vmul.f32 v41, v39  }
0x16c: {  	v47 =	vld [tilespmem:s11+$0x4720];
	[tilespmem:s11+$0x46B0] =	vst v3;
	v3 =	vmul.f32 v42, v39  }
0x16d: {  	v48 =	vbroadcast v1, $0x8;
	v49 =	vld [tilespmem:s11+$0x4730];
	[tilespmem:s11+$0x46C0] =	vst v2;
	v2 =	vmul.f32 v43, v39  }
0x16e: {  	v50 =	vld [tilespmem:s11+$0x4740];
	[tilespmem:s11+$0x46D0] =	vst v3;
	v3 =	vmul.f32 v44, v39  }
0x16f: {  	v51 =	vld [tilespmem:s11+$0x4750];
	[tilespmem:s11+$0x46E0] =	vst v2;
	v2 =	vmul.f32 v45, v48  }
0x170: {  	v52 =	vld [tilespmem:s11+$0x4760];
	[tilespmem:s11+$0x46F0] =	vst v3;
	v3 =	vmul.f32 v46, v48  }
0x171: {  	v53 =	vld [tilespmem:s11+$0x4770];
	[tilespmem:s11+$0x4700] =	vst v2;
	v2 =	vmul.f32 v47, v48  }
0x172: {  	v54 =	vld [tilespmem:s11+$0x4780];
	[tilespmem:s11+$0x4710] =	vst v3;
	v3 =	vmul.f32 v49, v48  }
0x173: {  	v55 =	vld [tilespmem:s11+$0x4790];
	[tilespmem:s11+$0x4720] =	vst v2;
	v2 =	vmul.f32 v50, v48  }
0x174: {  	v56 =	vld [tilespmem:s11+$0x47A0];
	[tilespmem:s11+$0x4730] =	vst v3;
	v3 =	vmul.f32 v51, v48  }
0x175: {  	v57 =	vbroadcast v1, $0x9;
	v58 =	vld [tilespmem:s11+$0x47B0];
	[tilespmem:s11+$0x4740] =	vst v2;
	v2 =	vmul.f32 v52, v48  }
0x176: {  	v59 =	vld [tilespmem:s11+$0x47C0];
	[tilespmem:s11+$0x4750] =	vst v3;
	v3 =	vmul.f32 v53, v48  }
0x177: {  	v60 =	vld [tilespmem:s11+$0x47D0];
	[tilespmem:s11+$0x4760] =	vst v2;
	v2 =	vmul.f32 v54, v57  }
0x178: {  	v61 =	vld [tilespmem:s11+$0x47E0];
	[tilespmem:s11+$0x4770] =	vst v3;
	v3 =	vmul.f32 v55, v57  }
0x179: {  	v62 =	vld [tilespmem:s11+$0x47F0];
	[tilespmem:s11+$0x4780] =	vst v2;
	v2 =	vmul.f32 v56, v57  }
0x17a: {  	v63 =	vld [tilespmem:s11+$0x4800];
	[tilespmem:s11+$0x4790] =	vst v3;
	v3 =	vmul.f32 v58, v57  }
0x17b: {  	v12 =	vld [tilespmem:s11+$0x4810];
	[tilespmem:s11+$0x47A0] =	vst v2;
	v2 =	vmul.f32 v59, v57  }
0x17c: {  	v13 =	vld [tilespmem:s11+$0x4820];
	[tilespmem:s11+$0x47B0] =	vst v3;
	v3 =	vmul.f32 v60, v57  }
0x17d: {  	v14 =	vbroadcast v1, $0xA;
	v15 =	vld [tilespmem:s11+$0x4830];
	[tilespmem:s11+$0x47C0] =	vst v2;
	v2 =	vmul.f32 v61, v57  }
0x17e: {  	v16 =	vld [tilespmem:s11+$0x4840];
	[tilespmem:s11+$0x47D0] =	vst v3;
	v3 =	vmul.f32 v62, v57  }
0x17f: {  	v17 =	vld [tilespmem:s11+$0x4850];
	[tilespmem:s11+$0x47E0] =	vst v2;
	v2 =	vmul.f32 v63, v14  }
0x180: {  	v18 =	vld [tilespmem:s11+$0x4860];
	[tilespmem:s11+$0x47F0] =	vst v3;
	v3 =	vmul.f32 v12, v14  }
0x181: {  	v19 =	vld [tilespmem:s11+$0x4870];
	[tilespmem:s11+$0x4800] =	vst v2;
	v2 =	vmul.f32 v13, v14  }
0x182: {  	v20 =	vld [tilespmem:s11+$0x4880];
	[tilespmem:s11+$0x4810] =	vst v3;
	v3 =	vmul.f32 v15, v14  }
0x183: {  	v21 =	vld [tilespmem:s11+$0x4890];
	[tilespmem:s11+$0x4820] =	vst v2;
	v2 =	vmul.f32 v16, v14  }
0x184: {  	v22 =	vld [tilespmem:s11+$0x48A0];
	[tilespmem:s11+$0x4830] =	vst v3;
	v3 =	vmul.f32 v17, v14  }
0x185: {  	v23 =	vbroadcast v1, $0xB;
	v24 =	vld [tilespmem:s11+$0x48B0];
	[tilespmem:s11+$0x4840] =	vst v2;
	v2 =	vmul.f32 v18, v14  }
0x186: {  	v25 =	vld [tilespmem:s11+$0x48C0];
	[tilespmem:s11+$0x4850] =	vst v3;
	v3 =	vmul.f32 v19, v14  }
0x187: {  	v26 =	vld [tilespmem:s11+$0x48D0];
	[tilespmem:s11+$0x4860] =	vst v2;
	v2 =	vmul.f32 v20, v23  }
0x188: {  	v27 =	vld [tilespmem:s11+$0x48E0];
	[tilespmem:s11+$0x4870] =	vst v3;
	v3 =	vmul.f32 v21, v23  }
0x189: {  	v28 =	vld [tilespmem:s11+$0x48F0];
	[tilespmem:s11+$0x4880] =	vst v2;
	v2 =	vmul.f32 v22, v23  }
0x18a: {  	v29 =	vld [tilespmem:s11+$0x4900];
	[tilespmem:s11+$0x4890] =	vst v3;
	v3 =	vmul.f32 v24, v23  }
0x18b: {  	v30 =	vld [tilespmem:s11+$0x4910];
	[tilespmem:s11+$0x48A0] =	vst v2;
	v2 =	vmul.f32 v25, v23  }
0x18c: {  	v31 =	vld [tilespmem:s11+$0x4920];
	[tilespmem:s11+$0x48B0] =	vst v3;
	v3 =	vmul.f32 v26, v23  }
0x18d: {  	v32 =	vbroadcast v1, $0xC;
	v33 =	vld [tilespmem:s11+$0x4930];
	[tilespmem:s11+$0x48C0] =	vst v2;
	v2 =	vmul.f32 v27, v23  }
0x18e: {  	v34 =	vld [tilespmem:s11+$0x4940];
	[tilespmem:s11+$0x48D0] =	vst v3;
	v3 =	vmul.f32 v28, v23  }
0x18f: {  	v35 =	vld [tilespmem:s11+$0x4950];
	[tilespmem:s11+$0x48E0] =	vst v2;
	v2 =	vmul.f32 v29, v32  }
0x190: {  	v36 =	vld [tilespmem:s11+$0x4960];
	[tilespmem:s11+$0x48F0] =	vst v3;
	v3 =	vmul.f32 v30, v32  }
0x191: {  	v37 =	vld [tilespmem:s11+$0x4970];
	[tilespmem:s11+$0x4900] =	vst v2;
	v2 =	vmul.f32 v31, v32  }
0x192: {  	v38 =	vld [tilespmem:s11+$0x4980];
	[tilespmem:s11+$0x4910] =	vst v3;
	v3 =	vmul.f32 v33, v32  }
0x193: {  	v39 =	vld [tilespmem:s11+$0x4990];
	[tilespmem:s11+$0x4920] =	vst v2;
	v2 =	vmul.f32 v34, v32  }
0x194: {  	v40 =	vld [tilespmem:s11+$0x49A0];
	[tilespmem:s11+$0x4930] =	vst v3;
	v3 =	vmul.f32 v35, v32  }
0x195: {  	v41 =	vbroadcast v1, $0xD;
	v42 =	vld [tilespmem:s11+$0x49B0];
	[tilespmem:s11+$0x4940] =	vst v2;
	v2 =	vmul.f32 v36, v32  }
0x196: {  	v43 =	vld [tilespmem:s11+$0x49C0];
	[tilespmem:s11+$0x4950] =	vst v3;
	v3 =	vmul.f32 v37, v32  }
0x197: {  	v44 =	vld [tilespmem:s11+$0x49D0];
	[tilespmem:s11+$0x4960] =	vst v2;
	v2 =	vmul.f32 v38, v41  }
0x198: {  	v45 =	vld [tilespmem:s11+$0x49E0];
	[tilespmem:s11+$0x4970] =	vst v3;
	v3 =	vmul.f32 v39, v41  }
0x199: {  	v46 =	vld [tilespmem:s11+$0x49F0];
	[tilespmem:s11+$0x4980] =	vst v2;
	v2 =	vmul.f32 v40, v41  }
0x19a: {  	v47 =	vld [tilespmem:s11+$0x4A00];
	[tilespmem:s11+$0x4990] =	vst v3;
	v3 =	vmul.f32 v42, v41  }
0x19b: {  	v48 =	vld [tilespmem:s11+$0x4A10];
	[tilespmem:s11+$0x49A0] =	vst v2;
	v2 =	vmul.f32 v43, v41  }
0x19c: {  	v49 =	vld [tilespmem:s11+$0x4A20];
	[tilespmem:s11+$0x49B0] =	vst v3;
	v3 =	vmul.f32 v44, v41  }
0x19d: {  	v50 =	vbroadcast v1, $0xE;
	v51 =	vld [tilespmem:s11+$0x4A30];
	[tilespmem:s11+$0x49C0] =	vst v2;
	v2 =	vmul.f32 v45, v41  }
0x19e: {  	v52 =	vld [tilespmem:s11+$0x4A40];
	[tilespmem:s11+$0x49D0] =	vst v3;
	v3 =	vmul.f32 v46, v41  }
0x19f: {  	v53 =	vld [tilespmem:s11+$0x4A50];
	[tilespmem:s11+$0x49E0] =	vst v2;
	v2 =	vmul.f32 v47, v50  }
0x1a0: {  	v54 =	vld [tilespmem:s11+$0x4A60];
	[tilespmem:s11+$0x49F0] =	vst v3;
	v3 =	vmul.f32 v48, v50  }
0x1a1: {  	v55 =	vld [tilespmem:s11+$0x4A70];
	[tilespmem:s11+$0x4A00] =	vst v2;
	v2 =	vmul.f32 v49, v50  }
0x1a2: {  	v56 =	vld [tilespmem:s11+$0x4A80];
	[tilespmem:s11+$0x4A10] =	vst v3;
	v3 =	vmul.f32 v51, v50  }
0x1a3: {  	v57 =	vld [tilespmem:s11+$0x4A90];
	[tilespmem:s11+$0x4A20] =	vst v2;
	v2 =	vmul.f32 v52, v50  }
0x1a4: {  	v58 =	vld [tilespmem:s11+$0x4AA0];
	[tilespmem:s11+$0x4A30] =	vst v3;
	v3 =	vmul.f32 v53, v50  }
0x1a5: {  	v1 =	vbroadcast v1, $0xF;
	v59 =	vld [tilespmem:s11+$0x4AB0];
	[tilespmem:s11+$0x4A40] =	vst v2;
	v2 =	vmul.f32 v54, v50  }
0x1a6: {  	v60 =	vld [tilespmem:s11+$0x4AC0];
	[tilespmem:s11+$0x4A50] =	vst v3;
	v3 =	vmul.f32 v55, v50  }
0x1a7: {  	v61 =	vld [tilespmem:s11+$0x4AD0];
	[tilespmem:s11+$0x4A60] =	vst v2;
	v2 =	vmul.f32 v56, v1  }
0x1a8: {  	v62 =	vld [tilespmem:s11+$0x4AE0];
	[tilespmem:s11+$0x4A70] =	vst v3;
	v3 =	vmul.f32 v57, v1  }
0x1a9: {  	v63 =	vld [tilespmem:s11+$0x4AF0];
	[tilespmem:s11+$0x4A80] =	vst v2;
	v2 =	vmul.f32 v58, v1  }
0x1aa: {  	[tilespmem:s11+$0x4A90] =	vst v3;
	v3 =	vmul.f32 v59, v1  }
0x1ab: {  	p1 =	sne.s32 s10, $0x7;
	[tilespmem:s11+$0x4AA0] =	vst v2;
	v2 =	vmul.f32 v60, v1  }
.Ltmp8:
0x1ac: {  	[tilespmem:s11+$0x4AB0] =	vst v3;
	v3 =	vmul.f32 v61, v1;
	(pc) =	sbr.rel @p1 .LBB2_10-.Ltmp8, $4  }
0x1ad: {  	[tilespmem:s11+$0x4AC0] =	vst v2;
	v2 =	vmul.f32 v62, v1  }
0x1ae: {  	[tilespmem:s11+$0x4AD0] =	vst v3;
	v1 =	vmul.f32 v63, v1  }
0x1af: {  	[tilespmem:s11+$0x4AE0] =	vst v2  }
0x1b0: {  	s10 =	sadd.s32 $0x1, s10;
	[tilespmem:s11+$0x4AF0] =	vst v1  }
.Ltmp9:
0x1b1: {  	(pc) =	sbr.rel .LBB2_12-.Ltmp9, $4  }
0x1b2: {  	[spmem:s4] =	stream.indirect.scatter.add.f32 [tilespmem:s29], [sflag:$0x5], $0x80, s26, s28, $0xb8;
	[tilespmem:$0x1BB80] =	vst v63  }
0x1b3: {  	_ =	swait.ge [sflag:s25], $0x4000  }
0x1b4: {  	[sflag:s25] =	ssyncset.done $0x0  }
0x1b5: {  	[sflag:s25] =	ssyncadd.s32 $0xFFFFC000  }
.LBB2_14:
0x1b6: {  	_ =	sfence.sel $0x180000  }
0x1b7: {  	[bflag:$0x0] =	sbarrier.arrive $0xFFFF  }
0x1b8: {  	_ =	strace $0x90000047  }
0x1b9: {  	s0 =	stileid.u32;
	[bflag:$0x2] =	sbarrier.arrive $0xFFFF  }
0x1ba: {  	p0 =	sne.s32 s0, $0x0;
	s0 =	rddreg [dreg:$0x4]  }
0x1bb: {  	s0 =	sadd.s32 @!p0 $0x100000, s0  }
0x1bc: {  	[sflag:s0] =	ssyncadd.tile.s32 @!p0 $0x1;
	_ =	shalt  }
.Lfunc_end2:
_tile_overlayer_lowered:
.L_overlay_start_2:
0x1bd: {  	(tag) =	ssettag $0x2  }
0x1be: {  	s0 =	rddreg [dreg:$0x0];
	s2 =	stileid.u32  }
0x1bf: {  	s1 =	rddreg [dreg:$0x1];
	p0 =	sne.s32 s2, $0x0  }
0x1c0: {  	s3 =	rddreg [dreg:$0x2];
	[bflag:$0x3] =	sbarrier.arrive $0xFFFF;
	s2 =	simm.s32 @!p0 $0x1C05  }
0x1c1: {  	[timem:s3], [sflag:s2] =	dma.local @!p0 [hbm:s0], s1  }
0x1c2: {  	s0 =	simm.s32 @!p0 $0x5  }
0x1c3: {  	_ =	swait.ge @!p0 [sflag:s0], s1  }
0x1c4: {  	s1 =	ssub.s32 @!p0 $0x0, s1;
	[sflag:s0] =	ssyncset.done @!p0 $0x0  }
0x1c5: {  	[sflag:s0] =	ssyncadd.s32 @!p0 s1  }
0x1c6: {  	[bflag:$0x3] =	sbarrier.arrive $0xFFFF  }
0x1c7: {  	_ =	shalt  }

</sc_bundles>
